<compile_context>
chip_gen: v7x
topology: tpu7x:2x2x1
jax: 0.10.2.dev20260603
libtpu: 0.0.44.dev20260713+nightly
codegen_flags: <defaults>
</compile_context>

<pallas_src>
import functools
import numpy as np
import jax
import jax.numpy as jnp
from jax import lax
from jax.experimental import pallas as pl
from jax.experimental.pallas import tpu as pltpu
from jax.experimental.pallas import tpu_sc as plsc

_N = 10000
_E = 160000
_DF = 128
_DE = 16
_HID = 16

_NC = 2
_NS = 16
_NW = _NC * _NS
_CHUNK = 80
_NBUF = 5
_BE = 1280
_RPAD = 20480


def _sc_mesh():
    return plsc.VectorSubcoreMesh(core_axis_name="c", subcore_axis_name="s",
                                  num_cores=_NC, num_subcores=_NS)


def _sc_gather_call(table, idx3, d):
    n_chunks = idx3.shape[1]
    per_w = n_chunks * _CHUNK
    e_tot = _NW * per_w
    n_groups = n_chunks // _NBUF

    def body(table_hbm, idx_hbm, out_hbm, idx_v, *rest):
        bufs = rest[:_NBUF]
        sems = rest[_NBUF:2 * _NBUF]
        wid = lax.axis_index("s") * _NC + lax.axis_index("c")
        base = wid * per_w
        pltpu.sync_copy(idx_hbm.at[wid], idx_v)

        def start(j, b):
            pltpu.async_copy(table_hbm.at[idx_v.at[j]], bufs[b], sems[b])

        def finish(j, b):
            pltpu.make_async_copy(table_hbm.at[idx_v.at[0]],
                                  bufs[b], sems[b]).wait()
            off = pl.multiple_of(base + j * _CHUNK, _CHUNK)
            pltpu.sync_copy(bufs[b], out_hbm.at[pl.ds(off, _CHUNK)])

        for b in range(_NBUF):
            start(b, b)

        def group(g, _):
            for b in range(_NBUF):
                j = g * _NBUF + b
                finish(j, b)
                start(j + _NBUF, b)
            return 0

        lax.fori_loop(0, n_groups - 1, group, 0)
        for b in range(_NBUF):
            finish((n_groups - 1) * _NBUF + b, b)

    return pl.kernel(
        body,
        out_type=jax.ShapeDtypeStruct((e_tot, d), jnp.float32),
        mesh=_sc_mesh(),
        compiler_params=pltpu.CompilerParams(
            use_tc_tiling_on_sc=(d % 128 == 0)),
        scratch_types=(
            [pltpu.VMEM((n_chunks, _CHUNK), jnp.int32)]
            + [pltpu.VMEM((_CHUNK, d), jnp.float32) for _ in range(_NBUF)]
            + [pltpu.SemaphoreType.DMA for _ in range(_NBUF)]
        ),
    )(table, idx3)


def _sc_scatter_call(msg, dst3, zeros, o):
    n_chunks = dst3.shape[1]
    per_w = n_chunks * _CHUNK
    n_groups = n_chunks // _NBUF
    rows = zeros.shape[0]
    rpt = rows // _NS

    def body(msg_hbm, dst_hbm, zero_hbm, out_hbm, idx_v, acc, *rest):
        bufs = rest[:_NBUF]
        lsems = rest[_NBUF:2 * _NBUF]
        ssems = rest[2 * _NBUF:3 * _NBUF]
        cid = lax.axis_index("c")
        sid = lax.axis_index("s")
        wid = sid * _NC + cid
        base = wid * per_w
        pltpu.sync_copy(dst_hbm.at[wid], idx_v)
        r0 = pl.multiple_of(sid * rpt, rpt)
        pltpu.sync_copy(zero_hbm.at[pl.ds(r0, rpt)], acc.at[pl.ds(r0, rpt)])
        plsc.subcore_barrier()

        def start_load(j, b):
            off = pl.multiple_of(base + j * _CHUNK, _CHUNK)
            pltpu.async_copy(msg_hbm.at[pl.ds(off, _CHUNK)],
                             bufs[b], lsems[b])

        def wait_load(b):
            pltpu.make_async_copy(msg_hbm.at[pl.ds(0, _CHUNK)],
                                  bufs[b], lsems[b]).wait()

        def scat(j, b):
            pltpu.async_copy(bufs[b], acc.at[idx_v.at[j]], ssems[b],
                             add=True)
            pltpu.make_async_copy(bufs[b], acc.at[idx_v.at[0]],
                                  ssems[b]).wait()

        for b in range(_NBUF):
            start_load(b, b)

        def group(g, _):
            for b in range(_NBUF):
                j = g * _NBUF + b
                wait_load(b)
                scat(j, b)
                start_load(j + _NBUF, b)
            return 0

        lax.fori_loop(0, n_groups - 1, group, 0)
        for b in range(_NBUF):
            wait_load(b)
            scat((n_groups - 1) * _NBUF + b, b)
        plsc.subcore_barrier()
        pltpu.sync_copy(acc.at[pl.ds(r0, rpt)],
                        out_hbm.at[cid].at[pl.ds(r0, rpt)])

    return pl.kernel(
        body,
        out_type=jax.ShapeDtypeStruct((_NC, rows, o), jnp.float32),
        mesh=_sc_mesh(),
        compiler_params=pltpu.CompilerParams(use_tc_tiling_on_sc=False),
        scratch_types=(
            [pltpu.VMEM((n_chunks, _CHUNK), jnp.int32),
             pltpu.VMEM_SHARED((rows, o), jnp.float32)]
            + [pltpu.VMEM((_CHUNK, o), jnp.float32) for _ in range(_NBUF)]
            + [pltpu.SemaphoreType.DMA for _ in range(2 * _NBUF)]
        ),
    )(msg, dst3, zeros)


def _build_w2aug(p, in_dim, out_dim):
    w2r = p['enW2'].reshape(_HID, in_dim, out_dim)
    b2r = p['enb2'].reshape(in_dim, out_dim)
    full = jnp.concatenate([jnp.transpose(w2r, (1, 2, 0)), b2r[:, :, None]],
                           axis=2)
    return full.reshape(in_dim, out_dim * (_HID + 1))


def _msg_body(xj_ref, ea_ref, w1_ref, b1_ref, w2_ref, r16_ref, m16_ref,
              s_ref, msg_ref):
    h = jnp.maximum(jnp.dot(ea_ref[0], w1_ref[0],
                            preferred_element_type=jnp.float32, precision=lax.Precision.HIGHEST) + b1_ref[0], 0.0)
    t2 = jnp.dot(xj_ref[...], w2_ref[0], preferred_element_type=jnp.float32, precision=lax.Precision.HIGHEST)
    ht = jnp.dot(h, r16_ref[...], preferred_element_type=jnp.float32) \
        + m16_ref[...]
    msg_ref[...] = jnp.dot(ht * t2, s_ref[...],
                           preferred_element_type=jnp.float32, precision=lax.Precision.HIGHEST)


def _msg1_body(half, qs, rows, w544, xj_ref, eap_ref, ead_ref, w1_ref,
               b1_ref, w2_ref, r16_ref, m16_ref, sq_ref, msg_ref):
    i = pl.program_id(0)
    ea_t = jnp.where(i < half, eap_ref[...], ead_ref[...])
    h_t = jnp.maximum(jnp.dot(w1_ref[0], ea_t,
                              preferred_element_type=jnp.float32, precision=lax.Precision.HIGHEST)
                      + b1_ref[0], 0.0)
    t2 = jnp.dot(xj_ref[...], w2_ref[0], preferred_element_type=jnp.float32, precision=lax.Precision.HIGHEST)
    ht = lax.dot_general(h_t, r16_ref[...], (((0,), (0,)), ((), ())),
                         preferred_element_type=jnp.float32) \
        + m16_ref[...]
    p = ht * t2
    acc = jnp.zeros((rows, 128), jnp.float32)
    for q in range(qs):
        acc = acc + jnp.dot(p[q * rows:(q + 1) * rows, :], sq_ref[q],
                            preferred_element_type=jnp.float32, precision=lax.Precision.HIGHEST)
    msg_ref[...] = acc


def _msg1_call(xj, ea_p, ea_d, w1_s, b1_s, w2_s, in_dim, out_dim):
    be = _BE
    qs = 128 // out_dim
    rows = be // qs
    nblk = (2 * _E) // be
    half = nblk // 2
    kk = _HID + 1
    eye = jnp.eye(kk, dtype=jnp.float32)
    r16 = jnp.tile(eye[:_HID], (1, out_dim))
    m16 = jnp.tile(eye[_HID], (out_dim,)).reshape(1, out_dim * kk)
    s_one = jnp.repeat(jnp.eye(out_dim, dtype=jnp.float32), kk, axis=0)
    sq = jnp.stack([
        jnp.pad(s_one, ((0, 0), (q * out_dim, (qs - 1 - q) * out_dim)))
        for q in range(qs)])
    ko = kk * out_dim
    return pl.pallas_call(
        functools.partial(_msg1_body, half, qs, rows, ko),
        grid=(nblk,),
        in_specs=[
            pl.BlockSpec((be, in_dim), lambda i: (i, 0)),
            pl.BlockSpec((_DE, be), lambda i: (0, jnp.minimum(i, half - 1))),
            pl.BlockSpec((_DE, be),
                         lambda i: (0, jnp.maximum(i - half, 0))),
            pl.BlockSpec((1, _DE, _HID), lambda i: (i // half, 0, 0)),
            pl.BlockSpec((1, _HID, 1), lambda i: (i // half, 0, 0)),
            pl.BlockSpec((1, in_dim, ko), lambda i: (i // half, 0, 0)),
            pl.BlockSpec((_DE, ko), lambda i: (0, 0)),
            pl.BlockSpec((1, ko), lambda i: (0, 0)),
            pl.BlockSpec((qs, ko, 128), lambda i: (0, 0, 0)),
        ],
        out_specs=pl.BlockSpec((rows, 128), lambda i: (i, 0)),
        out_shape=jax.ShapeDtypeStruct(((2 * _E) // qs, 128), jnp.float32),
    )(xj, ea_p, ea_d, w1_s, b1_s, w2_s, r16, m16, sq)


def _msg1_perm(be, qs):
    ep = np.arange(2 * _E)
    rr = ep // qs
    q = ep % qs
    i = rr // (be // qs)
    r = rr % (be // qs)
    return jnp.asarray(i * be + q * (be // qs) + r, dtype=jnp.int32)


def _msg_call(xjp, eap, w1_s, b1_s, w2_s, in_dim, out_dim, pack):
    be = _BE
    rows = be // pack
    nblk = (2 * _E) // be
    half = nblk // 2
    kk = _HID + 1
    eyep = jnp.eye(pack, dtype=jnp.float32)
    eye = jnp.eye(kk, dtype=jnp.float32)
    r16 = jnp.kron(eyep, jnp.tile(eye[:_HID], (1, out_dim)))
    m16 = jnp.tile(jnp.tile(eye[_HID], (out_dim,)),
                   (pack,)).reshape(1, pack * out_dim * kk)
    s = jnp.kron(eyep, jnp.repeat(jnp.eye(out_dim, dtype=jnp.float32),
                                  kk, axis=0))
    w1k = jnp.stack([jnp.kron(eyep, w1_s[0]), jnp.kron(eyep, w1_s[1])])
    b1k = jnp.tile(b1_s, (1, 1, pack))
    w2k = jnp.stack([jnp.kron(eyep, w2_s[0]), jnp.kron(eyep, w2_s[1])])
    pin, pde, pko = pack * in_dim, pack * _DE, pack * kk * out_dim
    return pl.pallas_call(
        _msg_body,
        grid=(nblk,),
        in_specs=[
            pl.BlockSpec((rows, pin), lambda i: (i, 0)),
            pl.BlockSpec((1, rows, pde), lambda i: (i // half, i % half, 0)),
            pl.BlockSpec((1, pde, pde), lambda i: (i // half, 0, 0)),
            pl.BlockSpec((1, 1, pde), lambda i: (i // half, 0, 0)),
            pl.BlockSpec((1, pin, pko), lambda i: (i // half, 0, 0)),
            pl.BlockSpec((pde, pko), lambda i: (0, 0)),
            pl.BlockSpec((1, pko), lambda i: (0, 0)),
            pl.BlockSpec((pko, pack * out_dim), lambda i: (0, 0)),
        ],
        out_specs=pl.BlockSpec((rows, pack * out_dim), lambda i: (i, 0)),
        out_shape=jax.ShapeDtypeStruct(((2 * _E) // pack, pack * out_dim),
                                       jnp.float32),
    )(xjp, eap, w1k, b1k, w2k, r16, m16, s)


def _upd_body(part_ref, x_ref, root_ref, bias_ref, out_ref):
    out_ref[...] = jnp.maximum(
        part_ref[0] + part_ref[1]
        + jnp.dot(x_ref[...], root_ref[0], preferred_element_type=jnp.float32)
        + bias_ref[0], 0.0)


def _upd_call(part, x, root_s, bias_s, in_dim, out_dim):
    return pl.pallas_call(
        _upd_body,
        grid=(2,),
        in_specs=[
            pl.BlockSpec((_NC, _N, out_dim), lambda i: (0, i, 0)),
            pl.BlockSpec((_N, in_dim), lambda i: (i, 0)),
            pl.BlockSpec((1, in_dim, out_dim), lambda i: (i, 0, 0)),
            pl.BlockSpec((1, 1, out_dim), lambda i: (i, 0, 0)),
        ],
        out_specs=pl.BlockSpec((_N, out_dim), lambda i: (i, 0)),
        out_shape=jax.ShapeDtypeStruct((2 * _N, out_dim), jnp.float32),
    )(part, x, root_s, bias_s)


def _head_body(hp_ref, hd_ref, pw1_ref, pb1_ref, pw2_ref, pb2_ref,
               l1a_ref, l1c_ref, l1b_ref, l2w_ref, l2b_ref, out_ref):
    def pool(x):
        g = jnp.dot(
            jnp.maximum(jnp.dot(x, pw1_ref[...],
                                preferred_element_type=jnp.float32)
                        + pb1_ref[...], 0.0),
            pw2_ref[...], preferred_element_type=jnp.float32) + pb2_ref[...]
        m = jnp.max(g)
        e = jnp.exp(g - m)
        a = e / jnp.sum(e)
        return jnp.sum(a * x, axis=0, keepdims=True)

    zp = pool(hp_ref[...])
    zd = pool(hd_ref[...])
    r = jnp.maximum(
        jnp.dot(zp, l1a_ref[...], preferred_element_type=jnp.float32)
        + jnp.dot(zd, l1c_ref[...], preferred_element_type=jnp.float32)
        + l1b_ref[...], 0.0)
    out_ref[...] = jnp.dot(r, l2w_ref[...],
                           preferred_element_type=jnp.float32) + l2b_ref[...]


def _head_call(hp, hd, pool_p, l1w, l1b, l2w, l2b):
    return pl.pallas_call(
        _head_body,
        out_shape=jax.ShapeDtypeStruct((1, 1), jnp.float32),
    )(hp, hd,
      pool_p['W1'], pool_p['b1'].reshape(1, _HID),
      pool_p['W2'], pool_p['b2'].reshape(1, 1),
      l1w[:_HID], l1w[_HID:], l1b.reshape(1, 8),
      l2w, l2b.reshape(1, 1))


def kernel(x_p, x_d, edge_attr_p, edge_attr_d, edge_index_p, edge_index_d,
           params):
    x_cat = jnp.concatenate([x_p, x_d], axis=0)
    src = jnp.concatenate([edge_index_p[0], edge_index_d[0] + _N])
    dst = jnp.concatenate([edge_index_p[1], edge_index_d[1] + _N])
    n_chunks = (2 * _E) // (_NW * _CHUNK)
    src3 = src.reshape(_NW, n_chunks, _CHUNK)
    dst3 = dst.reshape(_NW, n_chunks, _CHUNK)

    def layer_weights(kp, kd, in_dim, out_dim):
        pp, dd = params[kp], params[kd]
        return (jnp.stack([pp['enW1'], dd['enW1']]),
                jnp.stack([pp['enb1'], dd['enb1']]).reshape(2, 1, _HID),
                jnp.stack([_build_w2aug(pp, in_dim, out_dim),
                           _build_w2aug(dd, in_dim, out_dim)]),
                jnp.stack([pp['root'], dd['root']]),
                jnp.stack([pp['bias'], dd['bias']]).reshape(2, 1, out_dim))

    w1_s, b1_s, w2_s, root_s, bias_s = layer_weights('p1', 'd1', _DF, 32)
    w1t_s = jnp.stack([params['p1']['enW1'].T, params['d1']['enW1'].T])
    b1c_s = b1_s.reshape(2, _HID, 1)
    xj = _sc_gather_call(x_cat, src3, _DF)
    msgp = _msg1_call(xj, edge_attr_p.T, edge_attr_d.T, w1t_s, b1c_s, w2_s,
                      _DF, 32)
    msg = msgp.reshape(2 * _E, 32)
    dst1 = dst[_msg1_perm(_BE, 4)].reshape(_NW, n_chunks, _CHUNK)
    part = _sc_scatter_call(msg, dst1, jnp.zeros((_RPAD, 32), jnp.float32),
                            32)
    h = _upd_call(part, x_cat, root_s, bias_s, _DF, 32)

    pack = 8
    w1_s, b1_s, w2_s, root_s, bias_s = layer_weights('p2', 'd2', 32, 16)
    eap = jnp.stack([edge_attr_p.reshape(_E // pack, pack * _DE),
                     edge_attr_d.reshape(_E // pack, pack * _DE)])
    xj2 = _sc_gather_call(h, src3, 32)
    xjp = xj2.reshape((2 * _E) // pack, pack * 32)
    msgp = _msg_call(xjp, eap, w1_s, b1_s, w2_s, 32, 16, pack)
    msg = msgp.reshape(2 * _E, 16)
    part = _sc_scatter_call(msg, dst3, jnp.zeros((_RPAD, 16), jnp.float32),
                            16)
    h = _upd_call(part, h, root_s, bias_s, 32, 16)

    return _head_call(h[:_N], h[_N:], params['pool'],
                      params['lin1_W'], params['lin1_b'],
                      params['lin2_W'], params['lin2_b'])

# --- scband reference (transcript-rebuilt; emitter-appended) ---
"""Pipeline reference for scband-nnconv-pair-27367531610696 (READ-ONLY COPY).

The authoritative reference and input builder live on the scoring server;
editing this copy changes nothing except your own understanding.
"""

import jax, jax.numpy as jnp
import numpy as np

N = 10000
E = 160000
D_FEAT = 128
D_EDGE = 16
HID = 16

def _conv_params(key, in_dim, out_dim):
    ks = jax.random.split(key, 3)
    s = 0.05
    return {
        'enW1': jax.random.normal(ks[0], (D_EDGE, HID), dtype=jnp.float32) * s,
        'enb1': jnp.zeros((HID,), dtype=jnp.float32),
        'enW2': jax.random.normal(ks[1], (HID, in_dim * out_dim), dtype=jnp.float32) * s,
        'enb2': jnp.zeros((in_dim * out_dim,), dtype=jnp.float32),
        'root': jax.random.normal(ks[2], (in_dim, out_dim), dtype=jnp.float32) * s,
        'bias': jnp.zeros((out_dim,), dtype=jnp.float32),
    }

def setup_inputs(seed: int = 0):
    key = jax.random.key(seed)
    ks = jax.random.split(key, 16)
    x_p = jax.random.normal(ks[0], (N, D_FEAT), dtype=jnp.float32)
    x_d = jax.random.normal(ks[1], (N, D_FEAT), dtype=jnp.float32)
    edge_attr_p = jax.random.normal(ks[2], (E, D_EDGE), dtype=jnp.float32)
    edge_attr_d = jax.random.normal(ks[3], (E, D_EDGE), dtype=jnp.float32)
    edge_index_p = jax.random.randint(ks[4], (2, E), 0, N, dtype=jnp.int32)
    edge_index_d = jax.random.randint(ks[5], (2, E), 0, N, dtype=jnp.int32)
    params = {
        'p1': _conv_params(ks[6], D_FEAT, 32),
        'p2': _conv_params(ks[7], 32, 16),
        'd1': _conv_params(ks[8], D_FEAT, 32),
        'd2': _conv_params(ks[9], 32, 16),
        'pool': {
            'W1': jax.random.normal(ks[10], (16, 16), dtype=jnp.float32) * 0.05,
            'b1': jnp.zeros((16,), dtype=jnp.float32),
            'W2': jax.random.normal(ks[11], (16, 1), dtype=jnp.float32) * 0.05,
            'b2': jnp.zeros((1,), dtype=jnp.float32),
        },
        'lin1_W': jax.random.normal(ks[12], (32, 8), dtype=jnp.float32) * 0.05,
        'lin1_b': jnp.zeros((8,), dtype=jnp.float32),
        'lin2_W': jax.random.normal(ks[13], (8, 1), dtype=jnp.float32) * 0.05,
        'lin2_b': jnp.zeros((1,), dtype=jnp.float32),
    }
    return {'x_p': x_p, 'x_d': x_d, 'edge_attr_p': edge_attr_p, 'edge_attr_d': edge_attr_d,
            'edge_index_p': edge_index_p, 'edge_index_d': edge_index_d, 'params': params}

def _nnconv(x, edge_index, edge_attr, p, in_dim, out_dim):
    # PyG NNConv (aggr='add'): per-edge weight = nn(edge_attr).reshape(E, in, out)
    h = jax.nn.relu(edge_attr @ p['enW1'] + p['enb1'])
    W2r = p['enW2'].reshape(HID, in_dim, out_dim)
    b2r = p['enb2'].reshape(in_dim, out_dim)
    xj = x[edge_index[0]]
    # message_e = xj_e @ (h_e @ W2 + b2).reshape(in, out), computed without
    # materializing the [E, in, out] per-edge weight tensor
    t = jnp.einsum('ei,hio->eho', xj, W2r)
    msg = jnp.einsum('eho,eh->eo', t, h) + xj @ b2r
    agg = jnp.zeros((x.shape[0], out_dim), x.dtype).at[edge_index[1]].add(msg)
    return agg + x @ p['root'] + p['bias']

def _att_pool(x, p):
    g = jax.nn.relu(x @ p['W1'] + p['b1']) @ p['W2'] + p['b2']
    a = jax.nn.softmax(g, axis=0)
    return jnp.sum(a * x, axis=0)

def reference(x_p, x_d, edge_attr_p, edge_attr_d, edge_index_p, edge_index_d, params):
    hp = jax.nn.relu(_nnconv(x_p, edge_index_p, edge_attr_p, params['p1'], D_FEAT, 32))
    hp = jax.nn.relu(_nnconv(hp, edge_index_p, edge_attr_p, params['p2'], 32, 16))
    hd = jax.nn.relu(_nnconv(x_d, edge_index_d, edge_attr_d, params['d1'], D_FEAT, 32))
    hd = jax.nn.relu(_nnconv(hd, edge_index_d, edge_attr_d, params['d2'], 32, 16))
    zp = _att_pool(hp, params['pool'])
    zd = _att_pool(hd, params['pool'])
    z = jnp.concatenate([zp, zd])[None, :]
    z = jax.nn.relu(z @ params['lin1_W'] + params['lin1_b'])
    return z @ params['lin2_W'] + params['lin2_b']

if __name__ == "__main__":
    import jax
    _d = setup_inputs()
    print(jax.jit(kernel)(*tuple(_d.values())))

</pallas_src>

<mosaic_0001>
#map = affine_map<(d0, d1) -> (0, 0)>
#map1 = affine_map<(d0, d1) -> (0, 0, 0)>
module attributes {stable_mosaic.version = 14 : i64} {
  func.func @body(%arg0: i32, %arg1: i32, %arg2: memref<20000x128xf32, #tpu.memory_space<hbm>>, %arg3: memref<32x125x80xi32, #tpu.memory_space<hbm>>, %arg4: memref<320000x128xf32, #tpu.memory_space<hbm>>, %arg5: memref<125x80xi32, #tpu.memory_space<vmem>>, %arg6: memref<80x128xf32, #tpu.memory_space<vmem>>, %arg7: memref<80x128xf32, #tpu.memory_space<vmem>>, %arg8: memref<80x128xf32, #tpu.memory_space<vmem>>, %arg9: memref<80x128xf32, #tpu.memory_space<vmem>>, %arg10: memref<80x128xf32, #tpu.memory_space<vmem>>, %arg11: memref<!tpu.dma_semaphore, #tpu.memory_space<semaphore_mem>>, %arg12: memref<!tpu.dma_semaphore, #tpu.memory_space<semaphore_mem>>, %arg13: memref<!tpu.dma_semaphore, #tpu.memory_space<semaphore_mem>>, %arg14: memref<!tpu.dma_semaphore, #tpu.memory_space<semaphore_mem>>, %arg15: memref<!tpu.dma_semaphore, #tpu.memory_space<semaphore_mem>>) attributes {dimension_semantics = [#tpu.dimension_semantics<core_parallel>, #tpu.dimension_semantics<subcore_parallel>], iteration_bounds = array<i64: 2, 16>, scalar_prefetch = 0 : i64, scratch_operands = 11 : i64, tpu.core_type = #tpu.core_type<sc_vector_subcore>, window_params = [{transform_indices = #map}, {transform_indices = #map1}, {transform_indices = #map}]} {
    %mul3A = arith.constant 2 : i32
    %mul3A_0 = arith.muli %arg1, %mul3A : i32
    %add3A = arith.addi %mul3A_0, %arg0 : i32
    %mul3A_1 = arith.constant 10000 : i32
    %mul3A_2 = arith.muli %add3A, %mul3A_1 : i32
    "tpu.region"() ({
      %run_scoped3A = tpu.sem_alloc : memref<!tpu.dma_semaphore, #tpu.memory_space<semaphore_mem>>
      %dma_start3A_91 = arith.constant 0 : i32
      %dma_start3A_92 = arith.constant 0 : i32
      %dma_start3A_93 = tpu.memref_slice %arg3[%add3A, %dma_start3A_91, %dma_start3A_92] : memref<32x125x80xi32, #tpu.memory_space<hbm>> -> memref<1x125x80xi32, #tpu.memory_space<hbm>>
      %dma_start3A_94 = tpu.memref_squeeze %dma_start3A_93 : memref<1x125x80xi32, #tpu.memory_space<hbm>> -> memref<125x80xi32, #tpu.memory_space<hbm>>
      %dma_start3A_95 = arith.constant 0 : i32
      %dma_start3A_96 = arith.constant 0 : i32
      %dma_start3A_97 = tpu.memref_slice %arg3[%add3A, %dma_start3A_95, %dma_start3A_96] : memref<32x125x80xi32, #tpu.memory_space<hbm>> -> memref<1x125x80xi32, #tpu.memory_space<hbm>>
      %dma_start3A_98 = tpu.memref_squeeze %dma_start3A_97 : memref<1x125x80xi32, #tpu.memory_space<hbm>> -> memref<125x80xi32, #tpu.memory_space<hbm>>
      tpu.enqueue_dma source(%dma_start3A_98 : memref<125x80xi32, #tpu.memory_space<hbm>>) target(%arg5 : memref<125x80xi32, #tpu.memory_space<vmem>>) target_semaphore(%run_scoped3A : memref<!tpu.dma_semaphore, #tpu.memory_space<semaphore_mem>>)
      %dma_wait3A_99 = arith.constant 0 : i32
      %dma_wait3A_100 = arith.constant 0 : i32
      %dma_wait3A_101 = tpu.memref_slice %arg3[%add3A, %dma_wait3A_99, %dma_wait3A_100] : memref<32x125x80xi32, #tpu.memory_space<hbm>> -> memref<1x125x80xi32, #tpu.memory_space<hbm>>
      %dma_wait3A_102 = tpu.memref_squeeze %dma_wait3A_101 : memref<1x125x80xi32, #tpu.memory_space<hbm>> -> memref<125x80xi32, #tpu.memory_space<hbm>>
      %dma_wait3A_103 = arith.constant 0 : i32
      %dma_wait3A_104 = arith.constant 0 : i32
      %dma_wait3A_105 = tpu.memref_slice %arg3[%add3A, %dma_wait3A_103, %dma_wait3A_104] : memref<32x125x80xi32, #tpu.memory_space<hbm>> -> memref<1x125x80xi32, #tpu.memory_space<hbm>>
      %dma_wait3A_106 = tpu.memref_squeeze %dma_wait3A_105 : memref<1x125x80xi32, #tpu.memory_space<hbm>> -> memref<125x80xi32, #tpu.memory_space<hbm>>
      tpu.wait_dma2 semaphore(%run_scoped3A : memref<!tpu.dma_semaphore, #tpu.memory_space<semaphore_mem>>) src(%dma_wait3A_106 : memref<125x80xi32, #tpu.memory_space<hbm>>) dst(%arg5 : memref<125x80xi32, #tpu.memory_space<vmem>>)
      tpu.yield
    }) : () -> ()
    %dma_start3A = arith.constant 0 : i32
    %dma_start3A_3 = arith.constant 0 : i32
    %dma_start3A_4 = tpu.memref_slice %arg5[%dma_start3A, %dma_start3A_3] : memref<125x80xi32, #tpu.memory_space<vmem>> -> memref<1x80xi32, #tpu.memory_space<vmem>>
    %dma_start3A_5 = tpu.memref_squeeze %dma_start3A_4 : memref<1x80xi32, #tpu.memory_space<vmem>> -> memref<80xi32, #tpu.memory_space<vmem>>
    %dma_start3A_6 = arith.constant 0 : i32
    %dma_start3A_7 = arith.constant 0 : i32
    %dma_start3A_8 = tpu.memref_slice %arg2[%dma_start3A_6, %dma_start3A_7] : memref<20000x128xf32, #tpu.memory_space<hbm>> -> memref<20000x128xf32, #tpu.memory_space<hbm>>
    tpu.enqueue_indirect_dma source(%dma_start3A_8 : memref<20000x128xf32, #tpu.memory_space<hbm>>) target(%arg6 : memref<80x128xf32, #tpu.memory_space<vmem>>) offsets(%dma_start3A_5 : memref<80xi32, #tpu.memory_space<vmem>>) semaphore(%arg11 : memref<!tpu.dma_semaphore, #tpu.memory_space<semaphore_mem>>)
    %dma_start3A_9 = arith.constant 1 : i32
    %dma_start3A_10 = arith.constant 0 : i32
    %dma_start3A_11 = tpu.memref_slice %arg5[%dma_start3A_9, %dma_start3A_10] : memref<125x80xi32, #tpu.memory_space<vmem>> -> memref<1x80xi32, #tpu.memory_space<vmem>>
    %dma_start3A_12 = tpu.memref_squeeze %dma_start3A_11 : memref<1x80xi32, #tpu.memory_space<vmem>> -> memref<80xi32, #tpu.memory_space<vmem>>
    %dma_start3A_13 = arith.constant 0 : i32
    %dma_start3A_14 = arith.constant 0 : i32
    %dma_start3A_15 = tpu.memref_slice %arg2[%dma_start3A_13, %dma_start3A_14] : memref<20000x128xf32, #tpu.memory_space<hbm>> -> memref<20000x128xf32, #tpu.memory_space<hbm>>
    tpu.enqueue_indirect_dma source(%dma_start3A_15 : memref<20000x128xf32, #tpu.memory_space<hbm>>) target(%arg7 : memref<80x128xf32, #tpu.memory_space<vmem>>) offsets(%dma_start3A_12 : memref<80xi32, #tpu.memory_space<vmem>>) semaphore(%arg12 : memref<!tpu.dma_semaphore, #tpu.memory_space<semaphore_mem>>)
    %dma_start3A_16 = arith.constant 2 : i32
    %dma_start3A_17 = arith.constant 0 : i32
    %dma_start3A_18 = tpu.memref_slice %arg5[%dma_start3A_16, %dma_start3A_17] : memref<125x80xi32, #tpu.memory_space<vmem>> -> memref<1x80xi32, #tpu.memory_space<vmem>>
    %dma_start3A_19 = tpu.memref_squeeze %dma_start3A_18 : memref<1x80xi32, #tpu.memory_space<vmem>> -> memref<80xi32, #tpu.memory_space<vmem>>
    %dma_start3A_20 = arith.constant 0 : i32
    %dma_start3A_21 = arith.constant 0 : i32
    %dma_start3A_22 = tpu.memref_slice %arg2[%dma_start3A_20, %dma_start3A_21] : memref<20000x128xf32, #tpu.memory_space<hbm>> -> memref<20000x128xf32, #tpu.memory_space<hbm>>
    tpu.enqueue_indirect_dma source(%dma_start3A_22 : memref<20000x128xf32, #tpu.memory_space<hbm>>) target(%arg8 : memref<80x128xf32, #tpu.memory_space<vmem>>) offsets(%dma_start3A_19 : memref<80xi32, #tpu.memory_space<vmem>>) semaphore(%arg13 : memref<!tpu.dma_semaphore, #tpu.memory_space<semaphore_mem>>)
    %dma_start3A_23 = arith.constant 3 : i32
    %dma_start3A_24 = arith.constant 0 : i32
    %dma_start3A_25 = tpu.memref_slice %arg5[%dma_start3A_23, %dma_start3A_24] : memref<125x80xi32, #tpu.memory_space<vmem>> -> memref<1x80xi32, #tpu.memory_space<vmem>>
    %dma_start3A_26 = tpu.memref_squeeze %dma_start3A_25 : memref<1x80xi32, #tpu.memory_space<vmem>> -> memref<80xi32, #tpu.memory_space<vmem>>
    %dma_start3A_27 = arith.constant 0 : i32
    %dma_start3A_28 = arith.constant 0 : i32
    %dma_start3A_29 = tpu.memref_slice %arg2[%dma_start3A_27, %dma_start3A_28] : memref<20000x128xf32, #tpu.memory_space<hbm>> -> memref<20000x128xf32, #tpu.memory_space<hbm>>
    tpu.enqueue_indirect_dma source(%dma_start3A_29 : memref<20000x128xf32, #tpu.memory_space<hbm>>) target(%arg9 : memref<80x128xf32, #tpu.memory_space<vmem>>) offsets(%dma_start3A_26 : memref<80xi32, #tpu.memory_space<vmem>>) semaphore(%arg14 : memref<!tpu.dma_semaphore, #tpu.memory_space<semaphore_mem>>)
    %dma_start3A_30 = arith.constant 4 : i32
    %dma_start3A_31 = arith.constant 0 : i32
    %dma_start3A_32 = tpu.memref_slice %arg5[%dma_start3A_30, %dma_start3A_31] : memref<125x80xi32, #tpu.memory_space<vmem>> -> memref<1x80xi32, #tpu.memory_space<vmem>>
    %dma_start3A_33 = tpu.memref_squeeze %dma_start3A_32 : memref<1x80xi32, #tpu.memory_space<vmem>> -> memref<80xi32, #tpu.memory_space<vmem>>
    %dma_start3A_34 = arith.constant 0 : i32
    %dma_start3A_35 = arith.constant 0 : i32
    %dma_start3A_36 = tpu.memref_slice %arg2[%dma_start3A_34, %dma_start3A_35] : memref<20000x128xf32, #tpu.memory_space<hbm>> -> memref<20000x128xf32, #tpu.memory_space<hbm>>
    tpu.enqueue_indirect_dma source(%dma_start3A_36 : memref<20000x128xf32, #tpu.memory_space<hbm>>) target(%arg10 : memref<80x128xf32, #tpu.memory_space<vmem>>) offsets(%dma_start3A_33 : memref<80xi32, #tpu.memory_space<vmem>>) semaphore(%arg15 : memref<!tpu.dma_semaphore, #tpu.memory_space<semaphore_mem>>)
    %scan3A = arith.constant 0 : i32
    %scan3A_37 = arith.constant 0 : i32
    %scan3A_38 = arith.constant 24 : i32
    %scan3A_39 = arith.addi %scan3A_37, %scan3A_38 : i32
    %scan3A_40 = arith.constant 1 : i32
    %scan3A_41 = scf.for %scan3A_91 = %scan3A_37 to %scan3A_39 step %scan3A_40 iter_args(%scan3A_92 = %scan3A) -> (i32)  : i32 {
      %mul3A_93 = arith.constant 5 : i32
      %mul3A_94 = arith.muli %scan3A_91, %mul3A_93 : i32
      %add3A_95 = arith.constant 0 : i32
      %add3A_96 = arith.addi %mul3A_94, %add3A_95 : i32
      %dma_wait3A_97 = arith.constant 0 : i32
      %dma_wait3A_98 = arith.constant 0 : i32
      %dma_wait3A_99 = tpu.memref_slice %arg5[%dma_wait3A_97, %dma_wait3A_98] : memref<125x80xi32, #tpu.memory_space<vmem>> -> memref<1x80xi32, #tpu.memory_space<vmem>>
      %dma_wait3A_100 = tpu.memref_squeeze %dma_wait3A_99 : memref<1x80xi32, #tpu.memory_space<vmem>> -> memref<80xi32, #tpu.memory_space<vmem>>
      %dma_wait3A_101 = arith.constant 0 : i32
      %dma_wait3A_102 = arith.constant 0 : i32
      %dma_wait3A_103 = tpu.memref_slice %arg2[%dma_wait3A_101, %dma_wait3A_102] : memref<20000x128xf32, #tpu.memory_space<hbm>> -> memref<20000x128xf32, #tpu.memory_space<hbm>>
      tpu.wait_indirect_dma semaphore(%arg11 : memref<!tpu.dma_semaphore, #tpu.memory_space<semaphore_mem>>) src(%dma_wait3A_103 : memref<20000x128xf32, #tpu.memory_space<hbm>>) dst(%arg6 : memref<80x128xf32, #tpu.memory_space<vmem>>)
      %mul3A_104 = arith.constant 80 : i32
      %mul3A_105 = arith.muli %add3A_96, %mul3A_104 : i32
      %add3A_106 = arith.addi %mul3A_2, %mul3A_105 : i32
      %multiple_of3A_107 = tpu.assume_multiple %add3A_106, 80 : i32
      "tpu.region"() ({
        %run_scoped3A = tpu.sem_alloc : memref<!tpu.dma_semaphore, #tpu.memory_space<semaphore_mem>>
        %dma_start3A_209 = arith.constant 0 : i32
        %dma_start3A_210 = tpu.memref_slice %arg4[%multiple_of3A_107, %dma_start3A_209] : memref<320000x128xf32, #tpu.memory_space<hbm>> -> memref<80x128xf32, #tpu.memory_space<hbm>>
        %dma_start3A_211 = arith.constant 0 : i32
        %dma_start3A_212 = tpu.memref_slice %arg4[%multiple_of3A_107, %dma_start3A_211] : memref<320000x128xf32, #tpu.memory_space<hbm>> -> memref<80x128xf32, #tpu.memory_space<hbm>>
        tpu.enqueue_dma source(%arg6 : memref<80x128xf32, #tpu.memory_space<vmem>>) target(%dma_start3A_212 : memref<80x128xf32, #tpu.memory_space<hbm>>) target_semaphore(%run_scoped3A : memref<!tpu.dma_semaphore, #tpu.memory_space<semaphore_mem>>)
        %dma_wait3A_213 = arith.constant 0 : i32
        %dma_wait3A_214 = tpu.memref_slice %arg4[%multiple_of3A_107, %dma_wait3A_213] : memref<320000x128xf32, #tpu.memory_space<hbm>> -> memref<80x128xf32, #tpu.memory_space<hbm>>
        %dma_wait3A_215 = arith.constant 0 : i32
        %dma_wait3A_216 = tpu.memref_slice %arg4[%multiple_of3A_107, %dma_wait3A_215] : memref<320000x128xf32, #tpu.memory_space<hbm>> -> memref<80x128xf32, #tpu.memory_space<hbm>>
        tpu.wait_dma2 semaphore(%run_scoped3A : memref<!tpu.dma_semaphore, #tpu.memory_space<semaphore_mem>>) src(%arg6 : memref<80x128xf32, #tpu.memory_space<vmem>>) dst(%dma_wait3A_216 : memref<80x128xf32, #tpu.memory_space<hbm>>)
        tpu.yield
      }) : () -> ()
      %add3A_108 = arith.constant 5 : i32
      %add3A_109 = arith.addi %add3A_96, %add3A_108 : i32
      %dma_start3A_110 = arith.constant 0 : i32
      %dma_start3A_111 = tpu.memref_slice %arg5[%add3A_109, %dma_start3A_110] : memref<125x80xi32, #tpu.memory_space<vmem>> -> memref<1x80xi32, #tpu.memory_space<vmem>>
      %dma_start3A_112 = tpu.memref_squeeze %dma_start3A_111 : memref<1x80xi32, #tpu.memory_space<vmem>> -> memref<80xi32, #tpu.memory_space<vmem>>
      %dma_start3A_113 = arith.constant 0 : i32
      %dma_start3A_114 = arith.constant 0 : i32
      %dma_start3A_115 = tpu.memref_slice %arg2[%dma_start3A_113, %dma_start3A_114] : memref<20000x128xf32, #tpu.memory_space<hbm>> -> memref<20000x128xf32, #tpu.memory_space<hbm>>
      tpu.enqueue_indirect_dma source(%dma_start3A_115 : memref<20000x128xf32, #tpu.memory_space<hbm>>) target(%arg6 : memref<80x128xf32, #tpu.memory_space<vmem>>) offsets(%dma_start3A_112 : memref<80xi32, #tpu.memory_space<vmem>>) semaphore(%arg11 : memref<!tpu.dma_semaphore, #tpu.memory_space<semaphore_mem>>)
      %mul3A_116 = arith.constant 5 : i32
      %mul3A_117 = arith.muli %scan3A_91, %mul3A_116 : i32
      %add3A_118 = arith.constant 1 : i32
      %add3A_119 = arith.addi %mul3A_117, %add3A_118 : i32
      %dma_wait3A_120 = arith.constant 0 : i32
      %dma_wait3A_121 = arith.constant 0 : i32
      %dma_wait3A_122 = tpu.memref_slice %arg5[%dma_wait3A_120, %dma_wait3A_121] : memref<125x80xi32, #tpu.memory_space<vmem>> -> memref<1x80xi32, #tpu.memory_space<vmem>>
      %dma_wait3A_123 = tpu.memref_squeeze %dma_wait3A_122 : memref<1x80xi32, #tpu.memory_space<vmem>> -> memref<80xi32, #tpu.memory_space<vmem>>
      %dma_wait3A_124 = arith.constant 0 : i32
      %dma_wait3A_125 = arith.constant 0 : i32
      %dma_wait3A_126 = tpu.memref_slice %arg2[%dma_wait3A_124, %dma_wait3A_125] : memref<20000x128xf32, #tpu.memory_space<hbm>> -> memref<20000x128xf32, #tpu.memory_space<hbm>>
      tpu.wait_indirect_dma semaphore(%arg12 : memref<!tpu.dma_semaphore, #tpu.memory_space<semaphore_mem>>) src(%dma_wait3A_126 : memref<20000x128xf32, #tpu.memory_space<hbm>>) dst(%arg7 : memref<80x128xf32, #tpu.memory_space<vmem>>)
      %mul3A_127 = arith.constant 80 : i32
      %mul3A_128 = arith.muli %add3A_119, %mul3A_127 : i32
      %add3A_129 = arith.addi %mul3A_2, %mul3A_128 : i32
      %multiple_of3A_130 = tpu.assume_multiple %add3A_129, 80 : i32
      "tpu.region"() ({
        %run_scoped3A = tpu.sem_alloc : memref<!tpu.dma_semaphore, #tpu.memory_space<semaphore_mem>>
        %dma_start3A_209 = arith.constant 0 : i32
        %dma_start3A_210 = tpu.memref_slice %arg4[%multiple_of3A_130, %dma_start3A_209] : memref<320000x128xf32, #tpu.memory_space<hbm>> -> memref<80x128xf32, #tpu.memory_space<hbm>>
        %dma_start3A_211 = arith.constant 0 : i32
        %dma_start3A_212 = tpu.memref_slice %arg4[%multiple_of3A_130, %dma_start3A_211] : memref<320000x128xf32, #tpu.memory_space<hbm>> -> memref<80x128xf32, #tpu.memory_space<hbm>>
        tpu.enqueue_dma source(%arg7 : memref<80x128xf32, #tpu.memory_space<vmem>>) target(%dma_start3A_212 : memref<80x128xf32, #tpu.memory_space<hbm>>) target_semaphore(%run_scoped3A : memref<!tpu.dma_semaphore, #tpu.memory_space<semaphore_mem>>)
        %dma_wait3A_213 = arith.constant 0 : i32
        %dma_wait3A_214 = tpu.memref_slice %arg4[%multiple_of3A_130, %dma_wait3A_213] : memref<320000x128xf32, #tpu.memory_space<hbm>> -> memref<80x128xf32, #tpu.memory_space<hbm>>
        %dma_wait3A_215 = arith.constant 0 : i32
        %dma_wait3A_216 = tpu.memref_slice %arg4[%multiple_of3A_130, %dma_wait3A_215] : memref<320000x128xf32, #tpu.memory_space<hbm>> -> memref<80x128xf32, #tpu.memory_space<hbm>>
        tpu.wait_dma2 semaphore(%run_scoped3A : memref<!tpu.dma_semaphore, #tpu.memory_space<semaphore_mem>>) src(%arg7 : memref<80x128xf32, #tpu.memory_space<vmem>>) dst(%dma_wait3A_216 : memref<80x128xf32, #tpu.memory_space<hbm>>)
        tpu.yield
      }) : () -> ()
      %add3A_131 = arith.constant 5 : i32
      %add3A_132 = arith.addi %add3A_119, %add3A_131 : i32
      %dma_start3A_133 = arith.constant 0 : i32
      %dma_start3A_134 = tpu.memref_slice %arg5[%add3A_132, %dma_start3A_133] : memref<125x80xi32, #tpu.memory_space<vmem>> -> memref<1x80xi32, #tpu.memory_space<vmem>>
      %dma_start3A_135 = tpu.memref_squeeze %dma_start3A_134 : memref<1x80xi32, #tpu.memory_space<vmem>> -> memref<80xi32, #tpu.memory_space<vmem>>
      %dma_start3A_136 = arith.constant 0 : i32
      %dma_start3A_137 = arith.constant 0 : i32
      %dma_start3A_138 = tpu.memref_slice %arg2[%dma_start3A_136, %dma_start3A_137] : memref<20000x128xf32, #tpu.memory_space<hbm>> -> memref<20000x128xf32, #tpu.memory_space<hbm>>
      tpu.enqueue_indirect_dma source(%dma_start3A_138 : memref<20000x128xf32, #tpu.memory_space<hbm>>) target(%arg7 : memref<80x128xf32, #tpu.memory_space<vmem>>) offsets(%dma_start3A_135 : memref<80xi32, #tpu.memory_space<vmem>>) semaphore(%arg12 : memref<!tpu.dma_semaphore, #tpu.memory_space<semaphore_mem>>)
      %mul3A_139 = arith.constant 5 : i32
      %mul3A_140 = arith.muli %scan3A_91, %mul3A_139 : i32
      %add3A_141 = arith.constant 2 : i32
      %add3A_142 = arith.addi %mul3A_140, %add3A_141 : i32
      %dma_wait3A_143 = arith.constant 0 : i32
      %dma_wait3A_144 = arith.constant 0 : i32
      %dma_wait3A_145 = tpu.memref_slice %arg5[%dma_wait3A_143, %dma_wait3A_144] : memref<125x80xi32, #tpu.memory_space<vmem>> -> memref<1x80xi32, #tpu.memory_space<vmem>>
      %dma_wait3A_146 = tpu.memref_squeeze %dma_wait3A_145 : memref<1x80xi32, #tpu.memory_space<vmem>> -> memref<80xi32, #tpu.memory_space<vmem>>
      %dma_wait3A_147 = arith.constant 0 : i32
      %dma_wait3A_148 = arith.constant 0 : i32
      %dma_wait3A_149 = tpu.memref_slice %arg2[%dma_wait3A_147, %dma_wait3A_148] : memref<20000x128xf32, #tpu.memory_space<hbm>> -> memref<20000x128xf32, #tpu.memory_space<hbm>>
      tpu.wait_indirect_dma semaphore(%arg13 : memref<!tpu.dma_semaphore, #tpu.memory_space<semaphore_mem>>) src(%dma_wait3A_149 : memref<20000x128xf32, #tpu.memory_space<hbm>>) dst(%arg8 : memref<80x128xf32, #tpu.memory_space<vmem>>)
      %mul3A_150 = arith.constant 80 : i32
      %mul3A_151 = arith.muli %add3A_142, %mul3A_150 : i32
      %add3A_152 = arith.addi %mul3A_2, %mul3A_151 : i32
      %multiple_of3A_153 = tpu.assume_multiple %add3A_152, 80 : i32
      "tpu.region"() ({
        %run_scoped3A = tpu.sem_alloc : memref<!tpu.dma_semaphore, #tpu.memory_space<semaphore_mem>>
        %dma_start3A_209 = arith.constant 0 : i32
        %dma_start3A_210 = tpu.memref_slice %arg4[%multiple_of3A_153, %dma_start3A_209] : memref<320000x128xf32, #tpu.memory_space<hbm>> -> memref<80x128xf32, #tpu.memory_space<hbm>>
        %dma_start3A_211 = arith.constant 0 : i32
        %dma_start3A_212 = tpu.memref_slice %arg4[%multiple_of3A_153, %dma_start3A_211] : memref<320000x128xf32, #tpu.memory_space<hbm>> -> memref<80x128xf32, #tpu.memory_space<hbm>>
        tpu.enqueue_dma source(%arg8 : memref<80x128xf32, #tpu.memory_space<vmem>>) target(%dma_start3A_212 : memref<80x128xf32, #tpu.memory_space<hbm>>) target_semaphore(%run_scoped3A : memref<!tpu.dma_semaphore, #tpu.memory_space<semaphore_mem>>)
        %dma_wait3A_213 = arith.constant 0 : i32
        %dma_wait3A_214 = tpu.memref_slice %arg4[%multiple_of3A_153, %dma_wait3A_213] : memref<320000x128xf32, #tpu.memory_space<hbm>> -> memref<80x128xf32, #tpu.memory_space<hbm>>
        %dma_wait3A_215 = arith.constant 0 : i32
        %dma_wait3A_216 = tpu.memref_slice %arg4[%multiple_of3A_153, %dma_wait3A_215] : memref<320000x128xf32, #tpu.memory_space<hbm>> -> memref<80x128xf32, #tpu.memory_space<hbm>>
        tpu.wait_dma2 semaphore(%run_scoped3A : memref<!tpu.dma_semaphore, #tpu.memory_space<semaphore_mem>>) src(%arg8 : memref<80x128xf32, #tpu.memory_space<vmem>>) dst(%dma_wait3A_216 : memref<80x128xf32, #tpu.memory_space<hbm>>)
        tpu.yield
      }) : () -> ()
      %add3A_154 = arith.constant 5 : i32
      %add3A_155 = arith.addi %add3A_142, %add3A_154 : i32
      %dma_start3A_156 = arith.constant 0 : i32
      %dma_start3A_157 = tpu.memref_slice %arg5[%add3A_155, %dma_start3A_156] : memref<125x80xi32, #tpu.memory_space<vmem>> -> memref<1x80xi32, #tpu.memory_space<vmem>>
      %dma_start3A_158 = tpu.memref_squeeze %dma_start3A_157 : memref<1x80xi32, #tpu.memory_space<vmem>> -> memref<80xi32, #tpu.memory_space<vmem>>
      %dma_start3A_159 = arith.constant 0 : i32
      %dma_start3A_160 = arith.constant 0 : i32
      %dma_start3A_161 = tpu.memref_slice %arg2[%dma_start3A_159, %dma_start3A_160] : memref<20000x128xf32, #tpu.memory_space<hbm>> -> memref<20000x128xf32, #tpu.memory_space<hbm>>
      tpu.enqueue_indirect_dma source(%dma_start3A_161 : memref<20000x128xf32, #tpu.memory_space<hbm>>) target(%arg8 : memref<80x128xf32, #tpu.memory_space<vmem>>) offsets(%dma_start3A_158 : memref<80xi32, #tpu.memory_space<vmem>>) semaphore(%arg13 : memref<!tpu.dma_semaphore, #tpu.memory_space<semaphore_mem>>)
      %mul3A_162 = arith.constant 5 : i32
      %mul3A_163 = arith.muli %scan3A_91, %mul3A_162 : i32
      %add3A_164 = arith.constant 3 : i32
      %add3A_165 = arith.addi %mul3A_163, %add3A_164 : i32
      %dma_wait3A_166 = arith.constant 0 : i32
      %dma_wait3A_167 = arith.constant 0 : i32
      %dma_wait3A_168 = tpu.memref_slice %arg5[%dma_wait3A_166, %dma_wait3A_167] : memref<125x80xi32, #tpu.memory_space<vmem>> -> memref<1x80xi32, #tpu.memory_space<vmem>>
      %dma_wait3A_169 = tpu.memref_squeeze %dma_wait3A_168 : memref<1x80xi32, #tpu.memory_space<vmem>> -> memref<80xi32, #tpu.memory_space<vmem>>
      %dma_wait3A_170 = arith.constant 0 : i32
      %dma_wait3A_171 = arith.constant 0 : i32
      %dma_wait3A_172 = tpu.memref_slice %arg2[%dma_wait3A_170, %dma_wait3A_171] : memref<20000x128xf32, #tpu.memory_space<hbm>> -> memref<20000x128xf32, #tpu.memory_space<hbm>>
      tpu.wait_indirect_dma semaphore(%arg14 : memref<!tpu.dma_semaphore, #tpu.memory_space<semaphore_mem>>) src(%dma_wait3A_172 : memref<20000x128xf32, #tpu.memory_space<hbm>>) dst(%arg9 : memref<80x128xf32, #tpu.memory_space<vmem>>)
      %mul3A_173 = arith.constant 80 : i32
      %mul3A_174 = arith.muli %add3A_165, %mul3A_173 : i32
      %add3A_175 = arith.addi %mul3A_2, %mul3A_174 : i32
      %multiple_of3A_176 = tpu.assume_multiple %add3A_175, 80 : i32
      "tpu.region"() ({
        %run_scoped3A = tpu.sem_alloc : memref<!tpu.dma_semaphore, #tpu.memory_space<semaphore_mem>>
        %dma_start3A_209 = arith.constant 0 : i32
        %dma_start3A_210 = tpu.memref_slice %arg4[%multiple_of3A_176, %dma_start3A_209] : memref<320000x128xf32, #tpu.memory_space<hbm>> -> memref<80x128xf32, #tpu.memory_space<hbm>>
        %dma_start3A_211 = arith.constant 0 : i32
        %dma_start3A_212 = tpu.memref_slice %arg4[%multiple_of3A_176, %dma_start3A_211] : memref<320000x128xf32, #tpu.memory_space<hbm>> -> memref<80x128xf32, #tpu.memory_space<hbm>>
        tpu.enqueue_dma source(%arg9 : memref<80x128xf32, #tpu.memory_space<vmem>>) target(%dma_start3A_212 : memref<80x128xf32, #tpu.memory_space<hbm>>) target_semaphore(%run_scoped3A : memref<!tpu.dma_semaphore, #tpu.memory_space<semaphore_mem>>)
        %dma_wait3A_213 = arith.constant 0 : i32
        %dma_wait3A_214 = tpu.memref_slice %arg4[%multiple_of3A_176, %dma_wait3A_213] : memref<320000x128xf32, #tpu.memory_space<hbm>> -> memref<80x128xf32, #tpu.memory_space<hbm>>
        %dma_wait3A_215 = arith.constant 0 : i32
        %dma_wait3A_216 = tpu.memref_slice %arg4[%multiple_of3A_176, %dma_wait3A_215] : memref<320000x128xf32, #tpu.memory_space<hbm>> -> memref<80x128xf32, #tpu.memory_space<hbm>>
        tpu.wait_dma2 semaphore(%run_scoped3A : memref<!tpu.dma_semaphore, #tpu.memory_space<semaphore_mem>>) src(%arg9 : memref<80x128xf32, #tpu.memory_space<vmem>>) dst(%dma_wait3A_216 : memref<80x128xf32, #tpu.memory_space<hbm>>)
        tpu.yield
      }) : () -> ()
      %add3A_177 = arith.constant 5 : i32
      %add3A_178 = arith.addi %add3A_165, %add3A_177 : i32
      %dma_start3A_179 = arith.constant 0 : i32
      %dma_start3A_180 = tpu.memref_slice %arg5[%add3A_178, %dma_start3A_179] : memref<125x80xi32, #tpu.memory_space<vmem>> -> memref<1x80xi32, #tpu.memory_space<vmem>>
      %dma_start3A_181 = tpu.memref_squeeze %dma_start3A_180 : memref<1x80xi32, #tpu.memory_space<vmem>> -> memref<80xi32, #tpu.memory_space<vmem>>
      %dma_start3A_182 = arith.constant 0 : i32
      %dma_start3A_183 = arith.constant 0 : i32
      %dma_start3A_184 = tpu.memref_slice %arg2[%dma_start3A_182, %dma_start3A_183] : memref<20000x128xf32, #tpu.memory_space<hbm>> -> memref<20000x128xf32, #tpu.memory_space<hbm>>
      tpu.enqueue_indirect_dma source(%dma_start3A_184 : memref<20000x128xf32, #tpu.memory_space<hbm>>) target(%arg9 : memref<80x128xf32, #tpu.memory_space<vmem>>) offsets(%dma_start3A_181 : memref<80xi32, #tpu.memory_space<vmem>>) semaphore(%arg14 : memref<!tpu.dma_semaphore, #tpu.memory_space<semaphore_mem>>)
      %mul3A_185 = arith.constant 5 : i32
      %mul3A_186 = arith.muli %scan3A_91, %mul3A_185 : i32
      %add3A_187 = arith.constant 4 : i32
      %add3A_188 = arith.addi %mul3A_186, %add3A_187 : i32
      %dma_wait3A_189 = arith.constant 0 : i32
      %dma_wait3A_190 = arith.constant 0 : i32
      %dma_wait3A_191 = tpu.memref_slice %arg5[%dma_wait3A_189, %dma_wait3A_190] : memref<125x80xi32, #tpu.memory_space<vmem>> -> memref<1x80xi32, #tpu.memory_space<vmem>>
      %dma_wait3A_192 = tpu.memref_squeeze %dma_wait3A_191 : memref<1x80xi32, #tpu.memory_space<vmem>> -> memref<80xi32, #tpu.memory_space<vmem>>
      %dma_wait3A_193 = arith.constant 0 : i32
      %dma_wait3A_194 = arith.constant 0 : i32
      %dma_wait3A_195 = tpu.memref_slice %arg2[%dma_wait3A_193, %dma_wait3A_194] : memref<20000x128xf32, #tpu.memory_space<hbm>> -> memref<20000x128xf32, #tpu.memory_space<hbm>>
      tpu.wait_indirect_dma semaphore(%arg15 : memref<!tpu.dma_semaphore, #tpu.memory_space<semaphore_mem>>) src(%dma_wait3A_195 : memref<20000x128xf32, #tpu.memory_space<hbm>>) dst(%arg10 : memref<80x128xf32, #tpu.memory_space<vmem>>)
      %mul3A_196 = arith.constant 80 : i32
      %mul3A_197 = arith.muli %add3A_188, %mul3A_196 : i32
      %add3A_198 = arith.addi %mul3A_2, %mul3A_197 : i32
      %multiple_of3A_199 = tpu.assume_multiple %add3A_198, 80 : i32
      "tpu.region"() ({
        %run_scoped3A = tpu.sem_alloc : memref<!tpu.dma_semaphore, #tpu.memory_space<semaphore_mem>>
        %dma_start3A_209 = arith.constant 0 : i32
        %dma_start3A_210 = tpu.memref_slice %arg4[%multiple_of3A_199, %dma_start3A_209] : memref<320000x128xf32, #tpu.memory_space<hbm>> -> memref<80x128xf32, #tpu.memory_space<hbm>>
        %dma_start3A_211 = arith.constant 0 : i32
        %dma_start3A_212 = tpu.memref_slice %arg4[%multiple_of3A_199, %dma_start3A_211] : memref<320000x128xf32, #tpu.memory_space<hbm>> -> memref<80x128xf32, #tpu.memory_space<hbm>>
        tpu.enqueue_dma source(%arg10 : memref<80x128xf32, #tpu.memory_space<vmem>>) target(%dma_start3A_212 : memref<80x128xf32, #tpu.memory_space<hbm>>) target_semaphore(%run_scoped3A : memref<!tpu.dma_semaphore, #tpu.memory_space<semaphore_mem>>)
        %dma_wait3A_213 = arith.constant 0 : i32
        %dma_wait3A_214 = tpu.memref_slice %arg4[%multiple_of3A_199, %dma_wait3A_213] : memref<320000x128xf32, #tpu.memory_space<hbm>> -> memref<80x128xf32, #tpu.memory_space<hbm>>
        %dma_wait3A_215 = arith.constant 0 : i32
        %dma_wait3A_216 = tpu.memref_slice %arg4[%multiple_of3A_199, %dma_wait3A_215] : memref<320000x128xf32, #tpu.memory_space<hbm>> -> memref<80x128xf32, #tpu.memory_space<hbm>>
        tpu.wait_dma2 semaphore(%run_scoped3A : memref<!tpu.dma_semaphore, #tpu.memory_space<semaphore_mem>>) src(%arg10 : memref<80x128xf32, #tpu.memory_space<vmem>>) dst(%dma_wait3A_216 : memref<80x128xf32, #tpu.memory_space<hbm>>)
        tpu.yield
      }) : () -> ()
      %add3A_200 = arith.constant 5 : i32
      %add3A_201 = arith.addi %add3A_188, %add3A_200 : i32
      %dma_start3A_202 = arith.constant 0 : i32
      %dma_start3A_203 = tpu.memref_slice %arg5[%add3A_201, %dma_start3A_202] : memref<125x80xi32, #tpu.memory_space<vmem>> -> memref<1x80xi32, #tpu.memory_space<vmem>>
      %dma_start3A_204 = tpu.memref_squeeze %dma_start3A_203 : memref<1x80xi32, #tpu.memory_space<vmem>> -> memref<80xi32, #tpu.memory_space<vmem>>
      %dma_start3A_205 = arith.constant 0 : i32
      %dma_start3A_206 = arith.constant 0 : i32
      %dma_start3A_207 = tpu.memref_slice %arg2[%dma_start3A_205, %dma_start3A_206] : memref<20000x128xf32, #tpu.memory_space<hbm>> -> memref<20000x128xf32, #tpu.memory_space<hbm>>
      tpu.enqueue_indirect_dma source(%dma_start3A_207 : memref<20000x128xf32, #tpu.memory_space<hbm>>) target(%arg10 : memref<80x128xf32, #tpu.memory_space<vmem>>) offsets(%dma_start3A_204 : memref<80xi32, #tpu.memory_space<vmem>>) semaphore(%arg15 : memref<!tpu.dma_semaphore, #tpu.memory_space<semaphore_mem>>)
      %scan3A_208 = arith.constant 0 : i32
      scf.yield %scan3A_208 : i32
    }
    %scan3A_42 = arith.constant 24 : i32
    %dma_wait3A = arith.constant 0 : i32
    %dma_wait3A_43 = arith.constant 0 : i32
    %dma_wait3A_44 = tpu.memref_slice %arg5[%dma_wait3A, %dma_wait3A_43] : memref<125x80xi32, #tpu.memory_space<vmem>> -> memref<1x80xi32, #tpu.memory_space<vmem>>
    %dma_wait3A_45 = tpu.memref_squeeze %dma_wait3A_44 : memref<1x80xi32, #tpu.memory_space<vmem>> -> memref<80xi32, #tpu.memory_space<vmem>>
    %dma_wait3A_46 = arith.constant 0 : i32
    %dma_wait3A_47 = arith.constant 0 : i32
    %dma_wait3A_48 = tpu.memref_slice %arg2[%dma_wait3A_46, %dma_wait3A_47] : memref<20000x128xf32, #tpu.memory_space<hbm>> -> memref<20000x128xf32, #tpu.memory_space<hbm>>
    tpu.wait_indirect_dma semaphore(%arg11 : memref<!tpu.dma_semaphore, #tpu.memory_space<semaphore_mem>>) src(%dma_wait3A_48 : memref<20000x128xf32, #tpu.memory_space<hbm>>) dst(%arg6 : memref<80x128xf32, #tpu.memory_space<vmem>>)
    %add3A_49 = arith.constant 9600 : i32
    %add3A_50 = arith.addi %mul3A_2, %add3A_49 : i32
    %multiple_of3A = tpu.assume_multiple %add3A_50, 80 : i32
    "tpu.region"() ({
      %run_scoped3A = tpu.sem_alloc : memref<!tpu.dma_semaphore, #tpu.memory_space<semaphore_mem>>
      %dma_start3A_91 = arith.constant 0 : i32
      %dma_start3A_92 = tpu.memref_slice %arg4[%multiple_of3A, %dma_start3A_91] : memref<320000x128xf32, #tpu.memory_space<hbm>> -> memref<80x128xf32, #tpu.memory_space<hbm>>
      %dma_start3A_93 = arith.constant 0 : i32
      %dma_start3A_94 = tpu.memref_slice %arg4[%multiple_of3A, %dma_start3A_93] : memref<320000x128xf32, #tpu.memory_space<hbm>> -> memref<80x128xf32, #tpu.memory_space<hbm>>
      tpu.enqueue_dma source(%arg6 : memref<80x128xf32, #tpu.memory_space<vmem>>) target(%dma_start3A_94 : memref<80x128xf32, #tpu.memory_space<hbm>>) target_semaphore(%run_scoped3A : memref<!tpu.dma_semaphore, #tpu.memory_space<semaphore_mem>>)
      %dma_wait3A_95 = arith.constant 0 : i32
      %dma_wait3A_96 = tpu.memref_slice %arg4[%multiple_of3A, %dma_wait3A_95] : memref<320000x128xf32, #tpu.memory_space<hbm>> -> memref<80x128xf32, #tpu.memory_space<hbm>>
      %dma_wait3A_97 = arith.constant 0 : i32
      %dma_wait3A_98 = tpu.memref_slice %arg4[%multiple_of3A, %dma_wait3A_97] : memref<320000x128xf32, #tpu.memory_space<hbm>> -> memref<80x128xf32, #tpu.memory_space<hbm>>
      tpu.wait_dma2 semaphore(%run_scoped3A : memref<!tpu.dma_semaphore, #tpu.memory_space<semaphore_mem>>) src(%arg6 : memref<80x128xf32, #tpu.memory_space<vmem>>) dst(%dma_wait3A_98 : memref<80x128xf32, #tpu.memory_space<hbm>>)
      tpu.yield
    }) : () -> ()
    %dma_wait3A_51 = arith.constant 0 : i32
    %dma_wait3A_52 = arith.constant 0 : i32
    %dma_wait3A_53 = tpu.memref_slice %arg5[%dma_wait3A_51, %dma_wait3A_52] : memref<125x80xi32, #tpu.memory_space<vmem>> -> memref<1x80xi32, #tpu.memory_space<vmem>>
    %dma_wait3A_54 = tpu.memref_squeeze %dma_wait3A_53 : memref<1x80xi32, #tpu.memory_space<vmem>> -> memref<80xi32, #tpu.memory_space<vmem>>
    %dma_wait3A_55 = arith.constant 0 : i32
    %dma_wait3A_56 = arith.constant 0 : i32
    %dma_wait3A_57 = tpu.memref_slice %arg2[%dma_wait3A_55, %dma_wait3A_56] : memref<20000x128xf32, #tpu.memory_space<hbm>> -> memref<20000x128xf32, #tpu.memory_space<hbm>>
    tpu.wait_indirect_dma semaphore(%arg12 : memref<!tpu.dma_semaphore, #tpu.memory_space<semaphore_mem>>) src(%dma_wait3A_57 : memref<20000x128xf32, #tpu.memory_space<hbm>>) dst(%arg7 : memref<80x128xf32, #tpu.memory_space<vmem>>)
    %add3A_58 = arith.constant 9680 : i32
    %add3A_59 = arith.addi %mul3A_2, %add3A_58 : i32
    %multiple_of3A_60 = tpu.assume_multiple %add3A_59, 80 : i32
    "tpu.region"() ({
      %run_scoped3A = tpu.sem_alloc : memref<!tpu.dma_semaphore, #tpu.memory_space<semaphore_mem>>
      %dma_start3A_91 = arith.constant 0 : i32
      %dma_start3A_92 = tpu.memref_slice %arg4[%multiple_of3A_60, %dma_start3A_91] : memref<320000x128xf32, #tpu.memory_space<hbm>> -> memref<80x128xf32, #tpu.memory_space<hbm>>
      %dma_start3A_93 = arith.constant 0 : i32
      %dma_start3A_94 = tpu.memref_slice %arg4[%multiple_of3A_60, %dma_start3A_93] : memref<320000x128xf32, #tpu.memory_space<hbm>> -> memref<80x128xf32, #tpu.memory_space<hbm>>
      tpu.enqueue_dma source(%arg7 : memref<80x128xf32, #tpu.memory_space<vmem>>) target(%dma_start3A_94 : memref<80x128xf32, #tpu.memory_space<hbm>>) target_semaphore(%run_scoped3A : memref<!tpu.dma_semaphore, #tpu.memory_space<semaphore_mem>>)
      %dma_wait3A_95 = arith.constant 0 : i32
      %dma_wait3A_96 = tpu.memref_slice %arg4[%multiple_of3A_60, %dma_wait3A_95] : memref<320000x128xf32, #tpu.memory_space<hbm>> -> memref<80x128xf32, #tpu.memory_space<hbm>>
      %dma_wait3A_97 = arith.constant 0 : i32
      %dma_wait3A_98 = tpu.memref_slice %arg4[%multiple_of3A_60, %dma_wait3A_97] : memref<320000x128xf32, #tpu.memory_space<hbm>> -> memref<80x128xf32, #tpu.memory_space<hbm>>
      tpu.wait_dma2 semaphore(%run_scoped3A : memref<!tpu.dma_semaphore, #tpu.memory_space<semaphore_mem>>) src(%arg7 : memref<80x128xf32, #tpu.memory_space<vmem>>) dst(%dma_wait3A_98 : memref<80x128xf32, #tpu.memory_space<hbm>>)
      tpu.yield
    }) : () -> ()
    %dma_wait3A_61 = arith.constant 0 : i32
    %dma_wait3A_62 = arith.constant 0 : i32
    %dma_wait3A_63 = tpu.memref_slice %arg5[%dma_wait3A_61, %dma_wait3A_62] : memref<125x80xi32, #tpu.memory_space<vmem>> -> memref<1x80xi32, #tpu.memory_space<vmem>>
    %dma_wait3A_64 = tpu.memref_squeeze %dma_wait3A_63 : memref<1x80xi32, #tpu.memory_space<vmem>> -> memref<80xi32, #tpu.memory_space<vmem>>
    %dma_wait3A_65 = arith.constant 0 : i32
    %dma_wait3A_66 = arith.constant 0 : i32
    %dma_wait3A_67 = tpu.memref_slice %arg2[%dma_wait3A_65, %dma_wait3A_66] : memref<20000x128xf32, #tpu.memory_space<hbm>> -> memref<20000x128xf32, #tpu.memory_space<hbm>>
    tpu.wait_indirect_dma semaphore(%arg13 : memref<!tpu.dma_semaphore, #tpu.memory_space<semaphore_mem>>) src(%dma_wait3A_67 : memref<20000x128xf32, #tpu.memory_space<hbm>>) dst(%arg8 : memref<80x128xf32, #tpu.memory_space<vmem>>)
    %add3A_68 = arith.constant 9760 : i32
    %add3A_69 = arith.addi %mul3A_2, %add3A_68 : i32
    %multiple_of3A_70 = tpu.assume_multiple %add3A_69, 80 : i32
    "tpu.region"() ({
      %run_scoped3A = tpu.sem_alloc : memref<!tpu.dma_semaphore, #tpu.memory_space<semaphore_mem>>
      %dma_start3A_91 = arith.constant 0 : i32
      %dma_start3A_92 = tpu.memref_slice %arg4[%multiple_of3A_70, %dma_start3A_91] : memref<320000x128xf32, #tpu.memory_space<hbm>> -> memref<80x128xf32, #tpu.memory_space<hbm>>
      %dma_start3A_93 = arith.constant 0 : i32
      %dma_start3A_94 = tpu.memref_slice %arg4[%multiple_of3A_70, %dma_start3A_93] : memref<320000x128xf32, #tpu.memory_space<hbm>> -> memref<80x128xf32, #tpu.memory_space<hbm>>
      tpu.enqueue_dma source(%arg8 : memref<80x128xf32, #tpu.memory_space<vmem>>) target(%dma_start3A_94 : memref<80x128xf32, #tpu.memory_space<hbm>>) target_semaphore(%run_scoped3A : memref<!tpu.dma_semaphore, #tpu.memory_space<semaphore_mem>>)
      %dma_wait3A_95 = arith.constant 0 : i32
      %dma_wait3A_96 = tpu.memref_slice %arg4[%multiple_of3A_70, %dma_wait3A_95] : memref<320000x128xf32, #tpu.memory_space<hbm>> -> memref<80x128xf32, #tpu.memory_space<hbm>>
      %dma_wait3A_97 = arith.constant 0 : i32
      %dma_wait3A_98 = tpu.memref_slice %arg4[%multiple_of3A_70, %dma_wait3A_97] : memref<320000x128xf32, #tpu.memory_space<hbm>> -> memref<80x128xf32, #tpu.memory_space<hbm>>
      tpu.wait_dma2 semaphore(%run_scoped3A : memref<!tpu.dma_semaphore, #tpu.memory_space<semaphore_mem>>) src(%arg8 : memref<80x128xf32, #tpu.memory_space<vmem>>) dst(%dma_wait3A_98 : memref<80x128xf32, #tpu.memory_space<hbm>>)
      tpu.yield
    }) : () -> ()
    %dma_wait3A_71 = arith.constant 0 : i32
    %dma_wait3A_72 = arith.constant 0 : i32
    %dma_wait3A_73 = tpu.memref_slice %arg5[%dma_wait3A_71, %dma_wait3A_72] : memref<125x80xi32, #tpu.memory_space<vmem>> -> memref<1x80xi32, #tpu.memory_space<vmem>>
    %dma_wait3A_74 = tpu.memref_squeeze %dma_wait3A_73 : memref<1x80xi32, #tpu.memory_space<vmem>> -> memref<80xi32, #tpu.memory_space<vmem>>
    %dma_wait3A_75 = arith.constant 0 : i32
    %dma_wait3A_76 = arith.constant 0 : i32
    %dma_wait3A_77 = tpu.memref_slice %arg2[%dma_wait3A_75, %dma_wait3A_76] : memref<20000x128xf32, #tpu.memory_space<hbm>> -> memref<20000x128xf32, #tpu.memory_space<hbm>>
    tpu.wait_indirect_dma semaphore(%arg14 : memref<!tpu.dma_semaphore, #tpu.memory_space<semaphore_mem>>) src(%dma_wait3A_77 : memref<20000x128xf32, #tpu.memory_space<hbm>>) dst(%arg9 : memref<80x128xf32, #tpu.memory_space<vmem>>)
    %add3A_78 = arith.constant 9840 : i32
    %add3A_79 = arith.addi %mul3A_2, %add3A_78 : i32
    %multiple_of3A_80 = tpu.assume_multiple %add3A_79, 80 : i32
    "tpu.region"() ({
      %run_scoped3A = tpu.sem_alloc : memref<!tpu.dma_semaphore, #tpu.memory_space<semaphore_mem>>
      %dma_start3A_91 = arith.constant 0 : i32
      %dma_start3A_92 = tpu.memref_slice %arg4[%multiple_of3A_80, %dma_start3A_91] : memref<320000x128xf32, #tpu.memory_space<hbm>> -> memref<80x128xf32, #tpu.memory_space<hbm>>
      %dma_start3A_93 = arith.constant 0 : i32
      %dma_start3A_94 = tpu.memref_slice %arg4[%multiple_of3A_80, %dma_start3A_93] : memref<320000x128xf32, #tpu.memory_space<hbm>> -> memref<80x128xf32, #tpu.memory_space<hbm>>
      tpu.enqueue_dma source(%arg9 : memref<80x128xf32, #tpu.memory_space<vmem>>) target(%dma_start3A_94 : memref<80x128xf32, #tpu.memory_space<hbm>>) target_semaphore(%run_scoped3A : memref<!tpu.dma_semaphore, #tpu.memory_space<semaphore_mem>>)
      %dma_wait3A_95 = arith.constant 0 : i32
      %dma_wait3A_96 = tpu.memref_slice %arg4[%multiple_of3A_80, %dma_wait3A_95] : memref<320000x128xf32, #tpu.memory_space<hbm>> -> memref<80x128xf32, #tpu.memory_space<hbm>>
      %dma_wait3A_97 = arith.constant 0 : i32
      %dma_wait3A_98 = tpu.memref_slice %arg4[%multiple_of3A_80, %dma_wait3A_97] : memref<320000x128xf32, #tpu.memory_space<hbm>> -> memref<80x128xf32, #tpu.memory_space<hbm>>
      tpu.wait_dma2 semaphore(%run_scoped3A : memref<!tpu.dma_semaphore, #tpu.memory_space<semaphore_mem>>) src(%arg9 : memref<80x128xf32, #tpu.memory_space<vmem>>) dst(%dma_wait3A_98 : memref<80x128xf32, #tpu.memory_space<hbm>>)
      tpu.yield
    }) : () -> ()
    %dma_wait3A_81 = arith.constant 0 : i32
    %dma_wait3A_82 = arith.constant 0 : i32
    %dma_wait3A_83 = tpu.memref_slice %arg5[%dma_wait3A_81, %dma_wait3A_82] : memref<125x80xi32, #tpu.memory_space<vmem>> -> memref<1x80xi32, #tpu.memory_space<vmem>>
    %dma_wait3A_84 = tpu.memref_squeeze %dma_wait3A_83 : memref<1x80xi32, #tpu.memory_space<vmem>> -> memref<80xi32, #tpu.memory_space<vmem>>
    %dma_wait3A_85 = arith.constant 0 : i32
    %dma_wait3A_86 = arith.constant 0 : i32
    %dma_wait3A_87 = tpu.memref_slice %arg2[%dma_wait3A_85, %dma_wait3A_86] : memref<20000x128xf32, #tpu.memory_space<hbm>> -> memref<20000x128xf32, #tpu.memory_space<hbm>>
    tpu.wait_indirect_dma semaphore(%arg15 : memref<!tpu.dma_semaphore, #tpu.memory_space<semaphore_mem>>) src(%dma_wait3A_87 : memref<20000x128xf32, #tpu.memory_space<hbm>>) dst(%arg10 : memref<80x128xf32, #tpu.memory_space<vmem>>)
    %add3A_88 = arith.constant 9920 : i32
    %add3A_89 = arith.addi %mul3A_2, %add3A_88 : i32
    %multiple_of3A_90 = tpu.assume_multiple %add3A_89, 80 : i32
    "tpu.region"() ({
      %run_scoped3A = tpu.sem_alloc : memref<!tpu.dma_semaphore, #tpu.memory_space<semaphore_mem>>
      %dma_start3A_91 = arith.constant 0 : i32
      %dma_start3A_92 = tpu.memref_slice %arg4[%multiple_of3A_90, %dma_start3A_91] : memref<320000x128xf32, #tpu.memory_space<hbm>> -> memref<80x128xf32, #tpu.memory_space<hbm>>
      %dma_start3A_93 = arith.constant 0 : i32
      %dma_start3A_94 = tpu.memref_slice %arg4[%multiple_of3A_90, %dma_start3A_93] : memref<320000x128xf32, #tpu.memory_space<hbm>> -> memref<80x128xf32, #tpu.memory_space<hbm>>
      tpu.enqueue_dma source(%arg10 : memref<80x128xf32, #tpu.memory_space<vmem>>) target(%dma_start3A_94 : memref<80x128xf32, #tpu.memory_space<hbm>>) target_semaphore(%run_scoped3A : memref<!tpu.dma_semaphore, #tpu.memory_space<semaphore_mem>>)
      %dma_wait3A_95 = arith.constant 0 : i32
      %dma_wait3A_96 = tpu.memref_slice %arg4[%multiple_of3A_90, %dma_wait3A_95] : memref<320000x128xf32, #tpu.memory_space<hbm>> -> memref<80x128xf32, #tpu.memory_space<hbm>>
      %dma_wait3A_97 = arith.constant 0 : i32
      %dma_wait3A_98 = tpu.memref_slice %arg4[%multiple_of3A_90, %dma_wait3A_97] : memref<320000x128xf32, #tpu.memory_space<hbm>> -> memref<80x128xf32, #tpu.memory_space<hbm>>
      tpu.wait_dma2 semaphore(%run_scoped3A : memref<!tpu.dma_semaphore, #tpu.memory_space<semaphore_mem>>) src(%arg10 : memref<80x128xf32, #tpu.memory_space<vmem>>) dst(%dma_wait3A_98 : memref<80x128xf32, #tpu.memory_space<hbm>>)
      tpu.yield
    }) : () -> ()
    return
  }
}

#map = affine_map<(d0, d1) -> (0, 0)>
#map1 = affine_map<(d0, d1) -> (0, 0, 0)>
module attributes {stable_mosaic.version = 14 : i64} {
  func.func @body(%arg0: i32, %arg1: i32, %arg2: memref<20000x32xf32, #tpu.memory_space<hbm>>, %arg3: memref<32x125x80xi32, #tpu.memory_space<hbm>>, %arg4: memref<320000x32xf32, #tpu.memory_space<hbm>>, %arg5: memref<125x80xi32, #tpu.memory_space<vmem>>, %arg6: memref<80x32xf32, #tpu.memory_space<vmem>>, %arg7: memref<80x32xf32, #tpu.memory_space<vmem>>, %arg8: memref<80x32xf32, #tpu.memory_space<vmem>>, %arg9: memref<80x32xf32, #tpu.memory_space<vmem>>, %arg10: memref<80x32xf32, #tpu.memory_space<vmem>>, %arg11: memref<!tpu.dma_semaphore, #tpu.memory_space<semaphore_mem>>, %arg12: memref<!tpu.dma_semaphore, #tpu.memory_space<semaphore_mem>>, %arg13: memref<!tpu.dma_semaphore, #tpu.memory_space<semaphore_mem>>, %arg14: memref<!tpu.dma_semaphore, #tpu.memory_space<semaphore_mem>>, %arg15: memref<!tpu.dma_semaphore, #tpu.memory_space<semaphore_mem>>) attributes {dimension_semantics = [#tpu.dimension_semantics<core_parallel>, #tpu.dimension_semantics<subcore_parallel>], iteration_bounds = array<i64: 2, 16>, scalar_prefetch = 0 : i64, scratch_operands = 11 : i64, tpu.core_type = #tpu.core_type<sc_vector_subcore>, window_params = [{transform_indices = #map}, {transform_indices = #map1}, {transform_indices = #map}]} {
    %mul3A = arith.constant 2 : i32
    %mul3A_0 = arith.muli %arg1, %mul3A : i32
    %add3A = arith.addi %mul3A_0, %arg0 : i32
    %mul3A_1 = arith.constant 10000 : i32
    %mul3A_2 = arith.muli %add3A, %mul3A_1 : i32
    "tpu.region"() ({
      %run_scoped3A = tpu.sem_alloc : memref<!tpu.dma_semaphore, #tpu.memory_space<semaphore_mem>>
      %dma_start3A_91 = arith.constant 0 : i32
      %dma_start3A_92 = arith.constant 0 : i32
      %dma_start3A_93 = tpu.memref_slice %arg3[%add3A, %dma_start3A_91, %dma_start3A_92] : memref<32x125x80xi32, #tpu.memory_space<hbm>> -> memref<1x125x80xi32, #tpu.memory_space<hbm>>
      %dma_start3A_94 = tpu.memref_squeeze %dma_start3A_93 : memref<1x125x80xi32, #tpu.memory_space<hbm>> -> memref<125x80xi32, #tpu.memory_space<hbm>>
      %dma_start3A_95 = arith.constant 0 : i32
      %dma_start3A_96 = arith.constant 0 : i32
      %dma_start3A_97 = tpu.memref_slice %arg3[%add3A, %dma_start3A_95, %dma_start3A_96] : memref<32x125x80xi32, #tpu.memory_space<hbm>> -> memref<1x125x80xi32, #tpu.memory_space<hbm>>
      %dma_start3A_98 = tpu.memref_squeeze %dma_start3A_97 : memref<1x125x80xi32, #tpu.memory_space<hbm>> -> memref<125x80xi32, #tpu.memory_space<hbm>>
      tpu.enqueue_dma source(%dma_start3A_98 : memref<125x80xi32, #tpu.memory_space<hbm>>) target(%arg5 : memref<125x80xi32, #tpu.memory_space<vmem>>) target_semaphore(%run_scoped3A : memref<!tpu.dma_semaphore, #tpu.memory_space<semaphore_mem>>)
      %dma_wait3A_99 = arith.constant 0 : i32
      %dma_wait3A_100 = arith.constant 0 : i32
      %dma_wait3A_101 = tpu.memref_slice %arg3[%add3A, %dma_wait3A_99, %dma_wait3A_100] : memref<32x125x80xi32, #tpu.memory_space<hbm>> -> memref<1x125x80xi32, #tpu.memory_space<hbm>>
      %dma_wait3A_102 = tpu.memref_squeeze %dma_wait3A_101 : memref<1x125x80xi32, #tpu.memory_space<hbm>> -> memref<125x80xi32, #tpu.memory_space<hbm>>
      %dma_wait3A_103 = arith.constant 0 : i32
      %dma_wait3A_104 = arith.constant 0 : i32
      %dma_wait3A_105 = tpu.memref_slice %arg3[%add3A, %dma_wait3A_103, %dma_wait3A_104] : memref<32x125x80xi32, #tpu.memory_space<hbm>> -> memref<1x125x80xi32, #tpu.memory_space<hbm>>
      %dma_wait3A_106 = tpu.memref_squeeze %dma_wait3A_105 : memref<1x125x80xi32, #tpu.memory_space<hbm>> -> memref<125x80xi32, #tpu.memory_space<hbm>>
      tpu.wait_dma2 semaphore(%run_scoped3A : memref<!tpu.dma_semaphore, #tpu.memory_space<semaphore_mem>>) src(%dma_wait3A_106 : memref<125x80xi32, #tpu.memory_space<hbm>>) dst(%arg5 : memref<125x80xi32, #tpu.memory_space<vmem>>)
      tpu.yield
    }) : () -> ()
    %dma_start3A = arith.constant 0 : i32
    %dma_start3A_3 = arith.constant 0 : i32
    %dma_start3A_4 = tpu.memref_slice %arg5[%dma_start3A, %dma_start3A_3] : memref<125x80xi32, #tpu.memory_space<vmem>> -> memref<1x80xi32, #tpu.memory_space<vmem>>
    %dma_start3A_5 = tpu.memref_squeeze %dma_start3A_4 : memref<1x80xi32, #tpu.memory_space<vmem>> -> memref<80xi32, #tpu.memory_space<vmem>>
    %dma_start3A_6 = arith.constant 0 : i32
    %dma_start3A_7 = arith.constant 0 : i32
    %dma_start3A_8 = tpu.memref_slice %arg2[%dma_start3A_6, %dma_start3A_7] : memref<20000x32xf32, #tpu.memory_space<hbm>> -> memref<20000x32xf32, #tpu.memory_space<hbm>>
    tpu.enqueue_indirect_dma source(%dma_start3A_8 : memref<20000x32xf32, #tpu.memory_space<hbm>>) target(%arg6 : memref<80x32xf32, #tpu.memory_space<vmem>>) offsets(%dma_start3A_5 : memref<80xi32, #tpu.memory_space<vmem>>) semaphore(%arg11 : memref<!tpu.dma_semaphore, #tpu.memory_space<semaphore_mem>>)
    %dma_start3A_9 = arith.constant 1 : i32
    %dma_start3A_10 = arith.constant 0 : i32
    %dma_start3A_11 = tpu.memref_slice %arg5[%dma_start3A_9, %dma_start3A_10] : memref<125x80xi32, #tpu.memory_space<vmem>> -> memref<1x80xi32, #tpu.memory_space<vmem>>
    %dma_start3A_12 = tpu.memref_squeeze %dma_start3A_11 : memref<1x80xi32, #tpu.memory_space<vmem>> -> memref<80xi32, #tpu.memory_space<vmem>>
    %dma_start3A_13 = arith.constant 0 : i32
    %dma_start3A_14 = arith.constant 0 : i32
    %dma_start3A_15 = tpu.memref_slice %arg2[%dma_start3A_13, %dma_start3A_14] : memref<20000x32xf32, #tpu.memory_space<hbm>> -> memref<20000x32xf32, #tpu.memory_space<hbm>>
    tpu.enqueue_indirect_dma source(%dma_start3A_15 : memref<20000x32xf32, #tpu.memory_space<hbm>>) target(%arg7 : memref<80x32xf32, #tpu.memory_space<vmem>>) offsets(%dma_start3A_12 : memref<80xi32, #tpu.memory_space<vmem>>) semaphore(%arg12 : memref<!tpu.dma_semaphore, #tpu.memory_space<semaphore_mem>>)
    %dma_start3A_16 = arith.constant 2 : i32
    %dma_start3A_17 = arith.constant 0 : i32
    %dma_start3A_18 = tpu.memref_slice %arg5[%dma_start3A_16, %dma_start3A_17] : memref<125x80xi32, #tpu.memory_space<vmem>> -> memref<1x80xi32, #tpu.memory_space<vmem>>
    %dma_start3A_19 = tpu.memref_squeeze %dma_start3A_18 : memref<1x80xi32, #tpu.memory_space<vmem>> -> memref<80xi32, #tpu.memory_space<vmem>>
    %dma_start3A_20 = arith.constant 0 : i32
    %dma_start3A_21 = arith.constant 0 : i32
    %dma_start3A_22 = tpu.memref_slice %arg2[%dma_start3A_20, %dma_start3A_21] : memref<20000x32xf32, #tpu.memory_space<hbm>> -> memref<20000x32xf32, #tpu.memory_space<hbm>>
    tpu.enqueue_indirect_dma source(%dma_start3A_22 : memref<20000x32xf32, #tpu.memory_space<hbm>>) target(%arg8 : memref<80x32xf32, #tpu.memory_space<vmem>>) offsets(%dma_start3A_19 : memref<80xi32, #tpu.memory_space<vmem>>) semaphore(%arg13 : memref<!tpu.dma_semaphore, #tpu.memory_space<semaphore_mem>>)
    %dma_start3A_23 = arith.constant 3 : i32
    %dma_start3A_24 = arith.constant 0 : i32
    %dma_start3A_25 = tpu.memref_slice %arg5[%dma_start3A_23, %dma_start3A_24] : memref<125x80xi32, #tpu.memory_space<vmem>> -> memref<1x80xi32, #tpu.memory_space<vmem>>
    %dma_start3A_26 = tpu.memref_squeeze %dma_start3A_25 : memref<1x80xi32, #tpu.memory_space<vmem>> -> memref<80xi32, #tpu.memory_space<vmem>>
    %dma_start3A_27 = arith.constant 0 : i32
    %dma_start3A_28 = arith.constant 0 : i32
    %dma_start3A_29 = tpu.memref_slice %arg2[%dma_start3A_27, %dma_start3A_28] : memref<20000x32xf32, #tpu.memory_space<hbm>> -> memref<20000x32xf32, #tpu.memory_space<hbm>>
    tpu.enqueue_indirect_dma source(%dma_start3A_29 : memref<20000x32xf32, #tpu.memory_space<hbm>>) target(%arg9 : memref<80x32xf32, #tpu.memory_space<vmem>>) offsets(%dma_start3A_26 : memref<80xi32, #tpu.memory_space<vmem>>) semaphore(%arg14 : memref<!tpu.dma_semaphore, #tpu.memory_space<semaphore_mem>>)
    %dma_start3A_30 = arith.constant 4 : i32
    %dma_start3A_31 = arith.constant 0 : i32
    %dma_start3A_32 = tpu.memref_slice %arg5[%dma_start3A_30, %dma_start3A_31] : memref<125x80xi32, #tpu.memory_space<vmem>> -> memref<1x80xi32, #tpu.memory_space<vmem>>
    %dma_start3A_33 = tpu.memref_squeeze %dma_start3A_32 : memref<1x80xi32, #tpu.memory_space<vmem>> -> memref<80xi32, #tpu.memory_space<vmem>>
    %dma_start3A_34 = arith.constant 0 : i32
    %dma_start3A_35 = arith.constant 0 : i32
    %dma_start3A_36 = tpu.memref_slice %arg2[%dma_start3A_34, %dma_start3A_35] : memref<20000x32xf32, #tpu.memory_space<hbm>> -> memref<20000x32xf32, #tpu.memory_space<hbm>>
    tpu.enqueue_indirect_dma source(%dma_start3A_36 : memref<20000x32xf32, #tpu.memory_space<hbm>>) target(%arg10 : memref<80x32xf32, #tpu.memory_space<vmem>>) offsets(%dma_start3A_33 : memref<80xi32, #tpu.memory_space<vmem>>) semaphore(%arg15 : memref<!tpu.dma_semaphore, #tpu.memory_space<semaphore_mem>>)
    %scan3A = arith.constant 0 : i32
    %scan3A_37 = arith.constant 0 : i32
    %scan3A_38 = arith.constant 24 : i32
    %scan3A_39 = arith.addi %scan3A_37, %scan3A_38 : i32
    %scan3A_40 = arith.constant 1 : i32
    %scan3A_41 = scf.for %scan3A_91 = %scan3A_37 to %scan3A_39 step %scan3A_40 iter_args(%scan3A_92 = %scan3A) -> (i32)  : i32 {
      %mul3A_93 = arith.constant 5 : i32
      %mul3A_94 = arith.muli %scan3A_91, %mul3A_93 : i32
      %add3A_95 = arith.constant 0 : i32
      %add3A_96 = arith.addi %mul3A_94, %add3A_95 : i32
      %dma_wait3A_97 = arith.constant 0 : i32
      %dma_wait3A_98 = arith.constant 0 : i32
      %dma_wait3A_99 = tpu.memref_slice %arg5[%dma_wait3A_97, %dma_wait3A_98] : memref<125x80xi32, #tpu.memory_space<vmem>> -> memref<1x80xi32, #tpu.memory_space<vmem>>
      %dma_wait3A_100 = tpu.memref_squeeze %dma_wait3A_99 : memref<1x80xi32, #tpu.memory_space<vmem>> -> memref<80xi32, #tpu.memory_space<vmem>>
      %dma_wait3A_101 = arith.constant 0 : i32
      %dma_wait3A_102 = arith.constant 0 : i32
      %dma_wait3A_103 = tpu.memref_slice %arg2[%dma_wait3A_101, %dma_wait3A_102] : memref<20000x32xf32, #tpu.memory_space<hbm>> -> memref<20000x32xf32, #tpu.memory_space<hbm>>
      tpu.wait_indirect_dma semaphore(%arg11 : memref<!tpu.dma_semaphore, #tpu.memory_space<semaphore_mem>>) src(%dma_wait3A_103 : memref<20000x32xf32, #tpu.memory_space<hbm>>) dst(%arg6 : memref<80x32xf32, #tpu.memory_space<vmem>>)
      %mul3A_104 = arith.constant 80 : i32
      %mul3A_105 = arith.muli %add3A_96, %mul3A_104 : i32
      %add3A_106 = arith.addi %mul3A_2, %mul3A_105 : i32
      %multiple_of3A_107 = tpu.assume_multiple %add3A_106, 80 : i32
      "tpu.region"() ({
        %run_scoped3A = tpu.sem_alloc : memref<!tpu.dma_semaphore, #tpu.memory_space<semaphore_mem>>
        %dma_start3A_209 = arith.constant 0 : i32
        %dma_start3A_210 = tpu.memref_slice %arg4[%multiple_of3A_107, %dma_start3A_209] : memref<320000x32xf32, #tpu.memory_space<hbm>> -> memref<80x32xf32, #tpu.memory_space<hbm>>
        %dma_start3A_211 = arith.constant 0 : i32
        %dma_start3A_212 = tpu.memref_slice %arg4[%multiple_of3A_107, %dma_start3A_211] : memref<320000x32xf32, #tpu.memory_space<hbm>> -> memref<80x32xf32, #tpu.memory_space<hbm>>
        tpu.enqueue_dma source(%arg6 : memref<80x32xf32, #tpu.memory_space<vmem>>) target(%dma_start3A_212 : memref<80x32xf32, #tpu.memory_space<hbm>>) target_semaphore(%run_scoped3A : memref<!tpu.dma_semaphore, #tpu.memory_space<semaphore_mem>>)
        %dma_wait3A_213 = arith.constant 0 : i32
        %dma_wait3A_214 = tpu.memref_slice %arg4[%multiple_of3A_107, %dma_wait3A_213] : memref<320000x32xf32, #tpu.memory_space<hbm>> -> memref<80x32xf32, #tpu.memory_space<hbm>>
        %dma_wait3A_215 = arith.constant 0 : i32
        %dma_wait3A_216 = tpu.memref_slice %arg4[%multiple_of3A_107, %dma_wait3A_215] : memref<320000x32xf32, #tpu.memory_space<hbm>> -> memref<80x32xf32, #tpu.memory_space<hbm>>
        tpu.wait_dma2 semaphore(%run_scoped3A : memref<!tpu.dma_semaphore, #tpu.memory_space<semaphore_mem>>) src(%arg6 : memref<80x32xf32, #tpu.memory_space<vmem>>) dst(%dma_wait3A_216 : memref<80x32xf32, #tpu.memory_space<hbm>>)
        tpu.yield
      }) : () -> ()
      %add3A_108 = arith.constant 5 : i32
      %add3A_109 = arith.addi %add3A_96, %add3A_108 : i32
      %dma_start3A_110 = arith.constant 0 : i32
      %dma_start3A_111 = tpu.memref_slice %arg5[%add3A_109, %dma_start3A_110] : memref<125x80xi32, #tpu.memory_space<vmem>> -> memref<1x80xi32, #tpu.memory_space<vmem>>
      %dma_start3A_112 = tpu.memref_squeeze %dma_start3A_111 : memref<1x80xi32, #tpu.memory_space<vmem>> -> memref<80xi32, #tpu.memory_space<vmem>>
      %dma_start3A_113 = arith.constant 0 : i32
      %dma_start3A_114 = arith.constant 0 : i32
      %dma_start3A_115 = tpu.memref_slice %arg2[%dma_start3A_113, %dma_start3A_114] : memref<20000x32xf32, #tpu.memory_space<hbm>> -> memref<20000x32xf32, #tpu.memory_space<hbm>>
      tpu.enqueue_indirect_dma source(%dma_start3A_115 : memref<20000x32xf32, #tpu.memory_space<hbm>>) target(%arg6 : memref<80x32xf32, #tpu.memory_space<vmem>>) offsets(%dma_start3A_112 : memref<80xi32, #tpu.memory_space<vmem>>) semaphore(%arg11 : memref<!tpu.dma_semaphore, #tpu.memory_space<semaphore_mem>>)
      %mul3A_116 = arith.constant 5 : i32
      %mul3A_117 = arith.muli %scan3A_91, %mul3A_116 : i32
      %add3A_118 = arith.constant 1 : i32
      %add3A_119 = arith.addi %mul3A_117, %add3A_118 : i32
      %dma_wait3A_120 = arith.constant 0 : i32
      %dma_wait3A_121 = arith.constant 0 : i32
      %dma_wait3A_122 = tpu.memref_slice %arg5[%dma_wait3A_120, %dma_wait3A_121] : memref<125x80xi32, #tpu.memory_space<vmem>> -> memref<1x80xi32, #tpu.memory_space<vmem>>
      %dma_wait3A_123 = tpu.memref_squeeze %dma_wait3A_122 : memref<1x80xi32, #tpu.memory_space<vmem>> -> memref<80xi32, #tpu.memory_space<vmem>>
      %dma_wait3A_124 = arith.constant 0 : i32
      %dma_wait3A_125 = arith.constant 0 : i32
      %dma_wait3A_126 = tpu.memref_slice %arg2[%dma_wait3A_124, %dma_wait3A_125] : memref<20000x32xf32, #tpu.memory_space<hbm>> -> memref<20000x32xf32, #tpu.memory_space<hbm>>
      tpu.wait_indirect_dma semaphore(%arg12 : memref<!tpu.dma_semaphore, #tpu.memory_space<semaphore_mem>>) src(%dma_wait3A_126 : memref<20000x32xf32, #tpu.memory_space<hbm>>) dst(%arg7 : memref<80x32xf32, #tpu.memory_space<vmem>>)
      %mul3A_127 = arith.constant 80 : i32
      %mul3A_128 = arith.muli %add3A_119, %mul3A_127 : i32
      %add3A_129 = arith.addi %mul3A_2, %mul3A_128 : i32
      %multiple_of3A_130 = tpu.assume_multiple %add3A_129, 80 : i32
      "tpu.region"() ({
        %run_scoped3A = tpu.sem_alloc : memref<!tpu.dma_semaphore, #tpu.memory_space<semaphore_mem>>
        %dma_start3A_209 = arith.constant 0 : i32
        %dma_start3A_210 = tpu.memref_slice %arg4[%multiple_of3A_130, %dma_start3A_209] : memref<320000x32xf32, #tpu.memory_space<hbm>> -> memref<80x32xf32, #tpu.memory_space<hbm>>
        %dma_start3A_211 = arith.constant 0 : i32
        %dma_start3A_212 = tpu.memref_slice %arg4[%multiple_of3A_130, %dma_start3A_211] : memref<320000x32xf32, #tpu.memory_space<hbm>> -> memref<80x32xf32, #tpu.memory_space<hbm>>
        tpu.enqueue_dma source(%arg7 : memref<80x32xf32, #tpu.memory_space<vmem>>) target(%dma_start3A_212 : memref<80x32xf32, #tpu.memory_space<hbm>>) target_semaphore(%run_scoped3A : memref<!tpu.dma_semaphore, #tpu.memory_space<semaphore_mem>>)
        %dma_wait3A_213 = arith.constant 0 : i32
        %dma_wait3A_214 = tpu.memref_slice %arg4[%multiple_of3A_130, %dma_wait3A_213] : memref<320000x32xf32, #tpu.memory_space<hbm>> -> memref<80x32xf32, #tpu.memory_space<hbm>>
        %dma_wait3A_215 = arith.constant 0 : i32
        %dma_wait3A_216 = tpu.memref_slice %arg4[%multiple_of3A_130, %dma_wait3A_215] : memref<320000x32xf32, #tpu.memory_space<hbm>> -> memref<80x32xf32, #tpu.memory_space<hbm>>
        tpu.wait_dma2 semaphore(%run_scoped3A : memref<!tpu.dma_semaphore, #tpu.memory_space<semaphore_mem>>) src(%arg7 : memref<80x32xf32, #tpu.memory_space<vmem>>) dst(%dma_wait3A_216 : memref<80x32xf32, #tpu.memory_space<hbm>>)
        tpu.yield
      }) : () -> ()
      %add3A_131 = arith.constant 5 : i32
      %add3A_132 = arith.addi %add3A_119, %add3A_131 : i32
      %dma_start3A_133 = arith.constant 0 : i32
      %dma_start3A_134 = tpu.memref_slice %arg5[%add3A_132, %dma_start3A_133] : memref<125x80xi32, #tpu.memory_space<vmem>> -> memref<1x80xi32, #tpu.memory_space<vmem>>
      %dma_start3A_135 = tpu.memref_squeeze %dma_start3A_134 : memref<1x80xi32, #tpu.memory_space<vmem>> -> memref<80xi32, #tpu.memory_space<vmem>>
      %dma_start3A_136 = arith.constant 0 : i32
      %dma_start3A_137 = arith.constant 0 : i32
      %dma_start3A_138 = tpu.memref_slice %arg2[%dma_start3A_136, %dma_start3A_137] : memref<20000x32xf32, #tpu.memory_space<hbm>> -> memref<20000x32xf32, #tpu.memory_space<hbm>>
      tpu.enqueue_indirect_dma source(%dma_start3A_138 : memref<20000x32xf32, #tpu.memory_space<hbm>>) target(%arg7 : memref<80x32xf32, #tpu.memory_space<vmem>>) offsets(%dma_start3A_135 : memref<80xi32, #tpu.memory_space<vmem>>) semaphore(%arg12 : memref<!tpu.dma_semaphore, #tpu.memory_space<semaphore_mem>>)
      %mul3A_139 = arith.constant 5 : i32
      %mul3A_140 = arith.muli %scan3A_91, %mul3A_139 : i32
      %add3A_141 = arith.constant 2 : i32
      %add3A_142 = arith.addi %mul3A_140, %add3A_141 : i32
      %dma_wait3A_143 = arith.constant 0 : i32
      %dma_wait3A_144 = arith.constant 0 : i32
      %dma_wait3A_145 = tpu.memref_slice %arg5[%dma_wait3A_143, %dma_wait3A_144] : memref<125x80xi32, #tpu.memory_space<vmem>> -> memref<1x80xi32, #tpu.memory_space<vmem>>
      %dma_wait3A_146 = tpu.memref_squeeze %dma_wait3A_145 : memref<1x80xi32, #tpu.memory_space<vmem>> -> memref<80xi32, #tpu.memory_space<vmem>>
      %dma_wait3A_147 = arith.constant 0 : i32
      %dma_wait3A_148 = arith.constant 0 : i32
      %dma_wait3A_149 = tpu.memref_slice %arg2[%dma_wait3A_147, %dma_wait3A_148] : memref<20000x32xf32, #tpu.memory_space<hbm>> -> memref<20000x32xf32, #tpu.memory_space<hbm>>
      tpu.wait_indirect_dma semaphore(%arg13 : memref<!tpu.dma_semaphore, #tpu.memory_space<semaphore_mem>>) src(%dma_wait3A_149 : memref<20000x32xf32, #tpu.memory_space<hbm>>) dst(%arg8 : memref<80x32xf32, #tpu.memory_space<vmem>>)
      %mul3A_150 = arith.constant 80 : i32
      %mul3A_151 = arith.muli %add3A_142, %mul3A_150 : i32
      %add3A_152 = arith.addi %mul3A_2, %mul3A_151 : i32
      %multiple_of3A_153 = tpu.assume_multiple %add3A_152, 80 : i32
      "tpu.region"() ({
        %run_scoped3A = tpu.sem_alloc : memref<!tpu.dma_semaphore, #tpu.memory_space<semaphore_mem>>
        %dma_start3A_209 = arith.constant 0 : i32
        %dma_start3A_210 = tpu.memref_slice %arg4[%multiple_of3A_153, %dma_start3A_209] : memref<320000x32xf32, #tpu.memory_space<hbm>> -> memref<80x32xf32, #tpu.memory_space<hbm>>
        %dma_start3A_211 = arith.constant 0 : i32
        %dma_start3A_212 = tpu.memref_slice %arg4[%multiple_of3A_153, %dma_start3A_211] : memref<320000x32xf32, #tpu.memory_space<hbm>> -> memref<80x32xf32, #tpu.memory_space<hbm>>
        tpu.enqueue_dma source(%arg8 : memref<80x32xf32, #tpu.memory_space<vmem>>) target(%dma_start3A_212 : memref<80x32xf32, #tpu.memory_space<hbm>>) target_semaphore(%run_scoped3A : memref<!tpu.dma_semaphore, #tpu.memory_space<semaphore_mem>>)
        %dma_wait3A_213 = arith.constant 0 : i32
        %dma_wait3A_214 = tpu.memref_slice %arg4[%multiple_of3A_153, %dma_wait3A_213] : memref<320000x32xf32, #tpu.memory_space<hbm>> -> memref<80x32xf32, #tpu.memory_space<hbm>>
        %dma_wait3A_215 = arith.constant 0 : i32
        %dma_wait3A_216 = tpu.memref_slice %arg4[%multiple_of3A_153, %dma_wait3A_215] : memref<320000x32xf32, #tpu.memory_space<hbm>> -> memref<80x32xf32, #tpu.memory_space<hbm>>
        tpu.wait_dma2 semaphore(%run_scoped3A : memref<!tpu.dma_semaphore, #tpu.memory_space<semaphore_mem>>) src(%arg8 : memref<80x32xf32, #tpu.memory_space<vmem>>) dst(%dma_wait3A_216 : memref<80x32xf32, #tpu.memory_space<hbm>>)
        tpu.yield
      }) : () -> ()
      %add3A_154 = arith.constant 5 : i32
      %add3A_155 = arith.addi %add3A_142, %add3A_154 : i32
      %dma_start3A_156 = arith.constant 0 : i32
      %dma_start3A_157 = tpu.memref_slice %arg5[%add3A_155, %dma_start3A_156] : memref<125x80xi32, #tpu.memory_space<vmem>> -> memref<1x80xi32, #tpu.memory_space<vmem>>
      %dma_start3A_158 = tpu.memref_squeeze %dma_start3A_157 : memref<1x80xi32, #tpu.memory_space<vmem>> -> memref<80xi32, #tpu.memory_space<vmem>>
      %dma_start3A_159 = arith.constant 0 : i32
      %dma_start3A_160 = arith.constant 0 : i32
      %dma_start3A_161 = tpu.memref_slice %arg2[%dma_start3A_159, %dma_start3A_160] : memref<20000x32xf32, #tpu.memory_space<hbm>> -> memref<20000x32xf32, #tpu.memory_space<hbm>>
      tpu.enqueue_indirect_dma source(%dma_start3A_161 : memref<20000x32xf32, #tpu.memory_space<hbm>>) target(%arg8 : memref<80x32xf32, #tpu.memory_space<vmem>>) offsets(%dma_start3A_158 : memref<80xi32, #tpu.memory_space<vmem>>) semaphore(%arg13 : memref<!tpu.dma_semaphore, #tpu.memory_space<semaphore_mem>>)
      %mul3A_162 = arith.constant 5 : i32
      %mul3A_163 = arith.muli %scan3A_91, %mul3A_162 : i32
      %add3A_164 = arith.constant 3 : i32
      %add3A_165 = arith.addi %mul3A_163, %add3A_164 : i32
      %dma_wait3A_166 = arith.constant 0 : i32
      %dma_wait3A_167 = arith.constant 0 : i32
      %dma_wait3A_168 = tpu.memref_slice %arg5[%dma_wait3A_166, %dma_wait3A_167] : memref<125x80xi32, #tpu.memory_space<vmem>> -> memref<1x80xi32, #tpu.memory_space<vmem>>
      %dma_wait3A_169 = tpu.memref_squeeze %dma_wait3A_168 : memref<1x80xi32, #tpu.memory_space<vmem>> -> memref<80xi32, #tpu.memory_space<vmem>>
      %dma_wait3A_170 = arith.constant 0 : i32
      %dma_wait3A_171 = arith.constant 0 : i32
      %dma_wait3A_172 = tpu.memref_slice %arg2[%dma_wait3A_170, %dma_wait3A_171] : memref<20000x32xf32, #tpu.memory_space<hbm>> -> memref<20000x32xf32, #tpu.memory_space<hbm>>
      tpu.wait_indirect_dma semaphore(%arg14 : memref<!tpu.dma_semaphore, #tpu.memory_space<semaphore_mem>>) src(%dma_wait3A_172 : memref<20000x32xf32, #tpu.memory_space<hbm>>) dst(%arg9 : memref<80x32xf32, #tpu.memory_space<vmem>>)
      %mul3A_173 = arith.constant 80 : i32
      %mul3A_174 = arith.muli %add3A_165, %mul3A_173 : i32
      %add3A_175 = arith.addi %mul3A_2, %mul3A_174 : i32
      %multiple_of3A_176 = tpu.assume_multiple %add3A_175, 80 : i32
      "tpu.region"() ({
        %run_scoped3A = tpu.sem_alloc : memref<!tpu.dma_semaphore, #tpu.memory_space<semaphore_mem>>
        %dma_start3A_209 = arith.constant 0 : i32
        %dma_start3A_210 = tpu.memref_slice %arg4[%multiple_of3A_176, %dma_start3A_209] : memref<320000x32xf32, #tpu.memory_space<hbm>> -> memref<80x32xf32, #tpu.memory_space<hbm>>
        %dma_start3A_211 = arith.constant 0 : i32
        %dma_start3A_212 = tpu.memref_slice %arg4[%multiple_of3A_176, %dma_start3A_211] : memref<320000x32xf32, #tpu.memory_space<hbm>> -> memref<80x32xf32, #tpu.memory_space<hbm>>
        tpu.enqueue_dma source(%arg9 : memref<80x32xf32, #tpu.memory_space<vmem>>) target(%dma_start3A_212 : memref<80x32xf32, #tpu.memory_space<hbm>>) target_semaphore(%run_scoped3A : memref<!tpu.dma_semaphore, #tpu.memory_space<semaphore_mem>>)
        %dma_wait3A_213 = arith.constant 0 : i32
        %dma_wait3A_214 = tpu.memref_slice %arg4[%multiple_of3A_176, %dma_wait3A_213] : memref<320000x32xf32, #tpu.memory_space<hbm>> -> memref<80x32xf32, #tpu.memory_space<hbm>>
        %dma_wait3A_215 = arith.constant 0 : i32
        %dma_wait3A_216 = tpu.memref_slice %arg4[%multiple_of3A_176, %dma_wait3A_215] : memref<320000x32xf32, #tpu.memory_space<hbm>> -> memref<80x32xf32, #tpu.memory_space<hbm>>
        tpu.wait_dma2 semaphore(%run_scoped3A : memref<!tpu.dma_semaphore, #tpu.memory_space<semaphore_mem>>) src(%arg9 : memref<80x32xf32, #tpu.memory_space<vmem>>) dst(%dma_wait3A_216 : memref<80x32xf32, #tpu.memory_space<hbm>>)
        tpu.yield
      }) : () -> ()
      %add3A_177 = arith.constant 5 : i32
      %add3A_178 = arith.addi %add3A_165, %add3A_177 : i32
      %dma_start3A_179 = arith.constant 0 : i32
      %dma_start3A_180 = tpu.memref_slice %arg5[%add3A_178, %dma_start3A_179] : memref<125x80xi32, #tpu.memory_space<vmem>> -> memref<1x80xi32, #tpu.memory_space<vmem>>
      %dma_start3A_181 = tpu.memref_squeeze %dma_start3A_180 : memref<1x80xi32, #tpu.memory_space<vmem>> -> memref<80xi32, #tpu.memory_space<vmem>>
      %dma_start3A_182 = arith.constant 0 : i32
      %dma_start3A_183 = arith.constant 0 : i32
      %dma_start3A_184 = tpu.memref_slice %arg2[%dma_start3A_182, %dma_start3A_183] : memref<20000x32xf32, #tpu.memory_space<hbm>> -> memref<20000x32xf32, #tpu.memory_space<hbm>>
      tpu.enqueue_indirect_dma source(%dma_start3A_184 : memref<20000x32xf32, #tpu.memory_space<hbm>>) target(%arg9 : memref<80x32xf32, #tpu.memory_space<vmem>>) offsets(%dma_start3A_181 : memref<80xi32, #tpu.memory_space<vmem>>) semaphore(%arg14 : memref<!tpu.dma_semaphore, #tpu.memory_space<semaphore_mem>>)
      %mul3A_185 = arith.constant 5 : i32
      %mul3A_186 = arith.muli %scan3A_91, %mul3A_185 : i32
      %add3A_187 = arith.constant 4 : i32
      %add3A_188 = arith.addi %mul3A_186, %add3A_187 : i32
      %dma_wait3A_189 = arith.constant 0 : i32
      %dma_wait3A_190 = arith.constant 0 : i32
      %dma_wait3A_191 = tpu.memref_slice %arg5[%dma_wait3A_189, %dma_wait3A_190] : memref<125x80xi32, #tpu.memory_space<vmem>> -> memref<1x80xi32, #tpu.memory_space<vmem>>
      %dma_wait3A_192 = tpu.memref_squeeze %dma_wait3A_191 : memref<1x80xi32, #tpu.memory_space<vmem>> -> memref<80xi32, #tpu.memory_space<vmem>>
      %dma_wait3A_193 = arith.constant 0 : i32
      %dma_wait3A_194 = arith.constant 0 : i32
      %dma_wait3A_195 = tpu.memref_slice %arg2[%dma_wait3A_193, %dma_wait3A_194] : memref<20000x32xf32, #tpu.memory_space<hbm>> -> memref<20000x32xf32, #tpu.memory_space<hbm>>
      tpu.wait_indirect_dma semaphore(%arg15 : memref<!tpu.dma_semaphore, #tpu.memory_space<semaphore_mem>>) src(%dma_wait3A_195 : memref<20000x32xf32, #tpu.memory_space<hbm>>) dst(%arg10 : memref<80x32xf32, #tpu.memory_space<vmem>>)
      %mul3A_196 = arith.constant 80 : i32
      %mul3A_197 = arith.muli %add3A_188, %mul3A_196 : i32
      %add3A_198 = arith.addi %mul3A_2, %mul3A_197 : i32
      %multiple_of3A_199 = tpu.assume_multiple %add3A_198, 80 : i32
      "tpu.region"() ({
        %run_scoped3A = tpu.sem_alloc : memref<!tpu.dma_semaphore, #tpu.memory_space<semaphore_mem>>
        %dma_start3A_209 = arith.constant 0 : i32
        %dma_start3A_210 = tpu.memref_slice %arg4[%multiple_of3A_199, %dma_start3A_209] : memref<320000x32xf32, #tpu.memory_space<hbm>> -> memref<80x32xf32, #tpu.memory_space<hbm>>
        %dma_start3A_211 = arith.constant 0 : i32
        %dma_start3A_212 = tpu.memref_slice %arg4[%multiple_of3A_199, %dma_start3A_211] : memref<320000x32xf32, #tpu.memory_space<hbm>> -> memref<80x32xf32, #tpu.memory_space<hbm>>
        tpu.enqueue_dma source(%arg10 : memref<80x32xf32, #tpu.memory_space<vmem>>) target(%dma_start3A_212 : memref<80x32xf32, #tpu.memory_space<hbm>>) target_semaphore(%run_scoped3A : memref<!tpu.dma_semaphore, #tpu.memory_space<semaphore_mem>>)
        %dma_wait3A_213 = arith.constant 0 : i32
        %dma_wait3A_214 = tpu.memref_slice %arg4[%multiple_of3A_199, %dma_wait3A_213] : memref<320000x32xf32, #tpu.memory_space<hbm>> -> memref<80x32xf32, #tpu.memory_space<hbm>>
        %dma_wait3A_215 = arith.constant 0 : i32
        %dma_wait3A_216 = tpu.memref_slice %arg4[%multiple_of3A_199, %dma_wait3A_215] : memref<320000x32xf32, #tpu.memory_space<hbm>> -> memref<80x32xf32, #tpu.memory_space<hbm>>
        tpu.wait_dma2 semaphore(%run_scoped3A : memref<!tpu.dma_semaphore, #tpu.memory_space<semaphore_mem>>) src(%arg10 : memref<80x32xf32, #tpu.memory_space<vmem>>) dst(%dma_wait3A_216 : memref<80x32xf32, #tpu.memory_space<hbm>>)
        tpu.yield
      }) : () -> ()
      %add3A_200 = arith.constant 5 : i32
      %add3A_201 = arith.addi %add3A_188, %add3A_200 : i32
      %dma_start3A_202 = arith.constant 0 : i32
      %dma_start3A_203 = tpu.memref_slice %arg5[%add3A_201, %dma_start3A_202] : memref<125x80xi32, #tpu.memory_space<vmem>> -> memref<1x80xi32, #tpu.memory_space<vmem>>
      %dma_start3A_204 = tpu.memref_squeeze %dma_start3A_203 : memref<1x80xi32, #tpu.memory_space<vmem>> -> memref<80xi32, #tpu.memory_space<vmem>>
      %dma_start3A_205 = arith.constant 0 : i32
      %dma_start3A_206 = arith.constant 0 : i32
      %dma_start3A_207 = tpu.memref_slice %arg2[%dma_start3A_205, %dma_start3A_206] : memref<20000x32xf32, #tpu.memory_space<hbm>> -> memref<20000x32xf32, #tpu.memory_space<hbm>>
      tpu.enqueue_indirect_dma source(%dma_start3A_207 : memref<20000x32xf32, #tpu.memory_space<hbm>>) target(%arg10 : memref<80x32xf32, #tpu.memory_space<vmem>>) offsets(%dma_start3A_204 : memref<80xi32, #tpu.memory_space<vmem>>) semaphore(%arg15 : memref<!tpu.dma_semaphore, #tpu.memory_space<semaphore_mem>>)
      %scan3A_208 = arith.constant 0 : i32
      scf.yield %scan3A_208 : i32
    }
    %scan3A_42 = arith.constant 24 : i32
    %dma_wait3A = arith.constant 0 : i32
    %dma_wait3A_43 = arith.constant 0 : i32
    %dma_wait3A_44 = tpu.memref_slice %arg5[%dma_wait3A, %dma_wait3A_43] : memref<125x80xi32, #tpu.memory_space<vmem>> -> memref<1x80xi32, #tpu.memory_space<vmem>>
    %dma_wait3A_45 = tpu.memref_squeeze %dma_wait3A_44 : memref<1x80xi32, #tpu.memory_space<vmem>> -> memref<80xi32, #tpu.memory_space<vmem>>
    %dma_wait3A_46 = arith.constant 0 : i32
    %dma_wait3A_47 = arith.constant 0 : i32
    %dma_wait3A_48 = tpu.memref_slice %arg2[%dma_wait3A_46, %dma_wait3A_47] : memref<20000x32xf32, #tpu.memory_space<hbm>> -> memref<20000x32xf32, #tpu.memory_space<hbm>>
    tpu.wait_indirect_dma semaphore(%arg11 : memref<!tpu.dma_semaphore, #tpu.memory_space<semaphore_mem>>) src(%dma_wait3A_48 : memref<20000x32xf32, #tpu.memory_space<hbm>>) dst(%arg6 : memref<80x32xf32, #tpu.memory_space<vmem>>)
    %add3A_49 = arith.constant 9600 : i32
    %add3A_50 = arith.addi %mul3A_2, %add3A_49 : i32
    %multiple_of3A = tpu.assume_multiple %add3A_50, 80 : i32
    "tpu.region"() ({
      %run_scoped3A = tpu.sem_alloc : memref<!tpu.dma_semaphore, #tpu.memory_space<semaphore_mem>>
      %dma_start3A_91 = arith.constant 0 : i32
      %dma_start3A_92 = tpu.memref_slice %arg4[%multiple_of3A, %dma_start3A_91] : memref<320000x32xf32, #tpu.memory_space<hbm>> -> memref<80x32xf32, #tpu.memory_space<hbm>>
      %dma_start3A_93 = arith.constant 0 : i32
      %dma_start3A_94 = tpu.memref_slice %arg4[%multiple_of3A, %dma_start3A_93] : memref<320000x32xf32, #tpu.memory_space<hbm>> -> memref<80x32xf32, #tpu.memory_space<hbm>>
      tpu.enqueue_dma source(%arg6 : memref<80x32xf32, #tpu.memory_space<vmem>>) target(%dma_start3A_94 : memref<80x32xf32, #tpu.memory_space<hbm>>) target_semaphore(%run_scoped3A : memref<!tpu.dma_semaphore, #tpu.memory_space<semaphore_mem>>)
      %dma_wait3A_95 = arith.constant 0 : i32
      %dma_wait3A_96 = tpu.memref_slice %arg4[%multiple_of3A, %dma_wait3A_95] : memref<320000x32xf32, #tpu.memory_space<hbm>> -> memref<80x32xf32, #tpu.memory_space<hbm>>
      %dma_wait3A_97 = arith.constant 0 : i32
      %dma_wait3A_98 = tpu.memref_slice %arg4[%multiple_of3A, %dma_wait3A_97] : memref<320000x32xf32, #tpu.memory_space<hbm>> -> memref<80x32xf32, #tpu.memory_space<hbm>>
      tpu.wait_dma2 semaphore(%run_scoped3A : memref<!tpu.dma_semaphore, #tpu.memory_space<semaphore_mem>>) src(%arg6 : memref<80x32xf32, #tpu.memory_space<vmem>>) dst(%dma_wait3A_98 : memref<80x32xf32, #tpu.memory_space<hbm>>)
      tpu.yield
    }) : () -> ()
    %dma_wait3A_51 = arith.constant 0 : i32
    %dma_wait3A_52 = arith.constant 0 : i32
    %dma_wait3A_53 = tpu.memref_slice %arg5[%dma_wait3A_51, %dma_wait3A_52] : memref<125x80xi32, #tpu.memory_space<vmem>> -> memref<1x80xi32, #tpu.memory_space<vmem>>
    %dma_wait3A_54 = tpu.memref_squeeze %dma_wait3A_53 : memref<1x80xi32, #tpu.memory_space<vmem>> -> memref<80xi32, #tpu.memory_space<vmem>>
    %dma_wait3A_55 = arith.constant 0 : i32
    %dma_wait3A_56 = arith.constant 0 : i32
    %dma_wait3A_57 = tpu.memref_slice %arg2[%dma_wait3A_55, %dma_wait3A_56] : memref<20000x32xf32, #tpu.memory_space<hbm>> -> memref<20000x32xf32, #tpu.memory_space<hbm>>
    tpu.wait_indirect_dma semaphore(%arg12 : memref<!tpu.dma_semaphore, #tpu.memory_space<semaphore_mem>>) src(%dma_wait3A_57 : memref<20000x32xf32, #tpu.memory_space<hbm>>) dst(%arg7 : memref<80x32xf32, #tpu.memory_space<vmem>>)
    %add3A_58 = arith.constant 9680 : i32
    %add3A_59 = arith.addi %mul3A_2, %add3A_58 : i32
    %multiple_of3A_60 = tpu.assume_multiple %add3A_59, 80 : i32
    "tpu.region"() ({
      %run_scoped3A = tpu.sem_alloc : memref<!tpu.dma_semaphore, #tpu.memory_space<semaphore_mem>>
      %dma_start3A_91 = arith.constant 0 : i32
      %dma_start3A_92 = tpu.memref_slice %arg4[%multiple_of3A_60, %dma_start3A_91] : memref<320000x32xf32, #tpu.memory_space<hbm>> -> memref<80x32xf32, #tpu.memory_space<hbm>>
      %dma_start3A_93 = arith.constant 0 : i32
      %dma_start3A_94 = tpu.memref_slice %arg4[%multiple_of3A_60, %dma_start3A_93] : memref<320000x32xf32, #tpu.memory_space<hbm>> -> memref<80x32xf32, #tpu.memory_space<hbm>>
      tpu.enqueue_dma source(%arg7 : memref<80x32xf32, #tpu.memory_space<vmem>>) target(%dma_start3A_94 : memref<80x32xf32, #tpu.memory_space<hbm>>) target_semaphore(%run_scoped3A : memref<!tpu.dma_semaphore, #tpu.memory_space<semaphore_mem>>)
      %dma_wait3A_95 = arith.constant 0 : i32
      %dma_wait3A_96 = tpu.memref_slice %arg4[%multiple_of3A_60, %dma_wait3A_95] : memref<320000x32xf32, #tpu.memory_space<hbm>> -> memref<80x32xf32, #tpu.memory_space<hbm>>
      %dma_wait3A_97 = arith.constant 0 : i32
      %dma_wait3A_98 = tpu.memref_slice %arg4[%multiple_of3A_60, %dma_wait3A_97] : memref<320000x32xf32, #tpu.memory_space<hbm>> -> memref<80x32xf32, #tpu.memory_space<hbm>>
      tpu.wait_dma2 semaphore(%run_scoped3A : memref<!tpu.dma_semaphore, #tpu.memory_space<semaphore_mem>>) src(%arg7 : memref<80x32xf32, #tpu.memory_space<vmem>>) dst(%dma_wait3A_98 : memref<80x32xf32, #tpu.memory_space<hbm>>)
      tpu.yield
    }) : () -> ()
    %dma_wait3A_61 = arith.constant 0 : i32
    %dma_wait3A_62 = arith.constant 0 : i32
    %dma_wait3A_63 = tpu.memref_slice %arg5[%dma_wait3A_61, %dma_wait3A_62] : memref<125x80xi32, #tpu.memory_space<vmem>> -> memref<1x80xi32, #tpu.memory_space<vmem>>
    %dma_wait3A_64 = tpu.memref_squeeze %dma_wait3A_63 : memref<1x80xi32, #tpu.memory_space<vmem>> -> memref<80xi32, #tpu.memory_space<vmem>>
    %dma_wait3A_65 = arith.constant 0 : i32
    %dma_wait3A_66 = arith.constant 0 : i32
    %dma_wait3A_67 = tpu.memref_slice %arg2[%dma_wait3A_65, %dma_wait3A_66] : memref<20000x32xf32, #tpu.memory_space<hbm>> -> memref<20000x32xf32, #tpu.memory_space<hbm>>
    tpu.wait_indirect_dma semaphore(%arg13 : memref<!tpu.dma_semaphore, #tpu.memory_space<semaphore_mem>>) src(%dma_wait3A_67 : memref<20000x32xf32, #tpu.memory_space<hbm>>) dst(%arg8 : memref<80x32xf32, #tpu.memory_space<vmem>>)
    %add3A_68 = arith.constant 9760 : i32
    %add3A_69 = arith.addi %mul3A_2, %add3A_68 : i32
    %multiple_of3A_70 = tpu.assume_multiple %add3A_69, 80 : i32
    "tpu.region"() ({
      %run_scoped3A = tpu.sem_alloc : memref<!tpu.dma_semaphore, #tpu.memory_space<semaphore_mem>>
      %dma_start3A_91 = arith.constant 0 : i32
      %dma_start3A_92 = tpu.memref_slice %arg4[%multiple_of3A_70, %dma_start3A_91] : memref<320000x32xf32, #tpu.memory_space<hbm>> -> memref<80x32xf32, #tpu.memory_space<hbm>>
      %dma_start3A_93 = arith.constant 0 : i32
      %dma_start3A_94 = tpu.memref_slice %arg4[%multiple_of3A_70, %dma_start3A_93] : memref<320000x32xf32, #tpu.memory_space<hbm>> -> memref<80x32xf32, #tpu.memory_space<hbm>>
      tpu.enqueue_dma source(%arg8 : memref<80x32xf32, #tpu.memory_space<vmem>>) target(%dma_start3A_94 : memref<80x32xf32, #tpu.memory_space<hbm>>) target_semaphore(%run_scoped3A : memref<!tpu.dma_semaphore, #tpu.memory_space<semaphore_mem>>)
      %dma_wait3A_95 = arith.constant 0 : i32
      %dma_wait3A_96 = tpu.memref_slice %arg4[%multiple_of3A_70, %dma_wait3A_95] : memref<320000x32xf32, #tpu.memory_space<hbm>> -> memref<80x32xf32, #tpu.memory_space<hbm>>
      %dma_wait3A_97 = arith.constant 0 : i32
      %dma_wait3A_98 = tpu.memref_slice %arg4[%multiple_of3A_70, %dma_wait3A_97] : memref<320000x32xf32, #tpu.memory_space<hbm>> -> memref<80x32xf32, #tpu.memory_space<hbm>>
      tpu.wait_dma2 semaphore(%run_scoped3A : memref<!tpu.dma_semaphore, #tpu.memory_space<semaphore_mem>>) src(%arg8 : memref<80x32xf32, #tpu.memory_space<vmem>>) dst(%dma_wait3A_98 : memref<80x32xf32, #tpu.memory_space<hbm>>)
      tpu.yield
    }) : () -> ()
    %dma_wait3A_71 = arith.constant 0 : i32
    %dma_wait3A_72 = arith.constant 0 : i32
    %dma_wait3A_73 = tpu.memref_slice %arg5[%dma_wait3A_71, %dma_wait3A_72] : memref<125x80xi32, #tpu.memory_space<vmem>> -> memref<1x80xi32, #tpu.memory_space<vmem>>
    %dma_wait3A_74 = tpu.memref_squeeze %dma_wait3A_73 : memref<1x80xi32, #tpu.memory_space<vmem>> -> memref<80xi32, #tpu.memory_space<vmem>>
    %dma_wait3A_75 = arith.constant 0 : i32
    %dma_wait3A_76 = arith.constant 0 : i32
    %dma_wait3A_77 = tpu.memref_slice %arg2[%dma_wait3A_75, %dma_wait3A_76] : memref<20000x32xf32, #tpu.memory_space<hbm>> -> memref<20000x32xf32, #tpu.memory_space<hbm>>
    tpu.wait_indirect_dma semaphore(%arg14 : memref<!tpu.dma_semaphore, #tpu.memory_space<semaphore_mem>>) src(%dma_wait3A_77 : memref<20000x32xf32, #tpu.memory_space<hbm>>) dst(%arg9 : memref<80x32xf32, #tpu.memory_space<vmem>>)
    %add3A_78 = arith.constant 9840 : i32
    %add3A_79 = arith.addi %mul3A_2, %add3A_78 : i32
    %multiple_of3A_80 = tpu.assume_multiple %add3A_79, 80 : i32
    "tpu.region"() ({
      %run_scoped3A = tpu.sem_alloc : memref<!tpu.dma_semaphore, #tpu.memory_space<semaphore_mem>>
      %dma_start3A_91 = arith.constant 0 : i32
      %dma_start3A_92 = tpu.memref_slice %arg4[%multiple_of3A_80, %dma_start3A_91] : memref<320000x32xf32, #tpu.memory_space<hbm>> -> memref<80x32xf32, #tpu.memory_space<hbm>>
      %dma_start3A_93 = arith.constant 0 : i32
      %dma_start3A_94 = tpu.memref_slice %arg4[%multiple_of3A_80, %dma_start3A_93] : memref<320000x32xf32, #tpu.memory_space<hbm>> -> memref<80x32xf32, #tpu.memory_space<hbm>>
      tpu.enqueue_dma source(%arg9 : memref<80x32xf32, #tpu.memory_space<vmem>>) target(%dma_start3A_94 : memref<80x32xf32, #tpu.memory_space<hbm>>) target_semaphore(%run_scoped3A : memref<!tpu.dma_semaphore, #tpu.memory_space<semaphore_mem>>)
      %dma_wait3A_95 = arith.constant 0 : i32
      %dma_wait3A_96 = tpu.memref_slice %arg4[%multiple_of3A_80, %dma_wait3A_95] : memref<320000x32xf32, #tpu.memory_space<hbm>> -> memref<80x32xf32, #tpu.memory_space<hbm>>
      %dma_wait3A_97 = arith.constant 0 : i32
      %dma_wait3A_98 = tpu.memref_slice %arg4[%multiple_of3A_80, %dma_wait3A_97] : memref<320000x32xf32, #tpu.memory_space<hbm>> -> memref<80x32xf32, #tpu.memory_space<hbm>>
      tpu.wait_dma2 semaphore(%run_scoped3A : memref<!tpu.dma_semaphore, #tpu.memory_space<semaphore_mem>>) src(%arg9 : memref<80x32xf32, #tpu.memory_space<vmem>>) dst(%dma_wait3A_98 : memref<80x32xf32, #tpu.memory_space<hbm>>)
      tpu.yield
    }) : () -> ()
    %dma_wait3A_81 = arith.constant 0 : i32
    %dma_wait3A_82 = arith.constant 0 : i32
    %dma_wait3A_83 = tpu.memref_slice %arg5[%dma_wait3A_81, %dma_wait3A_82] : memref<125x80xi32, #tpu.memory_space<vmem>> -> memref<1x80xi32, #tpu.memory_space<vmem>>
    %dma_wait3A_84 = tpu.memref_squeeze %dma_wait3A_83 : memref<1x80xi32, #tpu.memory_space<vmem>> -> memref<80xi32, #tpu.memory_space<vmem>>
    %dma_wait3A_85 = arith.constant 0 : i32
    %dma_wait3A_86 = arith.constant 0 : i32
    %dma_wait3A_87 = tpu.memref_slice %arg2[%dma_wait3A_85, %dma_wait3A_86] : memref<20000x32xf32, #tpu.memory_space<hbm>> -> memref<20000x32xf32, #tpu.memory_space<hbm>>
    tpu.wait_indirect_dma semaphore(%arg15 : memref<!tpu.dma_semaphore, #tpu.memory_space<semaphore_mem>>) src(%dma_wait3A_87 : memref<20000x32xf32, #tpu.memory_space<hbm>>) dst(%arg10 : memref<80x32xf32, #tpu.memory_space<vmem>>)
    %add3A_88 = arith.constant 9920 : i32
    %add3A_89 = arith.addi %mul3A_2, %add3A_88 : i32
    %multiple_of3A_90 = tpu.assume_multiple %add3A_89, 80 : i32
    "tpu.region"() ({
      %run_scoped3A = tpu.sem_alloc : memref<!tpu.dma_semaphore, #tpu.memory_space<semaphore_mem>>
      %dma_start3A_91 = arith.constant 0 : i32
      %dma_start3A_92 = tpu.memref_slice %arg4[%multiple_of3A_90, %dma_start3A_91] : memref<320000x32xf32, #tpu.memory_space<hbm>> -> memref<80x32xf32, #tpu.memory_space<hbm>>
      %dma_start3A_93 = arith.constant 0 : i32
      %dma_start3A_94 = tpu.memref_slice %arg4[%multiple_of3A_90, %dma_start3A_93] : memref<320000x32xf32, #tpu.memory_space<hbm>> -> memref<80x32xf32, #tpu.memory_space<hbm>>
      tpu.enqueue_dma source(%arg10 : memref<80x32xf32, #tpu.memory_space<vmem>>) target(%dma_start3A_94 : memref<80x32xf32, #tpu.memory_space<hbm>>) target_semaphore(%run_scoped3A : memref<!tpu.dma_semaphore, #tpu.memory_space<semaphore_mem>>)
      %dma_wait3A_95 = arith.constant 0 : i32
      %dma_wait3A_96 = tpu.memref_slice %arg4[%multiple_of3A_90, %dma_wait3A_95] : memref<320000x32xf32, #tpu.memory_space<hbm>> -> memref<80x32xf32, #tpu.memory_space<hbm>>
      %dma_wait3A_97 = arith.constant 0 : i32
      %dma_wait3A_98 = tpu.memref_slice %arg4[%multiple_of3A_90, %dma_wait3A_97] : memref<320000x32xf32, #tpu.memory_space<hbm>> -> memref<80x32xf32, #tpu.memory_space<hbm>>
      tpu.wait_dma2 semaphore(%run_scoped3A : memref<!tpu.dma_semaphore, #tpu.memory_space<semaphore_mem>>) src(%arg10 : memref<80x32xf32, #tpu.memory_space<vmem>>) dst(%dma_wait3A_98 : memref<80x32xf32, #tpu.memory_space<hbm>>)
      tpu.yield
    }) : () -> ()
    return
  }
}

#map = affine_map<(d0, d1) -> (0, 0)>
#map1 = affine_map<(d0, d1) -> (0, 0, 0)>
module attributes {stable_mosaic.version = 14 : i64} {
  func.func @body(%arg0: i32, %arg1: i32, %arg2: memref<320000x32xf32, #tpu.memory_space<hbm>>, %arg3: memref<32x125x80xi32, #tpu.memory_space<hbm>>, %arg4: memref<20480x32xf32, #tpu.memory_space<hbm>>, %arg5: memref<2x20480x32xf32, #tpu.memory_space<hbm>>, %arg6: memref<125x80xi32, #tpu.memory_space<vmem>>, %arg7: memref<20480x32xf32, #tpu.memory_space<vmem_shared>>, %arg8: memref<80x32xf32, #tpu.memory_space<vmem>>, %arg9: memref<80x32xf32, #tpu.memory_space<vmem>>, %arg10: memref<80x32xf32, #tpu.memory_space<vmem>>, %arg11: memref<80x32xf32, #tpu.memory_space<vmem>>, %arg12: memref<80x32xf32, #tpu.memory_space<vmem>>, %arg13: memref<!tpu.dma_semaphore, #tpu.memory_space<semaphore_mem>>, %arg14: memref<!tpu.dma_semaphore, #tpu.memory_space<semaphore_mem>>, %arg15: memref<!tpu.dma_semaphore, #tpu.memory_space<semaphore_mem>>, %arg16: memref<!tpu.dma_semaphore, #tpu.memory_space<semaphore_mem>>, %arg17: memref<!tpu.dma_semaphore, #tpu.memory_space<semaphore_mem>>, %arg18: memref<!tpu.dma_semaphore, #tpu.memory_space<semaphore_mem>>, %arg19: memref<!tpu.dma_semaphore, #tpu.memory_space<semaphore_mem>>, %arg20: memref<!tpu.dma_semaphore, #tpu.memory_space<semaphore_mem>>, %arg21: memref<!tpu.dma_semaphore, #tpu.memory_space<semaphore_mem>>, %arg22: memref<!tpu.dma_semaphore, #tpu.memory_space<semaphore_mem>>) attributes {dimension_semantics = [#tpu.dimension_semantics<core_parallel>, #tpu.dimension_semantics<subcore_parallel>], iteration_bounds = array<i64: 2, 16>, scalar_prefetch = 0 : i64, scratch_operands = 17 : i64, tpu.core_type = #tpu.core_type<sc_vector_subcore>, window_params = [{transform_indices = #map}, {transform_indices = #map1}, {transform_indices = #map}, {transform_indices = #map1}]} {
    %mul3A = arith.constant 2 : i32
    %mul3A_0 = arith.muli %arg1, %mul3A : i32
    %add3A = arith.addi %mul3A_0, %arg0 : i32
    %mul3A_1 = arith.constant 10000 : i32
    %mul3A_2 = arith.muli %add3A, %mul3A_1 : i32
    "tpu.region"() ({
      %run_scoped3A = tpu.sem_alloc : memref<!tpu.dma_semaphore, #tpu.memory_space<semaphore_mem>>
      %dma_start3A_145 = arith.constant 0 : i32
      %dma_start3A_146 = arith.constant 0 : i32
      %dma_start3A_147 = tpu.memref_slice %arg3[%add3A, %dma_start3A_145, %dma_start3A_146] : memref<32x125x80xi32, #tpu.memory_space<hbm>> -> memref<1x125x80xi32, #tpu.memory_space<hbm>>
      %dma_start3A_148 = tpu.memref_squeeze %dma_start3A_147 : memref<1x125x80xi32, #tpu.memory_space<hbm>> -> memref<125x80xi32, #tpu.memory_space<hbm>>
      %dma_start3A_149 = arith.constant 0 : i32
      %dma_start3A_150 = arith.constant 0 : i32
      %dma_start3A_151 = tpu.memref_slice %arg3[%add3A, %dma_start3A_149, %dma_start3A_150] : memref<32x125x80xi32, #tpu.memory_space<hbm>> -> memref<1x125x80xi32, #tpu.memory_space<hbm>>
      %dma_start3A_152 = tpu.memref_squeeze %dma_start3A_151 : memref<1x125x80xi32, #tpu.memory_space<hbm>> -> memref<125x80xi32, #tpu.memory_space<hbm>>
      tpu.enqueue_dma source(%dma_start3A_152 : memref<125x80xi32, #tpu.memory_space<hbm>>) target(%arg6 : memref<125x80xi32, #tpu.memory_space<vmem>>) target_semaphore(%run_scoped3A : memref<!tpu.dma_semaphore, #tpu.memory_space<semaphore_mem>>)
      %dma_wait3A_153 = arith.constant 0 : i32
      %dma_wait3A_154 = arith.constant 0 : i32
      %dma_wait3A_155 = tpu.memref_slice %arg3[%add3A, %dma_wait3A_153, %dma_wait3A_154] : memref<32x125x80xi32, #tpu.memory_space<hbm>> -> memref<1x125x80xi32, #tpu.memory_space<hbm>>
      %dma_wait3A_156 = tpu.memref_squeeze %dma_wait3A_155 : memref<1x125x80xi32, #tpu.memory_space<hbm>> -> memref<125x80xi32, #tpu.memory_space<hbm>>
      %dma_wait3A_157 = arith.constant 0 : i32
      %dma_wait3A_158 = arith.constant 0 : i32
      %dma_wait3A_159 = tpu.memref_slice %arg3[%add3A, %dma_wait3A_157, %dma_wait3A_158] : memref<32x125x80xi32, #tpu.memory_space<hbm>> -> memref<1x125x80xi32, #tpu.memory_space<hbm>>
      %dma_wait3A_160 = tpu.memref_squeeze %dma_wait3A_159 : memref<1x125x80xi32, #tpu.memory_space<hbm>> -> memref<125x80xi32, #tpu.memory_space<hbm>>
      tpu.wait_dma2 semaphore(%run_scoped3A : memref<!tpu.dma_semaphore, #tpu.memory_space<semaphore_mem>>) src(%dma_wait3A_160 : memref<125x80xi32, #tpu.memory_space<hbm>>) dst(%arg6 : memref<125x80xi32, #tpu.memory_space<vmem>>)
      tpu.yield
    }) : () -> ()
    %mul3A_3 = arith.constant 1280 : i32
    %mul3A_4 = arith.muli %arg1, %mul3A_3 : i32
    %multiple_of3A = tpu.assume_multiple %mul3A_4, 1280 : i32
    "tpu.region"() ({
      %run_scoped3A = tpu.sem_alloc : memref<!tpu.dma_semaphore, #tpu.memory_space<semaphore_mem>>
      %dma_start3A_145 = arith.constant 0 : i32
      %dma_start3A_146 = tpu.memref_slice %arg7[%multiple_of3A, %dma_start3A_145] : memref<20480x32xf32, #tpu.memory_space<vmem_shared>> -> memref<1280x32xf32, #tpu.memory_space<vmem_shared>>
      %dma_start3A_147 = arith.constant 0 : i32
      %dma_start3A_148 = tpu.memref_slice %arg4[%multiple_of3A, %dma_start3A_147] : memref<20480x32xf32, #tpu.memory_space<hbm>> -> memref<1280x32xf32, #tpu.memory_space<hbm>>
      tpu.enqueue_dma source(%dma_start3A_148 : memref<1280x32xf32, #tpu.memory_space<hbm>>) target(%dma_start3A_146 : memref<1280x32xf32, #tpu.memory_space<vmem_shared>>) target_semaphore(%run_scoped3A : memref<!tpu.dma_semaphore, #tpu.memory_space<semaphore_mem>>)
      %dma_wait3A_149 = arith.constant 0 : i32
      %dma_wait3A_150 = tpu.memref_slice %arg7[%multiple_of3A, %dma_wait3A_149] : memref<20480x32xf32, #tpu.memory_space<vmem_shared>> -> memref<1280x32xf32, #tpu.memory_space<vmem_shared>>
      %dma_wait3A_151 = arith.constant 0 : i32
      %dma_wait3A_152 = tpu.memref_slice %arg4[%multiple_of3A, %dma_wait3A_151] : memref<20480x32xf32, #tpu.memory_space<hbm>> -> memref<1280x32xf32, #tpu.memory_space<hbm>>
      tpu.wait_dma2 semaphore(%run_scoped3A : memref<!tpu.dma_semaphore, #tpu.memory_space<semaphore_mem>>) src(%dma_wait3A_152 : memref<1280x32xf32, #tpu.memory_space<hbm>>) dst(%dma_wait3A_150 : memref<1280x32xf32, #tpu.memory_space<vmem_shared>>)
      tpu.yield
    }) : () -> ()
    %barrier3A = arith.constant 0 : index
    tpu.barrier barrier_id(%barrier3A)
    %add3A_5 = arith.constant 0 : i32
    %add3A_6 = arith.addi %mul3A_2, %add3A_5 : i32
    %multiple_of3A_7 = tpu.assume_multiple %add3A_6, 80 : i32
    %dma_start3A = arith.constant 0 : i32
    %dma_start3A_8 = tpu.memref_slice %arg2[%multiple_of3A_7, %dma_start3A] : memref<320000x32xf32, #tpu.memory_space<hbm>> -> memref<80x32xf32, #tpu.memory_space<hbm>>
    %dma_start3A_9 = arith.constant 0 : i32
    %dma_start3A_10 = tpu.memref_slice %arg2[%multiple_of3A_7, %dma_start3A_9] : memref<320000x32xf32, #tpu.memory_space<hbm>> -> memref<80x32xf32, #tpu.memory_space<hbm>>
    tpu.enqueue_dma source(%dma_start3A_10 : memref<80x32xf32, #tpu.memory_space<hbm>>) target(%arg8 : memref<80x32xf32, #tpu.memory_space<vmem>>) target_semaphore(%arg13 : memref<!tpu.dma_semaphore, #tpu.memory_space<semaphore_mem>>)
    %add3A_11 = arith.constant 80 : i32
    %add3A_12 = arith.addi %mul3A_2, %add3A_11 : i32
    %multiple_of3A_13 = tpu.assume_multiple %add3A_12, 80 : i32
    %dma_start3A_14 = arith.constant 0 : i32
    %dma_start3A_15 = tpu.memref_slice %arg2[%multiple_of3A_13, %dma_start3A_14] : memref<320000x32xf32, #tpu.memory_space<hbm>> -> memref<80x32xf32, #tpu.memory_space<hbm>>
    %dma_start3A_16 = arith.constant 0 : i32
    %dma_start3A_17 = tpu.memref_slice %arg2[%multiple_of3A_13, %dma_start3A_16] : memref<320000x32xf32, #tpu.memory_space<hbm>> -> memref<80x32xf32, #tpu.memory_space<hbm>>
    tpu.enqueue_dma source(%dma_start3A_17 : memref<80x32xf32, #tpu.memory_space<hbm>>) target(%arg9 : memref<80x32xf32, #tpu.memory_space<vmem>>) target_semaphore(%arg14 : memref<!tpu.dma_semaphore, #tpu.memory_space<semaphore_mem>>)
    %add3A_18 = arith.constant 160 : i32
    %add3A_19 = arith.addi %mul3A_2, %add3A_18 : i32
    %multiple_of3A_20 = tpu.assume_multiple %add3A_19, 80 : i32
    %dma_start3A_21 = arith.constant 0 : i32
    %dma_start3A_22 = tpu.memref_slice %arg2[%multiple_of3A_20, %dma_start3A_21] : memref<320000x32xf32, #tpu.memory_space<hbm>> -> memref<80x32xf32, #tpu.memory_space<hbm>>
    %dma_start3A_23 = arith.constant 0 : i32
    %dma_start3A_24 = tpu.memref_slice %arg2[%multiple_of3A_20, %dma_start3A_23] : memref<320000x32xf32, #tpu.memory_space<hbm>> -> memref<80x32xf32, #tpu.memory_space<hbm>>
    tpu.enqueue_dma source(%dma_start3A_24 : memref<80x32xf32, #tpu.memory_space<hbm>>) target(%arg10 : memref<80x32xf32, #tpu.memory_space<vmem>>) target_semaphore(%arg15 : memref<!tpu.dma_semaphore, #tpu.memory_space<semaphore_mem>>)
    %add3A_25 = arith.constant 240 : i32
    %add3A_26 = arith.addi %mul3A_2, %add3A_25 : i32
    %multiple_of3A_27 = tpu.assume_multiple %add3A_26, 80 : i32
    %dma_start3A_28 = arith.constant 0 : i32
    %dma_start3A_29 = tpu.memref_slice %arg2[%multiple_of3A_27, %dma_start3A_28] : memref<320000x32xf32, #tpu.memory_space<hbm>> -> memref<80x32xf32, #tpu.memory_space<hbm>>
    %dma_start3A_30 = arith.constant 0 : i32
    %dma_start3A_31 = tpu.memref_slice %arg2[%multiple_of3A_27, %dma_start3A_30] : memref<320000x32xf32, #tpu.memory_space<hbm>> -> memref<80x32xf32, #tpu.memory_space<hbm>>
    tpu.enqueue_dma source(%dma_start3A_31 : memref<80x32xf32, #tpu.memory_space<hbm>>) target(%arg11 : memref<80x32xf32, #tpu.memory_space<vmem>>) target_semaphore(%arg16 : memref<!tpu.dma_semaphore, #tpu.memory_space<semaphore_mem>>)
    %add3A_32 = arith.constant 320 : i32
    %add3A_33 = arith.addi %mul3A_2, %add3A_32 : i32
    %multiple_of3A_34 = tpu.assume_multiple %add3A_33, 80 : i32
    %dma_start3A_35 = arith.constant 0 : i32
    %dma_start3A_36 = tpu.memref_slice %arg2[%multiple_of3A_34, %dma_start3A_35] : memref<320000x32xf32, #tpu.memory_space<hbm>> -> memref<80x32xf32, #tpu.memory_space<hbm>>
    %dma_start3A_37 = arith.constant 0 : i32
    %dma_start3A_38 = tpu.memref_slice %arg2[%multiple_of3A_34, %dma_start3A_37] : memref<320000x32xf32, #tpu.memory_space<hbm>> -> memref<80x32xf32, #tpu.memory_space<hbm>>
    tpu.enqueue_dma source(%dma_start3A_38 : memref<80x32xf32, #tpu.memory_space<hbm>>) target(%arg12 : memref<80x32xf32, #tpu.memory_space<vmem>>) target_semaphore(%arg17 : memref<!tpu.dma_semaphore, #tpu.memory_space<semaphore_mem>>)
    %scan3A = arith.constant 0 : i32
    %scan3A_39 = arith.constant 0 : i32
    %scan3A_40 = arith.constant 24 : i32
    %scan3A_41 = arith.addi %scan3A_39, %scan3A_40 : i32
    %scan3A_42 = arith.constant 1 : i32
    %scan3A_43 = scf.for %scan3A_145 = %scan3A_39 to %scan3A_41 step %scan3A_42 iter_args(%scan3A_146 = %scan3A) -> (i32)  : i32 {
      %mul3A_147 = arith.constant 5 : i32
      %mul3A_148 = arith.muli %scan3A_145, %mul3A_147 : i32
      %add3A_149 = arith.constant 0 : i32
      %add3A_150 = arith.addi %mul3A_148, %add3A_149 : i32
      %dma_wait3A_151 = arith.constant 0 : i32
      %dma_wait3A_152 = arith.constant 0 : i32
      %dma_wait3A_153 = tpu.memref_slice %arg2[%dma_wait3A_151, %dma_wait3A_152] : memref<320000x32xf32, #tpu.memory_space<hbm>> -> memref<80x32xf32, #tpu.memory_space<hbm>>
      %dma_wait3A_154 = arith.constant 0 : i32
      %dma_wait3A_155 = arith.constant 0 : i32
      %dma_wait3A_156 = tpu.memref_slice %arg2[%dma_wait3A_154, %dma_wait3A_155] : memref<320000x32xf32, #tpu.memory_space<hbm>> -> memref<80x32xf32, #tpu.memory_space<hbm>>
      tpu.wait_dma2 semaphore(%arg13 : memref<!tpu.dma_semaphore, #tpu.memory_space<semaphore_mem>>) src(%dma_wait3A_156 : memref<80x32xf32, #tpu.memory_space<hbm>>) dst(%arg8 : memref<80x32xf32, #tpu.memory_space<vmem>>)
      %dma_start3A_157 = arith.constant 0 : i32
      %dma_start3A_158 = tpu.memref_slice %arg6[%add3A_150, %dma_start3A_157] : memref<125x80xi32, #tpu.memory_space<vmem>> -> memref<1x80xi32, #tpu.memory_space<vmem>>
      %dma_start3A_159 = tpu.memref_squeeze %dma_start3A_158 : memref<1x80xi32, #tpu.memory_space<vmem>> -> memref<80xi32, #tpu.memory_space<vmem>>
      %dma_start3A_160 = arith.constant 0 : i32
      %dma_start3A_161 = arith.constant 0 : i32
      %dma_start3A_162 = tpu.memref_slice %arg7[%dma_start3A_160, %dma_start3A_161] : memref<20480x32xf32, #tpu.memory_space<vmem_shared>> -> memref<20480x32xf32, #tpu.memory_space<vmem_shared>>
      tpu.enqueue_indirect_dma source(%arg8 : memref<80x32xf32, #tpu.memory_space<vmem>>) target(%dma_start3A_162 : memref<20480x32xf32, #tpu.memory_space<vmem_shared>>) offsets(%dma_start3A_159 : memref<80xi32, #tpu.memory_space<vmem>>) semaphore(%arg18 : memref<!tpu.dma_semaphore, #tpu.memory_space<semaphore_mem>>) {add = true}
      %dma_wait3A_163 = arith.constant 0 : i32
      %dma_wait3A_164 = arith.constant 0 : i32
      %dma_wait3A_165 = tpu.memref_slice %arg6[%dma_wait3A_163, %dma_wait3A_164] : memref<125x80xi32, #tpu.memory_space<vmem>> -> memref<1x80xi32, #tpu.memory_space<vmem>>
      %dma_wait3A_166 = tpu.memref_squeeze %dma_wait3A_165 : memref<1x80xi32, #tpu.memory_space<vmem>> -> memref<80xi32, #tpu.memory_space<vmem>>
      %dma_wait3A_167 = arith.constant 0 : i32
      %dma_wait3A_168 = arith.constant 0 : i32
      %dma_wait3A_169 = tpu.memref_slice %arg7[%dma_wait3A_167, %dma_wait3A_168] : memref<20480x32xf32, #tpu.memory_space<vmem_shared>> -> memref<20480x32xf32, #tpu.memory_space<vmem_shared>>
      tpu.wait_indirect_dma semaphore(%arg18 : memref<!tpu.dma_semaphore, #tpu.memory_space<semaphore_mem>>) src(%arg8 : memref<80x32xf32, #tpu.memory_space<vmem>>) dst(%dma_wait3A_169 : memref<20480x32xf32, #tpu.memory_space<vmem_shared>>)
      %add3A_170 = arith.constant 5 : i32
      %add3A_171 = arith.addi %add3A_150, %add3A_170 : i32
      %mul3A_172 = arith.constant 80 : i32
      %mul3A_173 = arith.muli %add3A_171, %mul3A_172 : i32
      %add3A_174 = arith.addi %mul3A_2, %mul3A_173 : i32
      %multiple_of3A_175 = tpu.assume_multiple %add3A_174, 80 : i32
      %dma_start3A_176 = arith.constant 0 : i32
      %dma_start3A_177 = tpu.memref_slice %arg2[%multiple_of3A_175, %dma_start3A_176] : memref<320000x32xf32, #tpu.memory_space<hbm>> -> memref<80x32xf32, #tpu.memory_space<hbm>>
      %dma_start3A_178 = arith.constant 0 : i32
      %dma_start3A_179 = tpu.memref_slice %arg2[%multiple_of3A_175, %dma_start3A_178] : memref<320000x32xf32, #tpu.memory_space<hbm>> -> memref<80x32xf32, #tpu.memory_space<hbm>>
      tpu.enqueue_dma source(%dma_start3A_179 : memref<80x32xf32, #tpu.memory_space<hbm>>) target(%arg8 : memref<80x32xf32, #tpu.memory_space<vmem>>) target_semaphore(%arg13 : memref<!tpu.dma_semaphore, #tpu.memory_space<semaphore_mem>>)
      %mul3A_180 = arith.constant 5 : i32
      %mul3A_181 = arith.muli %scan3A_145, %mul3A_180 : i32
      %add3A_182 = arith.constant 1 : i32
      %add3A_183 = arith.addi %mul3A_181, %add3A_182 : i32
      %dma_wait3A_184 = arith.constant 0 : i32
      %dma_wait3A_185 = arith.constant 0 : i32
      %dma_wait3A_186 = tpu.memref_slice %arg2[%dma_wait3A_184, %dma_wait3A_185] : memref<320000x32xf32, #tpu.memory_space<hbm>> -> memref<80x32xf32, #tpu.memory_space<hbm>>
      %dma_wait3A_187 = arith.constant 0 : i32
      %dma_wait3A_188 = arith.constant 0 : i32
      %dma_wait3A_189 = tpu.memref_slice %arg2[%dma_wait3A_187, %dma_wait3A_188] : memref<320000x32xf32, #tpu.memory_space<hbm>> -> memref<80x32xf32, #tpu.memory_space<hbm>>
      tpu.wait_dma2 semaphore(%arg14 : memref<!tpu.dma_semaphore, #tpu.memory_space<semaphore_mem>>) src(%dma_wait3A_189 : memref<80x32xf32, #tpu.memory_space<hbm>>) dst(%arg9 : memref<80x32xf32, #tpu.memory_space<vmem>>)
      %dma_start3A_190 = arith.constant 0 : i32
      %dma_start3A_191 = tpu.memref_slice %arg6[%add3A_183, %dma_start3A_190] : memref<125x80xi32, #tpu.memory_space<vmem>> -> memref<1x80xi32, #tpu.memory_space<vmem>>
      %dma_start3A_192 = tpu.memref_squeeze %dma_start3A_191 : memref<1x80xi32, #tpu.memory_space<vmem>> -> memref<80xi32, #tpu.memory_space<vmem>>
      %dma_start3A_193 = arith.constant 0 : i32
      %dma_start3A_194 = arith.constant 0 : i32
      %dma_start3A_195 = tpu.memref_slice %arg7[%dma_start3A_193, %dma_start3A_194] : memref<20480x32xf32, #tpu.memory_space<vmem_shared>> -> memref<20480x32xf32, #tpu.memory_space<vmem_shared>>
      tpu.enqueue_indirect_dma source(%arg9 : memref<80x32xf32, #tpu.memory_space<vmem>>) target(%dma_start3A_195 : memref<20480x32xf32, #tpu.memory_space<vmem_shared>>) offsets(%dma_start3A_192 : memref<80xi32, #tpu.memory_space<vmem>>) semaphore(%arg19 : memref<!tpu.dma_semaphore, #tpu.memory_space<semaphore_mem>>) {add = true}
      %dma_wait3A_196 = arith.constant 0 : i32
      %dma_wait3A_197 = arith.constant 0 : i32
      %dma_wait3A_198 = tpu.memref_slice %arg6[%dma_wait3A_196, %dma_wait3A_197] : memref<125x80xi32, #tpu.memory_space<vmem>> -> memref<1x80xi32, #tpu.memory_space<vmem>>
      %dma_wait3A_199 = tpu.memref_squeeze %dma_wait3A_198 : memref<1x80xi32, #tpu.memory_space<vmem>> -> memref<80xi32, #tpu.memory_space<vmem>>
      %dma_wait3A_200 = arith.constant 0 : i32
      %dma_wait3A_201 = arith.constant 0 : i32
      %dma_wait3A_202 = tpu.memref_slice %arg7[%dma_wait3A_200, %dma_wait3A_201] : memref<20480x32xf32, #tpu.memory_space<vmem_shared>> -> memref<20480x32xf32, #tpu.memory_space<vmem_shared>>
      tpu.wait_indirect_dma semaphore(%arg19 : memref<!tpu.dma_semaphore, #tpu.memory_space<semaphore_mem>>) src(%arg9 : memref<80x32xf32, #tpu.memory_space<vmem>>) dst(%dma_wait3A_202 : memref<20480x32xf32, #tpu.memory_space<vmem_shared>>)
      %add3A_203 = arith.constant 5 : i32
      %add3A_204 = arith.addi %add3A_183, %add3A_203 : i32
      %mul3A_205 = arith.constant 80 : i32
      %mul3A_206 = arith.muli %add3A_204, %mul3A_205 : i32
      %add3A_207 = arith.addi %mul3A_2, %mul3A_206 : i32
      %multiple_of3A_208 = tpu.assume_multiple %add3A_207, 80 : i32
      %dma_start3A_209 = arith.constant 0 : i32
      %dma_start3A_210 = tpu.memref_slice %arg2[%multiple_of3A_208, %dma_start3A_209] : memref<320000x32xf32, #tpu.memory_space<hbm>> -> memref<80x32xf32, #tpu.memory_space<hbm>>
      %dma_start3A_211 = arith.constant 0 : i32
      %dma_start3A_212 = tpu.memref_slice %arg2[%multiple_of3A_208, %dma_start3A_211] : memref<320000x32xf32, #tpu.memory_space<hbm>> -> memref<80x32xf32, #tpu.memory_space<hbm>>
      tpu.enqueue_dma source(%dma_start3A_212 : memref<80x32xf32, #tpu.memory_space<hbm>>) target(%arg9 : memref<80x32xf32, #tpu.memory_space<vmem>>) target_semaphore(%arg14 : memref<!tpu.dma_semaphore, #tpu.memory_space<semaphore_mem>>)
      %mul3A_213 = arith.constant 5 : i32
      %mul3A_214 = arith.muli %scan3A_145, %mul3A_213 : i32
      %add3A_215 = arith.constant 2 : i32
      %add3A_216 = arith.addi %mul3A_214, %add3A_215 : i32
      %dma_wait3A_217 = arith.constant 0 : i32
      %dma_wait3A_218 = arith.constant 0 : i32
      %dma_wait3A_219 = tpu.memref_slice %arg2[%dma_wait3A_217, %dma_wait3A_218] : memref<320000x32xf32, #tpu.memory_space<hbm>> -> memref<80x32xf32, #tpu.memory_space<hbm>>
      %dma_wait3A_220 = arith.constant 0 : i32
      %dma_wait3A_221 = arith.constant 0 : i32
      %dma_wait3A_222 = tpu.memref_slice %arg2[%dma_wait3A_220, %dma_wait3A_221] : memref<320000x32xf32, #tpu.memory_space<hbm>> -> memref<80x32xf32, #tpu.memory_space<hbm>>
      tpu.wait_dma2 semaphore(%arg15 : memref<!tpu.dma_semaphore, #tpu.memory_space<semaphore_mem>>) src(%dma_wait3A_222 : memref<80x32xf32, #tpu.memory_space<hbm>>) dst(%arg10 : memref<80x32xf32, #tpu.memory_space<vmem>>)
      %dma_start3A_223 = arith.constant 0 : i32
      %dma_start3A_224 = tpu.memref_slice %arg6[%add3A_216, %dma_start3A_223] : memref<125x80xi32, #tpu.memory_space<vmem>> -> memref<1x80xi32, #tpu.memory_space<vmem>>
      %dma_start3A_225 = tpu.memref_squeeze %dma_start3A_224 : memref<1x80xi32, #tpu.memory_space<vmem>> -> memref<80xi32, #tpu.memory_space<vmem>>
      %dma_start3A_226 = arith.constant 0 : i32
      %dma_start3A_227 = arith.constant 0 : i32
      %dma_start3A_228 = tpu.memref_slice %arg7[%dma_start3A_226, %dma_start3A_227] : memref<20480x32xf32, #tpu.memory_space<vmem_shared>> -> memref<20480x32xf32, #tpu.memory_space<vmem_shared>>
      tpu.enqueue_indirect_dma source(%arg10 : memref<80x32xf32, #tpu.memory_space<vmem>>) target(%dma_start3A_228 : memref<20480x32xf32, #tpu.memory_space<vmem_shared>>) offsets(%dma_start3A_225 : memref<80xi32, #tpu.memory_space<vmem>>) semaphore(%arg20 : memref<!tpu.dma_semaphore, #tpu.memory_space<semaphore_mem>>) {add = true}
      %dma_wait3A_229 = arith.constant 0 : i32
      %dma_wait3A_230 = arith.constant 0 : i32
      %dma_wait3A_231 = tpu.memref_slice %arg6[%dma_wait3A_229, %dma_wait3A_230] : memref<125x80xi32, #tpu.memory_space<vmem>> -> memref<1x80xi32, #tpu.memory_space<vmem>>
      %dma_wait3A_232 = tpu.memref_squeeze %dma_wait3A_231 : memref<1x80xi32, #tpu.memory_space<vmem>> -> memref<80xi32, #tpu.memory_space<vmem>>
      %dma_wait3A_233 = arith.constant 0 : i32
      %dma_wait3A_234 = arith.constant 0 : i32
      %dma_wait3A_235 = tpu.memref_slice %arg7[%dma_wait3A_233, %dma_wait3A_234] : memref<20480x32xf32, #tpu.memory_space<vmem_shared>> -> memref<20480x32xf32, #tpu.memory_space<vmem_shared>>
      tpu.wait_indirect_dma semaphore(%arg20 : memref<!tpu.dma_semaphore, #tpu.memory_space<semaphore_mem>>) src(%arg10 : memref<80x32xf32, #tpu.memory_space<vmem>>) dst(%dma_wait3A_235 : memref<20480x32xf32, #tpu.memory_space<vmem_shared>>)
      %add3A_236 = arith.constant 5 : i32
      %add3A_237 = arith.addi %add3A_216, %add3A_236 : i32
      %mul3A_238 = arith.constant 80 : i32
      %mul3A_239 = arith.muli %add3A_237, %mul3A_238 : i32
      %add3A_240 = arith.addi %mul3A_2, %mul3A_239 : i32
      %multiple_of3A_241 = tpu.assume_multiple %add3A_240, 80 : i32
      %dma_start3A_242 = arith.constant 0 : i32
      %dma_start3A_243 = tpu.memref_slice %arg2[%multiple_of3A_241, %dma_start3A_242] : memref<320000x32xf32, #tpu.memory_space<hbm>> -> memref<80x32xf32, #tpu.memory_space<hbm>>
      %dma_start3A_244 = arith.constant 0 : i32
      %dma_start3A_245 = tpu.memref_slice %arg2[%multiple_of3A_241, %dma_start3A_244] : memref<320000x32xf32, #tpu.memory_space<hbm>> -> memref<80x32xf32, #tpu.memory_space<hbm>>
      tpu.enqueue_dma source(%dma_start3A_245 : memref<80x32xf32, #tpu.memory_space<hbm>>) target(%arg10 : memref<80x32xf32, #tpu.memory_space<vmem>>) target_semaphore(%arg15 : memref<!tpu.dma_semaphore, #tpu.memory_space<semaphore_mem>>)
      %mul3A_246 = arith.constant 5 : i32
      %mul3A_247 = arith.muli %scan3A_145, %mul3A_246 : i32
      %add3A_248 = arith.constant 3 : i32
      %add3A_249 = arith.addi %mul3A_247, %add3A_248 : i32
      %dma_wait3A_250 = arith.constant 0 : i32
      %dma_wait3A_251 = arith.constant 0 : i32
      %dma_wait3A_252 = tpu.memref_slice %arg2[%dma_wait3A_250, %dma_wait3A_251] : memref<320000x32xf32, #tpu.memory_space<hbm>> -> memref<80x32xf32, #tpu.memory_space<hbm>>
      %dma_wait3A_253 = arith.constant 0 : i32
      %dma_wait3A_254 = arith.constant 0 : i32
      %dma_wait3A_255 = tpu.memref_slice %arg2[%dma_wait3A_253, %dma_wait3A_254] : memref<320000x32xf32, #tpu.memory_space<hbm>> -> memref<80x32xf32, #tpu.memory_space<hbm>>
      tpu.wait_dma2 semaphore(%arg16 : memref<!tpu.dma_semaphore, #tpu.memory_space<semaphore_mem>>) src(%dma_wait3A_255 : memref<80x32xf32, #tpu.memory_space<hbm>>) dst(%arg11 : memref<80x32xf32, #tpu.memory_space<vmem>>)
      %dma_start3A_256 = arith.constant 0 : i32
      %dma_start3A_257 = tpu.memref_slice %arg6[%add3A_249, %dma_start3A_256] : memref<125x80xi32, #tpu.memory_space<vmem>> -> memref<1x80xi32, #tpu.memory_space<vmem>>
      %dma_start3A_258 = tpu.memref_squeeze %dma_start3A_257 : memref<1x80xi32, #tpu.memory_space<vmem>> -> memref<80xi32, #tpu.memory_space<vmem>>
      %dma_start3A_259 = arith.constant 0 : i32
      %dma_start3A_260 = arith.constant 0 : i32
      %dma_start3A_261 = tpu.memref_slice %arg7[%dma_start3A_259, %dma_start3A_260] : memref<20480x32xf32, #tpu.memory_space<vmem_shared>> -> memref<20480x32xf32, #tpu.memory_space<vmem_shared>>
      tpu.enqueue_indirect_dma source(%arg11 : memref<80x32xf32, #tpu.memory_space<vmem>>) target(%dma_start3A_261 : memref<20480x32xf32, #tpu.memory_space<vmem_shared>>) offsets(%dma_start3A_258 : memref<80xi32, #tpu.memory_space<vmem>>) semaphore(%arg21 : memref<!tpu.dma_semaphore, #tpu.memory_space<semaphore_mem>>) {add = true}
      %dma_wait3A_262 = arith.constant 0 : i32
      %dma_wait3A_263 = arith.constant 0 : i32
      %dma_wait3A_264 = tpu.memref_slice %arg6[%dma_wait3A_262, %dma_wait3A_263] : memref<125x80xi32, #tpu.memory_space<vmem>> -> memref<1x80xi32, #tpu.memory_space<vmem>>
      %dma_wait3A_265 = tpu.memref_squeeze %dma_wait3A_264 : memref<1x80xi32, #tpu.memory_space<vmem>> -> memref<80xi32, #tpu.memory_space<vmem>>
      %dma_wait3A_266 = arith.constant 0 : i32
      %dma_wait3A_267 = arith.constant 0 : i32
      %dma_wait3A_268 = tpu.memref_slice %arg7[%dma_wait3A_266, %dma_wait3A_267] : memref<20480x32xf32, #tpu.memory_space<vmem_shared>> -> memref<20480x32xf32, #tpu.memory_space<vmem_shared>>
      tpu.wait_indirect_dma semaphore(%arg21 : memref<!tpu.dma_semaphore, #tpu.memory_space<semaphore_mem>>) src(%arg11 : memref<80x32xf32, #tpu.memory_space<vmem>>) dst(%dma_wait3A_268 : memref<20480x32xf32, #tpu.memory_space<vmem_shared>>)
      %add3A_269 = arith.constant 5 : i32
      %add3A_270 = arith.addi %add3A_249, %add3A_269 : i32
      %mul3A_271 = arith.constant 80 : i32
      %mul3A_272 = arith.muli %add3A_270, %mul3A_271 : i32
      %add3A_273 = arith.addi %mul3A_2, %mul3A_272 : i32
      %multiple_of3A_274 = tpu.assume_multiple %add3A_273, 80 : i32
      %dma_start3A_275 = arith.constant 0 : i32
      %dma_start3A_276 = tpu.memref_slice %arg2[%multiple_of3A_274, %dma_start3A_275] : memref<320000x32xf32, #tpu.memory_space<hbm>> -> memref<80x32xf32, #tpu.memory_space<hbm>>
      %dma_start3A_277 = arith.constant 0 : i32
      %dma_start3A_278 = tpu.memref_slice %arg2[%multiple_of3A_274, %dma_start3A_277] : memref<320000x32xf32, #tpu.memory_space<hbm>> -> memref<80x32xf32, #tpu.memory_space<hbm>>
      tpu.enqueue_dma source(%dma_start3A_278 : memref<80x32xf32, #tpu.memory_space<hbm>>) target(%arg11 : memref<80x32xf32, #tpu.memory_space<vmem>>) target_semaphore(%arg16 : memref<!tpu.dma_semaphore, #tpu.memory_space<semaphore_mem>>)
      %mul3A_279 = arith.constant 5 : i32
      %mul3A_280 = arith.muli %scan3A_145, %mul3A_279 : i32
      %add3A_281 = arith.constant 4 : i32
      %add3A_282 = arith.addi %mul3A_280, %add3A_281 : i32
      %dma_wait3A_283 = arith.constant 0 : i32
      %dma_wait3A_284 = arith.constant 0 : i32
      %dma_wait3A_285 = tpu.memref_slice %arg2[%dma_wait3A_283, %dma_wait3A_284] : memref<320000x32xf32, #tpu.memory_space<hbm>> -> memref<80x32xf32, #tpu.memory_space<hbm>>
      %dma_wait3A_286 = arith.constant 0 : i32
      %dma_wait3A_287 = arith.constant 0 : i32
      %dma_wait3A_288 = tpu.memref_slice %arg2[%dma_wait3A_286, %dma_wait3A_287] : memref<320000x32xf32, #tpu.memory_space<hbm>> -> memref<80x32xf32, #tpu.memory_space<hbm>>
      tpu.wait_dma2 semaphore(%arg17 : memref<!tpu.dma_semaphore, #tpu.memory_space<semaphore_mem>>) src(%dma_wait3A_288 : memref<80x32xf32, #tpu.memory_space<hbm>>) dst(%arg12 : memref<80x32xf32, #tpu.memory_space<vmem>>)
      %dma_start3A_289 = arith.constant 0 : i32
      %dma_start3A_290 = tpu.memref_slice %arg6[%add3A_282, %dma_start3A_289] : memref<125x80xi32, #tpu.memory_space<vmem>> -> memref<1x80xi32, #tpu.memory_space<vmem>>
      %dma_start3A_291 = tpu.memref_squeeze %dma_start3A_290 : memref<1x80xi32, #tpu.memory_space<vmem>> -> memref<80xi32, #tpu.memory_space<vmem>>
      %dma_start3A_292 = arith.constant 0 : i32
      %dma_start3A_293 = arith.constant 0 : i32
      %dma_start3A_294 = tpu.memref_slice %arg7[%dma_start3A_292, %dma_start3A_293] : memref<20480x32xf32, #tpu.memory_space<vmem_shared>> -> memref<20480x32xf32, #tpu.memory_space<vmem_shared>>
      tpu.enqueue_indirect_dma source(%arg12 : memref<80x32xf32, #tpu.memory_space<vmem>>) target(%dma_start3A_294 : memref<20480x32xf32, #tpu.memory_space<vmem_shared>>) offsets(%dma_start3A_291 : memref<80xi32, #tpu.memory_space<vmem>>) semaphore(%arg22 : memref<!tpu.dma_semaphore, #tpu.memory_space<semaphore_mem>>) {add = true}
      %dma_wait3A_295 = arith.constant 0 : i32
      %dma_wait3A_296 = arith.constant 0 : i32
      %dma_wait3A_297 = tpu.memref_slice %arg6[%dma_wait3A_295, %dma_wait3A_296] : memref<125x80xi32, #tpu.memory_space<vmem>> -> memref<1x80xi32, #tpu.memory_space<vmem>>
      %dma_wait3A_298 = tpu.memref_squeeze %dma_wait3A_297 : memref<1x80xi32, #tpu.memory_space<vmem>> -> memref<80xi32, #tpu.memory_space<vmem>>
      %dma_wait3A_299 = arith.constant 0 : i32
      %dma_wait3A_300 = arith.constant 0 : i32
      %dma_wait3A_301 = tpu.memref_slice %arg7[%dma_wait3A_299, %dma_wait3A_300] : memref<20480x32xf32, #tpu.memory_space<vmem_shared>> -> memref<20480x32xf32, #tpu.memory_space<vmem_shared>>
      tpu.wait_indirect_dma semaphore(%arg22 : memref<!tpu.dma_semaphore, #tpu.memory_space<semaphore_mem>>) src(%arg12 : memref<80x32xf32, #tpu.memory_space<vmem>>) dst(%dma_wait3A_301 : memref<20480x32xf32, #tpu.memory_space<vmem_shared>>)
      %add3A_302 = arith.constant 5 : i32
      %add3A_303 = arith.addi %add3A_282, %add3A_302 : i32
      %mul3A_304 = arith.constant 80 : i32
      %mul3A_305 = arith.muli %add3A_303, %mul3A_304 : i32
      %add3A_306 = arith.addi %mul3A_2, %mul3A_305 : i32
      %multiple_of3A_307 = tpu.assume_multiple %add3A_306, 80 : i32
      %dma_start3A_308 = arith.constant 0 : i32
      %dma_start3A_309 = tpu.memref_slice %arg2[%multiple_of3A_307, %dma_start3A_308] : memref<320000x32xf32, #tpu.memory_space<hbm>> -> memref<80x32xf32, #tpu.memory_space<hbm>>
      %dma_start3A_310 = arith.constant 0 : i32
      %dma_start3A_311 = tpu.memref_slice %arg2[%multiple_of3A_307, %dma_start3A_310] : memref<320000x32xf32, #tpu.memory_space<hbm>> -> memref<80x32xf32, #tpu.memory_space<hbm>>
      tpu.enqueue_dma source(%dma_start3A_311 : memref<80x32xf32, #tpu.memory_space<hbm>>) target(%arg12 : memref<80x32xf32, #tpu.memory_space<vmem>>) target_semaphore(%arg17 : memref<!tpu.dma_semaphore, #tpu.memory_space<semaphore_mem>>)
      %scan3A_312 = arith.constant 0 : i32
      scf.yield %scan3A_312 : i32
    }
    %scan3A_44 = arith.constant 24 : i32
    %dma_wait3A = arith.constant 0 : i32
    %dma_wait3A_45 = arith.constant 0 : i32
    %dma_wait3A_46 = tpu.memref_slice %arg2[%dma_wait3A, %dma_wait3A_45] : memref<320000x32xf32, #tpu.memory_space<hbm>> -> memref<80x32xf32, #tpu.memory_space<hbm>>
    %dma_wait3A_47 = arith.constant 0 : i32
    %dma_wait3A_48 = arith.constant 0 : i32
    %dma_wait3A_49 = tpu.memref_slice %arg2[%dma_wait3A_47, %dma_wait3A_48] : memref<320000x32xf32, #tpu.memory_space<hbm>> -> memref<80x32xf32, #tpu.memory_space<hbm>>
    tpu.wait_dma2 semaphore(%arg13 : memref<!tpu.dma_semaphore, #tpu.memory_space<semaphore_mem>>) src(%dma_wait3A_49 : memref<80x32xf32, #tpu.memory_space<hbm>>) dst(%arg8 : memref<80x32xf32, #tpu.memory_space<vmem>>)
    %dma_start3A_50 = arith.constant 120 : i32
    %dma_start3A_51 = arith.constant 0 : i32
    %dma_start3A_52 = tpu.memref_slice %arg6[%dma_start3A_50, %dma_start3A_51] : memref<125x80xi32, #tpu.memory_space<vmem>> -> memref<1x80xi32, #tpu.memory_space<vmem>>
    %dma_start3A_53 = tpu.memref_squeeze %dma_start3A_52 : memref<1x80xi32, #tpu.memory_space<vmem>> -> memref<80xi32, #tpu.memory_space<vmem>>
    %dma_start3A_54 = arith.constant 0 : i32
    %dma_start3A_55 = arith.constant 0 : i32
    %dma_start3A_56 = tpu.memref_slice %arg7[%dma_start3A_54, %dma_start3A_55] : memref<20480x32xf32, #tpu.memory_space<vmem_shared>> -> memref<20480x32xf32, #tpu.memory_space<vmem_shared>>
    tpu.enqueue_indirect_dma source(%arg8 : memref<80x32xf32, #tpu.memory_space<vmem>>) target(%dma_start3A_56 : memref<20480x32xf32, #tpu.memory_space<vmem_shared>>) offsets(%dma_start3A_53 : memref<80xi32, #tpu.memory_space<vmem>>) semaphore(%arg18 : memref<!tpu.dma_semaphore, #tpu.memory_space<semaphore_mem>>) {add = true}
    %dma_wait3A_57 = arith.constant 0 : i32
    %dma_wait3A_58 = arith.constant 0 : i32
    %dma_wait3A_59 = tpu.memref_slice %arg6[%dma_wait3A_57, %dma_wait3A_58] : memref<125x80xi32, #tpu.memory_space<vmem>> -> memref<1x80xi32, #tpu.memory_space<vmem>>
    %dma_wait3A_60 = tpu.memref_squeeze %dma_wait3A_59 : memref<1x80xi32, #tpu.memory_space<vmem>> -> memref<80xi32, #tpu.memory_space<vmem>>
    %dma_wait3A_61 = arith.constant 0 : i32
    %dma_wait3A_62 = arith.constant 0 : i32
    %dma_wait3A_63 = tpu.memref_slice %arg7[%dma_wait3A_61, %dma_wait3A_62] : memref<20480x32xf32, #tpu.memory_space<vmem_shared>> -> memref<20480x32xf32, #tpu.memory_space<vmem_shared>>
    tpu.wait_indirect_dma semaphore(%arg18 : memref<!tpu.dma_semaphore, #tpu.memory_space<semaphore_mem>>) src(%arg8 : memref<80x32xf32, #tpu.memory_space<vmem>>) dst(%dma_wait3A_63 : memref<20480x32xf32, #tpu.memory_space<vmem_shared>>)
    %dma_wait3A_64 = arith.constant 0 : i32
    %dma_wait3A_65 = arith.constant 0 : i32
    %dma_wait3A_66 = tpu.memref_slice %arg2[%dma_wait3A_64, %dma_wait3A_65] : memref<320000x32xf32, #tpu.memory_space<hbm>> -> memref<80x32xf32, #tpu.memory_space<hbm>>
    %dma_wait3A_67 = arith.constant 0 : i32
    %dma_wait3A_68 = arith.constant 0 : i32
    %dma_wait3A_69 = tpu.memref_slice %arg2[%dma_wait3A_67, %dma_wait3A_68] : memref<320000x32xf32, #tpu.memory_space<hbm>> -> memref<80x32xf32, #tpu.memory_space<hbm>>
    tpu.wait_dma2 semaphore(%arg14 : memref<!tpu.dma_semaphore, #tpu.memory_space<semaphore_mem>>) src(%dma_wait3A_69 : memref<80x32xf32, #tpu.memory_space<hbm>>) dst(%arg9 : memref<80x32xf32, #tpu.memory_space<vmem>>)
    %dma_start3A_70 = arith.constant 121 : i32
    %dma_start3A_71 = arith.constant 0 : i32
    %dma_start3A_72 = tpu.memref_slice %arg6[%dma_start3A_70, %dma_start3A_71] : memref<125x80xi32, #tpu.memory_space<vmem>> -> memref<1x80xi32, #tpu.memory_space<vmem>>
    %dma_start3A_73 = tpu.memref_squeeze %dma_start3A_72 : memref<1x80xi32, #tpu.memory_space<vmem>> -> memref<80xi32, #tpu.memory_space<vmem>>
    %dma_start3A_74 = arith.constant 0 : i32
    %dma_start3A_75 = arith.constant 0 : i32
    %dma_start3A_76 = tpu.memref_slice %arg7[%dma_start3A_74, %dma_start3A_75] : memref<20480x32xf32, #tpu.memory_space<vmem_shared>> -> memref<20480x32xf32, #tpu.memory_space<vmem_shared>>
    tpu.enqueue_indirect_dma source(%arg9 : memref<80x32xf32, #tpu.memory_space<vmem>>) target(%dma_start3A_76 : memref<20480x32xf32, #tpu.memory_space<vmem_shared>>) offsets(%dma_start3A_73 : memref<80xi32, #tpu.memory_space<vmem>>) semaphore(%arg19 : memref<!tpu.dma_semaphore, #tpu.memory_space<semaphore_mem>>) {add = true}
    %dma_wait3A_77 = arith.constant 0 : i32
    %dma_wait3A_78 = arith.constant 0 : i32
    %dma_wait3A_79 = tpu.memref_slice %arg6[%dma_wait3A_77, %dma_wait3A_78] : memref<125x80xi32, #tpu.memory_space<vmem>> -> memref<1x80xi32, #tpu.memory_space<vmem>>
    %dma_wait3A_80 = tpu.memref_squeeze %dma_wait3A_79 : memref<1x80xi32, #tpu.memory_space<vmem>> -> memref<80xi32, #tpu.memory_space<vmem>>
    %dma_wait3A_81 = arith.constant 0 : i32
    %dma_wait3A_82 = arith.constant 0 : i32
    %dma_wait3A_83 = tpu.memref_slice %arg7[%dma_wait3A_81, %dma_wait3A_82] : memref<20480x32xf32, #tpu.memory_space<vmem_shared>> -> memref<20480x32xf32, #tpu.memory_space<vmem_shared>>
    tpu.wait_indirect_dma semaphore(%arg19 : memref<!tpu.dma_semaphore, #tpu.memory_space<semaphore_mem>>) src(%arg9 : memref<80x32xf32, #tpu.memory_space<vmem>>) dst(%dma_wait3A_83 : memref<20480x32xf32, #tpu.memory_space<vmem_shared>>)
    %dma_wait3A_84 = arith.constant 0 : i32
    %dma_wait3A_85 = arith.constant 0 : i32
    %dma_wait3A_86 = tpu.memref_slice %arg2[%dma_wait3A_84, %dma_wait3A_85] : memref<320000x32xf32, #tpu.memory_space<hbm>> -> memref<80x32xf32, #tpu.memory_space<hbm>>
    %dma_wait3A_87 = arith.constant 0 : i32
    %dma_wait3A_88 = arith.constant 0 : i32
    %dma_wait3A_89 = tpu.memref_slice %arg2[%dma_wait3A_87, %dma_wait3A_88] : memref<320000x32xf32, #tpu.memory_space<hbm>> -> memref<80x32xf32, #tpu.memory_space<hbm>>
    tpu.wait_dma2 semaphore(%arg15 : memref<!tpu.dma_semaphore, #tpu.memory_space<semaphore_mem>>) src(%dma_wait3A_89 : memref<80x32xf32, #tpu.memory_space<hbm>>) dst(%arg10 : memref<80x32xf32, #tpu.memory_space<vmem>>)
    %dma_start3A_90 = arith.constant 122 : i32
    %dma_start3A_91 = arith.constant 0 : i32
    %dma_start3A_92 = tpu.memref_slice %arg6[%dma_start3A_90, %dma_start3A_91] : memref<125x80xi32, #tpu.memory_space<vmem>> -> memref<1x80xi32, #tpu.memory_space<vmem>>
    %dma_start3A_93 = tpu.memref_squeeze %dma_start3A_92 : memref<1x80xi32, #tpu.memory_space<vmem>> -> memref<80xi32, #tpu.memory_space<vmem>>
    %dma_start3A_94 = arith.constant 0 : i32
    %dma_start3A_95 = arith.constant 0 : i32
    %dma_start3A_96 = tpu.memref_slice %arg7[%dma_start3A_94, %dma_start3A_95] : memref<20480x32xf32, #tpu.memory_space<vmem_shared>> -> memref<20480x32xf32, #tpu.memory_space<vmem_shared>>
    tpu.enqueue_indirect_dma source(%arg10 : memref<80x32xf32, #tpu.memory_space<vmem>>) target(%dma_start3A_96 : memref<20480x32xf32, #tpu.memory_space<vmem_shared>>) offsets(%dma_start3A_93 : memref<80xi32, #tpu.memory_space<vmem>>) semaphore(%arg20 : memref<!tpu.dma_semaphore, #tpu.memory_space<semaphore_mem>>) {add = true}
    %dma_wait3A_97 = arith.constant 0 : i32
    %dma_wait3A_98 = arith.constant 0 : i32
    %dma_wait3A_99 = tpu.memref_slice %arg6[%dma_wait3A_97, %dma_wait3A_98] : memref<125x80xi32, #tpu.memory_space<vmem>> -> memref<1x80xi32, #tpu.memory_space<vmem>>
    %dma_wait3A_100 = tpu.memref_squeeze %dma_wait3A_99 : memref<1x80xi32, #tpu.memory_space<vmem>> -> memref<80xi32, #tpu.memory_space<vmem>>
    %dma_wait3A_101 = arith.constant 0 : i32
    %dma_wait3A_102 = arith.constant 0 : i32
    %dma_wait3A_103 = tpu.memref_slice %arg7[%dma_wait3A_101, %dma_wait3A_102] : memref<20480x32xf32, #tpu.memory_space<vmem_shared>> -> memref<20480x32xf32, #tpu.memory_space<vmem_shared>>
    tpu.wait_indirect_dma semaphore(%arg20 : memref<!tpu.dma_semaphore, #tpu.memory_space<semaphore_mem>>) src(%arg10 : memref<80x32xf32, #tpu.memory_space<vmem>>) dst(%dma_wait3A_103 : memref<20480x32xf32, #tpu.memory_space<vmem_shared>>)
    %dma_wait3A_104 = arith.constant 0 : i32
    %dma_wait3A_105 = arith.constant 0 : i32
    %dma_wait3A_106 = tpu.memref_slice %arg2[%dma_wait3A_104, %dma_wait3A_105] : memref<320000x32xf32, #tpu.memory_space<hbm>> -> memref<80x32xf32, #tpu.memory_space<hbm>>
    %dma_wait3A_107 = arith.constant 0 : i32
    %dma_wait3A_108 = arith.constant 0 : i32
    %dma_wait3A_109 = tpu.memref_slice %arg2[%dma_wait3A_107, %dma_wait3A_108] : memref<320000x32xf32, #tpu.memory_space<hbm>> -> memref<80x32xf32, #tpu.memory_space<hbm>>
    tpu.wait_dma2 semaphore(%arg16 : memref<!tpu.dma_semaphore, #tpu.memory_space<semaphore_mem>>) src(%dma_wait3A_109 : memref<80x32xf32, #tpu.memory_space<hbm>>) dst(%arg11 : memref<80x32xf32, #tpu.memory_space<vmem>>)
    %dma_start3A_110 = arith.constant 123 : i32
    %dma_start3A_111 = arith.constant 0 : i32
    %dma_start3A_112 = tpu.memref_slice %arg6[%dma_start3A_110, %dma_start3A_111] : memref<125x80xi32, #tpu.memory_space<vmem>> -> memref<1x80xi32, #tpu.memory_space<vmem>>
    %dma_start3A_113 = tpu.memref_squeeze %dma_start3A_112 : memref<1x80xi32, #tpu.memory_space<vmem>> -> memref<80xi32, #tpu.memory_space<vmem>>
    %dma_start3A_114 = arith.constant 0 : i32
    %dma_start3A_115 = arith.constant 0 : i32
    %dma_start3A_116 = tpu.memref_slice %arg7[%dma_start3A_114, %dma_start3A_115] : memref<20480x32xf32, #tpu.memory_space<vmem_shared>> -> memref<20480x32xf32, #tpu.memory_space<vmem_shared>>
    tpu.enqueue_indirect_dma source(%arg11 : memref<80x32xf32, #tpu.memory_space<vmem>>) target(%dma_start3A_116 : memref<20480x32xf32, #tpu.memory_space<vmem_shared>>) offsets(%dma_start3A_113 : memref<80xi32, #tpu.memory_space<vmem>>) semaphore(%arg21 : memref<!tpu.dma_semaphore, #tpu.memory_space<semaphore_mem>>) {add = true}
    %dma_wait3A_117 = arith.constant 0 : i32
    %dma_wait3A_118 = arith.constant 0 : i32
    %dma_wait3A_119 = tpu.memref_slice %arg6[%dma_wait3A_117, %dma_wait3A_118] : memref<125x80xi32, #tpu.memory_space<vmem>> -> memref<1x80xi32, #tpu.memory_space<vmem>>
    %dma_wait3A_120 = tpu.memref_squeeze %dma_wait3A_119 : memref<1x80xi32, #tpu.memory_space<vmem>> -> memref<80xi32, #tpu.memory_space<vmem>>
    %dma_wait3A_121 = arith.constant 0 : i32
    %dma_wait3A_122 = arith.constant 0 : i32
    %dma_wait3A_123 = tpu.memref_slice %arg7[%dma_wait3A_121, %dma_wait3A_122] : memref<20480x32xf32, #tpu.memory_space<vmem_shared>> -> memref<20480x32xf32, #tpu.memory_space<vmem_shared>>
    tpu.wait_indirect_dma semaphore(%arg21 : memref<!tpu.dma_semaphore, #tpu.memory_space<semaphore_mem>>) src(%arg11 : memref<80x32xf32, #tpu.memory_space<vmem>>) dst(%dma_wait3A_123 : memref<20480x32xf32, #tpu.memory_space<vmem_shared>>)
    %dma_wait3A_124 = arith.constant 0 : i32
    %dma_wait3A_125 = arith.constant 0 : i32
    %dma_wait3A_126 = tpu.memref_slice %arg2[%dma_wait3A_124, %dma_wait3A_125] : memref<320000x32xf32, #tpu.memory_space<hbm>> -> memref<80x32xf32, #tpu.memory_space<hbm>>
    %dma_wait3A_127 = arith.constant 0 : i32
    %dma_wait3A_128 = arith.constant 0 : i32
    %dma_wait3A_129 = tpu.memref_slice %arg2[%dma_wait3A_127, %dma_wait3A_128] : memref<320000x32xf32, #tpu.memory_space<hbm>> -> memref<80x32xf32, #tpu.memory_space<hbm>>
    tpu.wait_dma2 semaphore(%arg17 : memref<!tpu.dma_semaphore, #tpu.memory_space<semaphore_mem>>) src(%dma_wait3A_129 : memref<80x32xf32, #tpu.memory_space<hbm>>) dst(%arg12 : memref<80x32xf32, #tpu.memory_space<vmem>>)
    %dma_start3A_130 = arith.constant 124 : i32
    %dma_start3A_131 = arith.constant 0 : i32
    %dma_start3A_132 = tpu.memref_slice %arg6[%dma_start3A_130, %dma_start3A_131] : memref<125x80xi32, #tpu.memory_space<vmem>> -> memref<1x80xi32, #tpu.memory_space<vmem>>
    %dma_start3A_133 = tpu.memref_squeeze %dma_start3A_132 : memref<1x80xi32, #tpu.memory_space<vmem>> -> memref<80xi32, #tpu.memory_space<vmem>>
    %dma_start3A_134 = arith.constant 0 : i32
    %dma_start3A_135 = arith.constant 0 : i32
    %dma_start3A_136 = tpu.memref_slice %arg7[%dma_start3A_134, %dma_start3A_135] : memref<20480x32xf32, #tpu.memory_space<vmem_shared>> -> memref<20480x32xf32, #tpu.memory_space<vmem_shared>>
    tpu.enqueue_indirect_dma source(%arg12 : memref<80x32xf32, #tpu.memory_space<vmem>>) target(%dma_start3A_136 : memref<20480x32xf32, #tpu.memory_space<vmem_shared>>) offsets(%dma_start3A_133 : memref<80xi32, #tpu.memory_space<vmem>>) semaphore(%arg22 : memref<!tpu.dma_semaphore, #tpu.memory_space<semaphore_mem>>) {add = true}
    %dma_wait3A_137 = arith.constant 0 : i32
    %dma_wait3A_138 = arith.constant 0 : i32
    %dma_wait3A_139 = tpu.memref_slice %arg6[%dma_wait3A_137, %dma_wait3A_138] : memref<125x80xi32, #tpu.memory_space<vmem>> -> memref<1x80xi32, #tpu.memory_space<vmem>>
    %dma_wait3A_140 = tpu.memref_squeeze %dma_wait3A_139 : memref<1x80xi32, #tpu.memory_space<vmem>> -> memref<80xi32, #tpu.memory_space<vmem>>
    %dma_wait3A_141 = arith.constant 0 : i32
    %dma_wait3A_142 = arith.constant 0 : i32
    %dma_wait3A_143 = tpu.memref_slice %arg7[%dma_wait3A_141, %dma_wait3A_142] : memref<20480x32xf32, #tpu.memory_space<vmem_shared>> -> memref<20480x32xf32, #tpu.memory_space<vmem_shared>>
    tpu.wait_indirect_dma semaphore(%arg22 : memref<!tpu.dma_semaphore, #tpu.memory_space<semaphore_mem>>) src(%arg12 : memref<80x32xf32, #tpu.memory_space<vmem>>) dst(%dma_wait3A_143 : memref<20480x32xf32, #tpu.memory_space<vmem_shared>>)
    %barrier3A_144 = arith.constant 0 : index
    tpu.barrier barrier_id(%barrier3A_144)
    "tpu.region"() ({
      %run_scoped3A = tpu.sem_alloc : memref<!tpu.dma_semaphore, #tpu.memory_space<semaphore_mem>>
      %dma_start3A_145 = arith.constant 0 : i32
      %dma_start3A_146 = arith.constant 0 : i32
      %dma_start3A_147 = tpu.memref_slice %arg5[%arg0, %dma_start3A_145, %dma_start3A_146] : memref<2x20480x32xf32, #tpu.memory_space<hbm>> -> memref<1x20480x32xf32, #tpu.memory_space<hbm>>
      %dma_start3A_148 = tpu.memref_squeeze %dma_start3A_147 : memref<1x20480x32xf32, #tpu.memory_space<hbm>> -> memref<20480x32xf32, #tpu.memory_space<hbm>>
      %dma_start3A_149 = arith.constant 0 : i32
      %dma_start3A_150 = tpu.memref_slice %dma_start3A_148[%multiple_of3A, %dma_start3A_149] : memref<20480x32xf32, #tpu.memory_space<hbm>> -> memref<1280x32xf32, #tpu.memory_space<hbm>>
      %dma_start3A_151 = arith.constant 0 : i32
      %dma_start3A_152 = tpu.memref_slice %arg7[%multiple_of3A, %dma_start3A_151] : memref<20480x32xf32, #tpu.memory_space<vmem_shared>> -> memref<1280x32xf32, #tpu.memory_space<vmem_shared>>
      tpu.enqueue_dma source(%dma_start3A_152 : memref<1280x32xf32, #tpu.memory_space<vmem_shared>>) target(%dma_start3A_150 : memref<1280x32xf32, #tpu.memory_space<hbm>>) target_semaphore(%run_scoped3A : memref<!tpu.dma_semaphore, #tpu.memory_space<semaphore_mem>>)
      %dma_wait3A_153 = arith.constant 0 : i32
      %dma_wait3A_154 = arith.constant 0 : i32
      %dma_wait3A_155 = tpu.memref_slice %arg5[%arg0, %dma_wait3A_153, %dma_wait3A_154] : memref<2x20480x32xf32, #tpu.memory_space<hbm>> -> memref<1x20480x32xf32, #tpu.memory_space<hbm>>
      %dma_wait3A_156 = tpu.memref_squeeze %dma_wait3A_155 : memref<1x20480x32xf32, #tpu.memory_space<hbm>> -> memref<20480x32xf32, #tpu.memory_space<hbm>>
      %dma_wait3A_157 = arith.constant 0 : i32
      %dma_wait3A_158 = tpu.memref_slice %dma_wait3A_156[%multiple_of3A, %dma_wait3A_157] : memref<20480x32xf32, #tpu.memory_space<hbm>> -> memref<1280x32xf32, #tpu.memory_space<hbm>>
      %dma_wait3A_159 = arith.constant 0 : i32
      %dma_wait3A_160 = tpu.memref_slice %arg7[%multiple_of3A, %dma_wait3A_159] : memref<20480x32xf32, #tpu.memory_space<vmem_shared>> -> memref<1280x32xf32, #tpu.memory_space<vmem_shared>>
      tpu.wait_dma2 semaphore(%run_scoped3A : memref<!tpu.dma_semaphore, #tpu.memory_space<semaphore_mem>>) src(%dma_wait3A_160 : memref<1280x32xf32, #tpu.memory_space<vmem_shared>>) dst(%dma_wait3A_158 : memref<1280x32xf32, #tpu.memory_space<hbm>>)
      tpu.yield
    }) : () -> ()
    return
  }
}

#map = affine_map<(d0, d1) -> (0, 0)>
#map1 = affine_map<(d0, d1) -> (0, 0, 0)>
module attributes {stable_mosaic.version = 14 : i64} {
  func.func @body(%arg0: i32, %arg1: i32, %arg2: memref<320000x16xf32, #tpu.memory_space<hbm>>, %arg3: memref<32x125x80xi32, #tpu.memory_space<hbm>>, %arg4: memref<20480x16xf32, #tpu.memory_space<hbm>>, %arg5: memref<2x20480x16xf32, #tpu.memory_space<hbm>>, %arg6: memref<125x80xi32, #tpu.memory_space<vmem>>, %arg7: memref<20480x16xf32, #tpu.memory_space<vmem_shared>>, %arg8: memref<80x16xf32, #tpu.memory_space<vmem>>, %arg9: memref<80x16xf32, #tpu.memory_space<vmem>>, %arg10: memref<80x16xf32, #tpu.memory_space<vmem>>, %arg11: memref<80x16xf32, #tpu.memory_space<vmem>>, %arg12: memref<80x16xf32, #tpu.memory_space<vmem>>, %arg13: memref<!tpu.dma_semaphore, #tpu.memory_space<semaphore_mem>>, %arg14: memref<!tpu.dma_semaphore, #tpu.memory_space<semaphore_mem>>, %arg15: memref<!tpu.dma_semaphore, #tpu.memory_space<semaphore_mem>>, %arg16: memref<!tpu.dma_semaphore, #tpu.memory_space<semaphore_mem>>, %arg17: memref<!tpu.dma_semaphore, #tpu.memory_space<semaphore_mem>>, %arg18: memref<!tpu.dma_semaphore, #tpu.memory_space<semaphore_mem>>, %arg19: memref<!tpu.dma_semaphore, #tpu.memory_space<semaphore_mem>>, %arg20: memref<!tpu.dma_semaphore, #tpu.memory_space<semaphore_mem>>, %arg21: memref<!tpu.dma_semaphore, #tpu.memory_space<semaphore_mem>>, %arg22: memref<!tpu.dma_semaphore, #tpu.memory_space<semaphore_mem>>) attributes {dimension_semantics = [#tpu.dimension_semantics<core_parallel>, #tpu.dimension_semantics<subcore_parallel>], iteration_bounds = array<i64: 2, 16>, scalar_prefetch = 0 : i64, scratch_operands = 17 : i64, tpu.core_type = #tpu.core_type<sc_vector_subcore>, window_params = [{transform_indices = #map}, {transform_indices = #map1}, {transform_indices = #map}, {transform_indices = #map1}]} {
    %mul3A = arith.constant 2 : i32
    %mul3A_0 = arith.muli %arg1, %mul3A : i32
    %add3A = arith.addi %mul3A_0, %arg0 : i32
    %mul3A_1 = arith.constant 10000 : i32
    %mul3A_2 = arith.muli %add3A, %mul3A_1 : i32
    "tpu.region"() ({
      %run_scoped3A = tpu.sem_alloc : memref<!tpu.dma_semaphore, #tpu.memory_space<semaphore_mem>>
      %dma_start3A_145 = arith.constant 0 : i32
      %dma_start3A_146 = arith.constant 0 : i32
      %dma_start3A_147 = tpu.memref_slice %arg3[%add3A, %dma_start3A_145, %dma_start3A_146] : memref<32x125x80xi32, #tpu.memory_space<hbm>> -> memref<1x125x80xi32, #tpu.memory_space<hbm>>
      %dma_start3A_148 = tpu.memref_squeeze %dma_start3A_147 : memref<1x125x80xi32, #tpu.memory_space<hbm>> -> memref<125x80xi32, #tpu.memory_space<hbm>>
      %dma_start3A_149 = arith.constant 0 : i32
      %dma_start3A_150 = arith.constant 0 : i32
      %dma_start3A_151 = tpu.memref_slice %arg3[%add3A, %dma_start3A_149, %dma_start3A_150] : memref<32x125x80xi32, #tpu.memory_space<hbm>> -> memref<1x125x80xi32, #tpu.memory_space<hbm>>
      %dma_start3A_152 = tpu.memref_squeeze %dma_start3A_151 : memref<1x125x80xi32, #tpu.memory_space<hbm>> -> memref<125x80xi32, #tpu.memory_space<hbm>>
      tpu.enqueue_dma source(%dma_start3A_152 : memref<125x80xi32, #tpu.memory_space<hbm>>) target(%arg6 : memref<125x80xi32, #tpu.memory_space<vmem>>) target_semaphore(%run_scoped3A : memref<!tpu.dma_semaphore, #tpu.memory_space<semaphore_mem>>)
      %dma_wait3A_153 = arith.constant 0 : i32
      %dma_wait3A_154 = arith.constant 0 : i32
      %dma_wait3A_155 = tpu.memref_slice %arg3[%add3A, %dma_wait3A_153, %dma_wait3A_154] : memref<32x125x80xi32, #tpu.memory_space<hbm>> -> memref<1x125x80xi32, #tpu.memory_space<hbm>>
      %dma_wait3A_156 = tpu.memref_squeeze %dma_wait3A_155 : memref<1x125x80xi32, #tpu.memory_space<hbm>> -> memref<125x80xi32, #tpu.memory_space<hbm>>
      %dma_wait3A_157 = arith.constant 0 : i32
      %dma_wait3A_158 = arith.constant 0 : i32
      %dma_wait3A_159 = tpu.memref_slice %arg3[%add3A, %dma_wait3A_157, %dma_wait3A_158] : memref<32x125x80xi32, #tpu.memory_space<hbm>> -> memref<1x125x80xi32, #tpu.memory_space<hbm>>
      %dma_wait3A_160 = tpu.memref_squeeze %dma_wait3A_159 : memref<1x125x80xi32, #tpu.memory_space<hbm>> -> memref<125x80xi32, #tpu.memory_space<hbm>>
      tpu.wait_dma2 semaphore(%run_scoped3A : memref<!tpu.dma_semaphore, #tpu.memory_space<semaphore_mem>>) src(%dma_wait3A_160 : memref<125x80xi32, #tpu.memory_space<hbm>>) dst(%arg6 : memref<125x80xi32, #tpu.memory_space<vmem>>)
      tpu.yield
    }) : () -> ()
    %mul3A_3 = arith.constant 1280 : i32
    %mul3A_4 = arith.muli %arg1, %mul3A_3 : i32
    %multiple_of3A = tpu.assume_multiple %mul3A_4, 1280 : i32
    "tpu.region"() ({
      %run_scoped3A = tpu.sem_alloc : memref<!tpu.dma_semaphore, #tpu.memory_space<semaphore_mem>>
      %dma_start3A_145 = arith.constant 0 : i32
      %dma_start3A_146 = tpu.memref_slice %arg7[%multiple_of3A, %dma_start3A_145] : memref<20480x16xf32, #tpu.memory_space<vmem_shared>> -> memref<1280x16xf32, #tpu.memory_space<vmem_shared>>
      %dma_start3A_147 = arith.constant 0 : i32
      %dma_start3A_148 = tpu.memref_slice %arg4[%multiple_of3A, %dma_start3A_147] : memref<20480x16xf32, #tpu.memory_space<hbm>> -> memref<1280x16xf32, #tpu.memory_space<hbm>>
      tpu.enqueue_dma source(%dma_start3A_148 : memref<1280x16xf32, #tpu.memory_space<hbm>>) target(%dma_start3A_146 : memref<1280x16xf32, #tpu.memory_space<vmem_shared>>) target_semaphore(%run_scoped3A : memref<!tpu.dma_semaphore, #tpu.memory_space<semaphore_mem>>)
      %dma_wait3A_149 = arith.constant 0 : i32
      %dma_wait3A_150 = tpu.memref_slice %arg7[%multiple_of3A, %dma_wait3A_149] : memref<20480x16xf32, #tpu.memory_space<vmem_shared>> -> memref<1280x16xf32, #tpu.memory_space<vmem_shared>>
      %dma_wait3A_151 = arith.constant 0 : i32
      %dma_wait3A_152 = tpu.memref_slice %arg4[%multiple_of3A, %dma_wait3A_151] : memref<20480x16xf32, #tpu.memory_space<hbm>> -> memref<1280x16xf32, #tpu.memory_space<hbm>>
      tpu.wait_dma2 semaphore(%run_scoped3A : memref<!tpu.dma_semaphore, #tpu.memory_space<semaphore_mem>>) src(%dma_wait3A_152 : memref<1280x16xf32, #tpu.memory_space<hbm>>) dst(%dma_wait3A_150 : memref<1280x16xf32, #tpu.memory_space<vmem_shared>>)
      tpu.yield
    }) : () -> ()
    %barrier3A = arith.constant 0 : index
    tpu.barrier barrier_id(%barrier3A)
    %add3A_5 = arith.constant 0 : i32
    %add3A_6 = arith.addi %mul3A_2, %add3A_5 : i32
    %multiple_of3A_7 = tpu.assume_multiple %add3A_6, 80 : i32
    %dma_start3A = arith.constant 0 : i32
    %dma_start3A_8 = tpu.memref_slice %arg2[%multiple_of3A_7, %dma_start3A] : memref<320000x16xf32, #tpu.memory_space<hbm>> -> memref<80x16xf32, #tpu.memory_space<hbm>>
    %dma_start3A_9 = arith.constant 0 : i32
    %dma_start3A_10 = tpu.memref_slice %arg2[%multiple_of3A_7, %dma_start3A_9] : memref<320000x16xf32, #tpu.memory_space<hbm>> -> memref<80x16xf32, #tpu.memory_space<hbm>>
    tpu.enqueue_dma source(%dma_start3A_10 : memref<80x16xf32, #tpu.memory_space<hbm>>) target(%arg8 : memref<80x16xf32, #tpu.memory_space<vmem>>) target_semaphore(%arg13 : memref<!tpu.dma_semaphore, #tpu.memory_space<semaphore_mem>>)
    %add3A_11 = arith.constant 80 : i32
    %add3A_12 = arith.addi %mul3A_2, %add3A_11 : i32
    %multiple_of3A_13 = tpu.assume_multiple %add3A_12, 80 : i32
    %dma_start3A_14 = arith.constant 0 : i32
    %dma_start3A_15 = tpu.memref_slice %arg2[%multiple_of3A_13, %dma_start3A_14] : memref<320000x16xf32, #tpu.memory_space<hbm>> -> memref<80x16xf32, #tpu.memory_space<hbm>>
    %dma_start3A_16 = arith.constant 0 : i32
    %dma_start3A_17 = tpu.memref_slice %arg2[%multiple_of3A_13, %dma_start3A_16] : memref<320000x16xf32, #tpu.memory_space<hbm>> -> memref<80x16xf32, #tpu.memory_space<hbm>>
    tpu.enqueue_dma source(%dma_start3A_17 : memref<80x16xf32, #tpu.memory_space<hbm>>) target(%arg9 : memref<80x16xf32, #tpu.memory_space<vmem>>) target_semaphore(%arg14 : memref<!tpu.dma_semaphore, #tpu.memory_space<semaphore_mem>>)
    %add3A_18 = arith.constant 160 : i32
    %add3A_19 = arith.addi %mul3A_2, %add3A_18 : i32
    %multiple_of3A_20 = tpu.assume_multiple %add3A_19, 80 : i32
    %dma_start3A_21 = arith.constant 0 : i32
    %dma_start3A_22 = tpu.memref_slice %arg2[%multiple_of3A_20, %dma_start3A_21] : memref<320000x16xf32, #tpu.memory_space<hbm>> -> memref<80x16xf32, #tpu.memory_space<hbm>>
    %dma_start3A_23 = arith.constant 0 : i32
    %dma_start3A_24 = tpu.memref_slice %arg2[%multiple_of3A_20, %dma_start3A_23] : memref<320000x16xf32, #tpu.memory_space<hbm>> -> memref<80x16xf32, #tpu.memory_space<hbm>>
    tpu.enqueue_dma source(%dma_start3A_24 : memref<80x16xf32, #tpu.memory_space<hbm>>) target(%arg10 : memref<80x16xf32, #tpu.memory_space<vmem>>) target_semaphore(%arg15 : memref<!tpu.dma_semaphore, #tpu.memory_space<semaphore_mem>>)
    %add3A_25 = arith.constant 240 : i32
    %add3A_26 = arith.addi %mul3A_2, %add3A_25 : i32
    %multiple_of3A_27 = tpu.assume_multiple %add3A_26, 80 : i32
    %dma_start3A_28 = arith.constant 0 : i32
    %dma_start3A_29 = tpu.memref_slice %arg2[%multiple_of3A_27, %dma_start3A_28] : memref<320000x16xf32, #tpu.memory_space<hbm>> -> memref<80x16xf32, #tpu.memory_space<hbm>>
    %dma_start3A_30 = arith.constant 0 : i32
    %dma_start3A_31 = tpu.memref_slice %arg2[%multiple_of3A_27, %dma_start3A_30] : memref<320000x16xf32, #tpu.memory_space<hbm>> -> memref<80x16xf32, #tpu.memory_space<hbm>>
    tpu.enqueue_dma source(%dma_start3A_31 : memref<80x16xf32, #tpu.memory_space<hbm>>) target(%arg11 : memref<80x16xf32, #tpu.memory_space<vmem>>) target_semaphore(%arg16 : memref<!tpu.dma_semaphore, #tpu.memory_space<semaphore_mem>>)
    %add3A_32 = arith.constant 320 : i32
    %add3A_33 = arith.addi %mul3A_2, %add3A_32 : i32
    %multiple_of3A_34 = tpu.assume_multiple %add3A_33, 80 : i32
    %dma_start3A_35 = arith.constant 0 : i32
    %dma_start3A_36 = tpu.memref_slice %arg2[%multiple_of3A_34, %dma_start3A_35] : memref<320000x16xf32, #tpu.memory_space<hbm>> -> memref<80x16xf32, #tpu.memory_space<hbm>>
    %dma_start3A_37 = arith.constant 0 : i32
    %dma_start3A_38 = tpu.memref_slice %arg2[%multiple_of3A_34, %dma_start3A_37] : memref<320000x16xf32, #tpu.memory_space<hbm>> -> memref<80x16xf32, #tpu.memory_space<hbm>>
    tpu.enqueue_dma source(%dma_start3A_38 : memref<80x16xf32, #tpu.memory_space<hbm>>) target(%arg12 : memref<80x16xf32, #tpu.memory_space<vmem>>) target_semaphore(%arg17 : memref<!tpu.dma_semaphore, #tpu.memory_space<semaphore_mem>>)
    %scan3A = arith.constant 0 : i32
    %scan3A_39 = arith.constant 0 : i32
    %scan3A_40 = arith.constant 24 : i32
    %scan3A_41 = arith.addi %scan3A_39, %scan3A_40 : i32
    %scan3A_42 = arith.constant 1 : i32
    %scan3A_43 = scf.for %scan3A_145 = %scan3A_39 to %scan3A_41 step %scan3A_42 iter_args(%scan3A_146 = %scan3A) -> (i32)  : i32 {
      %mul3A_147 = arith.constant 5 : i32
      %mul3A_148 = arith.muli %scan3A_145, %mul3A_147 : i32
      %add3A_149 = arith.constant 0 : i32
      %add3A_150 = arith.addi %mul3A_148, %add3A_149 : i32
      %dma_wait3A_151 = arith.constant 0 : i32
      %dma_wait3A_152 = arith.constant 0 : i32
      %dma_wait3A_153 = tpu.memref_slice %arg2[%dma_wait3A_151, %dma_wait3A_152] : memref<320000x16xf32, #tpu.memory_space<hbm>> -> memref<80x16xf32, #tpu.memory_space<hbm>>
      %dma_wait3A_154 = arith.constant 0 : i32
      %dma_wait3A_155 = arith.constant 0 : i32
      %dma_wait3A_156 = tpu.memref_slice %arg2[%dma_wait3A_154, %dma_wait3A_155] : memref<320000x16xf32, #tpu.memory_space<hbm>> -> memref<80x16xf32, #tpu.memory_space<hbm>>
      tpu.wait_dma2 semaphore(%arg13 : memref<!tpu.dma_semaphore, #tpu.memory_space<semaphore_mem>>) src(%dma_wait3A_156 : memref<80x16xf32, #tpu.memory_space<hbm>>) dst(%arg8 : memref<80x16xf32, #tpu.memory_space<vmem>>)
      %dma_start3A_157 = arith.constant 0 : i32
      %dma_start3A_158 = tpu.memref_slice %arg6[%add3A_150, %dma_start3A_157] : memref<125x80xi32, #tpu.memory_space<vmem>> -> memref<1x80xi32, #tpu.memory_space<vmem>>
      %dma_start3A_159 = tpu.memref_squeeze %dma_start3A_158 : memref<1x80xi32, #tpu.memory_space<vmem>> -> memref<80xi32, #tpu.memory_space<vmem>>
      %dma_start3A_160 = arith.constant 0 : i32
      %dma_start3A_161 = arith.constant 0 : i32
      %dma_start3A_162 = tpu.memref_slice %arg7[%dma_start3A_160, %dma_start3A_161] : memref<20480x16xf32, #tpu.memory_space<vmem_shared>> -> memref<20480x16xf32, #tpu.memory_space<vmem_shared>>
      tpu.enqueue_indirect_dma source(%arg8 : memref<80x16xf32, #tpu.memory_space<vmem>>) target(%dma_start3A_162 : memref<20480x16xf32, #tpu.memory_space<vmem_shared>>) offsets(%dma_start3A_159 : memref<80xi32, #tpu.memory_space<vmem>>) semaphore(%arg18 : memref<!tpu.dma_semaphore, #tpu.memory_space<semaphore_mem>>) {add = true}
      %dma_wait3A_163 = arith.constant 0 : i32
      %dma_wait3A_164 = arith.constant 0 : i32
      %dma_wait3A_165 = tpu.memref_slice %arg6[%dma_wait3A_163, %dma_wait3A_164] : memref<125x80xi32, #tpu.memory_space<vmem>> -> memref<1x80xi32, #tpu.memory_space<vmem>>
      %dma_wait3A_166 = tpu.memref_squeeze %dma_wait3A_165 : memref<1x80xi32, #tpu.memory_space<vmem>> -> memref<80xi32, #tpu.memory_space<vmem>>
      %dma_wait3A_167 = arith.constant 0 : i32
      %dma_wait3A_168 = arith.constant 0 : i32
      %dma_wait3A_169 = tpu.memref_slice %arg7[%dma_wait3A_167, %dma_wait3A_168] : memref<20480x16xf32, #tpu.memory_space<vmem_shared>> -> memref<20480x16xf32, #tpu.memory_space<vmem_shared>>
      tpu.wait_indirect_dma semaphore(%arg18 : memref<!tpu.dma_semaphore, #tpu.memory_space<semaphore_mem>>) src(%arg8 : memref<80x16xf32, #tpu.memory_space<vmem>>) dst(%dma_wait3A_169 : memref<20480x16xf32, #tpu.memory_space<vmem_shared>>)
      %add3A_170 = arith.constant 5 : i32
      %add3A_171 = arith.addi %add3A_150, %add3A_170 : i32
      %mul3A_172 = arith.constant 80 : i32
      %mul3A_173 = arith.muli %add3A_171, %mul3A_172 : i32
      %add3A_174 = arith.addi %mul3A_2, %mul3A_173 : i32
      %multiple_of3A_175 = tpu.assume_multiple %add3A_174, 80 : i32
      %dma_start3A_176 = arith.constant 0 : i32
      %dma_start3A_177 = tpu.memref_slice %arg2[%multiple_of3A_175, %dma_start3A_176] : memref<320000x16xf32, #tpu.memory_space<hbm>> -> memref<80x16xf32, #tpu.memory_space<hbm>>
      %dma_start3A_178 = arith.constant 0 : i32
      %dma_start3A_179 = tpu.memref_slice %arg2[%multiple_of3A_175, %dma_start3A_178] : memref<320000x16xf32, #tpu.memory_space<hbm>> -> memref<80x16xf32, #tpu.memory_space<hbm>>
      tpu.enqueue_dma source(%dma_start3A_179 : memref<80x16xf32, #tpu.memory_space<hbm>>) target(%arg8 : memref<80x16xf32, #tpu.memory_space<vmem>>) target_semaphore(%arg13 : memref<!tpu.dma_semaphore, #tpu.memory_space<semaphore_mem>>)
      %mul3A_180 = arith.constant 5 : i32
      %mul3A_181 = arith.muli %scan3A_145, %mul3A_180 : i32
      %add3A_182 = arith.constant 1 : i32
      %add3A_183 = arith.addi %mul3A_181, %add3A_182 : i32
      %dma_wait3A_184 = arith.constant 0 : i32
      %dma_wait3A_185 = arith.constant 0 : i32
      %dma_wait3A_186 = tpu.memref_slice %arg2[%dma_wait3A_184, %dma_wait3A_185] : memref<320000x16xf32, #tpu.memory_space<hbm>> -> memref<80x16xf32, #tpu.memory_space<hbm>>
      %dma_wait3A_187 = arith.constant 0 : i32
      %dma_wait3A_188 = arith.constant 0 : i32
      %dma_wait3A_189 = tpu.memref_slice %arg2[%dma_wait3A_187, %dma_wait3A_188] : memref<320000x16xf32, #tpu.memory_space<hbm>> -> memref<80x16xf32, #tpu.memory_space<hbm>>
      tpu.wait_dma2 semaphore(%arg14 : memref<!tpu.dma_semaphore, #tpu.memory_space<semaphore_mem>>) src(%dma_wait3A_189 : memref<80x16xf32, #tpu.memory_space<hbm>>) dst(%arg9 : memref<80x16xf32, #tpu.memory_space<vmem>>)
      %dma_start3A_190 = arith.constant 0 : i32
      %dma_start3A_191 = tpu.memref_slice %arg6[%add3A_183, %dma_start3A_190] : memref<125x80xi32, #tpu.memory_space<vmem>> -> memref<1x80xi32, #tpu.memory_space<vmem>>
      %dma_start3A_192 = tpu.memref_squeeze %dma_start3A_191 : memref<1x80xi32, #tpu.memory_space<vmem>> -> memref<80xi32, #tpu.memory_space<vmem>>
      %dma_start3A_193 = arith.constant 0 : i32
      %dma_start3A_194 = arith.constant 0 : i32
      %dma_start3A_195 = tpu.memref_slice %arg7[%dma_start3A_193, %dma_start3A_194] : memref<20480x16xf32, #tpu.memory_space<vmem_shared>> -> memref<20480x16xf32, #tpu.memory_space<vmem_shared>>
      tpu.enqueue_indirect_dma source(%arg9 : memref<80x16xf32, #tpu.memory_space<vmem>>) target(%dma_start3A_195 : memref<20480x16xf32, #tpu.memory_space<vmem_shared>>) offsets(%dma_start3A_192 : memref<80xi32, #tpu.memory_space<vmem>>) semaphore(%arg19 : memref<!tpu.dma_semaphore, #tpu.memory_space<semaphore_mem>>) {add = true}
      %dma_wait3A_196 = arith.constant 0 : i32
      %dma_wait3A_197 = arith.constant 0 : i32
      %dma_wait3A_198 = tpu.memref_slice %arg6[%dma_wait3A_196, %dma_wait3A_197] : memref<125x80xi32, #tpu.memory_space<vmem>> -> memref<1x80xi32, #tpu.memory_space<vmem>>
      %dma_wait3A_199 = tpu.memref_squeeze %dma_wait3A_198 : memref<1x80xi32, #tpu.memory_space<vmem>> -> memref<80xi32, #tpu.memory_space<vmem>>
      %dma_wait3A_200 = arith.constant 0 : i32
      %dma_wait3A_201 = arith.constant 0 : i32
      %dma_wait3A_202 = tpu.memref_slice %arg7[%dma_wait3A_200, %dma_wait3A_201] : memref<20480x16xf32, #tpu.memory_space<vmem_shared>> -> memref<20480x16xf32, #tpu.memory_space<vmem_shared>>
      tpu.wait_indirect_dma semaphore(%arg19 : memref<!tpu.dma_semaphore, #tpu.memory_space<semaphore_mem>>) src(%arg9 : memref<80x16xf32, #tpu.memory_space<vmem>>) dst(%dma_wait3A_202 : memref<20480x16xf32, #tpu.memory_space<vmem_shared>>)
      %add3A_203 = arith.constant 5 : i32
      %add3A_204 = arith.addi %add3A_183, %add3A_203 : i32
      %mul3A_205 = arith.constant 80 : i32
      %mul3A_206 = arith.muli %add3A_204, %mul3A_205 : i32
      %add3A_207 = arith.addi %mul3A_2, %mul3A_206 : i32
      %multiple_of3A_208 = tpu.assume_multiple %add3A_207, 80 : i32
      %dma_start3A_209 = arith.constant 0 : i32
      %dma_start3A_210 = tpu.memref_slice %arg2[%multiple_of3A_208, %dma_start3A_209] : memref<320000x16xf32, #tpu.memory_space<hbm>> -> memref<80x16xf32, #tpu.memory_space<hbm>>
      %dma_start3A_211 = arith.constant 0 : i32
      %dma_start3A_212 = tpu.memref_slice %arg2[%multiple_of3A_208, %dma_start3A_211] : memref<320000x16xf32, #tpu.memory_space<hbm>> -> memref<80x16xf32, #tpu.memory_space<hbm>>
      tpu.enqueue_dma source(%dma_start3A_212 : memref<80x16xf32, #tpu.memory_space<hbm>>) target(%arg9 : memref<80x16xf32, #tpu.memory_space<vmem>>) target_semaphore(%arg14 : memref<!tpu.dma_semaphore, #tpu.memory_space<semaphore_mem>>)
      %mul3A_213 = arith.constant 5 : i32
      %mul3A_214 = arith.muli %scan3A_145, %mul3A_213 : i32
      %add3A_215 = arith.constant 2 : i32
      %add3A_216 = arith.addi %mul3A_214, %add3A_215 : i32
      %dma_wait3A_217 = arith.constant 0 : i32
      %dma_wait3A_218 = arith.constant 0 : i32
      %dma_wait3A_219 = tpu.memref_slice %arg2[%dma_wait3A_217, %dma_wait3A_218] : memref<320000x16xf32, #tpu.memory_space<hbm>> -> memref<80x16xf32, #tpu.memory_space<hbm>>
      %dma_wait3A_220 = arith.constant 0 : i32
      %dma_wait3A_221 = arith.constant 0 : i32
      %dma_wait3A_222 = tpu.memref_slice %arg2[%dma_wait3A_220, %dma_wait3A_221] : memref<320000x16xf32, #tpu.memory_space<hbm>> -> memref<80x16xf32, #tpu.memory_space<hbm>>
      tpu.wait_dma2 semaphore(%arg15 : memref<!tpu.dma_semaphore, #tpu.memory_space<semaphore_mem>>) src(%dma_wait3A_222 : memref<80x16xf32, #tpu.memory_space<hbm>>) dst(%arg10 : memref<80x16xf32, #tpu.memory_space<vmem>>)
      %dma_start3A_223 = arith.constant 0 : i32
      %dma_start3A_224 = tpu.memref_slice %arg6[%add3A_216, %dma_start3A_223] : memref<125x80xi32, #tpu.memory_space<vmem>> -> memref<1x80xi32, #tpu.memory_space<vmem>>
      %dma_start3A_225 = tpu.memref_squeeze %dma_start3A_224 : memref<1x80xi32, #tpu.memory_space<vmem>> -> memref<80xi32, #tpu.memory_space<vmem>>
      %dma_start3A_226 = arith.constant 0 : i32
      %dma_start3A_227 = arith.constant 0 : i32
      %dma_start3A_228 = tpu.memref_slice %arg7[%dma_start3A_226, %dma_start3A_227] : memref<20480x16xf32, #tpu.memory_space<vmem_shared>> -> memref<20480x16xf32, #tpu.memory_space<vmem_shared>>
      tpu.enqueue_indirect_dma source(%arg10 : memref<80x16xf32, #tpu.memory_space<vmem>>) target(%dma_start3A_228 : memref<20480x16xf32, #tpu.memory_space<vmem_shared>>) offsets(%dma_start3A_225 : memref<80xi32, #tpu.memory_space<vmem>>) semaphore(%arg20 : memref<!tpu.dma_semaphore, #tpu.memory_space<semaphore_mem>>) {add = true}
      %dma_wait3A_229 = arith.constant 0 : i32
      %dma_wait3A_230 = arith.constant 0 : i32
      %dma_wait3A_231 = tpu.memref_slice %arg6[%dma_wait3A_229, %dma_wait3A_230] : memref<125x80xi32, #tpu.memory_space<vmem>> -> memref<1x80xi32, #tpu.memory_space<vmem>>
      %dma_wait3A_232 = tpu.memref_squeeze %dma_wait3A_231 : memref<1x80xi32, #tpu.memory_space<vmem>> -> memref<80xi32, #tpu.memory_space<vmem>>
      %dma_wait3A_233 = arith.constant 0 : i32
      %dma_wait3A_234 = arith.constant 0 : i32
      %dma_wait3A_235 = tpu.memref_slice %arg7[%dma_wait3A_233, %dma_wait3A_234] : memref<20480x16xf32, #tpu.memory_space<vmem_shared>> -> memref<20480x16xf32, #tpu.memory_space<vmem_shared>>
      tpu.wait_indirect_dma semaphore(%arg20 : memref<!tpu.dma_semaphore, #tpu.memory_space<semaphore_mem>>) src(%arg10 : memref<80x16xf32, #tpu.memory_space<vmem>>) dst(%dma_wait3A_235 : memref<20480x16xf32, #tpu.memory_space<vmem_shared>>)
      %add3A_236 = arith.constant 5 : i32
      %add3A_237 = arith.addi %add3A_216, %add3A_236 : i32
      %mul3A_238 = arith.constant 80 : i32
      %mul3A_239 = arith.muli %add3A_237, %mul3A_238 : i32
      %add3A_240 = arith.addi %mul3A_2, %mul3A_239 : i32
      %multiple_of3A_241 = tpu.assume_multiple %add3A_240, 80 : i32
      %dma_start3A_242 = arith.constant 0 : i32
      %dma_start3A_243 = tpu.memref_slice %arg2[%multiple_of3A_241, %dma_start3A_242] : memref<320000x16xf32, #tpu.memory_space<hbm>> -> memref<80x16xf32, #tpu.memory_space<hbm>>
      %dma_start3A_244 = arith.constant 0 : i32
      %dma_start3A_245 = tpu.memref_slice %arg2[%multiple_of3A_241, %dma_start3A_244] : memref<320000x16xf32, #tpu.memory_space<hbm>> -> memref<80x16xf32, #tpu.memory_space<hbm>>
      tpu.enqueue_dma source(%dma_start3A_245 : memref<80x16xf32, #tpu.memory_space<hbm>>) target(%arg10 : memref<80x16xf32, #tpu.memory_space<vmem>>) target_semaphore(%arg15 : memref<!tpu.dma_semaphore, #tpu.memory_space<semaphore_mem>>)
      %mul3A_246 = arith.constant 5 : i32
      %mul3A_247 = arith.muli %scan3A_145, %mul3A_246 : i32
      %add3A_248 = arith.constant 3 : i32
      %add3A_249 = arith.addi %mul3A_247, %add3A_248 : i32
      %dma_wait3A_250 = arith.constant 0 : i32
      %dma_wait3A_251 = arith.constant 0 : i32
      %dma_wait3A_252 = tpu.memref_slice %arg2[%dma_wait3A_250, %dma_wait3A_251] : memref<320000x16xf32, #tpu.memory_space<hbm>> -> memref<80x16xf32, #tpu.memory_space<hbm>>
      %dma_wait3A_253 = arith.constant 0 : i32
      %dma_wait3A_254 = arith.constant 0 : i32
      %dma_wait3A_255 = tpu.memref_slice %arg2[%dma_wait3A_253, %dma_wait3A_254] : memref<320000x16xf32, #tpu.memory_space<hbm>> -> memref<80x16xf32, #tpu.memory_space<hbm>>
      tpu.wait_dma2 semaphore(%arg16 : memref<!tpu.dma_semaphore, #tpu.memory_space<semaphore_mem>>) src(%dma_wait3A_255 : memref<80x16xf32, #tpu.memory_space<hbm>>) dst(%arg11 : memref<80x16xf32, #tpu.memory_space<vmem>>)
      %dma_start3A_256 = arith.constant 0 : i32
      %dma_start3A_257 = tpu.memref_slice %arg6[%add3A_249, %dma_start3A_256] : memref<125x80xi32, #tpu.memory_space<vmem>> -> memref<1x80xi32, #tpu.memory_space<vmem>>
      %dma_start3A_258 = tpu.memref_squeeze %dma_start3A_257 : memref<1x80xi32, #tpu.memory_space<vmem>> -> memref<80xi32, #tpu.memory_space<vmem>>
      %dma_start3A_259 = arith.constant 0 : i32
      %dma_start3A_260 = arith.constant 0 : i32
      %dma_start3A_261 = tpu.memref_slice %arg7[%dma_start3A_259, %dma_start3A_260] : memref<20480x16xf32, #tpu.memory_space<vmem_shared>> -> memref<20480x16xf32, #tpu.memory_space<vmem_shared>>
      tpu.enqueue_indirect_dma source(%arg11 : memref<80x16xf32, #tpu.memory_space<vmem>>) target(%dma_start3A_261 : memref<20480x16xf32, #tpu.memory_space<vmem_shared>>) offsets(%dma_start3A_258 : memref<80xi32, #tpu.memory_space<vmem>>) semaphore(%arg21 : memref<!tpu.dma_semaphore, #tpu.memory_space<semaphore_mem>>) {add = true}
      %dma_wait3A_262 = arith.constant 0 : i32
      %dma_wait3A_263 = arith.constant 0 : i32
      %dma_wait3A_264 = tpu.memref_slice %arg6[%dma_wait3A_262, %dma_wait3A_263] : memref<125x80xi32, #tpu.memory_space<vmem>> -> memref<1x80xi32, #tpu.memory_space<vmem>>
      %dma_wait3A_265 = tpu.memref_squeeze %dma_wait3A_264 : memref<1x80xi32, #tpu.memory_space<vmem>> -> memref<80xi32, #tpu.memory_space<vmem>>
      %dma_wait3A_266 = arith.constant 0 : i32
      %dma_wait3A_267 = arith.constant 0 : i32
      %dma_wait3A_268 = tpu.memref_slice %arg7[%dma_wait3A_266, %dma_wait3A_267] : memref<20480x16xf32, #tpu.memory_space<vmem_shared>> -> memref<20480x16xf32, #tpu.memory_space<vmem_shared>>
      tpu.wait_indirect_dma semaphore(%arg21 : memref<!tpu.dma_semaphore, #tpu.memory_space<semaphore_mem>>) src(%arg11 : memref<80x16xf32, #tpu.memory_space<vmem>>) dst(%dma_wait3A_268 : memref<20480x16xf32, #tpu.memory_space<vmem_shared>>)
      %add3A_269 = arith.constant 5 : i32
      %add3A_270 = arith.addi %add3A_249, %add3A_269 : i32
      %mul3A_271 = arith.constant 80 : i32
      %mul3A_272 = arith.muli %add3A_270, %mul3A_271 : i32
      %add3A_273 = arith.addi %mul3A_2, %mul3A_272 : i32
      %multiple_of3A_274 = tpu.assume_multiple %add3A_273, 80 : i32
      %dma_start3A_275 = arith.constant 0 : i32
      %dma_start3A_276 = tpu.memref_slice %arg2[%multiple_of3A_274, %dma_start3A_275] : memref<320000x16xf32, #tpu.memory_space<hbm>> -> memref<80x16xf32, #tpu.memory_space<hbm>>
      %dma_start3A_277 = arith.constant 0 : i32
      %dma_start3A_278 = tpu.memref_slice %arg2[%multiple_of3A_274, %dma_start3A_277] : memref<320000x16xf32, #tpu.memory_space<hbm>> -> memref<80x16xf32, #tpu.memory_space<hbm>>
      tpu.enqueue_dma source(%dma_start3A_278 : memref<80x16xf32, #tpu.memory_space<hbm>>) target(%arg11 : memref<80x16xf32, #tpu.memory_space<vmem>>) target_semaphore(%arg16 : memref<!tpu.dma_semaphore, #tpu.memory_space<semaphore_mem>>)
      %mul3A_279 = arith.constant 5 : i32
      %mul3A_280 = arith.muli %scan3A_145, %mul3A_279 : i32
      %add3A_281 = arith.constant 4 : i32
      %add3A_282 = arith.addi %mul3A_280, %add3A_281 : i32
      %dma_wait3A_283 = arith.constant 0 : i32
      %dma_wait3A_284 = arith.constant 0 : i32
      %dma_wait3A_285 = tpu.memref_slice %arg2[%dma_wait3A_283, %dma_wait3A_284] : memref<320000x16xf32, #tpu.memory_space<hbm>> -> memref<80x16xf32, #tpu.memory_space<hbm>>
      %dma_wait3A_286 = arith.constant 0 : i32
      %dma_wait3A_287 = arith.constant 0 : i32
      %dma_wait3A_288 = tpu.memref_slice %arg2[%dma_wait3A_286, %dma_wait3A_287] : memref<320000x16xf32, #tpu.memory_space<hbm>> -> memref<80x16xf32, #tpu.memory_space<hbm>>
      tpu.wait_dma2 semaphore(%arg17 : memref<!tpu.dma_semaphore, #tpu.memory_space<semaphore_mem>>) src(%dma_wait3A_288 : memref<80x16xf32, #tpu.memory_space<hbm>>) dst(%arg12 : memref<80x16xf32, #tpu.memory_space<vmem>>)
      %dma_start3A_289 = arith.constant 0 : i32
      %dma_start3A_290 = tpu.memref_slice %arg6[%add3A_282, %dma_start3A_289] : memref<125x80xi32, #tpu.memory_space<vmem>> -> memref<1x80xi32, #tpu.memory_space<vmem>>
      %dma_start3A_291 = tpu.memref_squeeze %dma_start3A_290 : memref<1x80xi32, #tpu.memory_space<vmem>> -> memref<80xi32, #tpu.memory_space<vmem>>
      %dma_start3A_292 = arith.constant 0 : i32
      %dma_start3A_293 = arith.constant 0 : i32
      %dma_start3A_294 = tpu.memref_slice %arg7[%dma_start3A_292, %dma_start3A_293] : memref<20480x16xf32, #tpu.memory_space<vmem_shared>> -> memref<20480x16xf32, #tpu.memory_space<vmem_shared>>
      tpu.enqueue_indirect_dma source(%arg12 : memref<80x16xf32, #tpu.memory_space<vmem>>) target(%dma_start3A_294 : memref<20480x16xf32, #tpu.memory_space<vmem_shared>>) offsets(%dma_start3A_291 : memref<80xi32, #tpu.memory_space<vmem>>) semaphore(%arg22 : memref<!tpu.dma_semaphore, #tpu.memory_space<semaphore_mem>>) {add = true}
      %dma_wait3A_295 = arith.constant 0 : i32
      %dma_wait3A_296 = arith.constant 0 : i32
      %dma_wait3A_297 = tpu.memref_slice %arg6[%dma_wait3A_295, %dma_wait3A_296] : memref<125x80xi32, #tpu.memory_space<vmem>> -> memref<1x80xi32, #tpu.memory_space<vmem>>
      %dma_wait3A_298 = tpu.memref_squeeze %dma_wait3A_297 : memref<1x80xi32, #tpu.memory_space<vmem>> -> memref<80xi32, #tpu.memory_space<vmem>>
      %dma_wait3A_299 = arith.constant 0 : i32
      %dma_wait3A_300 = arith.constant 0 : i32
      %dma_wait3A_301 = tpu.memref_slice %arg7[%dma_wait3A_299, %dma_wait3A_300] : memref<20480x16xf32, #tpu.memory_space<vmem_shared>> -> memref<20480x16xf32, #tpu.memory_space<vmem_shared>>
      tpu.wait_indirect_dma semaphore(%arg22 : memref<!tpu.dma_semaphore, #tpu.memory_space<semaphore_mem>>) src(%arg12 : memref<80x16xf32, #tpu.memory_space<vmem>>) dst(%dma_wait3A_301 : memref<20480x16xf32, #tpu.memory_space<vmem_shared>>)
      %add3A_302 = arith.constant 5 : i32
      %add3A_303 = arith.addi %add3A_282, %add3A_302 : i32
      %mul3A_304 = arith.constant 80 : i32
      %mul3A_305 = arith.muli %add3A_303, %mul3A_304 : i32
      %add3A_306 = arith.addi %mul3A_2, %mul3A_305 : i32
      %multiple_of3A_307 = tpu.assume_multiple %add3A_306, 80 : i32
      %dma_start3A_308 = arith.constant 0 : i32
      %dma_start3A_309 = tpu.memref_slice %arg2[%multiple_of3A_307, %dma_start3A_308] : memref<320000x16xf32, #tpu.memory_space<hbm>> -> memref<80x16xf32, #tpu.memory_space<hbm>>
      %dma_start3A_310 = arith.constant 0 : i32
      %dma_start3A_311 = tpu.memref_slice %arg2[%multiple_of3A_307, %dma_start3A_310] : memref<320000x16xf32, #tpu.memory_space<hbm>> -> memref<80x16xf32, #tpu.memory_space<hbm>>
      tpu.enqueue_dma source(%dma_start3A_311 : memref<80x16xf32, #tpu.memory_space<hbm>>) target(%arg12 : memref<80x16xf32, #tpu.memory_space<vmem>>) target_semaphore(%arg17 : memref<!tpu.dma_semaphore, #tpu.memory_space<semaphore_mem>>)
      %scan3A_312 = arith.constant 0 : i32
      scf.yield %scan3A_312 : i32
    }
    %scan3A_44 = arith.constant 24 : i32
    %dma_wait3A = arith.constant 0 : i32
    %dma_wait3A_45 = arith.constant 0 : i32
    %dma_wait3A_46 = tpu.memref_slice %arg2[%dma_wait3A, %dma_wait3A_45] : memref<320000x16xf32, #tpu.memory_space<hbm>> -> memref<80x16xf32, #tpu.memory_space<hbm>>
    %dma_wait3A_47 = arith.constant 0 : i32
    %dma_wait3A_48 = arith.constant 0 : i32
    %dma_wait3A_49 = tpu.memref_slice %arg2[%dma_wait3A_47, %dma_wait3A_48] : memref<320000x16xf32, #tpu.memory_space<hbm>> -> memref<80x16xf32, #tpu.memory_space<hbm>>
    tpu.wait_dma2 semaphore(%arg13 : memref<!tpu.dma_semaphore, #tpu.memory_space<semaphore_mem>>) src(%dma_wait3A_49 : memref<80x16xf32, #tpu.memory_space<hbm>>) dst(%arg8 : memref<80x16xf32, #tpu.memory_space<vmem>>)
    %dma_start3A_50 = arith.constant 120 : i32
    %dma_start3A_51 = arith.constant 0 : i32
    %dma_start3A_52 = tpu.memref_slice %arg6[%dma_start3A_50, %dma_start3A_51] : memref<125x80xi32, #tpu.memory_space<vmem>> -> memref<1x80xi32, #tpu.memory_space<vmem>>
    %dma_start3A_53 = tpu.memref_squeeze %dma_start3A_52 : memref<1x80xi32, #tpu.memory_space<vmem>> -> memref<80xi32, #tpu.memory_space<vmem>>
    %dma_start3A_54 = arith.constant 0 : i32
    %dma_start3A_55 = arith.constant 0 : i32
    %dma_start3A_56 = tpu.memref_slice %arg7[%dma_start3A_54, %dma_start3A_55] : memref<20480x16xf32, #tpu.memory_space<vmem_shared>> -> memref<20480x16xf32, #tpu.memory_space<vmem_shared>>
    tpu.enqueue_indirect_dma source(%arg8 : memref<80x16xf32, #tpu.memory_space<vmem>>) target(%dma_start3A_56 : memref<20480x16xf32, #tpu.memory_space<vmem_shared>>) offsets(%dma_start3A_53 : memref<80xi32, #tpu.memory_space<vmem>>) semaphore(%arg18 : memref<!tpu.dma_semaphore, #tpu.memory_space<semaphore_mem>>) {add = true}
    %dma_wait3A_57 = arith.constant 0 : i32
    %dma_wait3A_58 = arith.constant 0 : i32
    %dma_wait3A_59 = tpu.memref_slice %arg6[%dma_wait3A_57, %dma_wait3A_58] : memref<125x80xi32, #tpu.memory_space<vmem>> -> memref<1x80xi32, #tpu.memory_space<vmem>>
    %dma_wait3A_60 = tpu.memref_squeeze %dma_wait3A_59 : memref<1x80xi32, #tpu.memory_space<vmem>> -> memref<80xi32, #tpu.memory_space<vmem>>
    %dma_wait3A_61 = arith.constant 0 : i32
    %dma_wait3A_62 = arith.constant 0 : i32
    %dma_wait3A_63 = tpu.memref_slice %arg7[%dma_wait3A_61, %dma_wait3A_62] : memref<20480x16xf32, #tpu.memory_space<vmem_shared>> -> memref<20480x16xf32, #tpu.memory_space<vmem_shared>>
    tpu.wait_indirect_dma semaphore(%arg18 : memref<!tpu.dma_semaphore, #tpu.memory_space<semaphore_mem>>) src(%arg8 : memref<80x16xf32, #tpu.memory_space<vmem>>) dst(%dma_wait3A_63 : memref<20480x16xf32, #tpu.memory_space<vmem_shared>>)
    %dma_wait3A_64 = arith.constant 0 : i32
    %dma_wait3A_65 = arith.constant 0 : i32
    %dma_wait3A_66 = tpu.memref_slice %arg2[%dma_wait3A_64, %dma_wait3A_65] : memref<320000x16xf32, #tpu.memory_space<hbm>> -> memref<80x16xf32, #tpu.memory_space<hbm>>
    %dma_wait3A_67 = arith.constant 0 : i32
    %dma_wait3A_68 = arith.constant 0 : i32
    %dma_wait3A_69 = tpu.memref_slice %arg2[%dma_wait3A_67, %dma_wait3A_68] : memref<320000x16xf32, #tpu.memory_space<hbm>> -> memref<80x16xf32, #tpu.memory_space<hbm>>
    tpu.wait_dma2 semaphore(%arg14 : memref<!tpu.dma_semaphore, #tpu.memory_space<semaphore_mem>>) src(%dma_wait3A_69 : memref<80x16xf32, #tpu.memory_space<hbm>>) dst(%arg9 : memref<80x16xf32, #tpu.memory_space<vmem>>)
    %dma_start3A_70 = arith.constant 121 : i32
    %dma_start3A_71 = arith.constant 0 : i32
    %dma_start3A_72 = tpu.memref_slice %arg6[%dma_start3A_70, %dma_start3A_71] : memref<125x80xi32, #tpu.memory_space<vmem>> -> memref<1x80xi32, #tpu.memory_space<vmem>>
    %dma_start3A_73 = tpu.memref_squeeze %dma_start3A_72 : memref<1x80xi32, #tpu.memory_space<vmem>> -> memref<80xi32, #tpu.memory_space<vmem>>
    %dma_start3A_74 = arith.constant 0 : i32
    %dma_start3A_75 = arith.constant 0 : i32
    %dma_start3A_76 = tpu.memref_slice %arg7[%dma_start3A_74, %dma_start3A_75] : memref<20480x16xf32, #tpu.memory_space<vmem_shared>> -> memref<20480x16xf32, #tpu.memory_space<vmem_shared>>
    tpu.enqueue_indirect_dma source(%arg9 : memref<80x16xf32, #tpu.memory_space<vmem>>) target(%dma_start3A_76 : memref<20480x16xf32, #tpu.memory_space<vmem_shared>>) offsets(%dma_start3A_73 : memref<80xi32, #tpu.memory_space<vmem>>) semaphore(%arg19 : memref<!tpu.dma_semaphore, #tpu.memory_space<semaphore_mem>>) {add = true}
    %dma_wait3A_77 = arith.constant 0 : i32
    %dma_wait3A_78 = arith.constant 0 : i32
    %dma_wait3A_79 = tpu.memref_slice %arg6[%dma_wait3A_77, %dma_wait3A_78] : memref<125x80xi32, #tpu.memory_space<vmem>> -> memref<1x80xi32, #tpu.memory_space<vmem>>
    %dma_wait3A_80 = tpu.memref_squeeze %dma_wait3A_79 : memref<1x80xi32, #tpu.memory_space<vmem>> -> memref<80xi32, #tpu.memory_space<vmem>>
    %dma_wait3A_81 = arith.constant 0 : i32
    %dma_wait3A_82 = arith.constant 0 : i32
    %dma_wait3A_83 = tpu.memref_slice %arg7[%dma_wait3A_81, %dma_wait3A_82] : memref<20480x16xf32, #tpu.memory_space<vmem_shared>> -> memref<20480x16xf32, #tpu.memory_space<vmem_shared>>
    tpu.wait_indirect_dma semaphore(%arg19 : memref<!tpu.dma_semaphore, #tpu.memory_space<semaphore_mem>>) src(%arg9 : memref<80x16xf32, #tpu.memory_space<vmem>>) dst(%dma_wait3A_83 : memref<20480x16xf32, #tpu.memory_space<vmem_shared>>)
    %dma_wait3A_84 = arith.constant 0 : i32
    %dma_wait3A_85 = arith.constant 0 : i32
    %dma_wait3A_86 = tpu.memref_slice %arg2[%dma_wait3A_84, %dma_wait3A_85] : memref<320000x16xf32, #tpu.memory_space<hbm>> -> memref<80x16xf32, #tpu.memory_space<hbm>>
    %dma_wait3A_87 = arith.constant 0 : i32
    %dma_wait3A_88 = arith.constant 0 : i32
    %dma_wait3A_89 = tpu.memref_slice %arg2[%dma_wait3A_87, %dma_wait3A_88] : memref<320000x16xf32, #tpu.memory_space<hbm>> -> memref<80x16xf32, #tpu.memory_space<hbm>>
    tpu.wait_dma2 semaphore(%arg15 : memref<!tpu.dma_semaphore, #tpu.memory_space<semaphore_mem>>) src(%dma_wait3A_89 : memref<80x16xf32, #tpu.memory_space<hbm>>) dst(%arg10 : memref<80x16xf32, #tpu.memory_space<vmem>>)
    %dma_start3A_90 = arith.constant 122 : i32
    %dma_start3A_91 = arith.constant 0 : i32
    %dma_start3A_92 = tpu.memref_slice %arg6[%dma_start3A_90, %dma_start3A_91] : memref<125x80xi32, #tpu.memory_space<vmem>> -> memref<1x80xi32, #tpu.memory_space<vmem>>
    %dma_start3A_93 = tpu.memref_squeeze %dma_start3A_92 : memref<1x80xi32, #tpu.memory_space<vmem>> -> memref<80xi32, #tpu.memory_space<vmem>>
    %dma_start3A_94 = arith.constant 0 : i32
    %dma_start3A_95 = arith.constant 0 : i32
    %dma_start3A_96 = tpu.memref_slice %arg7[%dma_start3A_94, %dma_start3A_95] : memref<20480x16xf32, #tpu.memory_space<vmem_shared>> -> memref<20480x16xf32, #tpu.memory_space<vmem_shared>>
    tpu.enqueue_indirect_dma source(%arg10 : memref<80x16xf32, #tpu.memory_space<vmem>>) target(%dma_start3A_96 : memref<20480x16xf32, #tpu.memory_space<vmem_shared>>) offsets(%dma_start3A_93 : memref<80xi32, #tpu.memory_space<vmem>>) semaphore(%arg20 : memref<!tpu.dma_semaphore, #tpu.memory_space<semaphore_mem>>) {add = true}
    %dma_wait3A_97 = arith.constant 0 : i32
    %dma_wait3A_98 = arith.constant 0 : i32
    %dma_wait3A_99 = tpu.memref_slice %arg6[%dma_wait3A_97, %dma_wait3A_98] : memref<125x80xi32, #tpu.memory_space<vmem>> -> memref<1x80xi32, #tpu.memory_space<vmem>>
    %dma_wait3A_100 = tpu.memref_squeeze %dma_wait3A_99 : memref<1x80xi32, #tpu.memory_space<vmem>> -> memref<80xi32, #tpu.memory_space<vmem>>
    %dma_wait3A_101 = arith.constant 0 : i32
    %dma_wait3A_102 = arith.constant 0 : i32
    %dma_wait3A_103 = tpu.memref_slice %arg7[%dma_wait3A_101, %dma_wait3A_102] : memref<20480x16xf32, #tpu.memory_space<vmem_shared>> -> memref<20480x16xf32, #tpu.memory_space<vmem_shared>>
    tpu.wait_indirect_dma semaphore(%arg20 : memref<!tpu.dma_semaphore, #tpu.memory_space<semaphore_mem>>) src(%arg10 : memref<80x16xf32, #tpu.memory_space<vmem>>) dst(%dma_wait3A_103 : memref<20480x16xf32, #tpu.memory_space<vmem_shared>>)
    %dma_wait3A_104 = arith.constant 0 : i32
    %dma_wait3A_105 = arith.constant 0 : i32
    %dma_wait3A_106 = tpu.memref_slice %arg2[%dma_wait3A_104, %dma_wait3A_105] : memref<320000x16xf32, #tpu.memory_space<hbm>> -> memref<80x16xf32, #tpu.memory_space<hbm>>
    %dma_wait3A_107 = arith.constant 0 : i32
    %dma_wait3A_108 = arith.constant 0 : i32
    %dma_wait3A_109 = tpu.memref_slice %arg2[%dma_wait3A_107, %dma_wait3A_108] : memref<320000x16xf32, #tpu.memory_space<hbm>> -> memref<80x16xf32, #tpu.memory_space<hbm>>
    tpu.wait_dma2 semaphore(%arg16 : memref<!tpu.dma_semaphore, #tpu.memory_space<semaphore_mem>>) src(%dma_wait3A_109 : memref<80x16xf32, #tpu.memory_space<hbm>>) dst(%arg11 : memref<80x16xf32, #tpu.memory_space<vmem>>)
    %dma_start3A_110 = arith.constant 123 : i32
    %dma_start3A_111 = arith.constant 0 : i32
    %dma_start3A_112 = tpu.memref_slice %arg6[%dma_start3A_110, %dma_start3A_111] : memref<125x80xi32, #tpu.memory_space<vmem>> -> memref<1x80xi32, #tpu.memory_space<vmem>>
    %dma_start3A_113 = tpu.memref_squeeze %dma_start3A_112 : memref<1x80xi32, #tpu.memory_space<vmem>> -> memref<80xi32, #tpu.memory_space<vmem>>
    %dma_start3A_114 = arith.constant 0 : i32
    %dma_start3A_115 = arith.constant 0 : i32
    %dma_start3A_116 = tpu.memref_slice %arg7[%dma_start3A_114, %dma_start3A_115] : memref<20480x16xf32, #tpu.memory_space<vmem_shared>> -> memref<20480x16xf32, #tpu.memory_space<vmem_shared>>
    tpu.enqueue_indirect_dma source(%arg11 : memref<80x16xf32, #tpu.memory_space<vmem>>) target(%dma_start3A_116 : memref<20480x16xf32, #tpu.memory_space<vmem_shared>>) offsets(%dma_start3A_113 : memref<80xi32, #tpu.memory_space<vmem>>) semaphore(%arg21 : memref<!tpu.dma_semaphore, #tpu.memory_space<semaphore_mem>>) {add = true}
    %dma_wait3A_117 = arith.constant 0 : i32
    %dma_wait3A_118 = arith.constant 0 : i32
    %dma_wait3A_119 = tpu.memref_slice %arg6[%dma_wait3A_117, %dma_wait3A_118] : memref<125x80xi32, #tpu.memory_space<vmem>> -> memref<1x80xi32, #tpu.memory_space<vmem>>
    %dma_wait3A_120 = tpu.memref_squeeze %dma_wait3A_119 : memref<1x80xi32, #tpu.memory_space<vmem>> -> memref<80xi32, #tpu.memory_space<vmem>>
    %dma_wait3A_121 = arith.constant 0 : i32
    %dma_wait3A_122 = arith.constant 0 : i32
    %dma_wait3A_123 = tpu.memref_slice %arg7[%dma_wait3A_121, %dma_wait3A_122] : memref<20480x16xf32, #tpu.memory_space<vmem_shared>> -> memref<20480x16xf32, #tpu.memory_space<vmem_shared>>
    tpu.wait_indirect_dma semaphore(%arg21 : memref<!tpu.dma_semaphore, #tpu.memory_space<semaphore_mem>>) src(%arg11 : memref<80x16xf32, #tpu.memory_space<vmem>>) dst(%dma_wait3A_123 : memref<20480x16xf32, #tpu.memory_space<vmem_shared>>)
    %dma_wait3A_124 = arith.constant 0 : i32
    %dma_wait3A_125 = arith.constant 0 : i32
    %dma_wait3A_126 = tpu.memref_slice %arg2[%dma_wait3A_124, %dma_wait3A_125] : memref<320000x16xf32, #tpu.memory_space<hbm>> -> memref<80x16xf32, #tpu.memory_space<hbm>>
    %dma_wait3A_127 = arith.constant 0 : i32
    %dma_wait3A_128 = arith.constant 0 : i32
    %dma_wait3A_129 = tpu.memref_slice %arg2[%dma_wait3A_127, %dma_wait3A_128] : memref<320000x16xf32, #tpu.memory_space<hbm>> -> memref<80x16xf32, #tpu.memory_space<hbm>>
    tpu.wait_dma2 semaphore(%arg17 : memref<!tpu.dma_semaphore, #tpu.memory_space<semaphore_mem>>) src(%dma_wait3A_129 : memref<80x16xf32, #tpu.memory_space<hbm>>) dst(%arg12 : memref<80x16xf32, #tpu.memory_space<vmem>>)
    %dma_start3A_130 = arith.constant 124 : i32
    %dma_start3A_131 = arith.constant 0 : i32
    %dma_start3A_132 = tpu.memref_slice %arg6[%dma_start3A_130, %dma_start3A_131] : memref<125x80xi32, #tpu.memory_space<vmem>> -> memref<1x80xi32, #tpu.memory_space<vmem>>
    %dma_start3A_133 = tpu.memref_squeeze %dma_start3A_132 : memref<1x80xi32, #tpu.memory_space<vmem>> -> memref<80xi32, #tpu.memory_space<vmem>>
    %dma_start3A_134 = arith.constant 0 : i32
    %dma_start3A_135 = arith.constant 0 : i32
    %dma_start3A_136 = tpu.memref_slice %arg7[%dma_start3A_134, %dma_start3A_135] : memref<20480x16xf32, #tpu.memory_space<vmem_shared>> -> memref<20480x16xf32, #tpu.memory_space<vmem_shared>>
    tpu.enqueue_indirect_dma source(%arg12 : memref<80x16xf32, #tpu.memory_space<vmem>>) target(%dma_start3A_136 : memref<20480x16xf32, #tpu.memory_space<vmem_shared>>) offsets(%dma_start3A_133 : memref<80xi32, #tpu.memory_space<vmem>>) semaphore(%arg22 : memref<!tpu.dma_semaphore, #tpu.memory_space<semaphore_mem>>) {add = true}
    %dma_wait3A_137 = arith.constant 0 : i32
    %dma_wait3A_138 = arith.constant 0 : i32
    %dma_wait3A_139 = tpu.memref_slice %arg6[%dma_wait3A_137, %dma_wait3A_138] : memref<125x80xi32, #tpu.memory_space<vmem>> -> memref<1x80xi32, #tpu.memory_space<vmem>>
    %dma_wait3A_140 = tpu.memref_squeeze %dma_wait3A_139 : memref<1x80xi32, #tpu.memory_space<vmem>> -> memref<80xi32, #tpu.memory_space<vmem>>
    %dma_wait3A_141 = arith.constant 0 : i32
    %dma_wait3A_142 = arith.constant 0 : i32
    %dma_wait3A_143 = tpu.memref_slice %arg7[%dma_wait3A_141, %dma_wait3A_142] : memref<20480x16xf32, #tpu.memory_space<vmem_shared>> -> memref<20480x16xf32, #tpu.memory_space<vmem_shared>>
    tpu.wait_indirect_dma semaphore(%arg22 : memref<!tpu.dma_semaphore, #tpu.memory_space<semaphore_mem>>) src(%arg12 : memref<80x16xf32, #tpu.memory_space<vmem>>) dst(%dma_wait3A_143 : memref<20480x16xf32, #tpu.memory_space<vmem_shared>>)
    %barrier3A_144 = arith.constant 0 : index
    tpu.barrier barrier_id(%barrier3A_144)
    "tpu.region"() ({
      %run_scoped3A = tpu.sem_alloc : memref<!tpu.dma_semaphore, #tpu.memory_space<semaphore_mem>>
      %dma_start3A_145 = arith.constant 0 : i32
      %dma_start3A_146 = arith.constant 0 : i32
      %dma_start3A_147 = tpu.memref_slice %arg5[%arg0, %dma_start3A_145, %dma_start3A_146] : memref<2x20480x16xf32, #tpu.memory_space<hbm>> -> memref<1x20480x16xf32, #tpu.memory_space<hbm>>
      %dma_start3A_148 = tpu.memref_squeeze %dma_start3A_147 : memref<1x20480x16xf32, #tpu.memory_space<hbm>> -> memref<20480x16xf32, #tpu.memory_space<hbm>>
      %dma_start3A_149 = arith.constant 0 : i32
      %dma_start3A_150 = tpu.memref_slice %dma_start3A_148[%multiple_of3A, %dma_start3A_149] : memref<20480x16xf32, #tpu.memory_space<hbm>> -> memref<1280x16xf32, #tpu.memory_space<hbm>>
      %dma_start3A_151 = arith.constant 0 : i32
      %dma_start3A_152 = tpu.memref_slice %arg7[%multiple_of3A, %dma_start3A_151] : memref<20480x16xf32, #tpu.memory_space<vmem_shared>> -> memref<1280x16xf32, #tpu.memory_space<vmem_shared>>
      tpu.enqueue_dma source(%dma_start3A_152 : memref<1280x16xf32, #tpu.memory_space<vmem_shared>>) target(%dma_start3A_150 : memref<1280x16xf32, #tpu.memory_space<hbm>>) target_semaphore(%run_scoped3A : memref<!tpu.dma_semaphore, #tpu.memory_space<semaphore_mem>>)
      %dma_wait3A_153 = arith.constant 0 : i32
      %dma_wait3A_154 = arith.constant 0 : i32
      %dma_wait3A_155 = tpu.memref_slice %arg5[%arg0, %dma_wait3A_153, %dma_wait3A_154] : memref<2x20480x16xf32, #tpu.memory_space<hbm>> -> memref<1x20480x16xf32, #tpu.memory_space<hbm>>
      %dma_wait3A_156 = tpu.memref_squeeze %dma_wait3A_155 : memref<1x20480x16xf32, #tpu.memory_space<hbm>> -> memref<20480x16xf32, #tpu.memory_space<hbm>>
      %dma_wait3A_157 = arith.constant 0 : i32
      %dma_wait3A_158 = tpu.memref_slice %dma_wait3A_156[%multiple_of3A, %dma_wait3A_157] : memref<20480x16xf32, #tpu.memory_space<hbm>> -> memref<1280x16xf32, #tpu.memory_space<hbm>>
      %dma_wait3A_159 = arith.constant 0 : i32
      %dma_wait3A_160 = tpu.memref_slice %arg7[%multiple_of3A, %dma_wait3A_159] : memref<20480x16xf32, #tpu.memory_space<vmem_shared>> -> memref<1280x16xf32, #tpu.memory_space<vmem_shared>>
      tpu.wait_dma2 semaphore(%run_scoped3A : memref<!tpu.dma_semaphore, #tpu.memory_space<semaphore_mem>>) src(%dma_wait3A_160 : memref<1280x16xf32, #tpu.memory_space<vmem_shared>>) dst(%dma_wait3A_158 : memref<1280x16xf32, #tpu.memory_space<hbm>>)
      tpu.yield
    }) : () -> ()
    return
  }
}

module attributes {stable_mosaic.version = 14 : i64} {
  func.func @_msg1_body(%arg0: i32, %arg1: memref<1280x128xf32, #tpu.memory_space<vmem>>, %arg2: memref<16x1280xf32, #tpu.memory_space<vmem>>, %arg3: memref<16x1280xf32, #tpu.memory_space<vmem>>, %arg4: memref<1x16x16xf32, #tpu.memory_space<vmem>>, %arg5: memref<1x16x1xf32, #tpu.memory_space<vmem>>, %arg6: memref<1x128x544xf32, #tpu.memory_space<vmem>>, %arg7: memref<16x544xf32, #tpu.memory_space<vmem>>, %arg8: memref<1x544xf32, #tpu.memory_space<vmem>>, %arg9: memref<4x544x128xf32, #tpu.memory_space<vmem>>, %arg10: memref<320x128xf32, #tpu.memory_space<vmem>>) attributes {dimension_semantics = [#tpu.dimension_semantics<arbitrary>], iteration_bounds = array<i64: 250>, scalar_prefetch = 0 : i64, scratch_operands = 0 : i64, tpu.core_type = #tpu.core_type<tc>, window_params = [{transform_indices = @transform_0, window_bounds = array<i64: 1280, 128>}, {transform_indices = @transform_1, window_bounds = array<i64: 16, 1280>}, {transform_indices = @transform_2, window_bounds = array<i64: 16, 1280>}, {transform_indices = @transform_3, window_bounds = array<i64: 1, 16, 16>}, {transform_indices = @transform_4, window_bounds = array<i64: 1, 16, 1>}, {transform_indices = @transform_5, window_bounds = array<i64: 1, 128, 544>}, {pipeline_mode = #tpu.pipeline_mode<synchronous>, transform_indices = @transform_6, window_bounds = array<i64: 16, 544>}, {pipeline_mode = #tpu.pipeline_mode<synchronous>, transform_indices = @transform_7, window_bounds = array<i64: 1, 544>}, {pipeline_mode = #tpu.pipeline_mode<synchronous>, transform_indices = @transform_8, window_bounds = array<i64: 4, 544, 128>}, {transform_indices = @transform_9, window_bounds = array<i64: 320, 128>}]} {
    %lt3A = arith.constant 125 : i32
    %lt3A_0 = arith.cmpi slt, %arg0, %lt3A : i32
    %get3A = arith.constant 0 : index
    %get3A_1 = arith.constant 0 : index
    %get3A_2 = vector.load %arg2[%get3A, %get3A_1] : memref<16x1280xf32, #tpu.memory_space<vmem>>, vector<16x1280xf32>
    %get3A_3 = arith.constant 0 : index
    %get3A_4 = arith.constant 0 : index
    %get3A_5 = vector.load %arg3[%get3A_3, %get3A_4] : memref<16x1280xf32, #tpu.memory_space<vmem>>, vector<16x1280xf32>
    %select_n3A = arith.select %lt3A_0, %get3A_2, %get3A_5 : vector<16x1280xf32>
    %get3A_6 = arith.constant 0 : index
    %get3A_7 = arith.constant 0 : index
    %get3A_8 = arith.constant 0 : index
    %get3A_9 = vector.load %arg4[%get3A_6, %get3A_7, %get3A_8] : memref<1x16x16xf32, #tpu.memory_space<vmem>>, vector<1x16x16xf32>
    %get3A_10 = vector.shape_cast %get3A_9 : vector<1x16x16xf32> to vector<16x16xf32>
    %dot_general3A = arith.constant dense<0.000000e+00> : vector<16x1280xf32>
    %dot_general3A_11 = tpu.matmul %get3A_10, %select_n3A, %dot_general3A {dimension_numbers = #tpu.dot_dimension_numbers<[1], [0], [0], [1], [0, 0, 1, 1], [], []>, precision = #tpu.contract_precision<fp32>, transpose_lhs_hint = false} : vector<16x16xf32>, vector<16x1280xf32>, vector<16x1280xf32> -> vector<16x1280xf32>
    %get3A_12 = arith.constant 0 : index
    %get3A_13 = arith.constant 0 : index
    %get3A_14 = arith.constant 0 : index
    %get3A_15 = vector.load %arg5[%get3A_12, %get3A_13, %get3A_14] : memref<1x16x1xf32, #tpu.memory_space<vmem>>, vector<1x16x1xf32>
    %get3A_16 = vector.shape_cast %get3A_15 : vector<1x16x1xf32> to vector<16x1xf32>
    %add3A = vector.broadcast %get3A_16 : vector<16x1xf32> to vector<16x1280xf32>
    %add3A_17 = arith.addf %dot_general3A_11, %add3A : vector<16x1280xf32>
    %max3A = arith.constant 0.000000e+00 : f32
    %max3A_18 = vector.broadcast %max3A : f32 to vector<16x1280xf32>
    %max3A_19 = arith.maximumf %add3A_17, %max3A_18 : vector<16x1280xf32>
    %get3A_20 = arith.constant 0 : index
    %get3A_21 = arith.constant 0 : index
    %get3A_22 = vector.load %arg1[%get3A_20, %get3A_21] : memref<1280x128xf32, #tpu.memory_space<vmem>>, vector<1280x128xf32>
    %get3A_23 = arith.constant 0 : index
    %get3A_24 = arith.constant 0 : index
    %get3A_25 = arith.constant 0 : index
    %get3A_26 = vector.load %arg6[%get3A_23, %get3A_24, %get3A_25] : memref<1x128x544xf32, #tpu.memory_space<vmem>>, vector<1x128x544xf32>
    %get3A_27 = vector.shape_cast %get3A_26 : vector<1x128x544xf32> to vector<128x544xf32>
    %dot_general3A_28 = arith.constant dense<0.000000e+00> : vector<1280x544xf32>
    %dot_general3A_29 = tpu.matmul %get3A_22, %get3A_27, %dot_general3A_28 {dimension_numbers = #tpu.dot_dimension_numbers<[1], [0], [0], [1], [0, 0, 1, 1], [], []>, precision = #tpu.contract_precision<fp32>, transpose_lhs_hint = false} : vector<1280x128xf32>, vector<128x544xf32>, vector<1280x544xf32> -> vector<1280x544xf32>
    %get3A_30 = arith.constant 0 : index
    %get3A_31 = arith.constant 0 : index
    %get3A_32 = vector.load %arg7[%get3A_30, %get3A_31] : memref<16x544xf32, #tpu.memory_space<vmem>>, vector<16x544xf32>
    %dot_general3A_33 = arith.constant dense<0.000000e+00> : vector<1280x544xf32>
    %dot_general3A_34 = tpu.matmul %max3A_19, %get3A_32, %dot_general3A_33 {dimension_numbers = #tpu.dot_dimension_numbers<[0], [0], [1], [1], [0, 1, 1, 1], [], []>, transpose_lhs_hint = false} : vector<16x1280xf32>, vector<16x544xf32>, vector<1280x544xf32> -> vector<1280x544xf32>
    %get3A_35 = arith.constant 0 : index
    %get3A_36 = arith.constant 0 : index
    %get3A_37 = vector.load %arg8[%get3A_35, %get3A_36] : memref<1x544xf32, #tpu.memory_space<vmem>>, vector<1x544xf32>
    %add3A_38 = vector.broadcast %get3A_37 : vector<1x544xf32> to vector<1280x544xf32>
    %add3A_39 = arith.addf %dot_general3A_34, %add3A_38 : vector<1280x544xf32>
    %mul3A = arith.mulf %add3A_39, %dot_general3A_29 : vector<1280x544xf32>
    %broadcast_in_dim3A = arith.constant 0.000000e+00 : f32
    %broadcast_in_dim3A_40 = vector.broadcast %broadcast_in_dim3A : f32 to vector<320x128xf32>
    %slice3A = vector.extract_strided_slice %mul3A {offsets = [0, 0], sizes = [320, 544], strides = [1, 1]} : vector<1280x544xf32> to vector<320x544xf32>
    %get3A_41 = arith.constant 0 : index
    %get3A_42 = arith.constant 0 : index
    %get3A_43 = arith.constant 0 : index
    %get3A_44 = vector.load %arg9[%get3A_41, %get3A_42, %get3A_43] : memref<4x544x128xf32, #tpu.memory_space<vmem>>, vector<1x544x128xf32>
    %get3A_45 = vector.shape_cast %get3A_44 : vector<1x544x128xf32> to vector<544x128xf32>
    %dot_general3A_46 = arith.constant dense<0.000000e+00> : vector<320x128xf32>
    %dot_general3A_47 = tpu.matmul %slice3A, %get3A_45, %dot_general3A_46 {dimension_numbers = #tpu.dot_dimension_numbers<[1], [0], [0], [1], [0, 0, 1, 1], [], []>, precision = #tpu.contract_precision<fp32>, transpose_lhs_hint = false} : vector<320x544xf32>, vector<544x128xf32>, vector<320x128xf32> -> vector<320x128xf32>
    %add3A_48 = arith.addf %broadcast_in_dim3A_40, %dot_general3A_47 : vector<320x128xf32>
    %slice3A_49 = vector.extract_strided_slice %mul3A {offsets = [320, 0], sizes = [320, 544], strides = [1, 1]} : vector<1280x544xf32> to vector<320x544xf32>
    %get3A_50 = arith.constant 1 : index
    %get3A_51 = arith.constant 0 : index
    %get3A_52 = arith.constant 0 : index
    %get3A_53 = vector.load %arg9[%get3A_50, %get3A_51, %get3A_52] : memref<4x544x128xf32, #tpu.memory_space<vmem>>, vector<1x544x128xf32>
    %get3A_54 = vector.shape_cast %get3A_53 : vector<1x544x128xf32> to vector<544x128xf32>
    %dot_general3A_55 = arith.constant dense<0.000000e+00> : vector<320x128xf32>
    %dot_general3A_56 = tpu.matmul %slice3A_49, %get3A_54, %dot_general3A_55 {dimension_numbers = #tpu.dot_dimension_numbers<[1], [0], [0], [1], [0, 0, 1, 1], [], []>, precision = #tpu.contract_precision<fp32>, transpose_lhs_hint = false} : vector<320x544xf32>, vector<544x128xf32>, vector<320x128xf32> -> vector<320x128xf32>
    %add3A_57 = arith.addf %add3A_48, %dot_general3A_56 : vector<320x128xf32>
    %slice3A_58 = vector.extract_strided_slice %mul3A {offsets = [640, 0], sizes = [320, 544], strides = [1, 1]} : vector<1280x544xf32> to vector<320x544xf32>
    %get3A_59 = arith.constant 2 : index
    %get3A_60 = arith.constant 0 : index
    %get3A_61 = arith.constant 0 : index
    %get3A_62 = vector.load %arg9[%get3A_59, %get3A_60, %get3A_61] : memref<4x544x128xf32, #tpu.memory_space<vmem>>, vector<1x544x128xf32>
    %get3A_63 = vector.shape_cast %get3A_62 : vector<1x544x128xf32> to vector<544x128xf32>
    %dot_general3A_64 = arith.constant dense<0.000000e+00> : vector<320x128xf32>
    %dot_general3A_65 = tpu.matmul %slice3A_58, %get3A_63, %dot_general3A_64 {dimension_numbers = #tpu.dot_dimension_numbers<[1], [0], [0], [1], [0, 0, 1, 1], [], []>, precision = #tpu.contract_precision<fp32>, transpose_lhs_hint = false} : vector<320x544xf32>, vector<544x128xf32>, vector<320x128xf32> -> vector<320x128xf32>
    %add3A_66 = arith.addf %add3A_57, %dot_general3A_65 : vector<320x128xf32>
    %slice3A_67 = vector.extract_strided_slice %mul3A {offsets = [960, 0], sizes = [320, 544], strides = [1, 1]} : vector<1280x544xf32> to vector<320x544xf32>
    %get3A_68 = arith.constant 3 : index
    %get3A_69 = arith.constant 0 : index
    %get3A_70 = arith.constant 0 : index
    %get3A_71 = vector.load %arg9[%get3A_68, %get3A_69, %get3A_70] : memref<4x544x128xf32, #tpu.memory_space<vmem>>, vector<1x544x128xf32>
    %get3A_72 = vector.shape_cast %get3A_71 : vector<1x544x128xf32> to vector<544x128xf32>
    %dot_general3A_73 = arith.constant dense<0.000000e+00> : vector<320x128xf32>
    %dot_general3A_74 = tpu.matmul %slice3A_67, %get3A_72, %dot_general3A_73 {dimension_numbers = #tpu.dot_dimension_numbers<[1], [0], [0], [1], [0, 0, 1, 1], [], []>, precision = #tpu.contract_precision<fp32>, transpose_lhs_hint = false} : vector<320x544xf32>, vector<544x128xf32>, vector<320x128xf32> -> vector<320x128xf32>
    %add3A_75 = arith.addf %add3A_66, %dot_general3A_74 : vector<320x128xf32>
    %swap3A = arith.constant 0 : index
    %swap3A_76 = arith.constant 0 : index
    %swap3A_77 = vector.load %arg10[%swap3A, %swap3A_76] : memref<320x128xf32, #tpu.memory_space<vmem>>, vector<320x128xf32>
    tpu.vector_store %arg10[%swap3A, %swap3A_76], %add3A_75 {strides = array<i32>} : memref<320x128xf32, #tpu.memory_space<vmem>>, vector<320x128xf32>,
    return
  }
  func.func @transform_0(%arg0: i32) -> (i32, i32) {
    %c0_i32 = arith.constant 0 : i32
    %c0_i32_0 = arith.constant 0 : i32
    return %arg0, %c0_i32 : i32, i32
  }
  func.func @transform_1(%arg0: i32) -> (i32, i32) {
    %min3A = arith.constant 124 : i32
    %min3A_0 = arith.minsi %arg0, %min3A : i32
    %c0_i32 = arith.constant 0 : i32
    %c0_i32_1 = arith.constant 0 : i32
    return %c0_i32, %min3A_0 : i32, i32
  }
  func.func @transform_2(%arg0: i32) -> (i32, i32) {
    %sub3A = arith.constant 125 : i32
    %sub3A_0 = arith.subi %arg0, %sub3A : i32
    %max3A = arith.constant 0 : i32
    %max3A_1 = arith.maxsi %sub3A_0, %max3A : i32
    %c0_i32 = arith.constant 0 : i32
    %c0_i32_2 = arith.constant 0 : i32
    return %c0_i32, %max3A_1 : i32, i32
  }
  func.func @transform_3(%arg0: i32) -> (i32, i32, i32) {
    %jit3A = arith.constant 125 : i32
    %div3A = arith.divsi %arg0, %jit3A : i32
    %sign3A = arith.constant 0 : i32
    %sign3A_0 = arith.cmpi sgt, %arg0, %sign3A : i32
    %sign3A_1 = arith.extui %sign3A_0 : i1 to i32
    %sign3A_2 = arith.constant 0 : i32
    %sign3A_3 = arith.cmpi slt, %arg0, %sign3A_2 : i32
    %sign3A_4 = arith.extui %sign3A_3 : i1 to i32
    %sign3A_5 = arith.subi %sign3A_1, %sign3A_4 : i32
    %sign3A_6 = arith.constant 0 : i32
    %sign3A_7 = arith.cmpi sgt, %jit3A, %sign3A_6 : i32
    %sign3A_8 = arith.extui %sign3A_7 : i1 to i32
    %sign3A_9 = arith.constant 0 : i32
    %sign3A_10 = arith.cmpi slt, %jit3A, %sign3A_9 : i32
    %sign3A_11 = arith.extui %sign3A_10 : i1 to i32
    %sign3A_12 = arith.subi %sign3A_8, %sign3A_11 : i32
    %ne3A = arith.cmpi ne, %sign3A_5, %sign3A_12 : i32
    %rem3A = arith.remsi %arg0, %jit3A : i32
    %ne3A_13 = arith.constant 0 : i32
    %ne3A_14 = arith.cmpi ne, %rem3A, %ne3A_13 : i32
    %and3A = arith.andi %ne3A, %ne3A_14 : i1
    %sub3A = arith.constant 1 : i32
    %sub3A_15 = arith.subi %div3A, %sub3A : i32
    %select_n3A = arith.select %and3A, %sub3A_15, %div3A : i32
    %c0_i32 = arith.constant 0 : i32
    %c0_i32_16 = arith.constant 0 : i32
    %c0_i32_17 = arith.constant 0 : i32
    return %select_n3A, %c0_i32, %c0_i32_16 : i32, i32, i32
  }
  func.func @transform_4(%arg0: i32) -> (i32, i32, i32) {
    %jit3A = arith.constant 125 : i32
    %div3A = arith.divsi %arg0, %jit3A : i32
    %sign3A = arith.constant 0 : i32
    %sign3A_0 = arith.cmpi sgt, %arg0, %sign3A : i32
    %sign3A_1 = arith.extui %sign3A_0 : i1 to i32
    %sign3A_2 = arith.constant 0 : i32
    %sign3A_3 = arith.cmpi slt, %arg0, %sign3A_2 : i32
    %sign3A_4 = arith.extui %sign3A_3 : i1 to i32
    %sign3A_5 = arith.subi %sign3A_1, %sign3A_4 : i32
    %sign3A_6 = arith.constant 0 : i32
    %sign3A_7 = arith.cmpi sgt, %jit3A, %sign3A_6 : i32
    %sign3A_8 = arith.extui %sign3A_7 : i1 to i32
    %sign3A_9 = arith.constant 0 : i32
    %sign3A_10 = arith.cmpi slt, %jit3A, %sign3A_9 : i32
    %sign3A_11 = arith.extui %sign3A_10 : i1 to i32
    %sign3A_12 = arith.subi %sign3A_8, %sign3A_11 : i32
    %ne3A = arith.cmpi ne, %sign3A_5, %sign3A_12 : i32
    %rem3A = arith.remsi %arg0, %jit3A : i32
    %ne3A_13 = arith.constant 0 : i32
    %ne3A_14 = arith.cmpi ne, %rem3A, %ne3A_13 : i32
    %and3A = arith.andi %ne3A, %ne3A_14 : i1
    %sub3A = arith.constant 1 : i32
    %sub3A_15 = arith.subi %div3A, %sub3A : i32
    %select_n3A = arith.select %and3A, %sub3A_15, %div3A : i32
    %c0_i32 = arith.constant 0 : i32
    %c0_i32_16 = arith.constant 0 : i32
    %c0_i32_17 = arith.constant 0 : i32
    return %select_n3A, %c0_i32, %c0_i32_16 : i32, i32, i32
  }
  func.func @transform_5(%arg0: i32) -> (i32, i32, i32) {
    %jit3A = arith.constant 125 : i32
    %div3A = arith.divsi %arg0, %jit3A : i32
    %sign3A = arith.constant 0 : i32
    %sign3A_0 = arith.cmpi sgt, %arg0, %sign3A : i32
    %sign3A_1 = arith.extui %sign3A_0 : i1 to i32
    %sign3A_2 = arith.constant 0 : i32
    %sign3A_3 = arith.cmpi slt, %arg0, %sign3A_2 : i32
    %sign3A_4 = arith.extui %sign3A_3 : i1 to i32
    %sign3A_5 = arith.subi %sign3A_1, %sign3A_4 : i32
    %sign3A_6 = arith.constant 0 : i32
    %sign3A_7 = arith.cmpi sgt, %jit3A, %sign3A_6 : i32
    %sign3A_8 = arith.extui %sign3A_7 : i1 to i32
    %sign3A_9 = arith.constant 0 : i32
    %sign3A_10 = arith.cmpi slt, %jit3A, %sign3A_9 : i32
    %sign3A_11 = arith.extui %sign3A_10 : i1 to i32
    %sign3A_12 = arith.subi %sign3A_8, %sign3A_11 : i32
    %ne3A = arith.cmpi ne, %sign3A_5, %sign3A_12 : i32
    %rem3A = arith.remsi %arg0, %jit3A : i32
    %ne3A_13 = arith.constant 0 : i32
    %ne3A_14 = arith.cmpi ne, %rem3A, %ne3A_13 : i32
    %and3A = arith.andi %ne3A, %ne3A_14 : i1
    %sub3A = arith.constant 1 : i32
    %sub3A_15 = arith.subi %div3A, %sub3A : i32
    %select_n3A = arith.select %and3A, %sub3A_15, %div3A : i32
    %c0_i32 = arith.constant 0 : i32
    %c0_i32_16 = arith.constant 0 : i32
    %c0_i32_17 = arith.constant 0 : i32
    return %select_n3A, %c0_i32, %c0_i32_16 : i32, i32, i32
  }
  func.func @transform_6(%arg0: i32) -> (i32, i32) {
    %c0_i32 = arith.constant 0 : i32
    %c0_i32_0 = arith.constant 0 : i32
    %c0_i32_1 = arith.constant 0 : i32
    return %c0_i32, %c0_i32_0 : i32, i32
  }
  func.func @transform_7(%arg0: i32) -> (i32, i32) {
    %c0_i32 = arith.constant 0 : i32
    %c0_i32_0 = arith.constant 0 : i32
    %c0_i32_1 = arith.constant 0 : i32
    return %c0_i32, %c0_i32_0 : i32, i32
  }
  func.func @transform_8(%arg0: i32) -> (i32, i32, i32) {
    %c0_i32 = arith.constant 0 : i32
    %c0_i32_0 = arith.constant 0 : i32
    %c0_i32_1 = arith.constant 0 : i32
    %c0_i32_2 = arith.constant 0 : i32
    return %c0_i32, %c0_i32_0, %c0_i32_1 : i32, i32, i32
  }
  func.func @transform_9(%arg0: i32) -> (i32, i32) {
    %c0_i32 = arith.constant 0 : i32
    %c0_i32_0 = arith.constant 0 : i32
    return %arg0, %c0_i32 : i32, i32
  }
}

module attributes {stable_mosaic.version = 14 : i64} {
  func.func @_upd_body(%arg0: i32, %arg1: memref<2x10000x32xf32, #tpu.memory_space<vmem>>, %arg2: memref<10000x128xf32, #tpu.memory_space<vmem>>, %arg3: memref<1x128x32xf32, #tpu.memory_space<vmem>>, %arg4: memref<1x1x32xf32, #tpu.memory_space<vmem>>, %arg5: memref<10000x32xf32, #tpu.memory_space<vmem>>) attributes {dimension_semantics = [#tpu.dimension_semantics<arbitrary>], iteration_bounds = array<i64: 2>, scalar_prefetch = 0 : i64, scratch_operands = 0 : i64, tpu.core_type = #tpu.core_type<tc>, window_params = [{transform_indices = @transform_0, window_bounds = array<i64: 2, 10000, 32>}, {transform_indices = @transform_1, window_bounds = array<i64: 10000, 128>}, {transform_indices = @transform_2, window_bounds = array<i64: 1, 128, 32>}, {transform_indices = @transform_3, window_bounds = array<i64: 1, 1, 32>}, {transform_indices = @transform_4, window_bounds = array<i64: 10000, 32>}]} {
    %get3A = arith.constant 0 : index
    %get3A_0 = arith.constant 0 : index
    %get3A_1 = arith.constant 0 : index
    %get3A_2 = vector.load %arg1[%get3A, %get3A_0, %get3A_1] : memref<2x10000x32xf32, #tpu.memory_space<vmem>>, vector<1x10000x32xf32>
    %get3A_3 = vector.shape_cast %get3A_2 : vector<1x10000x32xf32> to vector<10000x32xf32>
    %get3A_4 = arith.constant 1 : index
    %get3A_5 = arith.constant 0 : index
    %get3A_6 = arith.constant 0 : index
    %get3A_7 = vector.load %arg1[%get3A_4, %get3A_5, %get3A_6] : memref<2x10000x32xf32, #tpu.memory_space<vmem>>, vector<1x10000x32xf32>
    %get3A_8 = vector.shape_cast %get3A_7 : vector<1x10000x32xf32> to vector<10000x32xf32>
    %add3A = arith.addf %get3A_3, %get3A_8 : vector<10000x32xf32>
    %get3A_9 = arith.constant 0 : index
    %get3A_10 = arith.constant 0 : index
    %get3A_11 = vector.load %arg2[%get3A_9, %get3A_10] : memref<10000x128xf32, #tpu.memory_space<vmem>>, vector<10000x128xf32>
    %get3A_12 = arith.constant 0 : index
    %get3A_13 = arith.constant 0 : index
    %get3A_14 = arith.constant 0 : index
    %get3A_15 = vector.load %arg3[%get3A_12, %get3A_13, %get3A_14] : memref<1x128x32xf32, #tpu.memory_space<vmem>>, vector<1x128x32xf32>
    %get3A_16 = vector.shape_cast %get3A_15 : vector<1x128x32xf32> to vector<128x32xf32>
    %dot_general3A = arith.constant dense<0.000000e+00> : vector<10000x32xf32>
    %dot_general3A_17 = tpu.matmul %get3A_11, %get3A_16, %dot_general3A {dimension_numbers = #tpu.dot_dimension_numbers<[1], [0], [0], [1], [0, 0, 1, 1], [], []>, transpose_lhs_hint = false} : vector<10000x128xf32>, vector<128x32xf32>, vector<10000x32xf32> -> vector<10000x32xf32>
    %add3A_18 = arith.addf %add3A, %dot_general3A_17 : vector<10000x32xf32>
    %get3A_19 = arith.constant 0 : index
    %get3A_20 = arith.constant 0 : index
    %get3A_21 = arith.constant 0 : index
    %get3A_22 = vector.load %arg4[%get3A_19, %get3A_20, %get3A_21] : memref<1x1x32xf32, #tpu.memory_space<vmem>>, vector<1x1x32xf32>
    %get3A_23 = vector.shape_cast %get3A_22 : vector<1x1x32xf32> to vector<1x32xf32>
    %add3A_24 = vector.broadcast %get3A_23 : vector<1x32xf32> to vector<10000x32xf32>
    %add3A_25 = arith.addf %add3A_18, %add3A_24 : vector<10000x32xf32>
    %max3A = arith.constant 0.000000e+00 : f32
    %max3A_26 = vector.broadcast %max3A : f32 to vector<10000x32xf32>
    %max3A_27 = arith.maximumf %add3A_25, %max3A_26 : vector<10000x32xf32>
    %swap3A = arith.constant 0 : index
    %swap3A_28 = arith.constant 0 : index
    %swap3A_29 = vector.load %arg5[%swap3A, %swap3A_28] : memref<10000x32xf32, #tpu.memory_space<vmem>>, vector<10000x32xf32>
    tpu.vector_store %arg5[%swap3A, %swap3A_28], %max3A_27 {strides = array<i32>} : memref<10000x32xf32, #tpu.memory_space<vmem>>, vector<10000x32xf32>,
    return
  }
  func.func @transform_0(%arg0: i32) -> (i32, i32, i32) {
    %c0_i32 = arith.constant 0 : i32
    %c0_i32_0 = arith.constant 0 : i32
    %c0_i32_1 = arith.constant 0 : i32
    return %c0_i32, %arg0, %c0_i32_0 : i32, i32, i32
  }
  func.func @transform_1(%arg0: i32) -> (i32, i32) {
    %c0_i32 = arith.constant 0 : i32
    %c0_i32_0 = arith.constant 0 : i32
    return %arg0, %c0_i32 : i32, i32
  }
  func.func @transform_2(%arg0: i32) -> (i32, i32, i32) {
    %c0_i32 = arith.constant 0 : i32
    %c0_i32_0 = arith.constant 0 : i32
    %c0_i32_1 = arith.constant 0 : i32
    return %arg0, %c0_i32, %c0_i32_0 : i32, i32, i32
  }
  func.func @transform_3(%arg0: i32) -> (i32, i32, i32) {
    %c0_i32 = arith.constant 0 : i32
    %c0_i32_0 = arith.constant 0 : i32
    %c0_i32_1 = arith.constant 0 : i32
    return %arg0, %c0_i32, %c0_i32_0 : i32, i32, i32
  }
  func.func @transform_4(%arg0: i32) -> (i32, i32) {
    %c0_i32 = arith.constant 0 : i32
    %c0_i32_0 = arith.constant 0 : i32
    return %arg0, %c0_i32 : i32, i32
  }
}

module attributes {stable_mosaic.version = 14 : i64} {
  func.func @_msg_body(%arg0: i32, %arg1: memref<160x256xf32, #tpu.memory_space<vmem>>, %arg2: memref<1x160x128xf32, #tpu.memory_space<vmem>>, %arg3: memref<1x128x128xf32, #tpu.memory_space<vmem>>, %arg4: memref<1x1x128xf32, #tpu.memory_space<vmem>>, %arg5: memref<1x256x2176xf32, #tpu.memory_space<vmem>>, %arg6: memref<128x2176xf32, #tpu.memory_space<vmem>>, %arg7: memref<1x2176xf32, #tpu.memory_space<vmem>>, %arg8: memref<2176x128xf32, #tpu.memory_space<vmem>>, %arg9: memref<160x128xf32, #tpu.memory_space<vmem>>) attributes {dimension_semantics = [#tpu.dimension_semantics<arbitrary>], iteration_bounds = array<i64: 250>, scalar_prefetch = 0 : i64, scratch_operands = 0 : i64, tpu.core_type = #tpu.core_type<tc>, window_params = [{transform_indices = @transform_0, window_bounds = array<i64: 160, 256>}, {transform_indices = @transform_1, window_bounds = array<i64: 1, 160, 128>}, {transform_indices = @transform_2, window_bounds = array<i64: 1, 128, 128>}, {transform_indices = @transform_3, window_bounds = array<i64: 1, 1, 128>}, {transform_indices = @transform_4, window_bounds = array<i64: 1, 256, 2176>}, {pipeline_mode = #tpu.pipeline_mode<synchronous>, transform_indices = @transform_5, window_bounds = array<i64: 128, 2176>}, {pipeline_mode = #tpu.pipeline_mode<synchronous>, transform_indices = @transform_6, window_bounds = array<i64: 1, 2176>}, {pipeline_mode = #tpu.pipeline_mode<synchronous>, transform_indices = @transform_7, window_bounds = array<i64: 2176, 128>}, {transform_indices = @transform_8, window_bounds = array<i64: 160, 128>}]} {
    %get3A = arith.constant 0 : index
    %get3A_0 = arith.constant 0 : index
    %get3A_1 = arith.constant 0 : index
    %get3A_2 = vector.load %arg2[%get3A, %get3A_0, %get3A_1] : memref<1x160x128xf32, #tpu.memory_space<vmem>>, vector<1x160x128xf32>
    %get3A_3 = vector.shape_cast %get3A_2 : vector<1x160x128xf32> to vector<160x128xf32>
    %get3A_4 = arith.constant 0 : index
    %get3A_5 = arith.constant 0 : index
    %get3A_6 = arith.constant 0 : index
    %get3A_7 = vector.load %arg3[%get3A_4, %get3A_5, %get3A_6] : memref<1x128x128xf32, #tpu.memory_space<vmem>>, vector<1x128x128xf32>
    %get3A_8 = vector.shape_cast %get3A_7 : vector<1x128x128xf32> to vector<128x128xf32>
    %dot_general3A = arith.constant dense<0.000000e+00> : vector<160x128xf32>
    %dot_general3A_9 = tpu.matmul %get3A_3, %get3A_8, %dot_general3A {dimension_numbers = #tpu.dot_dimension_numbers<[1], [0], [0], [1], [0, 0, 1, 1], [], []>, precision = #tpu.contract_precision<fp32>, transpose_lhs_hint = false} : vector<160x128xf32>, vector<128x128xf32>, vector<160x128xf32> -> vector<160x128xf32>
    %get3A_10 = arith.constant 0 : index
    %get3A_11 = arith.constant 0 : index
    %get3A_12 = arith.constant 0 : index
    %get3A_13 = vector.load %arg4[%get3A_10, %get3A_11, %get3A_12] : memref<1x1x128xf32, #tpu.memory_space<vmem>>, vector<1x1x128xf32>
    %get3A_14 = vector.shape_cast %get3A_13 : vector<1x1x128xf32> to vector<1x128xf32>
    %add3A = vector.broadcast %get3A_14 : vector<1x128xf32> to vector<160x128xf32>
    %add3A_15 = arith.addf %dot_general3A_9, %add3A : vector<160x128xf32>
    %max3A = arith.constant 0.000000e+00 : f32
    %max3A_16 = vector.broadcast %max3A : f32 to vector<160x128xf32>
    %max3A_17 = arith.maximumf %add3A_15, %max3A_16 : vector<160x128xf32>
    %get3A_18 = arith.constant 0 : index
    %get3A_19 = arith.constant 0 : index
    %get3A_20 = vector.load %arg1[%get3A_18, %get3A_19] : memref<160x256xf32, #tpu.memory_space<vmem>>, vector<160x256xf32>
    %get3A_21 = arith.constant 0 : index
    %get3A_22 = arith.constant 0 : index
    %get3A_23 = arith.constant 0 : index
    %get3A_24 = vector.load %arg5[%get3A_21, %get3A_22, %get3A_23] : memref<1x256x2176xf32, #tpu.memory_space<vmem>>, vector<1x256x2176xf32>
    %get3A_25 = vector.shape_cast %get3A_24 : vector<1x256x2176xf32> to vector<256x2176xf32>
    %dot_general3A_26 = arith.constant dense<0.000000e+00> : vector<160x2176xf32>
    %dot_general3A_27 = tpu.matmul %get3A_20, %get3A_25, %dot_general3A_26 {dimension_numbers = #tpu.dot_dimension_numbers<[1], [0], [0], [1], [0, 0, 1, 1], [], []>, precision = #tpu.contract_precision<fp32>, transpose_lhs_hint = false} : vector<160x256xf32>, vector<256x2176xf32>, vector<160x2176xf32> -> vector<160x2176xf32>
    %get3A_28 = arith.constant 0 : index
    %get3A_29 = arith.constant 0 : index
    %get3A_30 = vector.load %arg6[%get3A_28, %get3A_29] : memref<128x2176xf32, #tpu.memory_space<vmem>>, vector<128x2176xf32>
    %dot_general3A_31 = arith.constant dense<0.000000e+00> : vector<160x2176xf32>
    %dot_general3A_32 = tpu.matmul %max3A_17, %get3A_30, %dot_general3A_31 {dimension_numbers = #tpu.dot_dimension_numbers<[1], [0], [0], [1], [0, 0, 1, 1], [], []>, transpose_lhs_hint = false} : vector<160x128xf32>, vector<128x2176xf32>, vector<160x2176xf32> -> vector<160x2176xf32>
    %get3A_33 = arith.constant 0 : index
    %get3A_34 = arith.constant 0 : index
    %get3A_35 = vector.load %arg7[%get3A_33, %get3A_34] : memref<1x2176xf32, #tpu.memory_space<vmem>>, vector<1x2176xf32>
    %add3A_36 = vector.broadcast %get3A_35 : vector<1x2176xf32> to vector<160x2176xf32>
    %add3A_37 = arith.addf %dot_general3A_32, %add3A_36 : vector<160x2176xf32>
    %mul3A = arith.mulf %add3A_37, %dot_general3A_27 : vector<160x2176xf32>
    %get3A_38 = arith.constant 0 : index
    %get3A_39 = arith.constant 0 : index
    %get3A_40 = vector.load %arg8[%get3A_38, %get3A_39] : memref<2176x128xf32, #tpu.memory_space<vmem>>, vector<2176x128xf32>
    %dot_general3A_41 = arith.constant dense<0.000000e+00> : vector<160x128xf32>
    %dot_general3A_42 = tpu.matmul %mul3A, %get3A_40, %dot_general3A_41 {dimension_numbers = #tpu.dot_dimension_numbers<[1], [0], [0], [1], [0, 0, 1, 1], [], []>, precision = #tpu.contract_precision<fp32>, transpose_lhs_hint = false} : vector<160x2176xf32>, vector<2176x128xf32>, vector<160x128xf32> -> vector<160x128xf32>
    %swap3A = arith.constant 0 : index
    %swap3A_43 = arith.constant 0 : index
    %swap3A_44 = vector.load %arg9[%swap3A, %swap3A_43] : memref<160x128xf32, #tpu.memory_space<vmem>>, vector<160x128xf32>
    tpu.vector_store %arg9[%swap3A, %swap3A_43], %dot_general3A_42 {strides = array<i32>} : memref<160x128xf32, #tpu.memory_space<vmem>>, vector<160x128xf32>,
    return
  }
  func.func @transform_0(%arg0: i32) -> (i32, i32) {
    %c0_i32 = arith.constant 0 : i32
    %c0_i32_0 = arith.constant 0 : i32
    return %arg0, %c0_i32 : i32, i32
  }
  func.func @transform_1(%arg0: i32) -> (i32, i32, i32) {
    %jit3A = arith.constant 125 : i32
    %div3A = arith.divsi %arg0, %jit3A : i32
    %sign3A = arith.constant 0 : i32
    %sign3A_0 = arith.cmpi sgt, %arg0, %sign3A : i32
    %sign3A_1 = arith.extui %sign3A_0 : i1 to i32
    %sign3A_2 = arith.constant 0 : i32
    %sign3A_3 = arith.cmpi slt, %arg0, %sign3A_2 : i32
    %sign3A_4 = arith.extui %sign3A_3 : i1 to i32
    %sign3A_5 = arith.subi %sign3A_1, %sign3A_4 : i32
    %sign3A_6 = arith.constant 0 : i32
    %sign3A_7 = arith.cmpi sgt, %jit3A, %sign3A_6 : i32
    %sign3A_8 = arith.extui %sign3A_7 : i1 to i32
    %sign3A_9 = arith.constant 0 : i32
    %sign3A_10 = arith.cmpi slt, %jit3A, %sign3A_9 : i32
    %sign3A_11 = arith.extui %sign3A_10 : i1 to i32
    %sign3A_12 = arith.subi %sign3A_8, %sign3A_11 : i32
    %ne3A = arith.cmpi ne, %sign3A_5, %sign3A_12 : i32
    %rem3A = arith.remsi %arg0, %jit3A : i32
    %ne3A_13 = arith.constant 0 : i32
    %ne3A_14 = arith.cmpi ne, %rem3A, %ne3A_13 : i32
    %and3A = arith.andi %ne3A, %ne3A_14 : i1
    %sub3A = arith.constant 1 : i32
    %sub3A_15 = arith.subi %div3A, %sub3A : i32
    %select_n3A = arith.select %and3A, %sub3A_15, %div3A : i32
    %jit3A_16 = arith.constant 125 : i32
    %eq3A = arith.constant 0 : i32
    %eq3A_17 = arith.cmpi eq, %jit3A_16, %eq3A : i32
    %jit3A_18 = arith.constant 1 : i32
    %select_n3A_19 = arith.select %eq3A_17, %jit3A_18, %jit3A_16 : i32
    %rem3A_20 = arith.remsi %arg0, %select_n3A_19 : i32
    %ne3A_21 = arith.constant 0 : i32
    %ne3A_22 = arith.cmpi ne, %rem3A_20, %ne3A_21 : i32
    %lt3A = arith.constant 0 : i32
    %lt3A_23 = arith.cmpi slt, %rem3A_20, %lt3A : i32
    %lt3A_24 = arith.constant 0 : i32
    %lt3A_25 = arith.cmpi slt, %select_n3A_19, %lt3A_24 : i32
    %ne3A_26 = arith.xori %lt3A_23, %lt3A_25 : i1
    %and3A_27 = arith.andi %ne3A_26, %ne3A_22 : i1
    %add3A = arith.addi %rem3A_20, %select_n3A_19 : i32
    %select_n3A_28 = arith.select %and3A_27, %add3A, %rem3A_20 : i32
    %c0_i32 = arith.constant 0 : i32
    %c0_i32_29 = arith.constant 0 : i32
    return %select_n3A, %select_n3A_28, %c0_i32 : i32, i32, i32
  }
  func.func @transform_2(%arg0: i32) -> (i32, i32, i32) {
    %jit3A = arith.constant 125 : i32
    %div3A = arith.divsi %arg0, %jit3A : i32
    %sign3A = arith.constant 0 : i32
    %sign3A_0 = arith.cmpi sgt, %arg0, %sign3A : i32
    %sign3A_1 = arith.extui %sign3A_0 : i1 to i32
    %sign3A_2 = arith.constant 0 : i32
    %sign3A_3 = arith.cmpi slt, %arg0, %sign3A_2 : i32
    %sign3A_4 = arith.extui %sign3A_3 : i1 to i32
    %sign3A_5 = arith.subi %sign3A_1, %sign3A_4 : i32
    %sign3A_6 = arith.constant 0 : i32
    %sign3A_7 = arith.cmpi sgt, %jit3A, %sign3A_6 : i32
    %sign3A_8 = arith.extui %sign3A_7 : i1 to i32
    %sign3A_9 = arith.constant 0 : i32
    %sign3A_10 = arith.cmpi slt, %jit3A, %sign3A_9 : i32
    %sign3A_11 = arith.extui %sign3A_10 : i1 to i32
    %sign3A_12 = arith.subi %sign3A_8, %sign3A_11 : i32
    %ne3A = arith.cmpi ne, %sign3A_5, %sign3A_12 : i32
    %rem3A = arith.remsi %arg0, %jit3A : i32
    %ne3A_13 = arith.constant 0 : i32
    %ne3A_14 = arith.cmpi ne, %rem3A, %ne3A_13 : i32
    %and3A = arith.andi %ne3A, %ne3A_14 : i1
    %sub3A = arith.constant 1 : i32
    %sub3A_15 = arith.subi %div3A, %sub3A : i32
    %select_n3A = arith.select %and3A, %sub3A_15, %div3A : i32
    %c0_i32 = arith.constant 0 : i32
    %c0_i32_16 = arith.constant 0 : i32
    %c0_i32_17 = arith.constant 0 : i32
    return %select_n3A, %c0_i32, %c0_i32_16 : i32, i32, i32
  }
  func.func @transform_3(%arg0: i32) -> (i32, i32, i32) {
    %jit3A = arith.constant 125 : i32
    %div3A = arith.divsi %arg0, %jit3A : i32
    %sign3A = arith.constant 0 : i32
    %sign3A_0 = arith.cmpi sgt, %arg0, %sign3A : i32
    %sign3A_1 = arith.extui %sign3A_0 : i1 to i32
    %sign3A_2 = arith.constant 0 : i32
    %sign3A_3 = arith.cmpi slt, %arg0, %sign3A_2 : i32
    %sign3A_4 = arith.extui %sign3A_3 : i1 to i32
    %sign3A_5 = arith.subi %sign3A_1, %sign3A_4 : i32
    %sign3A_6 = arith.constant 0 : i32
    %sign3A_7 = arith.cmpi sgt, %jit3A, %sign3A_6 : i32
    %sign3A_8 = arith.extui %sign3A_7 : i1 to i32
    %sign3A_9 = arith.constant 0 : i32
    %sign3A_10 = arith.cmpi slt, %jit3A, %sign3A_9 : i32
    %sign3A_11 = arith.extui %sign3A_10 : i1 to i32
    %sign3A_12 = arith.subi %sign3A_8, %sign3A_11 : i32
    %ne3A = arith.cmpi ne, %sign3A_5, %sign3A_12 : i32
    %rem3A = arith.remsi %arg0, %jit3A : i32
    %ne3A_13 = arith.constant 0 : i32
    %ne3A_14 = arith.cmpi ne, %rem3A, %ne3A_13 : i32
    %and3A = arith.andi %ne3A, %ne3A_14 : i1
    %sub3A = arith.constant 1 : i32
    %sub3A_15 = arith.subi %div3A, %sub3A : i32
    %select_n3A = arith.select %and3A, %sub3A_15, %div3A : i32
    %c0_i32 = arith.constant 0 : i32
    %c0_i32_16 = arith.constant 0 : i32
    %c0_i32_17 = arith.constant 0 : i32
    return %select_n3A, %c0_i32, %c0_i32_16 : i32, i32, i32
  }
  func.func @transform_4(%arg0: i32) -> (i32, i32, i32) {
    %jit3A = arith.constant 125 : i32
    %div3A = arith.divsi %arg0, %jit3A : i32
    %sign3A = arith.constant 0 : i32
    %sign3A_0 = arith.cmpi sgt, %arg0, %sign3A : i32
    %sign3A_1 = arith.extui %sign3A_0 : i1 to i32
    %sign3A_2 = arith.constant 0 : i32
    %sign3A_3 = arith.cmpi slt, %arg0, %sign3A_2 : i32
    %sign3A_4 = arith.extui %sign3A_3 : i1 to i32
    %sign3A_5 = arith.subi %sign3A_1, %sign3A_4 : i32
    %sign3A_6 = arith.constant 0 : i32
    %sign3A_7 = arith.cmpi sgt, %jit3A, %sign3A_6 : i32
    %sign3A_8 = arith.extui %sign3A_7 : i1 to i32
    %sign3A_9 = arith.constant 0 : i32
    %sign3A_10 = arith.cmpi slt, %jit3A, %sign3A_9 : i32
    %sign3A_11 = arith.extui %sign3A_10 : i1 to i32
    %sign3A_12 = arith.subi %sign3A_8, %sign3A_11 : i32
    %ne3A = arith.cmpi ne, %sign3A_5, %sign3A_12 : i32
    %rem3A = arith.remsi %arg0, %jit3A : i32
    %ne3A_13 = arith.constant 0 : i32
    %ne3A_14 = arith.cmpi ne, %rem3A, %ne3A_13 : i32
    %and3A = arith.andi %ne3A, %ne3A_14 : i1
    %sub3A = arith.constant 1 : i32
    %sub3A_15 = arith.subi %div3A, %sub3A : i32
    %select_n3A = arith.select %and3A, %sub3A_15, %div3A : i32
    %c0_i32 = arith.constant 0 : i32
    %c0_i32_16 = arith.constant 0 : i32
    %c0_i32_17 = arith.constant 0 : i32
    return %select_n3A, %c0_i32, %c0_i32_16 : i32, i32, i32
  }
  func.func @transform_5(%arg0: i32) -> (i32, i32) {
    %c0_i32 = arith.constant 0 : i32
    %c0_i32_0 = arith.constant 0 : i32
    %c0_i32_1 = arith.constant 0 : i32
    return %c0_i32, %c0_i32_0 : i32, i32
  }
  func.func @transform_6(%arg0: i32) -> (i32, i32) {
    %c0_i32 = arith.constant 0 : i32
    %c0_i32_0 = arith.constant 0 : i32
    %c0_i32_1 = arith.constant 0 : i32
    return %c0_i32, %c0_i32_0 : i32, i32
  }
  func.func @transform_7(%arg0: i32) -> (i32, i32) {
    %c0_i32 = arith.constant 0 : i32
    %c0_i32_0 = arith.constant 0 : i32
    %c0_i32_1 = arith.constant 0 : i32
    return %c0_i32, %c0_i32_0 : i32, i32
  }
  func.func @transform_8(%arg0: i32) -> (i32, i32) {
    %c0_i32 = arith.constant 0 : i32
    %c0_i32_0 = arith.constant 0 : i32
    return %arg0, %c0_i32 : i32, i32
  }
}

module attributes {stable_mosaic.version = 14 : i64} {
  func.func @_upd_body(%arg0: i32, %arg1: memref<2x10000x16xf32, #tpu.memory_space<vmem>>, %arg2: memref<10000x32xf32, #tpu.memory_space<vmem>>, %arg3: memref<1x32x16xf32, #tpu.memory_space<vmem>>, %arg4: memref<1x1x16xf32, #tpu.memory_space<vmem>>, %arg5: memref<10000x16xf32, #tpu.memory_space<vmem>>) attributes {dimension_semantics = [#tpu.dimension_semantics<arbitrary>], iteration_bounds = array<i64: 2>, scalar_prefetch = 0 : i64, scratch_operands = 0 : i64, tpu.core_type = #tpu.core_type<tc>, window_params = [{transform_indices = @transform_0, window_bounds = array<i64: 2, 10000, 16>}, {transform_indices = @transform_1, window_bounds = array<i64: 10000, 32>}, {transform_indices = @transform_2, window_bounds = array<i64: 1, 32, 16>}, {transform_indices = @transform_3, window_bounds = array<i64: 1, 1, 16>}, {transform_indices = @transform_4, window_bounds = array<i64: 10000, 16>}]} {
    %get3A = arith.constant 0 : index
    %get3A_0 = arith.constant 0 : index
    %get3A_1 = arith.constant 0 : index
    %get3A_2 = vector.load %arg1[%get3A, %get3A_0, %get3A_1] : memref<2x10000x16xf32, #tpu.memory_space<vmem>>, vector<1x10000x16xf32>
    %get3A_3 = vector.shape_cast %get3A_2 : vector<1x10000x16xf32> to vector<10000x16xf32>
    %get3A_4 = arith.constant 1 : index
    %get3A_5 = arith.constant 0 : index
    %get3A_6 = arith.constant 0 : index
    %get3A_7 = vector.load %arg1[%get3A_4, %get3A_5, %get3A_6] : memref<2x10000x16xf32, #tpu.memory_space<vmem>>, vector<1x10000x16xf32>
    %get3A_8 = vector.shape_cast %get3A_7 : vector<1x10000x16xf32> to vector<10000x16xf32>
    %add3A = arith.addf %get3A_3, %get3A_8 : vector<10000x16xf32>
    %get3A_9 = arith.constant 0 : index
    %get3A_10 = arith.constant 0 : index
    %get3A_11 = vector.load %arg2[%get3A_9, %get3A_10] : memref<10000x32xf32, #tpu.memory_space<vmem>>, vector<10000x32xf32>
    %get3A_12 = arith.constant 0 : index
    %get3A_13 = arith.constant 0 : index
    %get3A_14 = arith.constant 0 : index
    %get3A_15 = vector.load %arg3[%get3A_12, %get3A_13, %get3A_14] : memref<1x32x16xf32, #tpu.memory_space<vmem>>, vector<1x32x16xf32>
    %get3A_16 = vector.shape_cast %get3A_15 : vector<1x32x16xf32> to vector<32x16xf32>
    %dot_general3A = arith.constant dense<0.000000e+00> : vector<10000x16xf32>
    %dot_general3A_17 = tpu.matmul %get3A_11, %get3A_16, %dot_general3A {dimension_numbers = #tpu.dot_dimension_numbers<[1], [0], [0], [1], [0, 0, 1, 1], [], []>, transpose_lhs_hint = false} : vector<10000x32xf32>, vector<32x16xf32>, vector<10000x16xf32> -> vector<10000x16xf32>
    %add3A_18 = arith.addf %add3A, %dot_general3A_17 : vector<10000x16xf32>
    %get3A_19 = arith.constant 0 : index
    %get3A_20 = arith.constant 0 : index
    %get3A_21 = arith.constant 0 : index
    %get3A_22 = vector.load %arg4[%get3A_19, %get3A_20, %get3A_21] : memref<1x1x16xf32, #tpu.memory_space<vmem>>, vector<1x1x16xf32>
    %get3A_23 = vector.shape_cast %get3A_22 : vector<1x1x16xf32> to vector<1x16xf32>
    %add3A_24 = vector.broadcast %get3A_23 : vector<1x16xf32> to vector<10000x16xf32>
    %add3A_25 = arith.addf %add3A_18, %add3A_24 : vector<10000x16xf32>
    %max3A = arith.constant 0.000000e+00 : f32
    %max3A_26 = vector.broadcast %max3A : f32 to vector<10000x16xf32>
    %max3A_27 = arith.maximumf %add3A_25, %max3A_26 : vector<10000x16xf32>
    %swap3A = arith.constant 0 : index
    %swap3A_28 = arith.constant 0 : index
    %swap3A_29 = vector.load %arg5[%swap3A, %swap3A_28] : memref<10000x16xf32, #tpu.memory_space<vmem>>, vector<10000x16xf32>
    tpu.vector_store %arg5[%swap3A, %swap3A_28], %max3A_27 {strides = array<i32>} : memref<10000x16xf32, #tpu.memory_space<vmem>>, vector<10000x16xf32>,
    return
  }
  func.func @transform_0(%arg0: i32) -> (i32, i32, i32) {
    %c0_i32 = arith.constant 0 : i32
    %c0_i32_0 = arith.constant 0 : i32
    %c0_i32_1 = arith.constant 0 : i32
    return %c0_i32, %arg0, %c0_i32_0 : i32, i32, i32
  }
  func.func @transform_1(%arg0: i32) -> (i32, i32) {
    %c0_i32 = arith.constant 0 : i32
    %c0_i32_0 = arith.constant 0 : i32
    return %arg0, %c0_i32 : i32, i32
  }
  func.func @transform_2(%arg0: i32) -> (i32, i32, i32) {
    %c0_i32 = arith.constant 0 : i32
    %c0_i32_0 = arith.constant 0 : i32
    %c0_i32_1 = arith.constant 0 : i32
    return %arg0, %c0_i32, %c0_i32_0 : i32, i32, i32
  }
  func.func @transform_3(%arg0: i32) -> (i32, i32, i32) {
    %c0_i32 = arith.constant 0 : i32
    %c0_i32_0 = arith.constant 0 : i32
    %c0_i32_1 = arith.constant 0 : i32
    return %arg0, %c0_i32, %c0_i32_0 : i32, i32, i32
  }
  func.func @transform_4(%arg0: i32) -> (i32, i32) {
    %c0_i32 = arith.constant 0 : i32
    %c0_i32_0 = arith.constant 0 : i32
    return %arg0, %c0_i32 : i32, i32
  }
}

module attributes {stable_mosaic.version = 14 : i64} {
  func.func @_head_body(%arg0: memref<10000x16xf32, #tpu.memory_space<vmem>>, %arg1: memref<10000x16xf32, #tpu.memory_space<vmem>>, %arg2: memref<16x16xf32, #tpu.memory_space<vmem>>, %arg3: memref<1x16xf32, #tpu.memory_space<vmem>>, %arg4: memref<16x1xf32, #tpu.memory_space<vmem>>, %arg5: memref<1x1xf32, #tpu.memory_space<vmem>>, %arg6: memref<16x8xf32, #tpu.memory_space<vmem>>, %arg7: memref<16x8xf32, #tpu.memory_space<vmem>>, %arg8: memref<1x8xf32, #tpu.memory_space<vmem>>, %arg9: memref<8x1xf32, #tpu.memory_space<vmem>>, %arg10: memref<1x1xf32, #tpu.memory_space<vmem>>, %arg11: memref<1x1xf32, #tpu.memory_space<vmem>>) attributes {dimension_semantics = [], scalar_prefetch = 0 : i64, scratch_operands = 0 : i64, tpu.core_type = #tpu.core_type<tc>} {
    %get3A = arith.constant 0 : index
    %get3A_0 = arith.constant 0 : index
    %get3A_1 = vector.load %arg0[%get3A, %get3A_0] : memref<10000x16xf32, #tpu.memory_space<vmem>>, vector<10000x16xf32>
    %get3A_2 = arith.constant 0 : index
    %get3A_3 = arith.constant 0 : index
    %get3A_4 = vector.load %arg2[%get3A_2, %get3A_3] : memref<16x16xf32, #tpu.memory_space<vmem>>, vector<16x16xf32>
    %dot_general3A = arith.constant dense<0.000000e+00> : vector<10000x16xf32>
    %dot_general3A_5 = tpu.matmul %get3A_1, %get3A_4, %dot_general3A {dimension_numbers = #tpu.dot_dimension_numbers<[1], [0], [0], [1], [0, 0, 1, 1], [], []>, transpose_lhs_hint = false} : vector<10000x16xf32>, vector<16x16xf32>, vector<10000x16xf32> -> vector<10000x16xf32>
    %get3A_6 = arith.constant 0 : index
    %get3A_7 = arith.constant 0 : index
    %get3A_8 = vector.load %arg3[%get3A_6, %get3A_7] : memref<1x16xf32, #tpu.memory_space<vmem>>, vector<1x16xf32>
    %add3A = vector.broadcast %get3A_8 : vector<1x16xf32> to vector<10000x16xf32>
    %add3A_9 = arith.addf %dot_general3A_5, %add3A : vector<10000x16xf32>
    %max3A = arith.constant 0.000000e+00 : f32
    %max3A_10 = vector.broadcast %max3A : f32 to vector<10000x16xf32>
    %max3A_11 = arith.maximumf %add3A_9, %max3A_10 : vector<10000x16xf32>
    %get3A_12 = arith.constant 0 : index
    %get3A_13 = arith.constant 0 : index
    %get3A_14 = vector.load %arg4[%get3A_12, %get3A_13] : memref<16x1xf32, #tpu.memory_space<vmem>>, vector<16x1xf32>
    %dot_general3A_15 = arith.constant dense<0.000000e+00> : vector<10000x1xf32>
    %dot_general3A_16 = tpu.matmul %max3A_11, %get3A_14, %dot_general3A_15 {dimension_numbers = #tpu.dot_dimension_numbers<[1], [0], [0], [1], [0, 0, 1, 1], [], []>, transpose_lhs_hint = false} : vector<10000x16xf32>, vector<16x1xf32>, vector<10000x1xf32> -> vector<10000x1xf32>
    %get3A_17 = arith.constant 0 : index
    %get3A_18 = arith.constant 0 : index
    %get3A_19 = vector.load %arg5[%get3A_17, %get3A_18] : memref<1x1xf32, #tpu.memory_space<vmem>>, vector<1x1xf32>
    %add3A_20 = vector.broadcast %get3A_19 : vector<1x1xf32> to vector<10000x1xf32>
    %add3A_21 = arith.addf %dot_general3A_16, %add3A_20 : vector<10000x1xf32>
    %reduce_max3A = vector.shape_cast %add3A_21 : vector<10000x1xf32> to vector<1x10000x1xf32>
    %reduce_max3A_22 = arith.constant dense<0xFF800000> : vector<1xf32>
    %reduce_max3A_23 = vector.multi_reduction <maximumf>, %reduce_max3A, %reduce_max3A_22 [1, 2] : vector<1x10000x1xf32> to vector<1xf32>
    %reduce_max3A_24 = vector.shape_cast %reduce_max3A_23 : vector<1xf32> to vector<1x1x1xf32>
    %reduce_max3A_25 = vector.extract %reduce_max3A_24[0, 0, 0] : f32 from vector<1x1x1xf32>
    %sub3A = vector.broadcast %reduce_max3A_25 : f32 to vector<10000x1xf32>
    %sub3A_26 = arith.subf %add3A_21, %sub3A : vector<10000x1xf32>
    %exp3A = math.exp %sub3A_26 : vector<10000x1xf32>
    %reduce_sum3A = vector.shape_cast %exp3A : vector<10000x1xf32> to vector<1x10000x1xf32>
    %reduce_sum3A_27 = arith.constant dense<0.000000e+00> : vector<1xf32>
    %reduce_sum3A_28 = vector.multi_reduction <add>, %reduce_sum3A, %reduce_sum3A_27 [1, 2] : vector<1x10000x1xf32> to vector<1xf32>
    %reduce_sum3A_29 = vector.shape_cast %reduce_sum3A_28 : vector<1xf32> to vector<1x1x1xf32>
    %reduce_sum3A_30 = vector.extract %reduce_sum3A_29[0, 0, 0] : f32 from vector<1x1x1xf32>
    %div3A = vector.broadcast %reduce_sum3A_30 : f32 to vector<10000x1xf32>
    %div3A_31 = arith.divf %exp3A, %div3A : vector<10000x1xf32>
    %mul3A = vector.broadcast %div3A_31 : vector<10000x1xf32> to vector<10000x16xf32>
    %mul3A_32 = arith.mulf %mul3A, %get3A_1 : vector<10000x16xf32>
    %reduce_sum3A_33 = arith.constant dense<0.000000e+00> : vector<16xf32>
    %reduce_sum3A_34 = vector.multi_reduction <add>, %mul3A_32, %reduce_sum3A_33 [0] : vector<10000x16xf32> to vector<16xf32>
    %broadcast_in_dim3A = vector.shape_cast %reduce_sum3A_34 : vector<16xf32> to vector<1x16xf32>
    %get3A_35 = arith.constant 0 : index
    %get3A_36 = arith.constant 0 : index
    %get3A_37 = vector.load %arg1[%get3A_35, %get3A_36] : memref<10000x16xf32, #tpu.memory_space<vmem>>, vector<10000x16xf32>
    %get3A_38 = arith.constant 0 : index
    %get3A_39 = arith.constant 0 : index
    %get3A_40 = vector.load %arg2[%get3A_38, %get3A_39] : memref<16x16xf32, #tpu.memory_space<vmem>>, vector<16x16xf32>
    %dot_general3A_41 = arith.constant dense<0.000000e+00> : vector<10000x16xf32>
    %dot_general3A_42 = tpu.matmul %get3A_37, %get3A_40, %dot_general3A_41 {dimension_numbers = #tpu.dot_dimension_numbers<[1], [0], [0], [1], [0, 0, 1, 1], [], []>, transpose_lhs_hint = false} : vector<10000x16xf32>, vector<16x16xf32>, vector<10000x16xf32> -> vector<10000x16xf32>
    %get3A_43 = arith.constant 0 : index
    %get3A_44 = arith.constant 0 : index
    %get3A_45 = vector.load %arg3[%get3A_43, %get3A_44] : memref<1x16xf32, #tpu.memory_space<vmem>>, vector<1x16xf32>
    %add3A_46 = vector.broadcast %get3A_45 : vector<1x16xf32> to vector<10000x16xf32>
    %add3A_47 = arith.addf %dot_general3A_42, %add3A_46 : vector<10000x16xf32>
    %max3A_48 = arith.constant 0.000000e+00 : f32
    %max3A_49 = vector.broadcast %max3A_48 : f32 to vector<10000x16xf32>
    %max3A_50 = arith.maximumf %add3A_47, %max3A_49 : vector<10000x16xf32>
    %get3A_51 = arith.constant 0 : index
    %get3A_52 = arith.constant 0 : index
    %get3A_53 = vector.load %arg4[%get3A_51, %get3A_52] : memref<16x1xf32, #tpu.memory_space<vmem>>, vector<16x1xf32>
    %dot_general3A_54 = arith.constant dense<0.000000e+00> : vector<10000x1xf32>
    %dot_general3A_55 = tpu.matmul %max3A_50, %get3A_53, %dot_general3A_54 {dimension_numbers = #tpu.dot_dimension_numbers<[1], [0], [0], [1], [0, 0, 1, 1], [], []>, transpose_lhs_hint = false} : vector<10000x16xf32>, vector<16x1xf32>, vector<10000x1xf32> -> vector<10000x1xf32>
    %get3A_56 = arith.constant 0 : index
    %get3A_57 = arith.constant 0 : index
    %get3A_58 = vector.load %arg5[%get3A_56, %get3A_57] : memref<1x1xf32, #tpu.memory_space<vmem>>, vector<1x1xf32>
    %add3A_59 = vector.broadcast %get3A_58 : vector<1x1xf32> to vector<10000x1xf32>
    %add3A_60 = arith.addf %dot_general3A_55, %add3A_59 : vector<10000x1xf32>
    %reduce_max3A_61 = vector.shape_cast %add3A_60 : vector<10000x1xf32> to vector<1x10000x1xf32>
    %reduce_max3A_62 = arith.constant dense<0xFF800000> : vector<1xf32>
    %reduce_max3A_63 = vector.multi_reduction <maximumf>, %reduce_max3A_61, %reduce_max3A_62 [1, 2] : vector<1x10000x1xf32> to vector<1xf32>
    %reduce_max3A_64 = vector.shape_cast %reduce_max3A_63 : vector<1xf32> to vector<1x1x1xf32>
    %reduce_max3A_65 = vector.extract %reduce_max3A_64[0, 0, 0] : f32 from vector<1x1x1xf32>
    %sub3A_66 = vector.broadcast %reduce_max3A_65 : f32 to vector<10000x1xf32>
    %sub3A_67 = arith.subf %add3A_60, %sub3A_66 : vector<10000x1xf32>
    %exp3A_68 = math.exp %sub3A_67 : vector<10000x1xf32>
    %reduce_sum3A_69 = vector.shape_cast %exp3A_68 : vector<10000x1xf32> to vector<1x10000x1xf32>
    %reduce_sum3A_70 = arith.constant dense<0.000000e+00> : vector<1xf32>
    %reduce_sum3A_71 = vector.multi_reduction <add>, %reduce_sum3A_69, %reduce_sum3A_70 [1, 2] : vector<1x10000x1xf32> to vector<1xf32>
    %reduce_sum3A_72 = vector.shape_cast %reduce_sum3A_71 : vector<1xf32> to vector<1x1x1xf32>
    %reduce_sum3A_73 = vector.extract %reduce_sum3A_72[0, 0, 0] : f32 from vector<1x1x1xf32>
    %div3A_74 = vector.broadcast %reduce_sum3A_73 : f32 to vector<10000x1xf32>
    %div3A_75 = arith.divf %exp3A_68, %div3A_74 : vector<10000x1xf32>
    %mul3A_76 = vector.broadcast %div3A_75 : vector<10000x1xf32> to vector<10000x16xf32>
    %mul3A_77 = arith.mulf %mul3A_76, %get3A_37 : vector<10000x16xf32>
    %reduce_sum3A_78 = arith.constant dense<0.000000e+00> : vector<16xf32>
    %reduce_sum3A_79 = vector.multi_reduction <add>, %mul3A_77, %reduce_sum3A_78 [0] : vector<10000x16xf32> to vector<16xf32>
    %broadcast_in_dim3A_80 = vector.shape_cast %reduce_sum3A_79 : vector<16xf32> to vector<1x16xf32>
    %get3A_81 = arith.constant 0 : index
    %get3A_82 = arith.constant 0 : index
    %get3A_83 = vector.load %arg6[%get3A_81, %get3A_82] : memref<16x8xf32, #tpu.memory_space<vmem>>, vector<16x8xf32>
    %dot_general3A_84 = arith.constant dense<0.000000e+00> : vector<1x8xf32>
    %dot_general3A_85 = tpu.matmul %broadcast_in_dim3A, %get3A_83, %dot_general3A_84 {dimension_numbers = #tpu.dot_dimension_numbers<[1], [0], [0], [1], [0, 0, 1, 1], [], []>, transpose_lhs_hint = false} : vector<1x16xf32>, vector<16x8xf32>, vector<1x8xf32> -> vector<1x8xf32>
    %get3A_86 = arith.constant 0 : index
    %get3A_87 = arith.constant 0 : index
    %get3A_88 = vector.load %arg7[%get3A_86, %get3A_87] : memref<16x8xf32, #tpu.memory_space<vmem>>, vector<16x8xf32>
    %dot_general3A_89 = arith.constant dense<0.000000e+00> : vector<1x8xf32>
    %dot_general3A_90 = tpu.matmul %broadcast_in_dim3A_80, %get3A_88, %dot_general3A_89 {dimension_numbers = #tpu.dot_dimension_numbers<[1], [0], [0], [1], [0, 0, 1, 1], [], []>, transpose_lhs_hint = false} : vector<1x16xf32>, vector<16x8xf32>, vector<1x8xf32> -> vector<1x8xf32>
    %add3A_91 = arith.addf %dot_general3A_85, %dot_general3A_90 : vector<1x8xf32>
    %get3A_92 = arith.constant 0 : index
    %get3A_93 = arith.constant 0 : index
    %get3A_94 = vector.load %arg8[%get3A_92, %get3A_93] : memref<1x8xf32, #tpu.memory_space<vmem>>, vector<1x8xf32>
    %add3A_95 = arith.addf %add3A_91, %get3A_94 : vector<1x8xf32>
    %max3A_96 = arith.constant 0.000000e+00 : f32
    %max3A_97 = vector.broadcast %max3A_96 : f32 to vector<1x8xf32>
    %max3A_98 = arith.maximumf %add3A_95, %max3A_97 : vector<1x8xf32>
    %get3A_99 = arith.constant 0 : index
    %get3A_100 = arith.constant 0 : index
    %get3A_101 = vector.load %arg9[%get3A_99, %get3A_100] : memref<8x1xf32, #tpu.memory_space<vmem>>, vector<8x1xf32>
    %dot_general3A_102 = arith.constant dense<0.000000e+00> : vector<1x1xf32>
    %dot_general3A_103 = tpu.matmul %max3A_98, %get3A_101, %dot_general3A_102 {dimension_numbers = #tpu.dot_dimension_numbers<[1], [0], [0], [1], [0, 0, 1, 1], [], []>, transpose_lhs_hint = false} : vector<1x8xf32>, vector<8x1xf32>, vector<1x1xf32> -> vector<1x1xf32>
    %get3A_104 = arith.constant 0 : index
    %get3A_105 = arith.constant 0 : index
    %get3A_106 = vector.load %arg10[%get3A_104, %get3A_105] : memref<1x1xf32, #tpu.memory_space<vmem>>, vector<1x1xf32>
    %add3A_107 = arith.addf %dot_general3A_103, %get3A_106 : vector<1x1xf32>
    %swap3A = arith.constant 0 : index
    %swap3A_108 = arith.constant 0 : index
    %swap3A_109 = vector.load %arg11[%swap3A, %swap3A_108] : memref<1x1xf32, #tpu.memory_space<vmem>>, vector<1x1xf32>
    tpu.vector_store %arg11[%swap3A, %swap3A_108], %add3A_107 {strides = array<i32>} : memref<1x1xf32, #tpu.memory_space<vmem>>, vector<1x1xf32>,
    return
  }
}

</mosaic_0001>

<sc_bundles>
// kernel: gather_offload_async_start
scs
__scs_entry_jumppad:
0x0: {  	(pc) =	sbr.rel $0x88, $3  }
0x1: {  	(tag) =	ssettag $0x0;
	lr =	simm.s32 $0x1  }
0x2: {  	[smem:$0x3F7B] =	sst lr;
	_ =	strace $0xD0000000  }
0x3: {  	_ = 	snop  }
0x4: {  	_ = 	snop  }
0x5: {  	_ = 	snop  }
0x6: {  	_ = 	snop  }
0x7: {  	_ = 	snop  }
__scs_overlays_trampoline_lowered:
0x8: {  	[smem:$0x3F8A] =	sst s0  }
0x9: {  	[smem:$0x3F8B] =	sst s1  }
0xa: {  	[smem:$0x3F8C] =	sst s2  }
0xb: {  	[smem:$0x3F8D] =	sst s3  }
0xc: {  	[smem:$0x3F8E] =	sst s4  }
0xd: {  	[smem:$0x3F8F] =	sst s5  }
0xe: {  	[smem:$0x3F90] =	sst s6  }
0xf: {  	[smem:$0x3F91] =	sst s7  }
0x10: {  	[smem:$0x3F92] =	sst s8  }
0x11: {  	[smem:$0x3F93] =	sst s9;
	s0 =	simm.s32 @!p0 $0x0  }
0x12: {  	s1 =	sld [smem:$0x3F79];
	s0 =	simm.s32 @p0 $0x1  }
0x13: {  	[smem:$0x3F94] =	sst s0;
	s0 =	simm.s32 @!p1 $0x0  }
0x14: {  	s2 =	sld [smem:$0x3F78];
	s0 =	simm.s32 @p1 $0x1  }
0x15: {  	[smem:$0x3F95] =	sst s0;
	s0 =	simm.s32 @!p2 $0x0  }
0x16: {  	s3 =	sld [smem:$0x3FDB];
	s0 =	simm.s32 @p2 $0x1  }
0x17: {  	s4 =	simm.s32 $0x1BF5;
	[smem:$0x3F97] =	sst s0  }
0x18: {  	s0 =	sld [smem:$0x3F7A];
	_ =	swait.ge [sflag:s4], $0x0  }
0x19: {  	s7 =	sld [smem:$0x3F7B]  }
0x1a: {  	s8 =	sadd.s32 $0xFFFFE003, lr  }
0x1b: {  	s9 =	sadd.s32 $0xFFFFFEF7, lr;
	s5 =	simm.s32 $0xFFFFFFFF;
	p2 =	slt.u32 s8, $0xFFFFF086  }
0x1c: {  	p1 =	slt.u32 s9, $0xF7A;
	s5 =	simm.s32 @!p2 $0x0  }
0x1d: {  	s5 =	simm.s32 @p1 $0x1;
	p0 =	seq.s32 s7, s2  }
0x1e: {  	s7 =	smul.u32 @!p0 $0xF7A, s2;
	p2 =	seq.s32 @!p0 s5, $0x0  }
0x1f: {  	s9 =	smul.u32 $0xF7A, s1;
	s8 =	simm.s32 @!p0 $0x1BF5;
	p2 =	por !p2, p0  }
0x20: {  	[sflag:s8] =	ssyncset.s32 @!p0 $0xFFFFF086;
	s6 =	sadd.s32 @!p0 s3, s7;
	s7 =	simm.s32 @!p0 $0x108  }
0x21: {  	s3 =	sadd.s32 s3, s9;
	s6 =	sadd.s32 @!p0 $0x88, s6;
	s7 =	simm.s32 @p2 $0x1082  }
0x22: {  	[simem:s7], [sflag:s8] =	dma.local @!p0 [hbm:s6], $0xF7A  }
0x23: {  	s9 =	sor.u32 $0xD0000000, s2;
	s6 =	simm.s32 $0x108;
	_ =	swait.ge @!p0 [sflag:s8], $0x0  }
0x24: {  	s3 =	sadd.s32 $0x88, s3;
	s6 =	simm.s32 @!p1 $0x1082;
	[sflag:s4] =	ssyncset.s32 $0xFFFFF086  }
0x25: {  	[simem:s6], [sflag:s4] =	dma.local [hbm:s3], $0xF7A  }
0x26: {  	[smem:$0x3F7B] =	sst s1;
	(tag) =	ssettag s2;
	_ =	strace s9  }
0x27: {  	s1 =	sld [smem:$0x3F8B]  }
0x28: {  	s2 =	sld [smem:$0x3F8C]  }
0x29: {  	s4 =	sld [smem:$0x3F8E]  }
0x2a: {  	p0 =	seq.s32 s5, $0x0;
	s5 =	sld [smem:$0x3F8F]  }
0x2b: {  	s6 =	sld [smem:$0x3F90]  }
0x2c: {  	s7 =	sld [smem:$0x3F91]  }
0x2d: {  	s3 =	simm.s32 $0x108;
	s8 =	sld [smem:$0x3F92]  }
0x2e: {  	s3 =	simm.s32 @!p0 $0x1082;
	s9 =	sld [smem:$0x3F93]  }
0x2f: {  	lr =	sadd.s32 s0, s3;
	s0 =	sld [smem:$0x3F8A]  }
0x30: {  	s3 =	sld [smem:$0x3F8D]  }
0x31: {  	[smem:$0x3F96] =	sst s10  }
0x32: {  	s10 =	sld [smem:$0x3F94];
	_ =	sdelay $0x3  }
0x33: {  	p0 =	seq.s32 s10, $0x1;
	s10 =	sld [smem:$0x3F96];
	_ =	sdelay $0x3  }
0x34: {  	[smem:$0x3F96] =	sst s10  }
0x35: {  	s10 =	sld [smem:$0x3F95];
	_ =	sdelay $0x3  }
0x36: {  	p1 =	seq.s32 s10, $0x1;
	s10 =	sld [smem:$0x3F96];
	_ =	sdelay $0x3  }
0x37: {  	[smem:$0x3F96] =	sst s10  }
0x38: {  	s10 =	sld [smem:$0x3F97]  }
0x39: {  	_ = 	snop;
	(pc) =	sbr.ind lr, $3  }
0x3a: {  	_ = 	snop  }
0x3b: {  	_ = 	snop  }
0x3c: {  	p2 =	seq.s32 s10, $0x1;
	s10 =	sld [smem:$0x3F96]  }
0x3d: {  	_ =	shalt  }
0x3e: {  	_ =	shalt  }
0x3f: {  	_ =	shalt  }
0x40: {  	_ =	shalt  }
0x41: {  	_ =	shalt  }
0x42: {  	_ =	shalt  }
0x43: {  	_ =	shalt  }
0x44: {  	_ =	shalt  }
0x45: {  	_ =	shalt  }
0x46: {  	_ =	shalt  }
0x47: {  	_ =	shalt  }
0x48: {  	_ =	shalt  }
0x49: {  	_ =	shalt  }
0x4a: {  	_ =	shalt  }
0x4b: {  	_ =	shalt  }
0x4c: {  	_ =	shalt  }
0x4d: {  	_ =	shalt  }
0x4e: {  	_ =	shalt  }
0x4f: {  	_ =	shalt  }
0x50: {  	_ =	shalt  }
0x51: {  	_ =	shalt  }
0x52: {  	_ =	shalt  }
0x53: {  	_ =	shalt  }
0x54: {  	_ =	shalt  }
0x55: {  	_ =	shalt  }
0x56: {  	_ =	shalt  }
0x57: {  	_ =	shalt  }
0x58: {  	_ =	shalt  }
0x59: {  	_ =	shalt  }
0x5a: {  	_ =	shalt  }
0x5b: {  	_ =	shalt  }
0x5c: {  	_ =	shalt  }
0x5d: {  	_ =	shalt  }
0x5e: {  	_ =	shalt  }
0x5f: {  	_ =	shalt  }
0x60: {  	_ =	shalt  }
0x61: {  	_ =	shalt  }
0x62: {  	_ =	shalt  }
0x63: {  	_ =	shalt  }
0x64: {  	_ =	shalt  }
0x65: {  	_ =	shalt  }
0x66: {  	_ =	shalt  }
0x67: {  	_ =	shalt  }
0x68: {  	_ =	shalt  }
0x69: {  	_ =	shalt  }
0x6a: {  	_ =	shalt  }
0x6b: {  	_ =	shalt  }
0x6c: {  	_ =	shalt  }
0x6d: {  	_ =	shalt  }
0x6e: {  	_ =	shalt  }
0x6f: {  	_ =	shalt  }
0x70: {  	_ =	shalt  }
0x71: {  	_ =	shalt  }
0x72: {  	_ =	shalt  }
0x73: {  	_ =	shalt  }
0x74: {  	_ =	shalt  }
0x75: {  	_ =	shalt  }
0x76: {  	_ =	shalt  }
0x77: {  	_ =	shalt  }
0x78: {  	_ =	shalt  }
0x79: {  	_ =	shalt  }
0x7a: {  	_ =	shalt  }
0x7b: {  	_ =	shalt  }
0x7c: {  	_ =	shalt  }
0x7d: {  	_ =	shalt  }
0x7e: {  	_ =	shalt  }
0x7f: {  	_ =	shalt  }
0x80: {  	_ =	shalt  }
0x81: {  	_ =	shalt  }
0x82: {  	_ =	shalt  }
0x83: {  	_ =	shalt  }
0x84: {  	_ =	shalt  }
0x85: {  	_ =	shalt  }
0x86: {  	_ =	shalt  }
0x87: {  	_ =	shalt  }
.Lfunc_end0:
.L_simem_size_0:
called_computation_lowered:
.L_overlay_start_0:
0x88: {  	s2 =	sld [smem:$0x3FD9]  }
0x89: {  	s3 =	sld [smem:$0x3FFE];
	_ =	sdelay $0x1  }
0x8a: {  	s1 =	srdreg.scid  }
0x8b: {  	s0 =	sand.u32 $0x1, s1  }
0x8c: {  	s17 =	sshll.u32 s0, $0xA;
	s2 =	sadd.s32 s3, s2  }
0x8d: {  	s2 =	sadd.s32 s2, s17  }
0x8e: {  	[smem:$0x3FA2] =	sst s2  }
0x8f: {  	_ = 	snop  }
0x90: {  	(tm) =	ssettm $0x1  }
0x91: {  	s18 =	sld [smem:$0x3FFB];
	_ =	sdelay $0x3  }
0x92: {  	_ =	strace s18  }
0x93: {  	s2 =	sld [smem:$0x3FFC];
	_ =	sdelay $0x3  }
0x94: {  	_ =	strace s2  }
0x95: {  	s2 =	sld [smem:$0x3FFD];
	_ =	sdelay $0x3  }
0x96: {  	_ =	strace s2  }
0x97: {  	_ =	strace $0x8FFFFFFF  }
0x98: {  	s19 =	sld [smem:$0x3FDB];
	_ =	sdelay $0x1  }
0x99: {  	s20 =	simm.s32 $_scs_section_size  }
0x9a: {  	s4 =	simm.s32 $_size__tile_overlayer_lowered;
	s5 =	simm.s32 $_tile_overlayer_lowered  }
0x9b: {  	s6 =	simm.s32 $0x1BFF;
	s21 =	sshll.u32 s5, $0x1;
	s3 =	sadd.s32 s20, s19  }
0x9c: {  	s22 =	simm.s32 $0x0;
	s4 =	sshll.u32 s4, $0x1;
	s5 =	sadd.s32 s21, s3  }
0x9d: {  	[timem:s22], [sflag:s6] =	dma.local [hbm:s5], s4  }
0x9e: {  	_ =	swait.ge [sflag:s6], s4  }
0x9f: {  	s4 =	ssub.s32 $0x0, s4;
	[sflag:s6] =	ssyncset.done $0x0  }
0xa0: {  	[sflag:s6] =	ssyncadd.s32 s4;
	_ =	sdelay $0x1  }
0xa1: {  	s23 =	simm.s32 $0x1B8B  }
0xa2: {  	_ =	swait.ge [sflag:s23], $0x1  }
0xa3: {  	[sflag:s23] =	ssyncset.done $0x0  }
0xa4: {  	[sflag:s23] =	ssyncadd.s32 $0xFFFFFFFF  }
0xa5: {  	s4 =	sld [smem:$0x0]  }
0xa6: {  	s5 =	sand.u32 $0xFFFFFFFE, s1  }
0xa7: {  	p0 =	sne.s32 s1, s5  }
0xa8: {  	s5 =	sshll.u32 @p0 s5, $0xE  }
0xa9: {  	s5 =	sadd.s32 @p0 $0x11B8D, s5;
	s6 =	sshll.u32 @p0 s4, $0x11  }
0xaa: {  	s5 =	sor.u32 @p0 s6, s5  }
0xab: {  	[sflag:s5] =	ssyncadd.remote.s32 @p0 $0x1;
	_ =	sdelay $0x1  }
0xac: {  	s5 =	simm.s32 @p0 $0x1B8D  }
0xad: {  	_ =	swait.eq @p0 [sflag:s5], $0x1  }
0xae: {  	[sflag:s5] =	ssyncadd.s32 @p0 $0xFFFFFFFF  }
0xaf: {  	s6 =	sshll.u32 @!p0 s1, $0xE  }
0xb0: {  	s6 =	sor.u32 @!p0 $0x4000, s6;
	s5 =	simm.s32 @!p0 $0x1B8D  }
0xb1: {  	s4 =	sshll.u32 @!p0 s4, $0x11;
	s6 =	sadd.s32 @!p0 $0x11B8D, s6;
	_ =	swait.eq @!p0 [sflag:s5], $0x1  }
0xb2: {  	s4 =	sor.u32 @!p0 s4, s6;
	[sflag:s5] =	ssyncadd.s32 @!p0 $0xFFFFFFFF  }
0xb3: {  	s25 =	simm.s32 $0x1B8E;
	s24 =	sld [smem:$0x3FFE];
	[sflag:s4] =	ssyncadd.remote.s32 @!p0 $0x1  }
0xb4: {  	s26 =	simm.s32 $execute0_lowered;
	[smem:$0x3FD2] =	sst s25  }
0xb5: {  	s5 =	sshll.u32 s26, $0x1;
	_ =	strace $0x80000049;
	[dreg:$0x1] =	wrdreg $0xFFFFFFFF  }
0xb6: {  	s28 =	simm.s32 $_size_execute0_lowered;
	s3 =	sadd.s32 s3, s5;
	[dreg:$0x0] =	wrdreg $0x0  }
0xb7: {  	s5 =	sshll.u32 s28, $0x1;
	[dreg:$0x2] =	wrdreg s3  }
0xb8: {  	[dreg:$0x3] =	wrdreg s5  }
0xb9: {  	[dreg:$0x4] =	wrdreg $0xC0  }
0xba: {  	_ =	task [dreg:s22], $0x5FFFF  }
0xbb: {  	[dreg:$0x1] =	wrdreg $0xFFFFFFFF  }
0xbc: {  	[dreg:$0x0] =	wrdreg $0x60  }
0xbd: {  	[dreg:$0x2] =	wrdreg s24  }
0xbe: {  	[dreg:$0x3] =	wrdreg $0x9  }
0xbf: {  	_ =	task.clear_ibuf [dreg:s22], $0x4FFFF;
	_ =	strace $0x90000049  }
0xc0: {  	s29 =	simm.s32 $0x9;
	_ =	strace $0x8000004B  }
0xc1: {  	_ =	swait.ge [sflag:s29], $0x1  }
0xc2: {  	[sflag:s29] =	ssyncadd.s32 $0xFFFFFFFF  }
0xc3: {  	_ =	strace $0x9000004B  }
0xc4: {  	_ =	sfence  }
0xc5: {  	s30 =	sld [smem:$0x0];
	_ =	sdelay $0x2  }
0xc6: {  	s31 =	sshll.u32 s1, $0xD;
	s1 =	sshrl.u32 s1, $0x2  }
0xc7: {  	s4 =	sand.u32 $0x4000, s31;
	s1 =	sadd.s32 s1, s30  }
0xc8: {  	s0 =	sor.u32 s4, s0;
	s1 =	sshll.u32 s1, $0x11  }
0xc9: {  	s0 =	sor.u32 s1, s0  }
0xca: {  	s0 =	sadd.s32 $0x8F2B, s0  }
0xcb: {  	[sflag:s0] =	ssyncadd.remote.s32 $0x1  }
0xcc: {  	_ =	sfence.sel $0xFFFF  }
0xcd: {  	[dreg:$0x0] =	wrdreg $0xFFFFFFFF;
	(pc) =	sbr.abs _section_cstart, $3  }
0xce: {  	[dreg:$0x1] =	wrdreg $0xFFFFFFFF  }
0xcf: {  	_ =	task.clear_ibuf [dreg:s22], $0x2FFFF;
	_ =	strace $0x9FFFFFFF  }
0xd0: {  	(tm) =	ssettm $0x7FFFFFFF  }
0xd1: {  	_ =	shalt  }
tec
execute0_lowered:
.L_overlay_start_1:
0x0: {  	(tag) =	ssettag $0x1  }
0x1: {  	s8 =	rddreg [dreg:$0x0]  }
0x2: {  	s0 =	rddreg [dreg:$0x1];
	_ =	strace $0x8000004A;
	s1 =	stileid.u32  }
0x3: {  	s3 =	srdreg.scid;
	s4 =	simm.s32 $0x1;
	s7 =	simm.s32 $0x1  }
0x4: {  	s9 =	simm.s32 $0x1;
	s10 =	simm.s32 $0x3;
	s13 =	simm.s32 $0x0  }
0x5: {  	s12 =	simm.s32 $0x0;
	s5 =	sand.u32 $0x1, s3;
	s6 =	sshll.u32 s1, $0x1  }
0x6: {  	s2 =	sadd.s32 $0x56D000, s8;
	s3 =	sadd.s32 $0x563200, s8;
	s5 =	sor.u32 s6, s5  }
.Ltmp0:
0x7: {  	[sflag:s4] =	ssyncpa.u1 $0x0;
	p0 =	slt.u32 s5, $0x9;
	(pc) =	sbr.rel .LBB2_1-.Ltmp0, $4  }
0x8: {  	s6 =	simm.s32 $0x2;
	s7 =	simm.s32 @!p0 $0x0;
	p0 =	sne.s32 s5, $0x8  }
0x9: {  	[sflag:s6] =	ssyncpa.u1 $0x0;
	s5 =	smul.u32 $0x1F40, s5;
	s9 =	simm.s32 @!p0 $0x0  }
0xa: {  	s8 =	sadd.s32 $0x576E00, s8;
	[sflag:s10] =	ssyncpa.u1 $0x0;
	s7 =	sadd.s32 s9, s7  }
0xb: {  	vm0 =	vmmov $0xffff;
	s10 =	simm.s32 $0x0;
	s11 =	smov.u32 s5;
	s9 =	sadd.s32 $0x1, s7  }
.LBB2_4:
0xc: {  	v2 =	vnsel vm1, $0x0, v2  }
0xd: {  	vm1 =	vgt.s32 v0, $0x0;
	v2 =	vmin.u32 v2, $0x4E1FF  }
0xe: {  	v0 =	vnsel vm1, $0x0, v0  }
0xf: {  	v0 =	vmin.u32 v0, $0x4E1FF  }
0x10: {  	[tilespmem:s18], [sflag:$0x1] =	stream.indirect_vreg.gather [hbm4b:s2+s10], $0x1, v1, vm0, $0x4038;
	[tilespmem:$0x7D00] =	vst v63  }
0x11: {  	(ifvalue) =	ssetifvalue $0x7FFFFFFF  }
0x12: {  	[tilespmem:s15], [sflag:$0x1] =	stream.indirect_vreg.gather [hbm4b:s2+s10], $0x1, v2, vm0, $0x4038;
	[tilespmem:$0x7D00] =	vst v63  }
0x13: {  	s29 =	sadd.s32 $0x10, s15;
	(ifvalue) =	ssetifvalue $0x7FFFFFFF  }
0x14: {  	[tilespmem:s29], [sflag:$0x1] =	stream.indirect_vreg.gather [hbm4b:s2+s10], $0x1, v0, vm0, $0x4038;
	[tilespmem:$0x7D00] =	vst v63  }
0x15: {  	_ =	swait.ge [sflag:s4], $0x1F40  }
0x16: {  	s30 =	sshrl.u32 s13, $0x3;
	[sflag:s4] =	ssyncset.done $0x0  }
0x17: {  	s31 =	sand.u32 $0x7, s13;
	s15 =	sadd.s32 s8, s30;
	[sflag:s4] =	ssyncadd.s32 $0xFFFFE0C0  }
0x18: {  	[hbm4b:s15+s31] =	stream.linear.scatter [tilespmem:s14], [sflag:$0x3], $0x1F40, $0x38;
	[tilespmem:$0x7D00] =	vst v63  }
.LBB2_5:
0x19: {  	s15 =	sadd.s32 $0x3E800, s11  }
0x1a: {  	p1 =	sgt.s32 s15, $0x4E1FF  }
0x1b: {  	s15 =	smov.u32 @p1 s5;
	p1 =	sne.s32 s12, s9  }
.Ltmp1:
0x1c: {  	p0 =	slt.u32 s12, $0x2;
	(pc) =	sbr.rel @!p1 .LBB2_6-.Ltmp1, $4  }
0x1d: {  	s14 =	simm.s32 @!p0 $0x3  }
0x1e: {  	_ =	swait.ge @!p0 [sflag:s14], $0x1F40  }
0x1f: {  	s16 =	sadd.s32 $0x1, s12;
	s13 =	smov.u32 s11;
	[sflag:s14] =	ssyncset.done @!p0 $0x0  }
0x20: {  	s12 =	smov.u32 s16;
	s11 =	smov.u32 s15;
	[sflag:s14] =	ssyncadd.s32 @!p0 $0xFFFFE0C0  }
.LBB2_1:
0x21: {  	p0 =	sge.u32 s12, s7  }
0x22: {  	s14 =	sxor.u32 @!p0 $0x1, s12  }
0x23: {  	s14 =	smul.u32 @!p0 $0x7D00, s14  }
0x24: {  	s31 =	sadd.s32 $0xFFFFFFFF, s12;
	s15 =	sshrl.u32 @!p0 s11, $0x3  }
0x25: {  	s16 =	sand.u32 @!p0 $0x7, s11;
	s15 =	sadd.s32 @!p0 s3, s15;
	s14 =	sshra.s32 @!p0 s14, $0x2  }
0x26: {  	[tilespmem:s14], [sflag:$0x2] =	stream.linear.gather @!p0 [hbm4b:s15+s16], $0x1F40, $0x38;
	[tilespmem:$0x7D00] =	vst v63  }
0x27: {  	p0 =	sge.u32 s31, s7  }
.Ltmp2:
0x28: {  	_ = 	snop;
	(pc) =	sbr.rel @p0 .LBB2_5-.Ltmp2, $1  }
0x29: {  	_ =	sdelay $0x3  }
0x2a: {  	s14 =	sand.u32 $0x1, s12  }
0x2b: {  	_ =	swait.ge [sflag:s6], $0x1F40;
	p0 =	seq.s32 s14, $0x1;
	s14 =	simm.s32 $0x1F40  }
0x2c: {  	[sflag:s6] =	ssyncset.done $0x0;
	s14 =	simm.s32 @!p0 $0x0  }
0x2d: {  	[sflag:s6] =	ssyncadd.s32 $0xFFFFE0C0;
	(ifvalue) =	ssetifvalue $0x7FFFFFFF;
	v0 =	vld.msk [tilespmem:s14+$0x0 ss:$0x1], $0xffff;
	_ =	sdelay $0x4  }
0x2e: {  	s15 =	sadd.s32 $0x10, s14;
	vm1 =	vgt.s32 v0, $0x0  }
0x2f: {  	v2 =	vld.msk [tilespmem:s15+$0x0 ss:$0x1], $0xffff;
	v1 =	vnsel vm1, $0x0, v0  }
0x30: {  	v1 =	vmin.u32 v1, $0x4E1FF;
	_ =	sdelay $0x2  }
0x31: {  	s17 =	simm.s32 $0x20;
	s14 =	sadd.s32 $0x3E80, s14;
	s16 =	sadd.s32 $0x10, s15  }
0x32: {  	s15 =	sadd.s32 $0x10, s14;
	s18 =	smov.u32 s14;
	v0 =	vld.msk [tilespmem:s16+$0x0 ss:$0x1], $0xffff;
	vm1 =	vgt.s32 v2, $0x0;
	(ifvalue) =	ssetifvalue $0x7FFFFFFF  }
.LBB2_3:
0x33: {  	[tilespmem:s18], [sflag:$0x1] =	stream.indirect_vreg.gather [hbm4b:s2+s10], $0x1, v1, vm0, $0x4038;
	[tilespmem:$0x7D00] =	vst v63  }
0x34: {  	s17 =	sadd.s32 $0x10, s17  }
0x35: {  	v2 =	vnsel vm1, $0x0, v2;
	p0 =	slt.u32 s17, $0x1F30  }
.Ltmp3:
0x36: {  	s18 =	smov.u32 s15;
	v1 =	vmin.u32 v2, $0x4E1FF;
	(pc) =	sbr.rel @p0 .LBB2_3-.Ltmp3, $3  }
0x37: {  	_ =	sdelay $0x1  }
0x38: {  	s16 =	sadd.s32 $0x10, s16  }
0x39: {  	vm1 =	vgt.s32 v0, $0x0;
	s15 =	sadd.s32 $0x10, s15;
	v2 =	vmov v0;
	(ifvalue) =	ssetifvalue $0x7FFFFFFF;
	v0 =	vld.msk [tilespmem:s16+$0x0 ss:$0x1], $0xffff  }
.Ltmp4:
0x3a: {  	_ = 	snop;
	(pc) =	sbr.rel .LBB2_4-.Ltmp4, $1  }
0x3b: {  	_ =	sdelay $0x3  }
.LBB2_6:
0x3c: {  	_ =	sfence.sel $0x180000  }
0x3d: {  	s2 =	simm.s32 $0x2;
	[bflag:$0x0] =	sbarrier.arrive $0xFFFF  }
0x3e: {  	s30 =	simm.s32 $0x3;
	[sflag:s2] =	ssyncpa.u1 $0x1  }
0x3f: {  	s31 =	simm.s32 $0x1;
	[sflag:s30] =	ssyncpa.u1 $0x1  }
0x40: {  	[sflag:s31] =	ssyncpa.u1 $0x1  }
0x41: {  	p0 =	sne.s32 s1, $0x0;
	_ =	strace $0x9000004A  }
0x42: {  	s0 =	sadd.s32 @!p0 $0x100000, s0;
	[bflag:$0x2] =	sbarrier.arrive $0xFFFF  }
0x43: {  	[sflag:s0] =	ssyncadd.tile.s32 @!p0 $0x1;
	_ =	shalt  }
.Lfunc_end2:
_tile_overlayer_lowered:
.L_overlay_start_2:
0x44: {  	(tag) =	ssettag $0x2  }
0x45: {  	s0 =	rddreg [dreg:$0x0];
	s2 =	stileid.u32  }
0x46: {  	s1 =	rddreg [dreg:$0x1];
	p0 =	sne.s32 s2, $0x0  }
0x47: {  	s3 =	rddreg [dreg:$0x2];
	[bflag:$0x3] =	sbarrier.arrive $0xFFFF;
	s2 =	simm.s32 @!p0 $0x1C01  }
0x48: {  	[timem:s3], [sflag:s2] =	dma.local @!p0 [hbm:s0], s1  }
0x49: {  	s0 =	simm.s32 @!p0 $0x1  }
0x4a: {  	_ =	swait.ge @!p0 [sflag:s0], s1  }
0x4b: {  	s1 =	ssub.s32 @!p0 $0x0, s1;
	[sflag:s0] =	ssyncset.done @!p0 $0x0  }
0x4c: {  	[sflag:s0] =	ssyncadd.s32 @!p0 s1  }
0x4d: {  	[bflag:$0x3] =	sbarrier.arrive $0xFFFF  }
0x4e: {  	_ =	shalt  }

// kernel: kernel.11.cloned.1.call-start
scs
__scs_entry_jumppad:
0x0: {  	(pc) =	sbr.rel $0x88, $3  }
0x1: {  	(tag) =	ssettag $0x0;
	lr =	simm.s32 $0x1  }
0x2: {  	[smem:$0x3F7B] =	sst lr;
	_ =	strace $0xD0000000  }
0x3: {  	_ = 	snop  }
0x4: {  	_ = 	snop  }
0x5: {  	_ = 	snop  }
0x6: {  	_ = 	snop  }
0x7: {  	_ = 	snop  }
__scs_overlays_trampoline_lowered:
0x8: {  	[smem:$0x3F8A] =	sst s0  }
0x9: {  	[smem:$0x3F8B] =	sst s1  }
0xa: {  	[smem:$0x3F8C] =	sst s2  }
0xb: {  	[smem:$0x3F8D] =	sst s3  }
0xc: {  	[smem:$0x3F8E] =	sst s4  }
0xd: {  	[smem:$0x3F8F] =	sst s5  }
0xe: {  	[smem:$0x3F90] =	sst s6  }
0xf: {  	[smem:$0x3F91] =	sst s7  }
0x10: {  	[smem:$0x3F92] =	sst s8  }
0x11: {  	[smem:$0x3F93] =	sst s9;
	s0 =	simm.s32 @!p0 $0x0  }
0x12: {  	s1 =	sld [smem:$0x3F79];
	s0 =	simm.s32 @p0 $0x1  }
0x13: {  	[smem:$0x3F94] =	sst s0;
	s0 =	simm.s32 @!p1 $0x0  }
0x14: {  	s2 =	sld [smem:$0x3F78];
	s0 =	simm.s32 @p1 $0x1  }
0x15: {  	[smem:$0x3F95] =	sst s0;
	s0 =	simm.s32 @!p2 $0x0  }
0x16: {  	s3 =	sld [smem:$0x3FDB];
	s0 =	simm.s32 @p2 $0x1  }
0x17: {  	s4 =	simm.s32 $0x1BF5;
	[smem:$0x3F97] =	sst s0  }
0x18: {  	s0 =	sld [smem:$0x3F7A];
	_ =	swait.ge [sflag:s4], $0x0  }
0x19: {  	s7 =	sld [smem:$0x3F7B]  }
0x1a: {  	s8 =	sadd.s32 $0xFFFFE003, lr  }
0x1b: {  	s9 =	sadd.s32 $0xFFFFFEF7, lr;
	s5 =	simm.s32 $0xFFFFFFFF;
	p2 =	slt.u32 s8, $0xFFFFF086  }
0x1c: {  	p1 =	slt.u32 s9, $0xF7A;
	s5 =	simm.s32 @!p2 $0x0  }
0x1d: {  	s5 =	simm.s32 @p1 $0x1;
	p0 =	seq.s32 s7, s2  }
0x1e: {  	s7 =	smul.u32 @!p0 $0xF7A, s2;
	p2 =	seq.s32 @!p0 s5, $0x0  }
0x1f: {  	s9 =	smul.u32 $0xF7A, s1;
	s8 =	simm.s32 @!p0 $0x1BF5;
	p2 =	por !p2, p0  }
0x20: {  	[sflag:s8] =	ssyncset.s32 @!p0 $0xFFFFF086;
	s6 =	sadd.s32 @!p0 s3, s7;
	s7 =	simm.s32 @!p0 $0x108  }
0x21: {  	s3 =	sadd.s32 s3, s9;
	s6 =	sadd.s32 @!p0 $0x88, s6;
	s7 =	simm.s32 @p2 $0x1082  }
0x22: {  	[simem:s7], [sflag:s8] =	dma.local @!p0 [hbm:s6], $0xF7A  }
0x23: {  	s9 =	sor.u32 $0xD0000000, s2;
	s6 =	simm.s32 $0x108;
	_ =	swait.ge @!p0 [sflag:s8], $0x0  }
0x24: {  	s3 =	sadd.s32 $0x88, s3;
	s6 =	simm.s32 @!p1 $0x1082;
	[sflag:s4] =	ssyncset.s32 $0xFFFFF086  }
0x25: {  	[simem:s6], [sflag:s4] =	dma.local [hbm:s3], $0xF7A  }
0x26: {  	[smem:$0x3F7B] =	sst s1;
	(tag) =	ssettag s2;
	_ =	strace s9  }
0x27: {  	s1 =	sld [smem:$0x3F8B]  }
0x28: {  	s2 =	sld [smem:$0x3F8C]  }
0x29: {  	s4 =	sld [smem:$0x3F8E]  }
0x2a: {  	p0 =	seq.s32 s5, $0x0;
	s5 =	sld [smem:$0x3F8F]  }
0x2b: {  	s6 =	sld [smem:$0x3F90]  }
0x2c: {  	s7 =	sld [smem:$0x3F91]  }
0x2d: {  	s3 =	simm.s32 $0x108;
	s8 =	sld [smem:$0x3F92]  }
0x2e: {  	s3 =	simm.s32 @!p0 $0x1082;
	s9 =	sld [smem:$0x3F93]  }
0x2f: {  	lr =	sadd.s32 s0, s3;
	s0 =	sld [smem:$0x3F8A]  }
0x30: {  	s3 =	sld [smem:$0x3F8D]  }
0x31: {  	[smem:$0x3F96] =	sst s10  }
0x32: {  	s10 =	sld [smem:$0x3F94];
	_ =	sdelay $0x3  }
0x33: {  	p0 =	seq.s32 s10, $0x1;
	s10 =	sld [smem:$0x3F96];
	_ =	sdelay $0x3  }
0x34: {  	[smem:$0x3F96] =	sst s10  }
0x35: {  	s10 =	sld [smem:$0x3F95];
	_ =	sdelay $0x3  }
0x36: {  	p1 =	seq.s32 s10, $0x1;
	s10 =	sld [smem:$0x3F96];
	_ =	sdelay $0x3  }
0x37: {  	[smem:$0x3F96] =	sst s10  }
0x38: {  	s10 =	sld [smem:$0x3F97]  }
0x39: {  	_ = 	snop;
	(pc) =	sbr.ind lr, $3  }
0x3a: {  	_ = 	snop  }
0x3b: {  	_ = 	snop  }
0x3c: {  	p2 =	seq.s32 s10, $0x1;
	s10 =	sld [smem:$0x3F96]  }
0x3d: {  	_ =	shalt  }
0x3e: {  	_ =	shalt  }
0x3f: {  	_ =	shalt  }
0x40: {  	_ =	shalt  }
0x41: {  	_ =	shalt  }
0x42: {  	_ =	shalt  }
0x43: {  	_ =	shalt  }
0x44: {  	_ =	shalt  }
0x45: {  	_ =	shalt  }
0x46: {  	_ =	shalt  }
0x47: {  	_ =	shalt  }
0x48: {  	_ =	shalt  }
0x49: {  	_ =	shalt  }
0x4a: {  	_ =	shalt  }
0x4b: {  	_ =	shalt  }
0x4c: {  	_ =	shalt  }
0x4d: {  	_ =	shalt  }
0x4e: {  	_ =	shalt  }
0x4f: {  	_ =	shalt  }
0x50: {  	_ =	shalt  }
0x51: {  	_ =	shalt  }
0x52: {  	_ =	shalt  }
0x53: {  	_ =	shalt  }
0x54: {  	_ =	shalt  }
0x55: {  	_ =	shalt  }
0x56: {  	_ =	shalt  }
0x57: {  	_ =	shalt  }
0x58: {  	_ =	shalt  }
0x59: {  	_ =	shalt  }
0x5a: {  	_ =	shalt  }
0x5b: {  	_ =	shalt  }
0x5c: {  	_ =	shalt  }
0x5d: {  	_ =	shalt  }
0x5e: {  	_ =	shalt  }
0x5f: {  	_ =	shalt  }
0x60: {  	_ =	shalt  }
0x61: {  	_ =	shalt  }
0x62: {  	_ =	shalt  }
0x63: {  	_ =	shalt  }
0x64: {  	_ =	shalt  }
0x65: {  	_ =	shalt  }
0x66: {  	_ =	shalt  }
0x67: {  	_ =	shalt  }
0x68: {  	_ =	shalt  }
0x69: {  	_ =	shalt  }
0x6a: {  	_ =	shalt  }
0x6b: {  	_ =	shalt  }
0x6c: {  	_ =	shalt  }
0x6d: {  	_ =	shalt  }
0x6e: {  	_ =	shalt  }
0x6f: {  	_ =	shalt  }
0x70: {  	_ =	shalt  }
0x71: {  	_ =	shalt  }
0x72: {  	_ =	shalt  }
0x73: {  	_ =	shalt  }
0x74: {  	_ =	shalt  }
0x75: {  	_ =	shalt  }
0x76: {  	_ =	shalt  }
0x77: {  	_ =	shalt  }
0x78: {  	_ =	shalt  }
0x79: {  	_ =	shalt  }
0x7a: {  	_ =	shalt  }
0x7b: {  	_ =	shalt  }
0x7c: {  	_ =	shalt  }
0x7d: {  	_ =	shalt  }
0x7e: {  	_ =	shalt  }
0x7f: {  	_ =	shalt  }
0x80: {  	_ =	shalt  }
0x81: {  	_ =	shalt  }
0x82: {  	_ =	shalt  }
0x83: {  	_ =	shalt  }
0x84: {  	_ =	shalt  }
0x85: {  	_ =	shalt  }
0x86: {  	_ =	shalt  }
0x87: {  	_ =	shalt  }
.Lfunc_end0:
.L_simem_size_0:
called_computation.1_lowered:
.L_overlay_start_0:
0x88: {  	s2 =	sld [smem:$0x3FD9]  }
0x89: {  	s3 =	sld [smem:$0x3FFE];
	_ =	sdelay $0x1  }
0x8a: {  	s1 =	srdreg.scid  }
0x8b: {  	s0 =	sand.u32 $0x1, s1  }
0x8c: {  	s16 =	sshll.u32 s0, $0xA;
	s2 =	sadd.s32 s3, s2  }
0x8d: {  	s2 =	sadd.s32 s2, s16  }
0x8e: {  	[smem:$0x3FA2] =	sst s2  }
0x8f: {  	_ = 	snop  }
0x90: {  	(tm) =	ssettm $0x1  }
0x91: {  	s17 =	sld [smem:$0x3FFB];
	_ =	sdelay $0x3  }
0x92: {  	_ =	strace s17  }
0x93: {  	s2 =	sld [smem:$0x3FFC];
	_ =	sdelay $0x3  }
0x94: {  	_ =	strace s2  }
0x95: {  	s2 =	sld [smem:$0x3FFD];
	_ =	sdelay $0x3  }
0x96: {  	_ =	strace s2  }
0x97: {  	_ =	strace $0x8FFFFFFF  }
0x98: {  	s18 =	sld [smem:$0x3FDB];
	_ =	sdelay $0x1  }
0x99: {  	s19 =	simm.s32 $_scs_section_size  }
0x9a: {  	s4 =	simm.s32 $_size__tile_overlayer_lowered;
	s5 =	simm.s32 $_tile_overlayer_lowered  }
0x9b: {  	s22 =	simm.s32 $0x1BFF;
	s21 =	sshll.u32 s5, $0x1;
	s2 =	sadd.s32 s19, s18  }
0x9c: {  	s6 =	simm.s32 $0x0;
	s20 =	sshll.u32 s4, $0x1;
	s4 =	sadd.s32 s21, s2  }
0x9d: {  	[timem:s6], [sflag:s22] =	dma.local [hbm:s4], s20  }
0x9e: {  	_ =	swait.ge [sflag:s22], s20  }
0x9f: {  	s3 =	ssub.s32 $0x0, s20;
	[sflag:s22] =	ssyncset.done $0x0  }
0xa0: {  	[sflag:s22] =	ssyncadd.s32 s3;
	_ =	sdelay $0x1  }
0xa1: {  	s23 =	simm.s32 $0x1B8B  }
0xa2: {  	_ =	swait.ge [sflag:s23], $0x1  }
0xa3: {  	[sflag:s23] =	ssyncset.done $0x0  }
0xa4: {  	s25 =	simm.s32 $0x1B8E;
	s24 =	sld [smem:$0x3FFE];
	[sflag:s23] =	ssyncadd.s32 $0xFFFFFFFF  }
0xa5: {  	s26 =	simm.s32 $execute0_lowered;
	[smem:$0x3FD2] =	sst s25  }
0xa6: {  	s4 =	sshll.u32 s26, $0x1;
	_ =	strace $0x80000046;
	[dreg:$0x1] =	wrdreg $0xFFFFFFFF  }
0xa7: {  	s28 =	simm.s32 $_size_execute0_lowered;
	s2 =	sadd.s32 s2, s4;
	[dreg:$0x0] =	wrdreg $0x0  }
0xa8: {  	s4 =	sshll.u32 s28, $0x1;
	[dreg:$0x2] =	wrdreg s2  }
0xa9: {  	[dreg:$0x3] =	wrdreg s4  }
0xaa: {  	[dreg:$0x4] =	wrdreg $0xC0  }
0xab: {  	_ =	task [dreg:s6], $0x5FFFF  }
0xac: {  	[dreg:$0x1] =	wrdreg $0xFFFFFFFF  }
0xad: {  	[dreg:$0x0] =	wrdreg $0x60  }
0xae: {  	[dreg:$0x2] =	wrdreg s24  }
0xaf: {  	[dreg:$0x3] =	wrdreg $0xA  }
0xb0: {  	_ =	task.clear_ibuf [dreg:s6], $0x4FFFF;
	_ =	strace $0x90000046  }
0xb1: {  	s29 =	simm.s32 $0xA;
	_ =	strace $0x80000048  }
0xb2: {  	_ =	swait.ge [sflag:s29], $0x1  }
0xb3: {  	[sflag:s29] =	ssyncadd.s32 $0xFFFFFFFF  }
0xb4: {  	_ =	strace $0x90000048  }
0xb5: {  	_ =	sfence  }
0xb6: {  	s30 =	sld [smem:$0x0];
	_ =	sdelay $0x2  }
0xb7: {  	s31 =	sshll.u32 s1, $0xD;
	s1 =	sshrl.u32 s1, $0x2  }
0xb8: {  	s3 =	sand.u32 $0x4000, s31;
	s1 =	sadd.s32 s1, s30  }
0xb9: {  	s0 =	sor.u32 s3, s0;
	s1 =	sshll.u32 s1, $0x11  }
0xba: {  	s0 =	sor.u32 s1, s0  }
0xbb: {  	s0 =	sadd.s32 $0x8F2B, s0  }
0xbc: {  	[sflag:s0] =	ssyncadd.remote.s32 $0x1  }
0xbd: {  	_ =	sfence.sel $0xFFFF  }
0xbe: {  	[dreg:$0x0] =	wrdreg $0xFFFFFFFF;
	(pc) =	sbr.abs _section_cstart, $3  }
0xbf: {  	[dreg:$0x1] =	wrdreg $0xFFFFFFFF  }
0xc0: {  	_ =	task.clear_ibuf [dreg:s6], $0x2FFFF;
	_ =	strace $0x9FFFFFFF  }
0xc1: {  	(tm) =	ssettm $0x7FFFFFFF  }
tec
execute0_lowered:
.L_overlay_start_1:
0x0: {  	(tag) =	ssettag $0x1  }
0x1: {  	s0 =	rddreg [dreg:$0x0];
	s2 =	simm.s32 $0x0  }
0x2: {  	s3 =	srdreg.scid;
	s1 =	stileid.u32;
	s13 =	simm.s32 $0x50  }
0x3: {  	s14 =	simm.s32 $0x4000;
	s15 =	simm.s32 $0x80;
	s16 =	simm.s32 $0x6800  }
0x4: {  	s17 =	simm.s32 $0x100;
	s18 =	simm.s32 $0x9000;
	s19 =	simm.s32 $0x180  }
0x5: {  	s20 =	simm.s32 $0xB800;
	s21 =	simm.s32 $0x200;
	s22 =	simm.s32 $0xE000  }
0x6: {  	s23 =	simm.s32 $0x1;
	s24 =	simm.s32 $0x2;
	s25 =	simm.s32 $0x3  }
0x7: {  	s26 =	simm.s32 $0x4;
	s28 =	simm.s32 $0x5;
	s29 =	simm.s32 $0x0  }
0x8: {  	[smem:$0x7FF] =	sst s2;
	s7 =	sand.u32 $0x1, s3;
	s4 =	sshll.u32 s1, $0x1  }
0x9: {  	s3 =	sadd.s32 $0x24A00, s0;
	s11 =	smul.u32 $0x4E200, s1;
	_ =	strace $0x80000047  }
0xa: {  	s4 =	sor.u32 s7, s4;
	s5 =	ssub.s32 $0x2, s7;
	s12 =	smul.u32 $0x27100, s7  }
0xb: {  	s6 =	sshll.u32 s4, $0xB;
	s8 =	sshrl.u32 s5, $0x1;
	s9 =	smul.u32 $0x27100, s4  }
0xc: {  	s31 =	sadd.s32 s6, s0;
	s0 =	sadd.s32 $0x72C00, s0;
	s10 =	ssub.s32 s5, s8  }
0xd: {  	s4 =	sadd.s32 $0x14A00, s31;
	s9 =	sadd.s32 s0, s9;
	s0 =	sadd.s32 s11, s0  }
0xe: {  	s10 =	smax.u32 s10, $0x1;
	s5 =	sadd.s32 $0x25800, s9;
	s6 =	sadd.s32 $0x25D00, s9  }
0xf: {  	s7 =	sadd.s32 $0x26200, s9;
	s8 =	sadd.s32 $0x26700, s9;
	s0 =	sadd.s32 s12, s0  }
0x10: {  	s9 =	sadd.s32 $0x26C00, s9;
	s12 =	simm.s32 $0x6;
	s11 =	sadd.s32 $0x1400, s0  }
.LBB2_1:
0x11: {  	[tilespmem:s2], [sflag:$0x6] =	stream.linear.gather [hbm4b:s4+s2], $0x3E80, $0x38;
	[tilespmem:$0x10800] =	vst v63  }
0x12: {  	_ =	swait.ge [sflag:s12], $0x3E80  }
0x13: {  	[sflag:s12] =	ssyncset.done $0x0  }
0x14: {  	[sflag:s12] =	ssyncadd.s32 $0xFFFFC180  }
0x15: {  	[tilespmem:s14], [sflag:$0x1] =	stream.indirect.gather [hbm4b:s3+s13], $0x80, s2, s13, $0xb8;
	[tilespmem:$0x10800] =	vst v63  }
0x16: {  	_ = 	snop  }
0x17: {  	[tilespmem:s16], [sflag:$0x2] =	stream.indirect.gather [hbm4b:s3+s13], $0x80, s15, s13, $0xb8;
	[tilespmem:$0x10800] =	vst v63  }
0x18: {  	_ = 	snop  }
0x19: {  	[tilespmem:s18], [sflag:$0x3] =	stream.indirect.gather [hbm4b:s3+s13], $0x80, s17, s13, $0xb8;
	[tilespmem:$0x10800] =	vst v63  }
0x1a: {  	_ = 	snop  }
0x1b: {  	[tilespmem:s20], [sflag:$0x4] =	stream.indirect.gather [hbm4b:s3+s13], $0x80, s19, s13, $0xb8;
	[tilespmem:$0x10800] =	vst v63  }
0x1c: {  	_ = 	snop  }
0x1d: {  	[tilespmem:s22], [sflag:$0x5] =	stream.indirect.gather [hbm4b:s3+s13], $0x80, s21, s13, $0xb8;
	[tilespmem:$0x10800] =	vst v63  }
0x1e: {  	_ =	swait.ge [sflag:s23], $0x2800  }
0x1f: {  	[sflag:s23] =	ssyncset.done $0x0  }
0x20: {  	s0 =	sadd.s32 $0xFFFFEC00, s11;
	[sflag:s23] =	ssyncadd.s32 $0xFFFFD800  }
0x21: {  	[hbm4b:s0+s2] =	stream.linear.scatter [tilespmem:s14], [sflag:$0x6], $0x2800, $0x38;
	[tilespmem:$0x10800] =	vst v63  }
0x22: {  	_ =	swait.ge [sflag:s12], $0x2800  }
0x23: {  	[sflag:s12] =	ssyncset.done $0x0  }
0x24: {  	s1 =	simm.s32 $0x280;
	[sflag:s12] =	ssyncadd.s32 $0xFFFFD800  }
0x25: {  	[tilespmem:s14], [sflag:$0x1] =	stream.indirect.gather [hbm4b:s3+s13], $0x80, s1, s13, $0xb8;
	[tilespmem:$0x10800] =	vst v63  }
0x26: {  	_ =	swait.ge [sflag:s24], $0x2800  }
0x27: {  	[sflag:s24] =	ssyncset.done $0x0  }
0x28: {  	s1 =	sadd.s32 $0xFFFFF100, s11;
	[sflag:s24] =	ssyncadd.s32 $0xFFFFD800  }
0x29: {  	[hbm4b:s1+s2] =	stream.linear.scatter [tilespmem:s16], [sflag:$0x6], $0x2800, $0x38;
	[tilespmem:$0x10800] =	vst v63  }
0x2a: {  	_ =	swait.ge [sflag:s12], $0x2800  }
0x2b: {  	[sflag:s12] =	ssyncset.done $0x0  }
0x2c: {  	s1 =	simm.s32 $0x300;
	[sflag:s12] =	ssyncadd.s32 $0xFFFFD800  }
0x2d: {  	[tilespmem:s16], [sflag:$0x2] =	stream.indirect.gather [hbm4b:s3+s13], $0x80, s1, s13, $0xb8;
	[tilespmem:$0x10800] =	vst v63  }
0x2e: {  	_ =	swait.ge [sflag:s25], $0x2800  }
0x2f: {  	[sflag:s25] =	ssyncset.done $0x0  }
0x30: {  	s1 =	sadd.s32 $0xFFFFF600, s11;
	[sflag:s25] =	ssyncadd.s32 $0xFFFFD800  }
0x31: {  	[hbm4b:s1+s2] =	stream.linear.scatter [tilespmem:s18], [sflag:$0x6], $0x2800, $0x38;
	[tilespmem:$0x10800] =	vst v63  }
0x32: {  	_ =	swait.ge [sflag:s12], $0x2800  }
0x33: {  	[sflag:s12] =	ssyncset.done $0x0  }
0x34: {  	s1 =	simm.s32 $0x380;
	[sflag:s12] =	ssyncadd.s32 $0xFFFFD800  }
0x35: {  	[tilespmem:s18], [sflag:$0x3] =	stream.indirect.gather [hbm4b:s3+s13], $0x80, s1, s13, $0xb8;
	[tilespmem:$0x10800] =	vst v63  }
0x36: {  	_ =	swait.ge [sflag:s26], $0x2800  }
0x37: {  	[sflag:s26] =	ssyncset.done $0x0  }
0x38: {  	s1 =	sadd.s32 $0xFFFFFB00, s11;
	[sflag:s26] =	ssyncadd.s32 $0xFFFFD800  }
0x39: {  	[hbm4b:s1+s2] =	stream.linear.scatter [tilespmem:s20], [sflag:$0x6], $0x2800, $0x38;
	[tilespmem:$0x10800] =	vst v63  }
0x3a: {  	_ =	swait.ge [sflag:s12], $0x2800  }
0x3b: {  	[sflag:s12] =	ssyncset.done $0x0  }
0x3c: {  	s1 =	simm.s32 $0x400;
	[sflag:s12] =	ssyncadd.s32 $0xFFFFD800  }
0x3d: {  	[tilespmem:s20], [sflag:$0x4] =	stream.indirect.gather [hbm4b:s3+s13], $0x80, s1, s13, $0xb8;
	[tilespmem:$0x10800] =	vst v63  }
0x3e: {  	_ =	swait.ge [sflag:s28], $0x2800  }
0x3f: {  	[sflag:s28] =	ssyncset.done $0x0  }
0x40: {  	[sflag:s28] =	ssyncadd.s32 $0xFFFFD800  }
0x41: {  	[hbm4b:s11+s2] =	stream.linear.scatter [tilespmem:s22], [sflag:$0x6], $0x2800, $0x38;
	[tilespmem:$0x10800] =	vst v63  }
0x42: {  	_ =	swait.ge [sflag:s12], $0x2800  }
0x43: {  	s30 =	simm.s32 $0xA00;
	[sflag:s12] =	ssyncset.done $0x0  }
0x44: {  	s31 =	sadd.s32 $0x1900, s11;
	s0 =	simm.s32 $0x480;
	[sflag:s12] =	ssyncadd.s32 $0xFFFFD800  }
.LBB2_2:
0x45: {  	[tilespmem:s22], [sflag:$0x5] =	stream.indirect.gather [hbm4b:s3+s13], $0x80, s0, s13, $0xb8;
	[tilespmem:$0x10800] =	vst v63  }
0x46: {  	s0 =	smov.u32 s30  }
0x47: {  	p0 =	sne.s32 s30, $0xE600;
	s30 =	sadd.s32 $0xA00, s30;
	_ =	swait.ge [sflag:s23], $0x2800  }
0x48: {  	[sflag:s23] =	ssyncset.done $0x0  }
0x49: {  	s1 =	sadd.s32 $0xFFFFEC00, s31;
	[sflag:s23] =	ssyncadd.s32 $0xFFFFD800  }
0x4a: {  	[hbm4b:s1+s2] =	stream.linear.scatter [tilespmem:s14], [sflag:$0x6], $0x2800, $0x38;
	[tilespmem:$0x10800] =	vst v63  }
0x4b: {  	_ =	swait.ge [sflag:s12], $0x2800  }
0x4c: {  	s0 =	sshra.s32 s0, $0x2;
	[sflag:s12] =	ssyncset.done $0x0  }
0x4d: {  	s1 =	sadd.s32 $0x280, s0;
	[sflag:s12] =	ssyncadd.s32 $0xFFFFD800  }
0x4e: {  	[tilespmem:s14], [sflag:$0x1] =	stream.indirect.gather [hbm4b:s3+s13], $0x80, s1, s13, $0xb8;
	[tilespmem:$0x10800] =	vst v63  }
0x4f: {  	_ =	swait.ge [sflag:s24], $0x2800  }
0x50: {  	[sflag:s24] =	ssyncset.done $0x0  }
0x51: {  	s1 =	sadd.s32 $0xFFFFF100, s31;
	[sflag:s24] =	ssyncadd.s32 $0xFFFFD800  }
0x52: {  	[hbm4b:s1+s2] =	stream.linear.scatter [tilespmem:s16], [sflag:$0x6], $0x2800, $0x38;
	[tilespmem:$0x10800] =	vst v63  }
0x53: {  	_ =	swait.ge [sflag:s12], $0x2800  }
0x54: {  	[sflag:s12] =	ssyncset.done $0x0  }
0x55: {  	s1 =	sadd.s32 $0x300, s0;
	[sflag:s12] =	ssyncadd.s32 $0xFFFFD800  }
0x56: {  	[tilespmem:s16], [sflag:$0x2] =	stream.indirect.gather [hbm4b:s3+s13], $0x80, s1, s13, $0xb8;
	[tilespmem:$0x10800] =	vst v63  }
0x57: {  	_ =	swait.ge [sflag:s25], $0x2800  }
0x58: {  	[sflag:s25] =	ssyncset.done $0x0  }
0x59: {  	s1 =	sadd.s32 $0xFFFFF600, s31;
	[sflag:s25] =	ssyncadd.s32 $0xFFFFD800  }
0x5a: {  	[hbm4b:s1+s2] =	stream.linear.scatter [tilespmem:s18], [sflag:$0x6], $0x2800, $0x38;
	[tilespmem:$0x10800] =	vst v63  }
0x5b: {  	_ =	swait.ge [sflag:s12], $0x2800  }
0x5c: {  	[sflag:s12] =	ssyncset.done $0x0  }
0x5d: {  	s1 =	sadd.s32 $0x380, s0;
	[sflag:s12] =	ssyncadd.s32 $0xFFFFD800  }
0x5e: {  	[tilespmem:s18], [sflag:$0x3] =	stream.indirect.gather [hbm4b:s3+s13], $0x80, s1, s13, $0xb8;
	[tilespmem:$0x10800] =	vst v63  }
0x5f: {  	_ =	swait.ge [sflag:s26], $0x2800  }
0x60: {  	[sflag:s26] =	ssyncset.done $0x0  }
0x61: {  	s1 =	sadd.s32 $0xFFFFFB00, s31;
	[sflag:s26] =	ssyncadd.s32 $0xFFFFD800  }
0x62: {  	[hbm4b:s1+s2] =	stream.linear.scatter [tilespmem:s20], [sflag:$0x6], $0x2800, $0x38;
	[tilespmem:$0x10800] =	vst v63  }
0x63: {  	_ =	swait.ge [sflag:s12], $0x2800  }
0x64: {  	[sflag:s12] =	ssyncset.done $0x0  }
0x65: {  	s1 =	sadd.s32 $0x400, s0;
	[sflag:s12] =	ssyncadd.s32 $0xFFFFD800  }
0x66: {  	[tilespmem:s20], [sflag:$0x4] =	stream.indirect.gather [hbm4b:s3+s13], $0x80, s1, s13, $0xb8;
	[tilespmem:$0x10800] =	vst v63  }
0x67: {  	_ =	swait.ge [sflag:s28], $0x2800  }
0x68: {  	[sflag:s28] =	ssyncset.done $0x0  }
.Ltmp0:
0x69: {  	[sflag:s28] =	ssyncadd.s32 $0xFFFFD800;
	(pc) =	sbr.rel @p0 .LBB2_2-.Ltmp0, $4  }
0x6a: {  	[hbm4b:s31+s2] =	stream.linear.scatter [tilespmem:s22], [sflag:$0x6], $0x2800, $0x38;
	[tilespmem:$0x10800] =	vst v63  }
0x6b: {  	_ =	swait.ge [sflag:s12], $0x2800  }
0x6c: {  	[sflag:s12] =	ssyncset.done $0x0  }
0x6d: {  	s0 =	sadd.s32 $0x480, s0;
	s31 =	sadd.s32 $0x1900, s31;
	[sflag:s12] =	ssyncadd.s32 $0xFFFFD800  }
0x6e: {  	[tilespmem:s22], [sflag:$0x5] =	stream.indirect.gather [hbm4b:s3+s13], $0x80, s0, s13, $0xb8;
	[tilespmem:$0x10800] =	vst v63  }
0x6f: {  	_ =	swait.ge [sflag:s23], $0x2800  }
0x70: {  	[sflag:s23] =	ssyncset.done $0x0  }
0x71: {  	[sflag:s23] =	ssyncadd.s32 $0xFFFFD800  }
0x72: {  	[hbm4b:s5+s2] =	stream.linear.scatter [tilespmem:s14], [sflag:$0x6], $0x2800, $0x38;
	[tilespmem:$0x10800] =	vst v63  }
0x73: {  	_ =	swait.ge [sflag:s12], $0x2800  }
0x74: {  	[sflag:s12] =	ssyncset.done $0x0  }
0x75: {  	[sflag:s12] =	ssyncadd.s32 $0xFFFFD800  }
0x76: {  	_ =	swait.ge [sflag:s24], $0x2800  }
0x77: {  	[sflag:s24] =	ssyncset.done $0x0  }
0x78: {  	[sflag:s24] =	ssyncadd.s32 $0xFFFFD800  }
0x79: {  	[hbm4b:s6+s2] =	stream.linear.scatter [tilespmem:s16], [sflag:$0x6], $0x2800, $0x38;
	[tilespmem:$0x10800] =	vst v63  }
0x7a: {  	_ =	swait.ge [sflag:s12], $0x2800  }
0x7b: {  	[sflag:s12] =	ssyncset.done $0x0  }
0x7c: {  	[sflag:s12] =	ssyncadd.s32 $0xFFFFD800  }
0x7d: {  	_ =	swait.ge [sflag:s25], $0x2800  }
0x7e: {  	[sflag:s25] =	ssyncset.done $0x0  }
0x7f: {  	[sflag:s25] =	ssyncadd.s32 $0xFFFFD800  }
0x80: {  	[hbm4b:s7+s2] =	stream.linear.scatter [tilespmem:s18], [sflag:$0x6], $0x2800, $0x38;
	[tilespmem:$0x10800] =	vst v63  }
0x81: {  	_ =	swait.ge [sflag:s12], $0x2800  }
0x82: {  	[sflag:s12] =	ssyncset.done $0x0  }
0x83: {  	[sflag:s12] =	ssyncadd.s32 $0xFFFFD800  }
0x84: {  	_ =	swait.ge [sflag:s26], $0x2800  }
0x85: {  	[sflag:s26] =	ssyncset.done $0x0  }
0x86: {  	[sflag:s26] =	ssyncadd.s32 $0xFFFFD800  }
0x87: {  	[hbm4b:s8+s2] =	stream.linear.scatter [tilespmem:s20], [sflag:$0x6], $0x2800, $0x38;
	[tilespmem:$0x10800] =	vst v63  }
0x88: {  	_ =	swait.ge [sflag:s12], $0x2800  }
0x89: {  	[sflag:s12] =	ssyncset.done $0x0  }
0x8a: {  	[sflag:s12] =	ssyncadd.s32 $0xFFFFD800  }
0x8b: {  	s29 =	sadd.s32 $0x1, s29;
	_ =	swait.ge [sflag:s28], $0x2800  }
0x8c: {  	p0 =	sne.s32 s29, s10;
	[sflag:s28] =	ssyncset.done $0x0  }
.Ltmp1:
0x8d: {  	[sflag:s28] =	ssyncadd.s32 $0xFFFFD800;
	(pc) =	sbr.rel @p0 .LBB2_1-.Ltmp1, $4  }
0x8e: {  	[hbm4b:s9+s2] =	stream.linear.scatter [tilespmem:s22], [sflag:$0x6], $0x2800, $0x38;
	[tilespmem:$0x10800] =	vst v63  }
0x8f: {  	_ =	swait.ge [sflag:s12], $0x2800  }
0x90: {  	[sflag:s12] =	ssyncset.done $0x0  }
0x91: {  	[sflag:s12] =	ssyncadd.s32 $0xFFFFD800  }
0x92: {  	_ =	sfence.sel $0x180000  }
0x93: {  	[bflag:$0x0] =	sbarrier.arrive $0xFFFF  }
0x94: {  	_ =	strace $0x90000047  }
0x95: {  	s0 =	stileid.u32;
	[bflag:$0x2] =	sbarrier.arrive $0xFFFF  }
0x96: {  	p0 =	sne.s32 s0, $0x0;
	s0 =	rddreg [dreg:$0x1]  }
0x97: {  	s0 =	sadd.s32 @!p0 $0x100000, s0  }
0x98: {  	[sflag:s0] =	ssyncadd.tile.s32 @!p0 $0x1;
	_ =	shalt  }
.Lfunc_end2:
_tile_overlayer_lowered:
.L_overlay_start_2:
0x99: {  	(tag) =	ssettag $0x2  }
0x9a: {  	s0 =	rddreg [dreg:$0x0];
	s2 =	stileid.u32  }
0x9b: {  	s1 =	rddreg [dreg:$0x1];
	p0 =	sne.s32 s2, $0x0  }
0x9c: {  	s3 =	rddreg [dreg:$0x2];
	[bflag:$0x3] =	sbarrier.arrive $0xFFFF;
	s2 =	simm.s32 @!p0 $0x1C06  }
0x9d: {  	[timem:s3], [sflag:s2] =	dma.local @!p0 [hbm:s0], s1  }
0x9e: {  	s0 =	simm.s32 @!p0 $0x6  }
0x9f: {  	_ =	swait.ge @!p0 [sflag:s0], s1  }
0xa0: {  	s1 =	ssub.s32 @!p0 $0x0, s1;
	[sflag:s0] =	ssyncset.done @!p0 $0x0  }
0xa1: {  	[sflag:s0] =	ssyncadd.s32 @!p0 s1  }
0xa2: {  	[bflag:$0x3] =	sbarrier.arrive $0xFFFF  }
0xa3: {  	_ =	shalt  }

// kernel: kernel.14.cloned.1.call-start
scs
__scs_entry_jumppad:
0x0: {  	(pc) =	sbr.rel $0x88, $3  }
0x1: {  	(tag) =	ssettag $0x0;
	lr =	simm.s32 $0x1  }
0x2: {  	[smem:$0x3F7B] =	sst lr;
	_ =	strace $0xD0000000  }
0x3: {  	_ = 	snop  }
0x4: {  	_ = 	snop  }
0x5: {  	_ = 	snop  }
0x6: {  	_ = 	snop  }
0x7: {  	_ = 	snop  }
__scs_overlays_trampoline_lowered:
0x8: {  	[smem:$0x3F8A] =	sst s0  }
0x9: {  	[smem:$0x3F8B] =	sst s1  }
0xa: {  	[smem:$0x3F8C] =	sst s2  }
0xb: {  	[smem:$0x3F8D] =	sst s3  }
0xc: {  	[smem:$0x3F8E] =	sst s4  }
0xd: {  	[smem:$0x3F8F] =	sst s5  }
0xe: {  	[smem:$0x3F90] =	sst s6  }
0xf: {  	[smem:$0x3F91] =	sst s7  }
0x10: {  	[smem:$0x3F92] =	sst s8  }
0x11: {  	[smem:$0x3F93] =	sst s9;
	s0 =	simm.s32 @!p0 $0x0  }
0x12: {  	s1 =	sld [smem:$0x3F79];
	s0 =	simm.s32 @p0 $0x1  }
0x13: {  	[smem:$0x3F94] =	sst s0;
	s0 =	simm.s32 @!p1 $0x0  }
0x14: {  	s2 =	sld [smem:$0x3F78];
	s0 =	simm.s32 @p1 $0x1  }
0x15: {  	[smem:$0x3F95] =	sst s0;
	s0 =	simm.s32 @!p2 $0x0  }
0x16: {  	s3 =	sld [smem:$0x3FDB];
	s0 =	simm.s32 @p2 $0x1  }
0x17: {  	s4 =	simm.s32 $0x1BF5;
	[smem:$0x3F97] =	sst s0  }
0x18: {  	s0 =	sld [smem:$0x3F7A];
	_ =	swait.ge [sflag:s4], $0x0  }
0x19: {  	s7 =	sld [smem:$0x3F7B]  }
0x1a: {  	s8 =	sadd.s32 $0xFFFFE003, lr  }
0x1b: {  	s9 =	sadd.s32 $0xFFFFFEF7, lr;
	s5 =	simm.s32 $0xFFFFFFFF;
	p2 =	slt.u32 s8, $0xFFFFF086  }
0x1c: {  	p1 =	slt.u32 s9, $0xF7A;
	s5 =	simm.s32 @!p2 $0x0  }
0x1d: {  	s5 =	simm.s32 @p1 $0x1;
	p0 =	seq.s32 s7, s2  }
0x1e: {  	s7 =	smul.u32 @!p0 $0xF7A, s2;
	p2 =	seq.s32 @!p0 s5, $0x0  }
0x1f: {  	s9 =	smul.u32 $0xF7A, s1;
	s8 =	simm.s32 @!p0 $0x1BF5;
	p2 =	por !p2, p0  }
0x20: {  	[sflag:s8] =	ssyncset.s32 @!p0 $0xFFFFF086;
	s6 =	sadd.s32 @!p0 s3, s7;
	s7 =	simm.s32 @!p0 $0x108  }
0x21: {  	s3 =	sadd.s32 s3, s9;
	s6 =	sadd.s32 @!p0 $0x88, s6;
	s7 =	simm.s32 @p2 $0x1082  }
0x22: {  	[simem:s7], [sflag:s8] =	dma.local @!p0 [hbm:s6], $0xF7A  }
0x23: {  	s9 =	sor.u32 $0xD0000000, s2;
	s6 =	simm.s32 $0x108;
	_ =	swait.ge @!p0 [sflag:s8], $0x0  }
0x24: {  	s3 =	sadd.s32 $0x88, s3;
	s6 =	simm.s32 @!p1 $0x1082;
	[sflag:s4] =	ssyncset.s32 $0xFFFFF086  }
0x25: {  	[simem:s6], [sflag:s4] =	dma.local [hbm:s3], $0xF7A  }
0x26: {  	[smem:$0x3F7B] =	sst s1;
	(tag) =	ssettag s2;
	_ =	strace s9  }
0x27: {  	s1 =	sld [smem:$0x3F8B]  }
0x28: {  	s2 =	sld [smem:$0x3F8C]  }
0x29: {  	s4 =	sld [smem:$0x3F8E]  }
0x2a: {  	p0 =	seq.s32 s5, $0x0;
	s5 =	sld [smem:$0x3F8F]  }
0x2b: {  	s6 =	sld [smem:$0x3F90]  }
0x2c: {  	s7 =	sld [smem:$0x3F91]  }
0x2d: {  	s3 =	simm.s32 $0x108;
	s8 =	sld [smem:$0x3F92]  }
0x2e: {  	s3 =	simm.s32 @!p0 $0x1082;
	s9 =	sld [smem:$0x3F93]  }
0x2f: {  	lr =	sadd.s32 s0, s3;
	s0 =	sld [smem:$0x3F8A]  }
0x30: {  	s3 =	sld [smem:$0x3F8D]  }
0x31: {  	[smem:$0x3F96] =	sst s10  }
0x32: {  	s10 =	sld [smem:$0x3F94];
	_ =	sdelay $0x3  }
0x33: {  	p0 =	seq.s32 s10, $0x1;
	s10 =	sld [smem:$0x3F96];
	_ =	sdelay $0x3  }
0x34: {  	[smem:$0x3F96] =	sst s10  }
0x35: {  	s10 =	sld [smem:$0x3F95];
	_ =	sdelay $0x3  }
0x36: {  	p1 =	seq.s32 s10, $0x1;
	s10 =	sld [smem:$0x3F96];
	_ =	sdelay $0x3  }
0x37: {  	[smem:$0x3F96] =	sst s10  }
0x38: {  	s10 =	sld [smem:$0x3F97]  }
0x39: {  	_ = 	snop;
	(pc) =	sbr.ind lr, $3  }
0x3a: {  	_ = 	snop  }
0x3b: {  	_ = 	snop  }
0x3c: {  	p2 =	seq.s32 s10, $0x1;
	s10 =	sld [smem:$0x3F96]  }
0x3d: {  	_ =	shalt  }
0x3e: {  	_ =	shalt  }
0x3f: {  	_ =	shalt  }
0x40: {  	_ =	shalt  }
0x41: {  	_ =	shalt  }
0x42: {  	_ =	shalt  }
0x43: {  	_ =	shalt  }
0x44: {  	_ =	shalt  }
0x45: {  	_ =	shalt  }
0x46: {  	_ =	shalt  }
0x47: {  	_ =	shalt  }
0x48: {  	_ =	shalt  }
0x49: {  	_ =	shalt  }
0x4a: {  	_ =	shalt  }
0x4b: {  	_ =	shalt  }
0x4c: {  	_ =	shalt  }
0x4d: {  	_ =	shalt  }
0x4e: {  	_ =	shalt  }
0x4f: {  	_ =	shalt  }
0x50: {  	_ =	shalt  }
0x51: {  	_ =	shalt  }
0x52: {  	_ =	shalt  }
0x53: {  	_ =	shalt  }
0x54: {  	_ =	shalt  }
0x55: {  	_ =	shalt  }
0x56: {  	_ =	shalt  }
0x57: {  	_ =	shalt  }
0x58: {  	_ =	shalt  }
0x59: {  	_ =	shalt  }
0x5a: {  	_ =	shalt  }
0x5b: {  	_ =	shalt  }
0x5c: {  	_ =	shalt  }
0x5d: {  	_ =	shalt  }
0x5e: {  	_ =	shalt  }
0x5f: {  	_ =	shalt  }
0x60: {  	_ =	shalt  }
0x61: {  	_ =	shalt  }
0x62: {  	_ =	shalt  }
0x63: {  	_ =	shalt  }
0x64: {  	_ =	shalt  }
0x65: {  	_ =	shalt  }
0x66: {  	_ =	shalt  }
0x67: {  	_ =	shalt  }
0x68: {  	_ =	shalt  }
0x69: {  	_ =	shalt  }
0x6a: {  	_ =	shalt  }
0x6b: {  	_ =	shalt  }
0x6c: {  	_ =	shalt  }
0x6d: {  	_ =	shalt  }
0x6e: {  	_ =	shalt  }
0x6f: {  	_ =	shalt  }
0x70: {  	_ =	shalt  }
0x71: {  	_ =	shalt  }
0x72: {  	_ =	shalt  }
0x73: {  	_ =	shalt  }
0x74: {  	_ =	shalt  }
0x75: {  	_ =	shalt  }
0x76: {  	_ =	shalt  }
0x77: {  	_ =	shalt  }
0x78: {  	_ =	shalt  }
0x79: {  	_ =	shalt  }
0x7a: {  	_ =	shalt  }
0x7b: {  	_ =	shalt  }
0x7c: {  	_ =	shalt  }
0x7d: {  	_ =	shalt  }
0x7e: {  	_ =	shalt  }
0x7f: {  	_ =	shalt  }
0x80: {  	_ =	shalt  }
0x81: {  	_ =	shalt  }
0x82: {  	_ =	shalt  }
0x83: {  	_ =	shalt  }
0x84: {  	_ =	shalt  }
0x85: {  	_ =	shalt  }
0x86: {  	_ =	shalt  }
0x87: {  	_ =	shalt  }
.Lfunc_end0:
.L_simem_size_0:
called_computation.2_lowered:
.L_overlay_start_0:
0x88: {  	s2 =	sld [smem:$0x3FD9]  }
0x89: {  	s3 =	sld [smem:$0x3FFE];
	_ =	sdelay $0x1  }
0x8a: {  	s1 =	srdreg.scid  }
0x8b: {  	s0 =	sand.u32 $0x1, s1  }
0x8c: {  	s16 =	sshll.u32 s0, $0xA;
	s2 =	sadd.s32 s3, s2  }
0x8d: {  	s2 =	sadd.s32 s2, s16  }
0x8e: {  	[smem:$0x3FA2] =	sst s2  }
0x8f: {  	_ = 	snop  }
0x90: {  	(tm) =	ssettm $0x1  }
0x91: {  	s17 =	sld [smem:$0x3FFB];
	_ =	sdelay $0x3  }
0x92: {  	_ =	strace s17  }
0x93: {  	s2 =	sld [smem:$0x3FFC];
	_ =	sdelay $0x3  }
0x94: {  	_ =	strace s2  }
0x95: {  	s2 =	sld [smem:$0x3FFD];
	_ =	sdelay $0x3  }
0x96: {  	_ =	strace s2  }
0x97: {  	_ =	strace $0x8FFFFFFF  }
0x98: {  	s18 =	sld [smem:$0x3FDB];
	_ =	sdelay $0x1  }
0x99: {  	s19 =	simm.s32 $_scs_section_size  }
0x9a: {  	s4 =	simm.s32 $_size__tile_overlayer_lowered;
	s5 =	simm.s32 $_tile_overlayer_lowered  }
0x9b: {  	s22 =	simm.s32 $0x1BFF;
	s21 =	sshll.u32 s5, $0x1;
	s2 =	sadd.s32 s19, s18  }
0x9c: {  	s6 =	simm.s32 $0x0;
	s20 =	sshll.u32 s4, $0x1;
	s4 =	sadd.s32 s21, s2  }
0x9d: {  	[timem:s6], [sflag:s22] =	dma.local [hbm:s4], s20  }
0x9e: {  	_ =	swait.ge [sflag:s22], s20  }
0x9f: {  	s3 =	ssub.s32 $0x0, s20;
	[sflag:s22] =	ssyncset.done $0x0  }
0xa0: {  	[sflag:s22] =	ssyncadd.s32 s3;
	_ =	sdelay $0x1  }
0xa1: {  	s23 =	simm.s32 $0x1B8B  }
0xa2: {  	_ =	swait.ge [sflag:s23], $0x1  }
0xa3: {  	[sflag:s23] =	ssyncset.done $0x0  }
0xa4: {  	s25 =	simm.s32 $0x1B8E;
	s24 =	sld [smem:$0x3FFE];
	[sflag:s23] =	ssyncadd.s32 $0xFFFFFFFF  }
0xa5: {  	s26 =	simm.s32 $execute0_lowered;
	[smem:$0x3FD2] =	sst s25  }
0xa6: {  	s4 =	sshll.u32 s26, $0x1;
	_ =	strace $0x8000004C;
	[dreg:$0x1] =	wrdreg $0xFFFFFFFF  }
0xa7: {  	s28 =	simm.s32 $_size_execute0_lowered;
	s2 =	sadd.s32 s2, s4;
	[dreg:$0x0] =	wrdreg $0x0  }
0xa8: {  	s4 =	sshll.u32 s28, $0x1;
	[dreg:$0x2] =	wrdreg s2  }
0xa9: {  	[dreg:$0x3] =	wrdreg s4  }
0xaa: {  	[dreg:$0x4] =	wrdreg $0xC0  }
0xab: {  	_ =	task [dreg:s6], $0x5FFFF  }
0xac: {  	[dreg:$0x1] =	wrdreg $0xFFFFFFFF  }
0xad: {  	[dreg:$0x0] =	wrdreg $0x60  }
0xae: {  	[dreg:$0x2] =	wrdreg s24  }
0xaf: {  	[dreg:$0x3] =	wrdreg $0x27100  }
0xb0: {  	[dreg:$0x4] =	wrdreg $0x9  }
0xb1: {  	_ =	task.clear_ibuf [dreg:s6], $0x5FFFF;
	_ =	strace $0x9000004C  }
0xb2: {  	s29 =	simm.s32 $0x9;
	_ =	strace $0x8000004E  }
0xb3: {  	_ =	swait.ge [sflag:s29], $0x1  }
0xb4: {  	[sflag:s29] =	ssyncadd.s32 $0xFFFFFFFF  }
0xb5: {  	_ =	strace $0x9000004E  }
0xb6: {  	_ =	sfence  }
0xb7: {  	s30 =	sld [smem:$0x0];
	_ =	sdelay $0x2  }
0xb8: {  	s31 =	sshll.u32 s1, $0xD;
	s1 =	sshrl.u32 s1, $0x2  }
0xb9: {  	s3 =	sand.u32 $0x4000, s31;
	s1 =	sadd.s32 s1, s30  }
0xba: {  	s0 =	sor.u32 s3, s0;
	s1 =	sshll.u32 s1, $0x11  }
0xbb: {  	s0 =	sor.u32 s1, s0  }
0xbc: {  	s0 =	sadd.s32 $0x8F2B, s0  }
0xbd: {  	[sflag:s0] =	ssyncadd.remote.s32 $0x1  }
0xbe: {  	_ =	sfence.sel $0xFFFF  }
0xbf: {  	[dreg:$0x0] =	wrdreg $0xFFFFFFFF;
	(pc) =	sbr.abs _section_cstart, $3  }
0xc0: {  	[dreg:$0x1] =	wrdreg $0xFFFFFFFF  }
0xc1: {  	_ =	task.clear_ibuf [dreg:s6], $0x2FFFF;
	_ =	strace $0x9FFFFFFF  }
0xc2: {  	(tm) =	ssettm $0x7FFFFFFF  }
0xc3: {  	_ =	shalt  }
tec
execute0_lowered:
.L_overlay_start_1:
0x0: {  	(tag) =	ssettag $0x1  }
0x1: {  	s0 =	rddreg [dreg:$0x0];
	s1 =	srdreg.scid  }
0x2: {  	s14 =	stileid.u32;
	s2 =	rddreg [dreg:$0x1];
	s3 =	simm.s32 $0x0  }
0x3: {  	s15 =	simm.s32 $0xB;
	s28 =	simm.s32 $0x2;
	s29 =	simm.s32 $0x7  }
0x4: {  	s30 =	simm.s32 $0x3;
	s31 =	simm.s32 $0x8;
	s1 =	sand.u32 $0x1, s1  }
0x5: {  	s4 =	sshll.u32 s14, $0x1;
	[smem:$0x7FF] =	sst s3;
	s6 =	smul.u32 $0xA000, s14  }
0x6: {  	s7 =	sadd.s32 $0x580C00, s0;
	s10 =	smul.u32 $0x4E20, s14;
	s26 =	sshll.u32 s14, $0x6  }
0x7: {  	s4 =	sor.u32 s1, s4;
	_ =	strace $0x8000004D;
	s8 =	smul.u32 $0x14000, s1  }
0x8: {  	s12 =	ssub.s32 $0x2, s1;
	s1 =	smul.u32 $0x2710, s1;
	s16 =	sor.u32 $0x1C0B, s26  }
0x9: {  	s26 =	simm.s32 $0x6;
	s5 =	smul.u32 $0x2710, s4;
	s9 =	sshrl.u32 s6, $0x3  }
0xa: {  	s17 =	sshrl.u32 s12, $0x1;
	s4 =	smul.u32 $0x9C40, s4;
	s6 =	sadd.s32 s6, s2  }
0xb: {  	s11 =	sadd.s32 s9, s0;
	s1 =	sadd.s32 s1, s10;
	s5 =	sshrl.u32 s5, $0x3  }
0xc: {  	s1 =	sshll.u32 s1, $0x2;
	s18 =	sadd.s32 $0x554E00, s11;
	s5 =	sadd.s32 s5, s0  }
0xd: {  	s0 =	sadd.s32 s8, s0;
	s8 =	ssub.s32 s12, s17;
	[dreg:$0x6] =	wrdreg s18  }
0xe: {  	s1 =	sadd.s32 s7, s1;
	s17 =	sshrl.u32 s6, $0x3;
	s18 =	simm.s32 $0xC710  }
0xf: {  	s6 =	simm.s32 $0xA;
	s5 =	sadd.s32 $0x576E00, s5;
	s22 =	sadd.s32 $0xB40, s1  }
0x10: {  	s24 =	sadd.s32 $0xA00, s1;
	s0 =	sadd.s32 $0x72C00, s0;
	[dreg:$0x5] =	wrdreg s5  }
0x11: {  	s25 =	smax.u32 s8, $0x1;
	s12 =	sadd.s32 $0x8C0, s1;
	[dreg:$0x3] =	wrdreg s22  }
0x12: {  	s13 =	sadd.s32 $0x780, s1;
	s14 =	sadd.s32 $0x640, s1;
	[dreg:$0xb] =	wrdreg s25  }
0x13: {  	s1 =	simm.s32 $0x4;
	s5 =	sadd.s32 s7, s4;
	[dreg:$0x4] =	wrdreg s24  }
0x14: {  	s22 =	simm.s32 $0xEF10;
	s24 =	sadd.s32 s9, s0;
	s19 =	sadd.s32 $0x140, s5  }
0x15: {  	s25 =	simm.s32 $0x50;
	s20 =	sadd.s32 $0x280, s5;
	[dreg:$0x7] =	wrdreg s19  }
0x16: {  	s0 =	simm.s32 $0x9;
	s21 =	sadd.s32 $0x3C0, s5;
	[dreg:$0x8] =	wrdreg s20  }
0x17: {  	s4 =	simm.s32 $0x5;
	s23 =	sadd.s32 $0x500, s5;
	[dreg:$0x9] =	wrdreg s21  }
0x18: {  	s7 =	simm.s32 $0x0;
	[dreg:$0xa] =	wrdreg s23;
	s19 =	simm.s32 $0xD110  }
0x19: {  	s20 =	simm.s32 $0xDB10;
	s21 =	simm.s32 $0xE510;
	s23 =	simm.s32 $0x1  }
.LBB2_1:
0x1a: {  	s8 =	rddreg [dreg:$0x5]  }
0x1b: {  	[tilespmem:s3], [sflag:$0xB] =	stream.linear.gather [hbm4b:s8+s3], $0x2710, $0x38;
	[tilespmem:$0xF910] =	vst v63  }
0x1c: {  	_ =	swait.ge [sflag:s15], $0x2710  }
0x1d: {  	[sflag:s15] =	ssyncset.done $0x0  }
0x1e: {  	s10 =	rddreg [dreg:$0x6];
	[sflag:s15] =	ssyncadd.s32 $0xFFFFD8F0  }
0x1f: {  	[spmem:s17], [sflag:s16] =	dma.local [hbm:s10], $0x1400  }
0x20: {  	_ =	swait.ge [sflag:s15], $0x1400  }
0x21: {  	[sflag:s15] =	ssyncset.done $0x0  }
0x22: {  	[sflag:s15] =	ssyncadd.s32 $0xFFFFEC00  }
0x23: {  	[bflag:$0x0] =	sbarrier.arrive $0xFFFF  }
0x24: {  	[tilespmem:s18], [sflag:$0x1] =	stream.linear.gather [hbm4b:s5+s3], $0xA00, $0x38;
	[tilespmem:$0xF910] =	vst v63  }
0x25: {  	s11 =	rddreg [dreg:$0x7]  }
0x26: {  	[tilespmem:s19], [sflag:$0x2] =	stream.linear.gather [hbm4b:s11+s3], $0xA00, $0x38;
	[tilespmem:$0xF910] =	vst v63  }
0x27: {  	s9 =	rddreg [dreg:$0x8]  }
0x28: {  	[tilespmem:s20], [sflag:$0x3] =	stream.linear.gather [hbm4b:s9+s3], $0xA00, $0x38;
	[tilespmem:$0xF910] =	vst v63  }
0x29: {  	s10 =	rddreg [dreg:$0x9]  }
0x2a: {  	[tilespmem:s21], [sflag:$0x4] =	stream.linear.gather [hbm4b:s10+s3], $0xA00, $0x38;
	[tilespmem:$0xF910] =	vst v63  }
0x2b: {  	s11 =	rddreg [dreg:$0xa]  }
0x2c: {  	[tilespmem:s22], [sflag:$0x5] =	stream.linear.gather [hbm4b:s11+s3], $0xA00, $0x38;
	[tilespmem:$0xF910] =	vst v63  }
0x2d: {  	_ =	swait.ge [sflag:s23], $0xA00  }
0x2e: {  	[sflag:s23] =	ssyncset.done $0x0  }
0x2f: {  	s9 =	simm.s32 $0x0;
	[sflag:s23] =	ssyncadd.s32 $0xFFFFF600  }
0x30: {  	[spmem:s2] =	stream.indirect.scatter.add.f32 [tilespmem:s18], [sflag:$0x6], $0x20, s9, s25, $0xb8;
	[tilespmem:$0xF910] =	vst v63  }
0x31: {  	_ =	swait.ge [sflag:s26], $0xA00  }
0x32: {  	[sflag:s26] =	ssyncset.done $0x0  }
0x33: {  	s10 =	sadd.s32 $0x0, s14;
	[sflag:s26] =	ssyncadd.s32 $0xFFFFF600  }
0x34: {  	[tilespmem:s18], [sflag:$0x1] =	stream.linear.gather [hbm4b:s10+s3], $0xA00, $0x38;
	[tilespmem:$0xF910] =	vst v63  }
0x35: {  	_ =	swait.ge [sflag:s28], $0xA00  }
0x36: {  	[sflag:s28] =	ssyncset.done $0x0  }
0x37: {  	s11 =	simm.s32 $0x50;
	[sflag:s28] =	ssyncadd.s32 $0xFFFFF600  }
0x38: {  	[spmem:s2] =	stream.indirect.scatter.add.f32 [tilespmem:s19], [sflag:$0x7], $0x20, s11, s25, $0xb8;
	[tilespmem:$0xF910] =	vst v63  }
0x39: {  	_ =	swait.ge [sflag:s29], $0xA00  }
0x3a: {  	[sflag:s29] =	ssyncset.done $0x0  }
0x3b: {  	s9 =	sadd.s32 $0x0, s13;
	[sflag:s29] =	ssyncadd.s32 $0xFFFFF600  }
0x3c: {  	[tilespmem:s19], [sflag:$0x2] =	stream.linear.gather [hbm4b:s9+s3], $0xA00, $0x38;
	[tilespmem:$0xF910] =	vst v63  }
0x3d: {  	_ =	swait.ge [sflag:s30], $0xA00  }
0x3e: {  	[sflag:s30] =	ssyncset.done $0x0  }
0x3f: {  	s10 =	simm.s32 $0xA0;
	[sflag:s30] =	ssyncadd.s32 $0xFFFFF600  }
0x40: {  	[spmem:s2] =	stream.indirect.scatter.add.f32 [tilespmem:s20], [sflag:$0x8], $0x20, s10, s25, $0xb8;
	[tilespmem:$0xF910] =	vst v63  }
0x41: {  	_ =	swait.ge [sflag:s31], $0xA00  }
0x42: {  	[sflag:s31] =	ssyncset.done $0x0  }
0x43: {  	s11 =	sadd.s32 $0x0, s12;
	[sflag:s31] =	ssyncadd.s32 $0xFFFFF600  }
0x44: {  	[tilespmem:s20], [sflag:$0x3] =	stream.linear.gather [hbm4b:s11+s3], $0xA00, $0x38;
	[tilespmem:$0xF910] =	vst v63  }
0x45: {  	_ =	swait.ge [sflag:s1], $0xA00  }
0x46: {  	[sflag:s1] =	ssyncset.done $0x0  }
0x47: {  	s9 =	simm.s32 $0xF0;
	[sflag:s1] =	ssyncadd.s32 $0xFFFFF600  }
0x48: {  	[spmem:s2] =	stream.indirect.scatter.add.f32 [tilespmem:s21], [sflag:$0x9], $0x20, s9, s25, $0xb8;
	[tilespmem:$0xF910] =	vst v63  }
0x49: {  	_ =	swait.ge [sflag:s0], $0xA00  }
0x4a: {  	s10 =	rddreg [dreg:$0x4];
	[sflag:s0] =	ssyncset.done $0x0  }
0x4b: {  	[sflag:s0] =	ssyncadd.s32 $0xFFFFF600;
	s8 =	sadd.s32 $0x0, s10  }
0x4c: {  	[tilespmem:s21], [sflag:$0x4] =	stream.linear.gather [hbm4b:s8+s3], $0xA00, $0x38;
	[tilespmem:$0xF910] =	vst v63  }
0x4d: {  	_ =	swait.ge [sflag:s4], $0xA00  }
0x4e: {  	[sflag:s4] =	ssyncset.done $0x0  }
0x4f: {  	s11 =	simm.s32 $0x140;
	[sflag:s4] =	ssyncadd.s32 $0xFFFFF600  }
0x50: {  	[spmem:s2] =	stream.indirect.scatter.add.f32 [tilespmem:s22], [sflag:$0xA], $0x20, s11, s25, $0xb8;
	[tilespmem:$0xF910] =	vst v63  }
0x51: {  	_ =	swait.ge [sflag:s6], $0xA00  }
0x52: {  	s9 =	rddreg [dreg:$0x3];
	[sflag:s6] =	ssyncset.done $0x0  }
0x53: {  	s8 =	simm.s32 $0x640;
	[sflag:s6] =	ssyncadd.s32 $0xFFFFF600;
	s9 =	sadd.s32 $0x0, s9  }
.LBB2_2:
0x54: {  	[tilespmem:s22], [sflag:$0x5] =	stream.linear.gather [hbm4b:s9+s3], $0xA00, $0x38;
	[tilespmem:$0xF910] =	vst v63  }
0x55: {  	_ =	swait.ge [sflag:s23], $0xA00  }
0x56: {  	s9 =	smov.u32 s8;
	[sflag:s23] =	ssyncset.done $0x0  }
0x57: {  	s10 =	sshra.s32 s9, $0x2;
	[sflag:s23] =	ssyncadd.s32 $0xFFFFF600  }
0x58: {  	[spmem:s2] =	stream.indirect.scatter.add.f32 [tilespmem:s18], [sflag:$0x6], $0x20, s10, s25, $0xb8;
	[tilespmem:$0xF910] =	vst v63  }
0x59: {  	_ =	swait.ge [sflag:s26], $0xA00  }
0x5a: {  	[sflag:s26] =	ssyncset.done $0x0  }
0x5b: {  	s11 =	sadd.s32 s9, s14;
	[sflag:s26] =	ssyncadd.s32 $0xFFFFF600  }
0x5c: {  	[tilespmem:s18], [sflag:$0x1] =	stream.linear.gather [hbm4b:s11+s3], $0xA00, $0x38;
	[tilespmem:$0xF910] =	vst v63  }
0x5d: {  	_ =	swait.ge [sflag:s28], $0xA00  }
0x5e: {  	[sflag:s28] =	ssyncset.done $0x0  }
0x5f: {  	s11 =	sadd.s32 $0x50, s10;
	[sflag:s28] =	ssyncadd.s32 $0xFFFFF600  }
0x60: {  	[spmem:s2] =	stream.indirect.scatter.add.f32 [tilespmem:s19], [sflag:$0x7], $0x20, s11, s25, $0xb8;
	[tilespmem:$0xF910] =	vst v63  }
0x61: {  	_ =	swait.ge [sflag:s29], $0xA00  }
0x62: {  	[sflag:s29] =	ssyncset.done $0x0  }
0x63: {  	s11 =	sadd.s32 s9, s13;
	[sflag:s29] =	ssyncadd.s32 $0xFFFFF600  }
0x64: {  	[tilespmem:s19], [sflag:$0x2] =	stream.linear.gather [hbm4b:s11+s3], $0xA00, $0x38;
	[tilespmem:$0xF910] =	vst v63  }
0x65: {  	_ =	swait.ge [sflag:s30], $0xA00  }
0x66: {  	[sflag:s30] =	ssyncset.done $0x0  }
0x67: {  	s11 =	sadd.s32 $0xA0, s10;
	[sflag:s30] =	ssyncadd.s32 $0xFFFFF600  }
0x68: {  	[spmem:s2] =	stream.indirect.scatter.add.f32 [tilespmem:s20], [sflag:$0x8], $0x20, s11, s25, $0xb8;
	[tilespmem:$0xF910] =	vst v63  }
0x69: {  	_ =	swait.ge [sflag:s31], $0xA00  }
0x6a: {  	[sflag:s31] =	ssyncset.done $0x0  }
0x6b: {  	s11 =	sadd.s32 s9, s12;
	[sflag:s31] =	ssyncadd.s32 $0xFFFFF600  }
0x6c: {  	[tilespmem:s20], [sflag:$0x3] =	stream.linear.gather [hbm4b:s11+s3], $0xA00, $0x38;
	[tilespmem:$0xF910] =	vst v63  }
0x6d: {  	_ =	swait.ge [sflag:s1], $0xA00  }
0x6e: {  	[sflag:s1] =	ssyncset.done $0x0  }
0x6f: {  	s11 =	sadd.s32 $0xF0, s10;
	[sflag:s1] =	ssyncadd.s32 $0xFFFFF600  }
0x70: {  	[spmem:s2] =	stream.indirect.scatter.add.f32 [tilespmem:s21], [sflag:$0x9], $0x20, s11, s25, $0xb8;
	[tilespmem:$0xF910] =	vst v63  }
0x71: {  	_ =	swait.ge [sflag:s0], $0xA00  }
0x72: {  	s11 =	rddreg [dreg:$0x4];
	[sflag:s0] =	ssyncset.done $0x0  }
0x73: {  	[sflag:s0] =	ssyncadd.s32 $0xFFFFF600;
	s11 =	sadd.s32 s9, s11  }
0x74: {  	[tilespmem:s21], [sflag:$0x4] =	stream.linear.gather [hbm4b:s11+s3], $0xA00, $0x38;
	[tilespmem:$0xF910] =	vst v63  }
0x75: {  	_ =	swait.ge [sflag:s4], $0xA00  }
0x76: {  	p0 =	sne.s32 s8, $0x8FC0;
	[sflag:s4] =	ssyncset.done $0x0  }
.Ltmp0:
0x77: {  	s10 =	sadd.s32 $0x140, s10;
	[sflag:s4] =	ssyncadd.s32 $0xFFFFF600;
	(pc) =	sbr.rel @p0 .LBB2_2-.Ltmp0, $4  }
0x78: {  	[spmem:s2] =	stream.indirect.scatter.add.f32 [tilespmem:s22], [sflag:$0xA], $0x20, s10, s25, $0xb8;
	[tilespmem:$0xF910] =	vst v63  }
0x79: {  	_ =	swait.ge [sflag:s6], $0xA00  }
0x7a: {  	[sflag:s6] =	ssyncset.done $0x0;
	s11 =	rddreg [dreg:$0x3]  }
0x7b: {  	s8 =	sadd.s32 $0x640, s8;
	[sflag:s6] =	ssyncadd.s32 $0xFFFFF600;
	s9 =	sadd.s32 s9, s11  }
0x7c: {  	[tilespmem:s22], [sflag:$0x5] =	stream.linear.gather [hbm4b:s9+s3], $0xA00, $0x38;
	[tilespmem:$0xF910] =	vst v63  }
0x7d: {  	_ =	swait.ge [sflag:s23], $0xA00  }
0x7e: {  	[sflag:s23] =	ssyncset.done $0x0  }
0x7f: {  	s8 =	simm.s32 $0x2580;
	[sflag:s23] =	ssyncadd.s32 $0xFFFFF600  }
0x80: {  	[spmem:s2] =	stream.indirect.scatter.add.f32 [tilespmem:s18], [sflag:$0x6], $0x20, s8, s25, $0xb8;
	[tilespmem:$0xF910] =	vst v63  }
0x81: {  	_ =	swait.ge [sflag:s26], $0xA00  }
0x82: {  	[sflag:s26] =	ssyncset.done $0x0  }
0x83: {  	[sflag:s26] =	ssyncadd.s32 $0xFFFFF600  }
0x84: {  	_ =	swait.ge [sflag:s28], $0xA00  }
0x85: {  	[sflag:s28] =	ssyncset.done $0x0  }
0x86: {  	s10 =	simm.s32 $0x25D0;
	[sflag:s28] =	ssyncadd.s32 $0xFFFFF600  }
0x87: {  	[spmem:s2] =	stream.indirect.scatter.add.f32 [tilespmem:s19], [sflag:$0x7], $0x20, s10, s25, $0xb8;
	[tilespmem:$0xF910] =	vst v63  }
0x88: {  	_ =	swait.ge [sflag:s29], $0xA00  }
0x89: {  	[sflag:s29] =	ssyncset.done $0x0  }
0x8a: {  	[sflag:s29] =	ssyncadd.s32 $0xFFFFF600  }
0x8b: {  	_ =	swait.ge [sflag:s30], $0xA00  }
0x8c: {  	[sflag:s30] =	ssyncset.done $0x0  }
0x8d: {  	s11 =	simm.s32 $0x2620;
	[sflag:s30] =	ssyncadd.s32 $0xFFFFF600  }
0x8e: {  	[spmem:s2] =	stream.indirect.scatter.add.f32 [tilespmem:s20], [sflag:$0x8], $0x20, s11, s25, $0xb8;
	[tilespmem:$0xF910] =	vst v63  }
0x8f: {  	_ =	swait.ge [sflag:s31], $0xA00  }
0x90: {  	[sflag:s31] =	ssyncset.done $0x0  }
0x91: {  	[sflag:s31] =	ssyncadd.s32 $0xFFFFF600  }
0x92: {  	_ =	swait.ge [sflag:s1], $0xA00  }
0x93: {  	[sflag:s1] =	ssyncset.done $0x0  }
0x94: {  	s9 =	simm.s32 $0x2670;
	[sflag:s1] =	ssyncadd.s32 $0xFFFFF600  }
0x95: {  	[spmem:s2] =	stream.indirect.scatter.add.f32 [tilespmem:s21], [sflag:$0x9], $0x20, s9, s25, $0xb8;
	[tilespmem:$0xF910] =	vst v63  }
0x96: {  	_ =	swait.ge [sflag:s0], $0xA00  }
0x97: {  	[sflag:s0] =	ssyncset.done $0x0  }
0x98: {  	[sflag:s0] =	ssyncadd.s32 $0xFFFFF600  }
0x99: {  	_ =	swait.ge [sflag:s4], $0xA00  }
0x9a: {  	[sflag:s4] =	ssyncset.done $0x0  }
0x9b: {  	s10 =	simm.s32 $0x26C0;
	[sflag:s4] =	ssyncadd.s32 $0xFFFFF600  }
0x9c: {  	[spmem:s2] =	stream.indirect.scatter.add.f32 [tilespmem:s22], [sflag:$0xA], $0x20, s10, s25, $0xb8;
	[tilespmem:$0xF910] =	vst v63  }
0x9d: {  	_ =	swait.ge [sflag:s6], $0xA00  }
0x9e: {  	[sflag:s6] =	ssyncset.done $0x0  }
0x9f: {  	[sflag:s6] =	ssyncadd.s32 $0xFFFFF600  }
0xa0: {  	[bflag:$0x0] =	sbarrier.arrive $0xFFFF  }
0xa1: {  	[hbm:s24], [sflag:s16] =	dma.local [spmem:s17], $0x1400  }
0xa2: {  	_ =	swait.ge [sflag:s15], $0x1400  }
0xa3: {  	s7 =	sadd.s32 $0x1, s7;
	s11 =	rddreg [dreg:$0xb]  }
0xa4: {  	p0 =	sne.s32 s7, s11  }
.Ltmp1:
0xa5: {  	_ = 	snop;
	(pc) =	sbr.rel @p0 .LBB2_1-.Ltmp1, $3  }
0xa6: {  	_ =	sdelay $0x1  }
0xa7: {  	[sflag:s15] =	ssyncset.done $0x0  }
0xa8: {  	[sflag:s15] =	ssyncadd.s32 $0xFFFFEC00  }
0xa9: {  	_ =	sfence.sel $0x180000  }
0xaa: {  	[bflag:$0x0] =	sbarrier.arrive $0xFFFF  }
0xab: {  	_ =	strace $0x9000004D  }
0xac: {  	s0 =	stileid.u32;
	[bflag:$0x2] =	sbarrier.arrive $0xFFFF  }
0xad: {  	p0 =	sne.s32 s0, $0x0;
	s0 =	rddreg [dreg:$0x2]  }
0xae: {  	s0 =	sadd.s32 @!p0 $0x100000, s0  }
0xaf: {  	[sflag:s0] =	ssyncadd.tile.s32 @!p0 $0x1;
	_ =	shalt  }
.Lfunc_end2:
_tile_overlayer_lowered:
.L_overlay_start_2:
0xb0: {  	(tag) =	ssettag $0x2  }
0xb1: {  	s0 =	rddreg [dreg:$0x0];
	s2 =	stileid.u32  }
0xb2: {  	s1 =	rddreg [dreg:$0x1];
	p0 =	sne.s32 s2, $0x0  }
0xb3: {  	s3 =	rddreg [dreg:$0x2];
	[bflag:$0x3] =	sbarrier.arrive $0xFFFF;
	s2 =	simm.s32 @!p0 $0x1C0B  }
0xb4: {  	[timem:s3], [sflag:s2] =	dma.local @!p0 [hbm:s0], s1  }
0xb5: {  	s0 =	simm.s32 @!p0 $0xB  }
0xb6: {  	_ =	swait.ge @!p0 [sflag:s0], s1  }
0xb7: {  	s1 =	ssub.s32 @!p0 $0x0, s1;
	[sflag:s0] =	ssyncset.done @!p0 $0x0  }
0xb8: {  	[sflag:s0] =	ssyncadd.s32 @!p0 s1  }
0xb9: {  	[bflag:$0x3] =	sbarrier.arrive $0xFFFF  }
0xba: {  	_ =	shalt  }

// kernel: kernel.17.cloned.1.call-start
scs
__scs_entry_jumppad:
0x0: {  	(pc) =	sbr.rel $0x88, $3  }
0x1: {  	(tag) =	ssettag $0x0;
	lr =	simm.s32 $0x1  }
0x2: {  	[smem:$0x3F7B] =	sst lr;
	_ =	strace $0xD0000000  }
0x3: {  	_ = 	snop  }
0x4: {  	_ = 	snop  }
0x5: {  	_ = 	snop  }
0x6: {  	_ = 	snop  }
0x7: {  	_ = 	snop  }
__scs_overlays_trampoline_lowered:
0x8: {  	[smem:$0x3F8A] =	sst s0  }
0x9: {  	[smem:$0x3F8B] =	sst s1  }
0xa: {  	[smem:$0x3F8C] =	sst s2  }
0xb: {  	[smem:$0x3F8D] =	sst s3  }
0xc: {  	[smem:$0x3F8E] =	sst s4  }
0xd: {  	[smem:$0x3F8F] =	sst s5  }
0xe: {  	[smem:$0x3F90] =	sst s6  }
0xf: {  	[smem:$0x3F91] =	sst s7  }
0x10: {  	[smem:$0x3F92] =	sst s8  }
0x11: {  	[smem:$0x3F93] =	sst s9;
	s0 =	simm.s32 @!p0 $0x0  }
0x12: {  	s1 =	sld [smem:$0x3F79];
	s0 =	simm.s32 @p0 $0x1  }
0x13: {  	[smem:$0x3F94] =	sst s0;
	s0 =	simm.s32 @!p1 $0x0  }
0x14: {  	s2 =	sld [smem:$0x3F78];
	s0 =	simm.s32 @p1 $0x1  }
0x15: {  	[smem:$0x3F95] =	sst s0;
	s0 =	simm.s32 @!p2 $0x0  }
0x16: {  	s3 =	sld [smem:$0x3FDB];
	s0 =	simm.s32 @p2 $0x1  }
0x17: {  	s4 =	simm.s32 $0x1BF5;
	[smem:$0x3F97] =	sst s0  }
0x18: {  	s0 =	sld [smem:$0x3F7A];
	_ =	swait.ge [sflag:s4], $0x0  }
0x19: {  	s7 =	sld [smem:$0x3F7B]  }
0x1a: {  	s8 =	sadd.s32 $0xFFFFE003, lr  }
0x1b: {  	s9 =	sadd.s32 $0xFFFFFEF7, lr;
	s5 =	simm.s32 $0xFFFFFFFF;
	p2 =	slt.u32 s8, $0xFFFFF086  }
0x1c: {  	p1 =	slt.u32 s9, $0xF7A;
	s5 =	simm.s32 @!p2 $0x0  }
0x1d: {  	s5 =	simm.s32 @p1 $0x1;
	p0 =	seq.s32 s7, s2  }
0x1e: {  	s7 =	smul.u32 @!p0 $0xF7A, s2;
	p2 =	seq.s32 @!p0 s5, $0x0  }
0x1f: {  	s9 =	smul.u32 $0xF7A, s1;
	s8 =	simm.s32 @!p0 $0x1BF5;
	p2 =	por !p2, p0  }
0x20: {  	[sflag:s8] =	ssyncset.s32 @!p0 $0xFFFFF086;
	s6 =	sadd.s32 @!p0 s3, s7;
	s7 =	simm.s32 @!p0 $0x108  }
0x21: {  	s3 =	sadd.s32 s3, s9;
	s6 =	sadd.s32 @!p0 $0x88, s6;
	s7 =	simm.s32 @p2 $0x1082  }
0x22: {  	[simem:s7], [sflag:s8] =	dma.local @!p0 [hbm:s6], $0xF7A  }
0x23: {  	s9 =	sor.u32 $0xD0000000, s2;
	s6 =	simm.s32 $0x108;
	_ =	swait.ge @!p0 [sflag:s8], $0x0  }
0x24: {  	s3 =	sadd.s32 $0x88, s3;
	s6 =	simm.s32 @!p1 $0x1082;
	[sflag:s4] =	ssyncset.s32 $0xFFFFF086  }
0x25: {  	[simem:s6], [sflag:s4] =	dma.local [hbm:s3], $0xF7A  }
0x26: {  	[smem:$0x3F7B] =	sst s1;
	(tag) =	ssettag s2;
	_ =	strace s9  }
0x27: {  	s1 =	sld [smem:$0x3F8B]  }
0x28: {  	s2 =	sld [smem:$0x3F8C]  }
0x29: {  	s4 =	sld [smem:$0x3F8E]  }
0x2a: {  	p0 =	seq.s32 s5, $0x0;
	s5 =	sld [smem:$0x3F8F]  }
0x2b: {  	s6 =	sld [smem:$0x3F90]  }
0x2c: {  	s7 =	sld [smem:$0x3F91]  }
0x2d: {  	s3 =	simm.s32 $0x108;
	s8 =	sld [smem:$0x3F92]  }
0x2e: {  	s3 =	simm.s32 @!p0 $0x1082;
	s9 =	sld [smem:$0x3F93]  }
0x2f: {  	lr =	sadd.s32 s0, s3;
	s0 =	sld [smem:$0x3F8A]  }
0x30: {  	s3 =	sld [smem:$0x3F8D]  }
0x31: {  	[smem:$0x3F96] =	sst s10  }
0x32: {  	s10 =	sld [smem:$0x3F94];
	_ =	sdelay $0x3  }
0x33: {  	p0 =	seq.s32 s10, $0x1;
	s10 =	sld [smem:$0x3F96];
	_ =	sdelay $0x3  }
0x34: {  	[smem:$0x3F96] =	sst s10  }
0x35: {  	s10 =	sld [smem:$0x3F95];
	_ =	sdelay $0x3  }
0x36: {  	p1 =	seq.s32 s10, $0x1;
	s10 =	sld [smem:$0x3F96];
	_ =	sdelay $0x3  }
0x37: {  	[smem:$0x3F96] =	sst s10  }
0x38: {  	s10 =	sld [smem:$0x3F97]  }
0x39: {  	_ = 	snop;
	(pc) =	sbr.ind lr, $3  }
0x3a: {  	_ = 	snop  }
0x3b: {  	_ = 	snop  }
0x3c: {  	p2 =	seq.s32 s10, $0x1;
	s10 =	sld [smem:$0x3F96]  }
0x3d: {  	_ =	shalt  }
0x3e: {  	_ =	shalt  }
0x3f: {  	_ =	shalt  }
0x40: {  	_ =	shalt  }
0x41: {  	_ =	shalt  }
0x42: {  	_ =	shalt  }
0x43: {  	_ =	shalt  }
0x44: {  	_ =	shalt  }
0x45: {  	_ =	shalt  }
0x46: {  	_ =	shalt  }
0x47: {  	_ =	shalt  }
0x48: {  	_ =	shalt  }
0x49: {  	_ =	shalt  }
0x4a: {  	_ =	shalt  }
0x4b: {  	_ =	shalt  }
0x4c: {  	_ =	shalt  }
0x4d: {  	_ =	shalt  }
0x4e: {  	_ =	shalt  }
0x4f: {  	_ =	shalt  }
0x50: {  	_ =	shalt  }
0x51: {  	_ =	shalt  }
0x52: {  	_ =	shalt  }
0x53: {  	_ =	shalt  }
0x54: {  	_ =	shalt  }
0x55: {  	_ =	shalt  }
0x56: {  	_ =	shalt  }
0x57: {  	_ =	shalt  }
0x58: {  	_ =	shalt  }
0x59: {  	_ =	shalt  }
0x5a: {  	_ =	shalt  }
0x5b: {  	_ =	shalt  }
0x5c: {  	_ =	shalt  }
0x5d: {  	_ =	shalt  }
0x5e: {  	_ =	shalt  }
0x5f: {  	_ =	shalt  }
0x60: {  	_ =	shalt  }
0x61: {  	_ =	shalt  }
0x62: {  	_ =	shalt  }
0x63: {  	_ =	shalt  }
0x64: {  	_ =	shalt  }
0x65: {  	_ =	shalt  }
0x66: {  	_ =	shalt  }
0x67: {  	_ =	shalt  }
0x68: {  	_ =	shalt  }
0x69: {  	_ =	shalt  }
0x6a: {  	_ =	shalt  }
0x6b: {  	_ =	shalt  }
0x6c: {  	_ =	shalt  }
0x6d: {  	_ =	shalt  }
0x6e: {  	_ =	shalt  }
0x6f: {  	_ =	shalt  }
0x70: {  	_ =	shalt  }
0x71: {  	_ =	shalt  }
0x72: {  	_ =	shalt  }
0x73: {  	_ =	shalt  }
0x74: {  	_ =	shalt  }
0x75: {  	_ =	shalt  }
0x76: {  	_ =	shalt  }
0x77: {  	_ =	shalt  }
0x78: {  	_ =	shalt  }
0x79: {  	_ =	shalt  }
0x7a: {  	_ =	shalt  }
0x7b: {  	_ =	shalt  }
0x7c: {  	_ =	shalt  }
0x7d: {  	_ =	shalt  }
0x7e: {  	_ =	shalt  }
0x7f: {  	_ =	shalt  }
0x80: {  	_ =	shalt  }
0x81: {  	_ =	shalt  }
0x82: {  	_ =	shalt  }
0x83: {  	_ =	shalt  }
0x84: {  	_ =	shalt  }
0x85: {  	_ =	shalt  }
0x86: {  	_ =	shalt  }
0x87: {  	_ =	shalt  }
.Lfunc_end0:
.L_simem_size_0:
called_computation.3_lowered:
.L_overlay_start_0:
0x88: {  	s2 =	sld [smem:$0x3FD9]  }
0x89: {  	s3 =	sld [smem:$0x3FFE];
	_ =	sdelay $0x1  }
0x8a: {  	s1 =	srdreg.scid  }
0x8b: {  	s0 =	sand.u32 $0x1, s1  }
0x8c: {  	s16 =	sshll.u32 s0, $0xA;
	s2 =	sadd.s32 s3, s2  }
0x8d: {  	s2 =	sadd.s32 s2, s16  }
0x8e: {  	[smem:$0x3FA2] =	sst s2  }
0x8f: {  	_ = 	snop  }
0x90: {  	(tm) =	ssettm $0x1  }
0x91: {  	s17 =	sld [smem:$0x3FFB];
	_ =	sdelay $0x3  }
0x92: {  	_ =	strace s17  }
0x93: {  	s2 =	sld [smem:$0x3FFC];
	_ =	sdelay $0x3  }
0x94: {  	_ =	strace s2  }
0x95: {  	s2 =	sld [smem:$0x3FFD];
	_ =	sdelay $0x3  }
0x96: {  	_ =	strace s2  }
0x97: {  	_ =	strace $0x8FFFFFFF  }
0x98: {  	s18 =	sld [smem:$0x3FDB];
	_ =	sdelay $0x1  }
0x99: {  	s19 =	simm.s32 $_scs_section_size  }
0x9a: {  	s4 =	simm.s32 $_size__tile_overlayer_lowered;
	s5 =	simm.s32 $_tile_overlayer_lowered  }
0x9b: {  	s22 =	simm.s32 $0x1BFF;
	s21 =	sshll.u32 s5, $0x1;
	s2 =	sadd.s32 s19, s18  }
0x9c: {  	s6 =	simm.s32 $0x0;
	s20 =	sshll.u32 s4, $0x1;
	s4 =	sadd.s32 s21, s2  }
0x9d: {  	[timem:s6], [sflag:s22] =	dma.local [hbm:s4], s20  }
0x9e: {  	_ =	swait.ge [sflag:s22], s20  }
0x9f: {  	s3 =	ssub.s32 $0x0, s20;
	[sflag:s22] =	ssyncset.done $0x0  }
0xa0: {  	[sflag:s22] =	ssyncadd.s32 s3;
	_ =	sdelay $0x1  }
0xa1: {  	s23 =	simm.s32 $0x1B8B  }
0xa2: {  	_ =	swait.ge [sflag:s23], $0x1  }
0xa3: {  	[sflag:s23] =	ssyncset.done $0x0  }
0xa4: {  	s25 =	simm.s32 $0x1B8E;
	s24 =	sld [smem:$0x3FFE];
	[sflag:s23] =	ssyncadd.s32 $0xFFFFFFFF  }
0xa5: {  	s26 =	simm.s32 $execute0_lowered;
	[smem:$0x3FD2] =	sst s25  }
0xa6: {  	s4 =	sshll.u32 s26, $0x1;
	_ =	strace $0x8000004F;
	[dreg:$0x1] =	wrdreg $0xFFFFFFFF  }
0xa7: {  	s28 =	simm.s32 $_size_execute0_lowered;
	s2 =	sadd.s32 s2, s4;
	[dreg:$0x0] =	wrdreg $0x0  }
0xa8: {  	s4 =	sshll.u32 s28, $0x1;
	[dreg:$0x2] =	wrdreg s2  }
0xa9: {  	[dreg:$0x3] =	wrdreg s4  }
0xaa: {  	[dreg:$0x4] =	wrdreg $0xC0  }
0xab: {  	_ =	task [dreg:s6], $0x5FFFF  }
0xac: {  	[dreg:$0x1] =	wrdreg $0xFFFFFFFF  }
0xad: {  	[dreg:$0x0] =	wrdreg $0x60  }
0xae: {  	[dreg:$0x2] =	wrdreg s24  }
0xaf: {  	[dreg:$0x3] =	wrdreg $0x9  }
0xb0: {  	_ =	task.clear_ibuf [dreg:s6], $0x4FFFF;
	_ =	strace $0x9000004F  }
0xb1: {  	s29 =	simm.s32 $0x9;
	_ =	strace $0x80000051  }
0xb2: {  	_ =	swait.ge [sflag:s29], $0x1  }
0xb3: {  	[sflag:s29] =	ssyncadd.s32 $0xFFFFFFFF  }
0xb4: {  	_ =	strace $0x90000051  }
0xb5: {  	_ =	sfence  }
0xb6: {  	s30 =	sld [smem:$0x0];
	_ =	sdelay $0x2  }
0xb7: {  	s31 =	sshll.u32 s1, $0xD;
	s1 =	sshrl.u32 s1, $0x2  }
0xb8: {  	s3 =	sand.u32 $0x4000, s31;
	s1 =	sadd.s32 s1, s30  }
0xb9: {  	s0 =	sor.u32 s3, s0;
	s1 =	sshll.u32 s1, $0x11  }
0xba: {  	s0 =	sor.u32 s1, s0  }
0xbb: {  	s0 =	sadd.s32 $0x8F2B, s0  }
0xbc: {  	[sflag:s0] =	ssyncadd.remote.s32 $0x1  }
0xbd: {  	_ =	sfence.sel $0xFFFF  }
0xbe: {  	[dreg:$0x0] =	wrdreg $0xFFFFFFFF;
	(pc) =	sbr.abs _section_cstart, $3  }
0xbf: {  	[dreg:$0x1] =	wrdreg $0xFFFFFFFF  }
0xc0: {  	_ =	task.clear_ibuf [dreg:s6], $0x2FFFF;
	_ =	strace $0x9FFFFFFF  }
0xc1: {  	(tm) =	ssettm $0x7FFFFFFF  }
tec
execute0_lowered:
.L_overlay_start_1:
0x0: {  	(tag) =	ssettag $0x1  }
0x1: {  	s0 =	srdreg.scid  }
0x2: {  	s13 =	stileid.u32;
	s1 =	rddreg [dreg:$0x0];
	s2 =	simm.s32 $0x0  }
0x3: {  	s16 =	simm.s32 $0x6;
	s17 =	simm.s32 $0x50;
	s18 =	simm.s32 $0x2710  }
0x4: {  	s19 =	simm.s32 $0x3110;
	s21 =	simm.s32 $0x3B10;
	s23 =	simm.s32 $0x4510  }
0x5: {  	s28 =	simm.s32 $0x2;
	s29 =	simm.s32 $0x3;
	s7 =	smul.u32 $0x4E20, s13  }
0x6: {  	s30 =	simm.s32 $0x4;
	s0 =	sand.u32 $0x1, s0;
	s15 =	smul.u32 $0x13880, s13  }
0x7: {  	s3 =	sshll.u32 s13, $0x1;
	[smem:$0x7FF] =	sst s2;
	s9 =	smul.u32 $0x2710, s0  }
0x8: {  	s4 =	sor.u32 s0, s3;
	s26 =	ssub.s32 $0x2, s0;
	s0 =	smul.u32 $0x9C40, s0  }
0x9: {  	s31 =	simm.s32 $0x5;
	_ =	strace $0x80000050;
	s5 =	smul.u32 $0x2710, s4  }
0xa: {  	s3 =	sadd.s32 $0x554E00, s1;
	s6 =	smul.u32 $0x9C40, s4;
	s8 =	sshrl.u32 s26, $0x1  }
0xb: {  	s10 =	ssub.s32 s26, s8;
	s9 =	sadd.s32 s9, s7;
	s5 =	sshrl.u32 s5, $0x3  }
0xc: {  	s26 =	simm.s32 $0x1;
	s12 =	sshll.u32 s9, $0x2;
	s25 =	sadd.s32 s5, s1  }
0xd: {  	s10 =	smax.u32 s10, $0x1;
	s1 =	sadd.s32 $0x62C00, s1;
	s4 =	sadd.s32 $0x568E00, s25  }
0xe: {  	s11 =	sadd.s32 s1, s6;
	s14 =	sadd.s32 s1, s12;
	s1 =	sadd.s32 s15, s1  }
0xf: {  	s25 =	simm.s32 $0x4F10;
	s5 =	sadd.s32 $0x9600, s11;
	s6 =	sadd.s32 $0x9740, s11  }
0x10: {  	s7 =	sadd.s32 $0x9880, s11;
	s8 =	sadd.s32 $0x99C0, s11;
	s9 =	sadd.s32 $0x9B00, s11  }
0x11: {  	s11 =	sadd.s32 $0x500, s14;
	s12 =	sadd.s32 $0x3C0, s14;
	s13 =	sadd.s32 $0x280, s14  }
0x12: {  	s14 =	sadd.s32 $0x140, s14;
	s15 =	sadd.s32 s0, s1;
	s1 =	simm.s32 $0x0  }
.LBB2_1:
0x13: {  	[tilespmem:s2], [sflag:$0x6] =	stream.linear.gather [hbm4b:s4+s2], $0x2710, $0x38;
	[tilespmem:$0x5910] =	vst v63  }
0x14: {  	_ =	swait.ge [sflag:s16], $0x2710  }
0x15: {  	[sflag:s16] =	ssyncset.done $0x0  }
0x16: {  	[sflag:s16] =	ssyncadd.s32 $0xFFFFD8F0  }
0x17: {  	[tilespmem:s18], [sflag:$0x1] =	stream.indirect.gather [hbm4b:s3+s17], $0x20, s2, s17, $0xb8;
	[tilespmem:$0x5910] =	vst v63  }
0x18: {  	_ = 	snop  }
0x19: {  	[tilespmem:s19], [sflag:$0x2] =	stream.indirect.gather [hbm4b:s3+s17], $0x20, s17, s17, $0xb8;
	[tilespmem:$0x5910] =	vst v63  }
0x1a: {  	s0 =	simm.s32 $0xA0  }
0x1b: {  	[tilespmem:s21], [sflag:$0x3] =	stream.indirect.gather [hbm4b:s3+s17], $0x20, s0, s17, $0xb8;
	[tilespmem:$0x5910] =	vst v63  }
0x1c: {  	s22 =	simm.s32 $0xF0  }
0x1d: {  	[tilespmem:s23], [sflag:$0x4] =	stream.indirect.gather [hbm4b:s3+s17], $0x20, s22, s17, $0xb8;
	[tilespmem:$0x5910] =	vst v63  }
0x1e: {  	s24 =	simm.s32 $0x140  }
0x1f: {  	[tilespmem:s25], [sflag:$0x5] =	stream.indirect.gather [hbm4b:s3+s17], $0x20, s24, s17, $0xb8;
	[tilespmem:$0x5910] =	vst v63  }
0x20: {  	_ =	swait.ge [sflag:s26], $0xA00  }
0x21: {  	[sflag:s26] =	ssyncset.done $0x0  }
0x22: {  	s20 =	sadd.s32 $0x0, s15;
	[sflag:s26] =	ssyncadd.s32 $0xFFFFF600  }
0x23: {  	[hbm4b:s20+s2] =	stream.linear.scatter [tilespmem:s18], [sflag:$0x6], $0xA00, $0x38;
	[tilespmem:$0x5910] =	vst v63  }
0x24: {  	_ =	swait.ge [sflag:s16], $0xA00  }
0x25: {  	[sflag:s16] =	ssyncset.done $0x0  }
0x26: {  	s22 =	simm.s32 $0x190;
	[sflag:s16] =	ssyncadd.s32 $0xFFFFF600  }
0x27: {  	[tilespmem:s18], [sflag:$0x1] =	stream.indirect.gather [hbm4b:s3+s17], $0x20, s22, s17, $0xb8;
	[tilespmem:$0x5910] =	vst v63  }
0x28: {  	_ =	swait.ge [sflag:s28], $0xA00  }
0x29: {  	[sflag:s28] =	ssyncset.done $0x0  }
0x2a: {  	s24 =	sadd.s32 $0x0, s14;
	[sflag:s28] =	ssyncadd.s32 $0xFFFFF600  }
0x2b: {  	[hbm4b:s24+s2] =	stream.linear.scatter [tilespmem:s19], [sflag:$0x6], $0xA00, $0x38;
	[tilespmem:$0x5910] =	vst v63  }
0x2c: {  	_ =	swait.ge [sflag:s16], $0xA00  }
0x2d: {  	[sflag:s16] =	ssyncset.done $0x0  }
0x2e: {  	s20 =	simm.s32 $0x1E0;
	[sflag:s16] =	ssyncadd.s32 $0xFFFFF600  }
0x2f: {  	[tilespmem:s19], [sflag:$0x2] =	stream.indirect.gather [hbm4b:s3+s17], $0x20, s20, s17, $0xb8;
	[tilespmem:$0x5910] =	vst v63  }
0x30: {  	_ =	swait.ge [sflag:s29], $0xA00  }
0x31: {  	[sflag:s29] =	ssyncset.done $0x0  }
0x32: {  	s22 =	sadd.s32 $0x0, s13;
	[sflag:s29] =	ssyncadd.s32 $0xFFFFF600  }
0x33: {  	[hbm4b:s22+s2] =	stream.linear.scatter [tilespmem:s21], [sflag:$0x6], $0xA00, $0x38;
	[tilespmem:$0x5910] =	vst v63  }
0x34: {  	_ =	swait.ge [sflag:s16], $0xA00  }
0x35: {  	[sflag:s16] =	ssyncset.done $0x0  }
0x36: {  	s24 =	simm.s32 $0x230;
	[sflag:s16] =	ssyncadd.s32 $0xFFFFF600  }
0x37: {  	[tilespmem:s21], [sflag:$0x3] =	stream.indirect.gather [hbm4b:s3+s17], $0x20, s24, s17, $0xb8;
	[tilespmem:$0x5910] =	vst v63  }
0x38: {  	_ =	swait.ge [sflag:s30], $0xA00  }
0x39: {  	[sflag:s30] =	ssyncset.done $0x0  }
0x3a: {  	s20 =	sadd.s32 $0x0, s12;
	[sflag:s30] =	ssyncadd.s32 $0xFFFFF600  }
0x3b: {  	[hbm4b:s20+s2] =	stream.linear.scatter [tilespmem:s23], [sflag:$0x6], $0xA00, $0x38;
	[tilespmem:$0x5910] =	vst v63  }
0x3c: {  	_ =	swait.ge [sflag:s16], $0xA00  }
0x3d: {  	[sflag:s16] =	ssyncset.done $0x0  }
0x3e: {  	s22 =	simm.s32 $0x280;
	[sflag:s16] =	ssyncadd.s32 $0xFFFFF600  }
0x3f: {  	[tilespmem:s23], [sflag:$0x4] =	stream.indirect.gather [hbm4b:s3+s17], $0x20, s22, s17, $0xb8;
	[tilespmem:$0x5910] =	vst v63  }
0x40: {  	_ =	swait.ge [sflag:s31], $0xA00  }
0x41: {  	[sflag:s31] =	ssyncset.done $0x0  }
0x42: {  	s24 =	sadd.s32 $0x0, s11;
	[sflag:s31] =	ssyncadd.s32 $0xFFFFF600  }
0x43: {  	[hbm4b:s24+s2] =	stream.linear.scatter [tilespmem:s25], [sflag:$0x6], $0xA00, $0x38;
	[tilespmem:$0x5910] =	vst v63  }
0x44: {  	_ =	swait.ge [sflag:s16], $0xA00  }
0x45: {  	[sflag:s16] =	ssyncset.done $0x0  }
0x46: {  	s0 =	simm.s32 $0x640;
	s20 =	simm.s32 $0x2D0;
	[sflag:s16] =	ssyncadd.s32 $0xFFFFF600  }
.LBB2_2:
0x47: {  	[tilespmem:s25], [sflag:$0x5] =	stream.indirect.gather [hbm4b:s3+s17], $0x20, s20, s17, $0xb8;
	[tilespmem:$0x5910] =	vst v63  }
0x48: {  	s20 =	smov.u32 s0  }
0x49: {  	p0 =	sne.s32 s0, $0x8FC0;
	s0 =	sadd.s32 $0x640, s0;
	_ =	swait.ge [sflag:s26], $0xA00  }
0x4a: {  	[sflag:s26] =	ssyncset.done $0x0  }
0x4b: {  	s22 =	sadd.s32 s20, s15;
	[sflag:s26] =	ssyncadd.s32 $0xFFFFF600  }
0x4c: {  	[hbm4b:s22+s2] =	stream.linear.scatter [tilespmem:s18], [sflag:$0x6], $0xA00, $0x38;
	[tilespmem:$0x5910] =	vst v63  }
0x4d: {  	_ =	swait.ge [sflag:s16], $0xA00  }
0x4e: {  	s22 =	sshra.s32 s20, $0x2;
	[sflag:s16] =	ssyncset.done $0x0  }
0x4f: {  	s24 =	sadd.s32 $0x190, s22;
	[sflag:s16] =	ssyncadd.s32 $0xFFFFF600  }
0x50: {  	[tilespmem:s18], [sflag:$0x1] =	stream.indirect.gather [hbm4b:s3+s17], $0x20, s24, s17, $0xb8;
	[tilespmem:$0x5910] =	vst v63  }
0x51: {  	_ =	swait.ge [sflag:s28], $0xA00  }
0x52: {  	[sflag:s28] =	ssyncset.done $0x0  }
0x53: {  	s24 =	sadd.s32 s20, s14;
	[sflag:s28] =	ssyncadd.s32 $0xFFFFF600  }
0x54: {  	[hbm4b:s24+s2] =	stream.linear.scatter [tilespmem:s19], [sflag:$0x6], $0xA00, $0x38;
	[tilespmem:$0x5910] =	vst v63  }
0x55: {  	_ =	swait.ge [sflag:s16], $0xA00  }
0x56: {  	[sflag:s16] =	ssyncset.done $0x0  }
0x57: {  	s24 =	sadd.s32 $0x1E0, s22;
	[sflag:s16] =	ssyncadd.s32 $0xFFFFF600  }
0x58: {  	[tilespmem:s19], [sflag:$0x2] =	stream.indirect.gather [hbm4b:s3+s17], $0x20, s24, s17, $0xb8;
	[tilespmem:$0x5910] =	vst v63  }
0x59: {  	_ =	swait.ge [sflag:s29], $0xA00  }
0x5a: {  	[sflag:s29] =	ssyncset.done $0x0  }
0x5b: {  	s24 =	sadd.s32 s20, s13;
	[sflag:s29] =	ssyncadd.s32 $0xFFFFF600  }
0x5c: {  	[hbm4b:s24+s2] =	stream.linear.scatter [tilespmem:s21], [sflag:$0x6], $0xA00, $0x38;
	[tilespmem:$0x5910] =	vst v63  }
0x5d: {  	_ =	swait.ge [sflag:s16], $0xA00  }
0x5e: {  	[sflag:s16] =	ssyncset.done $0x0  }
0x5f: {  	s24 =	sadd.s32 $0x230, s22;
	[sflag:s16] =	ssyncadd.s32 $0xFFFFF600  }
0x60: {  	[tilespmem:s21], [sflag:$0x3] =	stream.indirect.gather [hbm4b:s3+s17], $0x20, s24, s17, $0xb8;
	[tilespmem:$0x5910] =	vst v63  }
0x61: {  	_ =	swait.ge [sflag:s30], $0xA00  }
0x62: {  	[sflag:s30] =	ssyncset.done $0x0  }
0x63: {  	s24 =	sadd.s32 s20, s12;
	[sflag:s30] =	ssyncadd.s32 $0xFFFFF600  }
0x64: {  	[hbm4b:s24+s2] =	stream.linear.scatter [tilespmem:s23], [sflag:$0x6], $0xA00, $0x38;
	[tilespmem:$0x5910] =	vst v63  }
0x65: {  	_ =	swait.ge [sflag:s16], $0xA00  }
0x66: {  	[sflag:s16] =	ssyncset.done $0x0  }
0x67: {  	s24 =	sadd.s32 $0x280, s22;
	[sflag:s16] =	ssyncadd.s32 $0xFFFFF600  }
0x68: {  	[tilespmem:s23], [sflag:$0x4] =	stream.indirect.gather [hbm4b:s3+s17], $0x20, s24, s17, $0xb8;
	[tilespmem:$0x5910] =	vst v63  }
0x69: {  	_ =	swait.ge [sflag:s31], $0xA00  }
0x6a: {  	[sflag:s31] =	ssyncset.done $0x0  }
.Ltmp0:
0x6b: {  	s20 =	sadd.s32 s20, s11;
	[sflag:s31] =	ssyncadd.s32 $0xFFFFF600;
	(pc) =	sbr.rel @p0 .LBB2_2-.Ltmp0, $4  }
0x6c: {  	[hbm4b:s20+s2] =	stream.linear.scatter [tilespmem:s25], [sflag:$0x6], $0xA00, $0x38;
	[tilespmem:$0x5910] =	vst v63  }
0x6d: {  	_ =	swait.ge [sflag:s16], $0xA00  }
0x6e: {  	[sflag:s16] =	ssyncset.done $0x0  }
0x6f: {  	s20 =	sadd.s32 $0x2D0, s22;
	[sflag:s16] =	ssyncadd.s32 $0xFFFFF600  }
0x70: {  	[tilespmem:s25], [sflag:$0x5] =	stream.indirect.gather [hbm4b:s3+s17], $0x20, s20, s17, $0xb8;
	[tilespmem:$0x5910] =	vst v63  }
0x71: {  	_ =	swait.ge [sflag:s26], $0xA00  }
0x72: {  	[sflag:s26] =	ssyncset.done $0x0  }
0x73: {  	[sflag:s26] =	ssyncadd.s32 $0xFFFFF600  }
0x74: {  	[hbm4b:s5+s2] =	stream.linear.scatter [tilespmem:s18], [sflag:$0x6], $0xA00, $0x38;
	[tilespmem:$0x5910] =	vst v63  }
0x75: {  	_ =	swait.ge [sflag:s16], $0xA00  }
0x76: {  	[sflag:s16] =	ssyncset.done $0x0  }
0x77: {  	[sflag:s16] =	ssyncadd.s32 $0xFFFFF600  }
0x78: {  	_ =	swait.ge [sflag:s28], $0xA00  }
0x79: {  	[sflag:s28] =	ssyncset.done $0x0  }
0x7a: {  	[sflag:s28] =	ssyncadd.s32 $0xFFFFF600  }
0x7b: {  	[hbm4b:s6+s2] =	stream.linear.scatter [tilespmem:s19], [sflag:$0x6], $0xA00, $0x38;
	[tilespmem:$0x5910] =	vst v63  }
0x7c: {  	_ =	swait.ge [sflag:s16], $0xA00  }
0x7d: {  	[sflag:s16] =	ssyncset.done $0x0  }
0x7e: {  	[sflag:s16] =	ssyncadd.s32 $0xFFFFF600  }
0x7f: {  	_ =	swait.ge [sflag:s29], $0xA00  }
0x80: {  	[sflag:s29] =	ssyncset.done $0x0  }
0x81: {  	[sflag:s29] =	ssyncadd.s32 $0xFFFFF600  }
0x82: {  	[hbm4b:s7+s2] =	stream.linear.scatter [tilespmem:s21], [sflag:$0x6], $0xA00, $0x38;
	[tilespmem:$0x5910] =	vst v63  }
0x83: {  	_ =	swait.ge [sflag:s16], $0xA00  }
0x84: {  	[sflag:s16] =	ssyncset.done $0x0  }
0x85: {  	[sflag:s16] =	ssyncadd.s32 $0xFFFFF600  }
0x86: {  	_ =	swait.ge [sflag:s30], $0xA00  }
0x87: {  	[sflag:s30] =	ssyncset.done $0x0  }
0x88: {  	[sflag:s30] =	ssyncadd.s32 $0xFFFFF600  }
0x89: {  	[hbm4b:s8+s2] =	stream.linear.scatter [tilespmem:s23], [sflag:$0x6], $0xA00, $0x38;
	[tilespmem:$0x5910] =	vst v63  }
0x8a: {  	_ =	swait.ge [sflag:s16], $0xA00  }
0x8b: {  	[sflag:s16] =	ssyncset.done $0x0  }
0x8c: {  	[sflag:s16] =	ssyncadd.s32 $0xFFFFF600  }
0x8d: {  	s1 =	sadd.s32 $0x1, s1;
	_ =	swait.ge [sflag:s31], $0xA00  }
0x8e: {  	p0 =	sne.s32 s1, s10;
	[sflag:s31] =	ssyncset.done $0x0  }
.Ltmp1:
0x8f: {  	[sflag:s31] =	ssyncadd.s32 $0xFFFFF600;
	(pc) =	sbr.rel @p0 .LBB2_1-.Ltmp1, $4  }
0x90: {  	[hbm4b:s9+s2] =	stream.linear.scatter [tilespmem:s25], [sflag:$0x6], $0xA00, $0x38;
	[tilespmem:$0x5910] =	vst v63  }
0x91: {  	_ =	swait.ge [sflag:s16], $0xA00  }
0x92: {  	[sflag:s16] =	ssyncset.done $0x0  }
0x93: {  	[sflag:s16] =	ssyncadd.s32 $0xFFFFF600  }
0x94: {  	_ =	sfence.sel $0x180000  }
0x95: {  	[bflag:$0x0] =	sbarrier.arrive $0xFFFF  }
0x96: {  	_ =	strace $0x90000050  }
0x97: {  	s0 =	stileid.u32;
	[bflag:$0x2] =	sbarrier.arrive $0xFFFF  }
0x98: {  	p0 =	sne.s32 s0, $0x0;
	s0 =	rddreg [dreg:$0x1]  }
0x99: {  	s0 =	sadd.s32 @!p0 $0x100000, s0  }
0x9a: {  	[sflag:s0] =	ssyncadd.tile.s32 @!p0 $0x1;
	_ =	shalt  }
.Lfunc_end2:
_tile_overlayer_lowered:
.L_overlay_start_2:
0x9b: {  	(tag) =	ssettag $0x2  }
0x9c: {  	s0 =	rddreg [dreg:$0x0];
	s2 =	stileid.u32  }
0x9d: {  	s1 =	rddreg [dreg:$0x1];
	p0 =	sne.s32 s2, $0x0  }
0x9e: {  	s3 =	rddreg [dreg:$0x2];
	[bflag:$0x3] =	sbarrier.arrive $0xFFFF;
	s2 =	simm.s32 @!p0 $0x1C06  }
0x9f: {  	[timem:s3], [sflag:s2] =	dma.local @!p0 [hbm:s0], s1  }
0xa0: {  	s0 =	simm.s32 @!p0 $0x6  }
0xa1: {  	_ =	swait.ge @!p0 [sflag:s0], s1  }
0xa2: {  	s1 =	ssub.s32 @!p0 $0x0, s1;
	[sflag:s0] =	ssyncset.done @!p0 $0x0  }
0xa3: {  	[sflag:s0] =	ssyncadd.s32 @!p0 s1  }
0xa4: {  	[bflag:$0x3] =	sbarrier.arrive $0xFFFF  }
0xa5: {  	_ =	shalt  }

// kernel: kernel.20.cloned.1.call-start
scs
__scs_entry_jumppad:
0x0: {  	(pc) =	sbr.rel $0x88, $3  }
0x1: {  	(tag) =	ssettag $0x0;
	lr =	simm.s32 $0x1  }
0x2: {  	[smem:$0x3F7B] =	sst lr;
	_ =	strace $0xD0000000  }
0x3: {  	_ = 	snop  }
0x4: {  	_ = 	snop  }
0x5: {  	_ = 	snop  }
0x6: {  	_ = 	snop  }
0x7: {  	_ = 	snop  }
__scs_overlays_trampoline_lowered:
0x8: {  	[smem:$0x3F8A] =	sst s0  }
0x9: {  	[smem:$0x3F8B] =	sst s1  }
0xa: {  	[smem:$0x3F8C] =	sst s2  }
0xb: {  	[smem:$0x3F8D] =	sst s3  }
0xc: {  	[smem:$0x3F8E] =	sst s4  }
0xd: {  	[smem:$0x3F8F] =	sst s5  }
0xe: {  	[smem:$0x3F90] =	sst s6  }
0xf: {  	[smem:$0x3F91] =	sst s7  }
0x10: {  	[smem:$0x3F92] =	sst s8  }
0x11: {  	[smem:$0x3F93] =	sst s9;
	s0 =	simm.s32 @!p0 $0x0  }
0x12: {  	s1 =	sld [smem:$0x3F79];
	s0 =	simm.s32 @p0 $0x1  }
0x13: {  	[smem:$0x3F94] =	sst s0;
	s0 =	simm.s32 @!p1 $0x0  }
0x14: {  	s2 =	sld [smem:$0x3F78];
	s0 =	simm.s32 @p1 $0x1  }
0x15: {  	[smem:$0x3F95] =	sst s0;
	s0 =	simm.s32 @!p2 $0x0  }
0x16: {  	s3 =	sld [smem:$0x3FDB];
	s0 =	simm.s32 @p2 $0x1  }
0x17: {  	s4 =	simm.s32 $0x1BF5;
	[smem:$0x3F97] =	sst s0  }
0x18: {  	s0 =	sld [smem:$0x3F7A];
	_ =	swait.ge [sflag:s4], $0x0  }
0x19: {  	s7 =	sld [smem:$0x3F7B]  }
0x1a: {  	s8 =	sadd.s32 $0xFFFFE003, lr  }
0x1b: {  	s9 =	sadd.s32 $0xFFFFFEF7, lr;
	s5 =	simm.s32 $0xFFFFFFFF;
	p2 =	slt.u32 s8, $0xFFFFF086  }
0x1c: {  	p1 =	slt.u32 s9, $0xF7A;
	s5 =	simm.s32 @!p2 $0x0  }
0x1d: {  	s5 =	simm.s32 @p1 $0x1;
	p0 =	seq.s32 s7, s2  }
0x1e: {  	s7 =	smul.u32 @!p0 $0xF7A, s2;
	p2 =	seq.s32 @!p0 s5, $0x0  }
0x1f: {  	s9 =	smul.u32 $0xF7A, s1;
	s8 =	simm.s32 @!p0 $0x1BF5;
	p2 =	por !p2, p0  }
0x20: {  	[sflag:s8] =	ssyncset.s32 @!p0 $0xFFFFF086;
	s6 =	sadd.s32 @!p0 s3, s7;
	s7 =	simm.s32 @!p0 $0x108  }
0x21: {  	s3 =	sadd.s32 s3, s9;
	s6 =	sadd.s32 @!p0 $0x88, s6;
	s7 =	simm.s32 @p2 $0x1082  }
0x22: {  	[simem:s7], [sflag:s8] =	dma.local @!p0 [hbm:s6], $0xF7A  }
0x23: {  	s9 =	sor.u32 $0xD0000000, s2;
	s6 =	simm.s32 $0x108;
	_ =	swait.ge @!p0 [sflag:s8], $0x0  }
0x24: {  	s3 =	sadd.s32 $0x88, s3;
	s6 =	simm.s32 @!p1 $0x1082;
	[sflag:s4] =	ssyncset.s32 $0xFFFFF086  }
0x25: {  	[simem:s6], [sflag:s4] =	dma.local [hbm:s3], $0xF7A  }
0x26: {  	[smem:$0x3F7B] =	sst s1;
	(tag) =	ssettag s2;
	_ =	strace s9  }
0x27: {  	s1 =	sld [smem:$0x3F8B]  }
0x28: {  	s2 =	sld [smem:$0x3F8C]  }
0x29: {  	s4 =	sld [smem:$0x3F8E]  }
0x2a: {  	p0 =	seq.s32 s5, $0x0;
	s5 =	sld [smem:$0x3F8F]  }
0x2b: {  	s6 =	sld [smem:$0x3F90]  }
0x2c: {  	s7 =	sld [smem:$0x3F91]  }
0x2d: {  	s3 =	simm.s32 $0x108;
	s8 =	sld [smem:$0x3F92]  }
0x2e: {  	s3 =	simm.s32 @!p0 $0x1082;
	s9 =	sld [smem:$0x3F93]  }
0x2f: {  	lr =	sadd.s32 s0, s3;
	s0 =	sld [smem:$0x3F8A]  }
0x30: {  	s3 =	sld [smem:$0x3F8D]  }
0x31: {  	[smem:$0x3F96] =	sst s10  }
0x32: {  	s10 =	sld [smem:$0x3F94];
	_ =	sdelay $0x3  }
0x33: {  	p0 =	seq.s32 s10, $0x1;
	s10 =	sld [smem:$0x3F96];
	_ =	sdelay $0x3  }
0x34: {  	[smem:$0x3F96] =	sst s10  }
0x35: {  	s10 =	sld [smem:$0x3F95];
	_ =	sdelay $0x3  }
0x36: {  	p1 =	seq.s32 s10, $0x1;
	s10 =	sld [smem:$0x3F96];
	_ =	sdelay $0x3  }
0x37: {  	[smem:$0x3F96] =	sst s10  }
0x38: {  	s10 =	sld [smem:$0x3F97]  }
0x39: {  	_ = 	snop;
	(pc) =	sbr.ind lr, $3  }
0x3a: {  	_ = 	snop  }
0x3b: {  	_ = 	snop  }
0x3c: {  	p2 =	seq.s32 s10, $0x1;
	s10 =	sld [smem:$0x3F96]  }
0x3d: {  	_ =	shalt  }
0x3e: {  	_ =	shalt  }
0x3f: {  	_ =	shalt  }
0x40: {  	_ =	shalt  }
0x41: {  	_ =	shalt  }
0x42: {  	_ =	shalt  }
0x43: {  	_ =	shalt  }
0x44: {  	_ =	shalt  }
0x45: {  	_ =	shalt  }
0x46: {  	_ =	shalt  }
0x47: {  	_ =	shalt  }
0x48: {  	_ =	shalt  }
0x49: {  	_ =	shalt  }
0x4a: {  	_ =	shalt  }
0x4b: {  	_ =	shalt  }
0x4c: {  	_ =	shalt  }
0x4d: {  	_ =	shalt  }
0x4e: {  	_ =	shalt  }
0x4f: {  	_ =	shalt  }
0x50: {  	_ =	shalt  }
0x51: {  	_ =	shalt  }
0x52: {  	_ =	shalt  }
0x53: {  	_ =	shalt  }
0x54: {  	_ =	shalt  }
0x55: {  	_ =	shalt  }
0x56: {  	_ =	shalt  }
0x57: {  	_ =	shalt  }
0x58: {  	_ =	shalt  }
0x59: {  	_ =	shalt  }
0x5a: {  	_ =	shalt  }
0x5b: {  	_ =	shalt  }
0x5c: {  	_ =	shalt  }
0x5d: {  	_ =	shalt  }
0x5e: {  	_ =	shalt  }
0x5f: {  	_ =	shalt  }
0x60: {  	_ =	shalt  }
0x61: {  	_ =	shalt  }
0x62: {  	_ =	shalt  }
0x63: {  	_ =	shalt  }
0x64: {  	_ =	shalt  }
0x65: {  	_ =	shalt  }
0x66: {  	_ =	shalt  }
0x67: {  	_ =	shalt  }
0x68: {  	_ =	shalt  }
0x69: {  	_ =	shalt  }
0x6a: {  	_ =	shalt  }
0x6b: {  	_ =	shalt  }
0x6c: {  	_ =	shalt  }
0x6d: {  	_ =	shalt  }
0x6e: {  	_ =	shalt  }
0x6f: {  	_ =	shalt  }
0x70: {  	_ =	shalt  }
0x71: {  	_ =	shalt  }
0x72: {  	_ =	shalt  }
0x73: {  	_ =	shalt  }
0x74: {  	_ =	shalt  }
0x75: {  	_ =	shalt  }
0x76: {  	_ =	shalt  }
0x77: {  	_ =	shalt  }
0x78: {  	_ =	shalt  }
0x79: {  	_ =	shalt  }
0x7a: {  	_ =	shalt  }
0x7b: {  	_ =	shalt  }
0x7c: {  	_ =	shalt  }
0x7d: {  	_ =	shalt  }
0x7e: {  	_ =	shalt  }
0x7f: {  	_ =	shalt  }
0x80: {  	_ =	shalt  }
0x81: {  	_ =	shalt  }
0x82: {  	_ =	shalt  }
0x83: {  	_ =	shalt  }
0x84: {  	_ =	shalt  }
0x85: {  	_ =	shalt  }
0x86: {  	_ =	shalt  }
0x87: {  	_ =	shalt  }
.Lfunc_end0:
.L_simem_size_0:
called_computation.4_lowered:
.L_overlay_start_0:
0x88: {  	s2 =	sld [smem:$0x3FD9]  }
0x89: {  	s3 =	sld [smem:$0x3FFE];
	_ =	sdelay $0x1  }
0x8a: {  	s1 =	srdreg.scid  }
0x8b: {  	s0 =	sand.u32 $0x1, s1  }
0x8c: {  	s16 =	sshll.u32 s0, $0xA;
	s2 =	sadd.s32 s3, s2  }
0x8d: {  	s2 =	sadd.s32 s2, s16  }
0x8e: {  	[smem:$0x3FA2] =	sst s2  }
0x8f: {  	_ = 	snop  }
0x90: {  	(tm) =	ssettm $0x1  }
0x91: {  	s17 =	sld [smem:$0x3FFB];
	_ =	sdelay $0x3  }
0x92: {  	_ =	strace s17  }
0x93: {  	s2 =	sld [smem:$0x3FFC];
	_ =	sdelay $0x3  }
0x94: {  	_ =	strace s2  }
0x95: {  	s2 =	sld [smem:$0x3FFD];
	_ =	sdelay $0x3  }
0x96: {  	_ =	strace s2  }
0x97: {  	_ =	strace $0x8FFFFFFF  }
0x98: {  	s18 =	sld [smem:$0x3FDB];
	_ =	sdelay $0x1  }
0x99: {  	s19 =	simm.s32 $_scs_section_size  }
0x9a: {  	s4 =	simm.s32 $_size__tile_overlayer_lowered;
	s5 =	simm.s32 $_tile_overlayer_lowered  }
0x9b: {  	s22 =	simm.s32 $0x1BFF;
	s21 =	sshll.u32 s5, $0x1;
	s2 =	sadd.s32 s19, s18  }
0x9c: {  	s6 =	simm.s32 $0x0;
	s20 =	sshll.u32 s4, $0x1;
	s4 =	sadd.s32 s21, s2  }
0x9d: {  	[timem:s6], [sflag:s22] =	dma.local [hbm:s4], s20  }
0x9e: {  	_ =	swait.ge [sflag:s22], s20  }
0x9f: {  	s3 =	ssub.s32 $0x0, s20;
	[sflag:s22] =	ssyncset.done $0x0  }
0xa0: {  	[sflag:s22] =	ssyncadd.s32 s3;
	_ =	sdelay $0x1  }
0xa1: {  	s23 =	simm.s32 $0x1B8B  }
0xa2: {  	_ =	swait.ge [sflag:s23], $0x1  }
0xa3: {  	[sflag:s23] =	ssyncset.done $0x0  }
0xa4: {  	s25 =	simm.s32 $0x1B8E;
	s24 =	sld [smem:$0x3FFE];
	[sflag:s23] =	ssyncadd.s32 $0xFFFFFFFF  }
0xa5: {  	s26 =	simm.s32 $execute0_lowered;
	[smem:$0x3FD2] =	sst s25  }
0xa6: {  	s4 =	sshll.u32 s26, $0x1;
	_ =	strace $0x80000052;
	[dreg:$0x1] =	wrdreg $0xFFFFFFFF  }
0xa7: {  	s28 =	simm.s32 $_size_execute0_lowered;
	s2 =	sadd.s32 s2, s4;
	[dreg:$0x0] =	wrdreg $0x0  }
0xa8: {  	s4 =	sshll.u32 s28, $0x1;
	[dreg:$0x2] =	wrdreg s2  }
0xa9: {  	[dreg:$0x3] =	wrdreg s4  }
0xaa: {  	[dreg:$0x4] =	wrdreg $0xC0  }
0xab: {  	_ =	task [dreg:s6], $0x5FFFF  }
0xac: {  	[dreg:$0x1] =	wrdreg $0xFFFFFFFF  }
0xad: {  	[dreg:$0x0] =	wrdreg $0x60  }
0xae: {  	[dreg:$0x2] =	wrdreg s24  }
0xaf: {  	[dreg:$0x3] =	wrdreg $0x27100  }
0xb0: {  	[dreg:$0x4] =	wrdreg $0x9  }
0xb1: {  	_ =	task.clear_ibuf [dreg:s6], $0x5FFFF;
	_ =	strace $0x90000052  }
0xb2: {  	s29 =	simm.s32 $0x9;
	_ =	strace $0x80000054  }
0xb3: {  	_ =	swait.ge [sflag:s29], $0x1  }
0xb4: {  	[sflag:s29] =	ssyncadd.s32 $0xFFFFFFFF  }
0xb5: {  	_ =	strace $0x90000054  }
0xb6: {  	_ =	sfence  }
0xb7: {  	s30 =	sld [smem:$0x0];
	_ =	sdelay $0x2  }
0xb8: {  	s31 =	sshll.u32 s1, $0xD;
	s1 =	sshrl.u32 s1, $0x2  }
0xb9: {  	s3 =	sand.u32 $0x4000, s31;
	s1 =	sadd.s32 s1, s30  }
0xba: {  	s0 =	sor.u32 s3, s0;
	s1 =	sshll.u32 s1, $0x11  }
0xbb: {  	s0 =	sor.u32 s1, s0  }
0xbc: {  	s0 =	sadd.s32 $0x8F2B, s0  }
0xbd: {  	[sflag:s0] =	ssyncadd.remote.s32 $0x1  }
0xbe: {  	_ =	sfence.sel $0xFFFF  }
0xbf: {  	[dreg:$0x0] =	wrdreg $0xFFFFFFFF;
	(pc) =	sbr.abs _section_cstart, $3  }
0xc0: {  	[dreg:$0x1] =	wrdreg $0xFFFFFFFF  }
0xc1: {  	_ =	task.clear_ibuf [dreg:s6], $0x2FFFF;
	_ =	strace $0x9FFFFFFF  }
0xc2: {  	(tm) =	ssettm $0x7FFFFFFF  }
0xc3: {  	_ =	shalt  }
tec
execute0_lowered:
.L_overlay_start_1:
0x0: {  	(tag) =	ssettag $0x1  }
0x1: {  	s0 =	srdreg.scid;
	s1 =	rddreg [dreg:$0x0]  }
0x2: {  	s14 =	stileid.u32;
	s2 =	rddreg [dreg:$0x1];
	s28 =	simm.s32 $0x7  }
0x3: {  	s29 =	simm.s32 $0x3;
	s30 =	simm.s32 $0x8;
	s31 =	simm.s32 $0x4  }
0x4: {  	s0 =	sand.u32 $0x1, s0;
	s3 =	sshll.u32 s14, $0x1;
	s6 =	smul.u32 $0x5000, s14  }
0x5: {  	s7 =	sadd.s32 $0x62C00, s1;
	s11 =	smul.u32 $0x4E20, s14;
	s26 =	sshll.u32 s14, $0x6  }
0x6: {  	s14 =	simm.s32 $0xB;
	s4 =	sor.u32 s0, s3;
	s8 =	smul.u32 $0xA000, s0  }
0x7: {  	s3 =	simm.s32 $0x0;
	s10 =	ssub.s32 $0x2, s0;
	s0 =	smul.u32 $0x2710, s0  }
0x8: {  	s15 =	sor.u32 $0x1C0B, s26;
	s26 =	simm.s32 $0x2;
	s5 =	smul.u32 $0x2710, s4  }
0x9: {  	[smem:$0x7FF] =	sst s3;
	s9 =	sshrl.u32 s6, $0x3;
	s13 =	sshrl.u32 s10, $0x1  }
0xa: {  	s4 =	smul.u32 $0x4E20, s4;
	s18 =	sadd.s32 s6, s2;
	_ =	strace $0x80000053  }
0xb: {  	s12 =	sadd.s32 s9, s1;
	s17 =	ssub.s32 s10, s13;
	s0 =	sadd.s32 s0, s11  }
0xc: {  	s16 =	sshrl.u32 s18, $0x3;
	s18 =	simm.s32 $0x7C10;
	s5 =	sshrl.u32 s5, $0x3  }
0xd: {  	s19 =	sadd.s32 $0xFF000, s12;
	s6 =	sadd.s32 s7, s4;
	s0 =	sshll.u32 s0, $0x1  }
0xe: {  	s11 =	smax.u32 s17, $0x1;
	s17 =	simm.s32 $0x7710;
	s5 =	sadd.s32 s5, s1  }
0xf: {  	s1 =	sadd.s32 s8, s1;
	[dreg:$0x7] =	wrdreg s19;
	s4 =	sadd.s32 $0xA0, s6  }
0x10: {  	s20 =	sadd.s32 $0x140, s6;
	s0 =	sadd.s32 s7, s0;
	[dreg:$0x8] =	wrdreg s4  }
0x11: {  	s21 =	sadd.s32 $0x1E0, s6;
	s22 =	sadd.s32 $0x280, s6;
	[dreg:$0x9] =	wrdreg s20  }
0x12: {  	s19 =	simm.s32 $0x8110;
	s5 =	sadd.s32 $0xAA00, s5;
	[dreg:$0xa] =	wrdreg s21  }
0x13: {  	[dreg:$0xb] =	wrdreg s22;
	s23 =	sadd.s32 $0x5A0, s0;
	s1 =	sadd.s32 $0x109000, s1  }
0x14: {  	s24 =	sadd.s32 $0x500, s0;
	s25 =	sadd.s32 $0x460, s0;
	s12 =	sadd.s32 $0x3C0, s0  }
0x15: {  	s13 =	sadd.s32 $0x320, s0;
	s20 =	simm.s32 $0x8610;
	[dreg:$0x6] =	wrdreg s5  }
0x16: {  	s21 =	simm.s32 $0x8B10;
	s22 =	simm.s32 $0x1;
	[dreg:$0x3] =	wrdreg s23  }
0x17: {  	s0 =	simm.s32 $0x5;
	s4 =	simm.s32 $0xA;
	[dreg:$0x4] =	wrdreg s24  }
0x18: {  	[dreg:$0x5] =	wrdreg s25;
	s23 =	simm.s32 $0x50;
	s24 =	sadd.s32 s9, s1  }
0x19: {  	s25 =	simm.s32 $0x6;
	s1 =	simm.s32 $0x9;
	s5 =	simm.s32 $0x0  }
.LBB2_1:
0x1a: {  	s7 =	rddreg [dreg:$0x6]  }
0x1b: {  	[tilespmem:s3], [sflag:$0xB] =	stream.linear.gather [hbm4b:s7+s3], $0x2710, $0x38;
	[tilespmem:$0x9010] =	vst v63  }
0x1c: {  	_ =	swait.ge [sflag:s14], $0x2710  }
0x1d: {  	[sflag:s14] =	ssyncset.done $0x0  }
0x1e: {  	s9 =	rddreg [dreg:$0x7];
	[sflag:s14] =	ssyncadd.s32 $0xFFFFD8F0  }
0x1f: {  	[spmem:s16], [sflag:s15] =	dma.local [hbm:s9], $0xA00  }
0x20: {  	_ =	swait.ge [sflag:s14], $0xA00  }
0x21: {  	[sflag:s14] =	ssyncset.done $0x0  }
0x22: {  	[sflag:s14] =	ssyncadd.s32 $0xFFFFF600  }
0x23: {  	[bflag:$0x0] =	sbarrier.arrive $0xFFFF  }
0x24: {  	[tilespmem:s17], [sflag:$0x1] =	stream.linear.gather [hbm4b:s6+s3], $0x500, $0x38;
	[tilespmem:$0x9010] =	vst v63  }
0x25: {  	s10 =	rddreg [dreg:$0x8]  }
0x26: {  	[tilespmem:s18], [sflag:$0x2] =	stream.linear.gather [hbm4b:s10+s3], $0x500, $0x38;
	[tilespmem:$0x9010] =	vst v63  }
0x27: {  	s8 =	rddreg [dreg:$0x9]  }
0x28: {  	[tilespmem:s19], [sflag:$0x3] =	stream.linear.gather [hbm4b:s8+s3], $0x500, $0x38;
	[tilespmem:$0x9010] =	vst v63  }
0x29: {  	s9 =	rddreg [dreg:$0xa]  }
0x2a: {  	[tilespmem:s20], [sflag:$0x4] =	stream.linear.gather [hbm4b:s9+s3], $0x500, $0x38;
	[tilespmem:$0x9010] =	vst v63  }
0x2b: {  	s10 =	rddreg [dreg:$0xb]  }
0x2c: {  	[tilespmem:s21], [sflag:$0x5] =	stream.linear.gather [hbm4b:s10+s3], $0x500, $0x38;
	[tilespmem:$0x9010] =	vst v63  }
0x2d: {  	_ =	swait.ge [sflag:s22], $0x500  }
0x2e: {  	[sflag:s22] =	ssyncset.done $0x0  }
0x2f: {  	s8 =	simm.s32 $0x0;
	[sflag:s22] =	ssyncadd.s32 $0xFFFFFB00  }
0x30: {  	[spmem:s2] =	stream.indirect.scatter.add.f32 [tilespmem:s17], [sflag:$0x6], $0x10, s8, s23, $0xb8;
	[tilespmem:$0x9010] =	vst v63  }
0x31: {  	_ =	swait.ge [sflag:s25], $0x500  }
0x32: {  	[sflag:s25] =	ssyncset.done $0x0  }
0x33: {  	s9 =	sadd.s32 $0x0, s13;
	[sflag:s25] =	ssyncadd.s32 $0xFFFFFB00  }
0x34: {  	[tilespmem:s17], [sflag:$0x1] =	stream.linear.gather [hbm4b:s9+s3], $0x500, $0x38;
	[tilespmem:$0x9010] =	vst v63  }
0x35: {  	_ =	swait.ge [sflag:s26], $0x500  }
0x36: {  	[sflag:s26] =	ssyncset.done $0x0  }
0x37: {  	s10 =	simm.s32 $0x50;
	[sflag:s26] =	ssyncadd.s32 $0xFFFFFB00  }
0x38: {  	[spmem:s2] =	stream.indirect.scatter.add.f32 [tilespmem:s18], [sflag:$0x7], $0x10, s10, s23, $0xb8;
	[tilespmem:$0x9010] =	vst v63  }
0x39: {  	_ =	swait.ge [sflag:s28], $0x500  }
0x3a: {  	[sflag:s28] =	ssyncset.done $0x0  }
0x3b: {  	s8 =	sadd.s32 $0x0, s12;
	[sflag:s28] =	ssyncadd.s32 $0xFFFFFB00  }
0x3c: {  	[tilespmem:s18], [sflag:$0x2] =	stream.linear.gather [hbm4b:s8+s3], $0x500, $0x38;
	[tilespmem:$0x9010] =	vst v63  }
0x3d: {  	_ =	swait.ge [sflag:s29], $0x500  }
0x3e: {  	[sflag:s29] =	ssyncset.done $0x0  }
0x3f: {  	s9 =	simm.s32 $0xA0;
	[sflag:s29] =	ssyncadd.s32 $0xFFFFFB00  }
0x40: {  	[spmem:s2] =	stream.indirect.scatter.add.f32 [tilespmem:s19], [sflag:$0x8], $0x10, s9, s23, $0xb8;
	[tilespmem:$0x9010] =	vst v63  }
0x41: {  	_ =	swait.ge [sflag:s30], $0x500  }
0x42: {  	s10 =	rddreg [dreg:$0x5];
	[sflag:s30] =	ssyncset.done $0x0  }
0x43: {  	[sflag:s30] =	ssyncadd.s32 $0xFFFFFB00;
	s7 =	sadd.s32 $0x0, s10  }
0x44: {  	[tilespmem:s19], [sflag:$0x3] =	stream.linear.gather [hbm4b:s7+s3], $0x500, $0x38;
	[tilespmem:$0x9010] =	vst v63  }
0x45: {  	_ =	swait.ge [sflag:s31], $0x500  }
0x46: {  	[sflag:s31] =	ssyncset.done $0x0  }
0x47: {  	s8 =	simm.s32 $0xF0;
	[sflag:s31] =	ssyncadd.s32 $0xFFFFFB00  }
0x48: {  	[spmem:s2] =	stream.indirect.scatter.add.f32 [tilespmem:s20], [sflag:$0x9], $0x10, s8, s23, $0xb8;
	[tilespmem:$0x9010] =	vst v63  }
0x49: {  	_ =	swait.ge [sflag:s1], $0x500  }
0x4a: {  	s9 =	rddreg [dreg:$0x4];
	[sflag:s1] =	ssyncset.done $0x0  }
0x4b: {  	[sflag:s1] =	ssyncadd.s32 $0xFFFFFB00;
	s7 =	sadd.s32 $0x0, s9  }
0x4c: {  	[tilespmem:s20], [sflag:$0x4] =	stream.linear.gather [hbm4b:s7+s3], $0x500, $0x38;
	[tilespmem:$0x9010] =	vst v63  }
0x4d: {  	_ =	swait.ge [sflag:s0], $0x500  }
0x4e: {  	[sflag:s0] =	ssyncset.done $0x0  }
0x4f: {  	s10 =	simm.s32 $0x140;
	[sflag:s0] =	ssyncadd.s32 $0xFFFFFB00  }
0x50: {  	[spmem:s2] =	stream.indirect.scatter.add.f32 [tilespmem:s21], [sflag:$0xA], $0x10, s10, s23, $0xb8;
	[tilespmem:$0x9010] =	vst v63  }
0x51: {  	_ =	swait.ge [sflag:s4], $0x500  }
0x52: {  	s7 =	simm.s32 $0x320;
	s8 =	rddreg [dreg:$0x3];
	[sflag:s4] =	ssyncset.done $0x0  }
0x53: {  	[sflag:s4] =	ssyncadd.s32 $0xFFFFFB00;
	s9 =	sadd.s32 $0x0, s8;
	s8 =	simm.s32 $0x2D0  }
.LBB2_2:
0x54: {  	[tilespmem:s21], [sflag:$0x5] =	stream.linear.gather [hbm4b:s9+s3], $0x500, $0x38;
	[tilespmem:$0x9010] =	vst v63  }
0x55: {  	_ =	swait.ge [sflag:s22], $0x500  }
0x56: {  	[sflag:s22] =	ssyncset.done $0x0  }
0x57: {  	s10 =	sadd.s32 $0xFFFFFEC0, s8;
	[sflag:s22] =	ssyncadd.s32 $0xFFFFFB00  }
0x58: {  	[spmem:s2] =	stream.indirect.scatter.add.f32 [tilespmem:s17], [sflag:$0x6], $0x10, s10, s23, $0xb8;
	[tilespmem:$0x9010] =	vst v63  }
0x59: {  	_ =	swait.ge [sflag:s25], $0x500  }
0x5a: {  	s9 =	smov.u32 s7;
	[sflag:s25] =	ssyncset.done $0x0  }
0x5b: {  	s10 =	sadd.s32 s9, s13;
	[sflag:s25] =	ssyncadd.s32 $0xFFFFFB00  }
0x5c: {  	[tilespmem:s17], [sflag:$0x1] =	stream.linear.gather [hbm4b:s10+s3], $0x500, $0x38;
	[tilespmem:$0x9010] =	vst v63  }
0x5d: {  	_ =	swait.ge [sflag:s26], $0x500  }
0x5e: {  	[sflag:s26] =	ssyncset.done $0x0  }
0x5f: {  	s10 =	sadd.s32 $0xFFFFFF10, s8;
	[sflag:s26] =	ssyncadd.s32 $0xFFFFFB00  }
0x60: {  	[spmem:s2] =	stream.indirect.scatter.add.f32 [tilespmem:s18], [sflag:$0x7], $0x10, s10, s23, $0xb8;
	[tilespmem:$0x9010] =	vst v63  }
0x61: {  	_ =	swait.ge [sflag:s28], $0x500  }
0x62: {  	[sflag:s28] =	ssyncset.done $0x0  }
0x63: {  	s10 =	sadd.s32 s9, s12;
	[sflag:s28] =	ssyncadd.s32 $0xFFFFFB00  }
0x64: {  	[tilespmem:s18], [sflag:$0x2] =	stream.linear.gather [hbm4b:s10+s3], $0x500, $0x38;
	[tilespmem:$0x9010] =	vst v63  }
0x65: {  	_ =	swait.ge [sflag:s29], $0x500  }
0x66: {  	[sflag:s29] =	ssyncset.done $0x0  }
0x67: {  	s10 =	sadd.s32 $0xFFFFFF60, s8;
	[sflag:s29] =	ssyncadd.s32 $0xFFFFFB00  }
0x68: {  	[spmem:s2] =	stream.indirect.scatter.add.f32 [tilespmem:s19], [sflag:$0x8], $0x10, s10, s23, $0xb8;
	[tilespmem:$0x9010] =	vst v63  }
0x69: {  	_ =	swait.ge [sflag:s30], $0x500  }
0x6a: {  	s10 =	rddreg [dreg:$0x5];
	[sflag:s30] =	ssyncset.done $0x0  }
0x6b: {  	[sflag:s30] =	ssyncadd.s32 $0xFFFFFB00;
	s10 =	sadd.s32 s9, s10  }
0x6c: {  	[tilespmem:s19], [sflag:$0x3] =	stream.linear.gather [hbm4b:s10+s3], $0x500, $0x38;
	[tilespmem:$0x9010] =	vst v63  }
0x6d: {  	_ =	swait.ge [sflag:s31], $0x500  }
0x6e: {  	[sflag:s31] =	ssyncset.done $0x0  }
0x6f: {  	s10 =	sadd.s32 $0xFFFFFFB0, s8;
	[sflag:s31] =	ssyncadd.s32 $0xFFFFFB00  }
0x70: {  	[spmem:s2] =	stream.indirect.scatter.add.f32 [tilespmem:s20], [sflag:$0x9], $0x10, s10, s23, $0xb8;
	[tilespmem:$0x9010] =	vst v63  }
0x71: {  	_ =	swait.ge [sflag:s1], $0x500  }
0x72: {  	s10 =	rddreg [dreg:$0x4];
	[sflag:s1] =	ssyncset.done $0x0  }
0x73: {  	[sflag:s1] =	ssyncadd.s32 $0xFFFFFB00;
	s10 =	sadd.s32 s9, s10  }
0x74: {  	[tilespmem:s20], [sflag:$0x4] =	stream.linear.gather [hbm4b:s10+s3], $0x500, $0x38;
	[tilespmem:$0x9010] =	vst v63  }
0x75: {  	_ =	swait.ge [sflag:s0], $0x500  }
0x76: {  	p0 =	sne.s32 s7, $0x47E0;
	[sflag:s0] =	ssyncset.done $0x0  }
.Ltmp0:
0x77: {  	[sflag:s0] =	ssyncadd.s32 $0xFFFFFB00;
	(pc) =	sbr.rel @p0 .LBB2_2-.Ltmp0, $4  }
0x78: {  	[spmem:s2] =	stream.indirect.scatter.add.f32 [tilespmem:s21], [sflag:$0xA], $0x10, s8, s23, $0xb8;
	[tilespmem:$0x9010] =	vst v63  }
0x79: {  	_ =	swait.ge [sflag:s4], $0x500  }
0x7a: {  	s7 =	sadd.s32 $0x320, s7;
	[sflag:s4] =	ssyncset.done $0x0;
	s10 =	rddreg [dreg:$0x3]  }
0x7b: {  	s8 =	sadd.s32 $0x190, s8;
	[sflag:s4] =	ssyncadd.s32 $0xFFFFFB00;
	s9 =	sadd.s32 s9, s10  }
0x7c: {  	[tilespmem:s21], [sflag:$0x5] =	stream.linear.gather [hbm4b:s9+s3], $0x500, $0x38;
	[tilespmem:$0x9010] =	vst v63  }
0x7d: {  	_ =	swait.ge [sflag:s22], $0x500  }
0x7e: {  	[sflag:s22] =	ssyncset.done $0x0  }
0x7f: {  	s7 =	simm.s32 $0x2580;
	[sflag:s22] =	ssyncadd.s32 $0xFFFFFB00  }
0x80: {  	[spmem:s2] =	stream.indirect.scatter.add.f32 [tilespmem:s17], [sflag:$0x6], $0x10, s7, s23, $0xb8;
	[tilespmem:$0x9010] =	vst v63  }
0x81: {  	_ =	swait.ge [sflag:s25], $0x500  }
0x82: {  	[sflag:s25] =	ssyncset.done $0x0  }
0x83: {  	[sflag:s25] =	ssyncadd.s32 $0xFFFFFB00  }
0x84: {  	_ =	swait.ge [sflag:s26], $0x500  }
0x85: {  	[sflag:s26] =	ssyncset.done $0x0  }
0x86: {  	s10 =	simm.s32 $0x25D0;
	[sflag:s26] =	ssyncadd.s32 $0xFFFFFB00  }
0x87: {  	[spmem:s2] =	stream.indirect.scatter.add.f32 [tilespmem:s18], [sflag:$0x7], $0x10, s10, s23, $0xb8;
	[tilespmem:$0x9010] =	vst v63  }
0x88: {  	_ =	swait.ge [sflag:s28], $0x500  }
0x89: {  	[sflag:s28] =	ssyncset.done $0x0  }
0x8a: {  	[sflag:s28] =	ssyncadd.s32 $0xFFFFFB00  }
0x8b: {  	_ =	swait.ge [sflag:s29], $0x500  }
0x8c: {  	[sflag:s29] =	ssyncset.done $0x0  }
0x8d: {  	s8 =	simm.s32 $0x2620;
	[sflag:s29] =	ssyncadd.s32 $0xFFFFFB00  }
0x8e: {  	[spmem:s2] =	stream.indirect.scatter.add.f32 [tilespmem:s19], [sflag:$0x8], $0x10, s8, s23, $0xb8;
	[tilespmem:$0x9010] =	vst v63  }
0x8f: {  	_ =	swait.ge [sflag:s30], $0x500  }
0x90: {  	[sflag:s30] =	ssyncset.done $0x0  }
0x91: {  	[sflag:s30] =	ssyncadd.s32 $0xFFFFFB00  }
0x92: {  	_ =	swait.ge [sflag:s31], $0x500  }
0x93: {  	[sflag:s31] =	ssyncset.done $0x0  }
0x94: {  	s9 =	simm.s32 $0x2670;
	[sflag:s31] =	ssyncadd.s32 $0xFFFFFB00  }
0x95: {  	[spmem:s2] =	stream.indirect.scatter.add.f32 [tilespmem:s20], [sflag:$0x9], $0x10, s9, s23, $0xb8;
	[tilespmem:$0x9010] =	vst v63  }
0x96: {  	_ =	swait.ge [sflag:s1], $0x500  }
0x97: {  	[sflag:s1] =	ssyncset.done $0x0  }
0x98: {  	[sflag:s1] =	ssyncadd.s32 $0xFFFFFB00  }
0x99: {  	_ =	swait.ge [sflag:s0], $0x500  }
0x9a: {  	[sflag:s0] =	ssyncset.done $0x0  }
0x9b: {  	s10 =	simm.s32 $0x26C0;
	[sflag:s0] =	ssyncadd.s32 $0xFFFFFB00  }
0x9c: {  	[spmem:s2] =	stream.indirect.scatter.add.f32 [tilespmem:s21], [sflag:$0xA], $0x10, s10, s23, $0xb8;
	[tilespmem:$0x9010] =	vst v63  }
0x9d: {  	_ =	swait.ge [sflag:s4], $0x500  }
0x9e: {  	s5 =	sadd.s32 $0x1, s5;
	[sflag:s4] =	ssyncset.done $0x0  }
0x9f: {  	p0 =	sne.s32 s5, s11;
	[sflag:s4] =	ssyncadd.s32 $0xFFFFFB00  }
.Ltmp1:
0xa0: {  	[bflag:$0x0] =	sbarrier.arrive $0xFFFF;
	(pc) =	sbr.rel @p0 .LBB2_1-.Ltmp1, $4  }
0xa1: {  	[hbm:s24], [sflag:s15] =	dma.local [spmem:s16], $0xA00  }
0xa2: {  	_ =	swait.ge [sflag:s14], $0xA00  }
0xa3: {  	[sflag:s14] =	ssyncset.done $0x0  }
0xa4: {  	[sflag:s14] =	ssyncadd.s32 $0xFFFFF600  }
0xa5: {  	_ =	sfence.sel $0x180000  }
0xa6: {  	[bflag:$0x0] =	sbarrier.arrive $0xFFFF  }
0xa7: {  	_ =	strace $0x90000053  }
0xa8: {  	s0 =	stileid.u32;
	[bflag:$0x2] =	sbarrier.arrive $0xFFFF  }
0xa9: {  	p0 =	sne.s32 s0, $0x0;
	s0 =	rddreg [dreg:$0x2]  }
0xaa: {  	s0 =	sadd.s32 @!p0 $0x100000, s0  }
0xab: {  	[sflag:s0] =	ssyncadd.tile.s32 @!p0 $0x1;
	_ =	shalt  }
.Lfunc_end2:
_tile_overlayer_lowered:
.L_overlay_start_2:
0xac: {  	(tag) =	ssettag $0x2  }
0xad: {  	s0 =	rddreg [dreg:$0x0];
	s2 =	stileid.u32  }
0xae: {  	s1 =	rddreg [dreg:$0x1];
	p0 =	sne.s32 s2, $0x0  }
0xaf: {  	s3 =	rddreg [dreg:$0x2];
	[bflag:$0x3] =	sbarrier.arrive $0xFFFF;
	s2 =	simm.s32 @!p0 $0x1C0B  }
0xb0: {  	[timem:s3], [sflag:s2] =	dma.local @!p0 [hbm:s0], s1  }
0xb1: {  	s0 =	simm.s32 @!p0 $0xB  }
0xb2: {  	_ =	swait.ge @!p0 [sflag:s0], s1  }
0xb3: {  	s1 =	ssub.s32 @!p0 $0x0, s1;
	[sflag:s0] =	ssyncset.done @!p0 $0x0  }
0xb4: {  	[sflag:s0] =	ssyncadd.s32 @!p0 s1  }
0xb5: {  	[bflag:$0x3] =	sbarrier.arrive $0xFFFF  }
0xb6: {  	_ =	shalt  }

</sc_bundles>
